<compile_context>
chip_gen: v7x
topology: tpu7x:2x2x1
jax: 0.10.2.dev20260603
libtpu: 0.0.44.dev20260713+nightly
codegen_flags: <defaults>
</compile_context>

<pallas_src>
import functools

import jax
import jax.numpy as jnp
from jax import lax
from jax.experimental import pallas as pl
from jax.experimental.pallas import tpu as pltpu
from jax.experimental.pallas import tpu_sc as plsc

N = 10000
E = 320000
IN_C = 128
OUT_C = 128
HEADS = 4
G = 64

NC = 2
NS = 16
K = 80
RPT = 632
DPT = 640


def _gin_agg_sc(src, dst, q):
    mesh = plsc.VectorSubcoreMesh(core_axis_name="c", subcore_axis_name="s")
    ew = E // (NC * NS)

    @functools.partial(
        pl.kernel,
        mesh=mesh,
        out_type=jax.ShapeDtypeStruct((NC, N, 128), jnp.float32),
        scratch_types=[
            pltpu.VMEM((K,), jnp.int32),
            pltpu.VMEM((K,), jnp.int32),
            pltpu.VMEM((K, 128), jnp.float32),
            pltpu.VMEM((8, 128), jnp.float32),
            pltpu.VMEM_SHARED((N, 128), jnp.float32),
            pltpu.SemaphoreType.DMA,
        ],
    )
    def k(src_hbm, dst_hbm, q_hbm, out_hbm, sidx, didx, rows, zbuf, acc, sem):
        c = lax.axis_index("c")
        s = lax.axis_index("s")

        def zrow(i, _):
            def zlane(j, _):
                zbuf[i, pl.ds(j * 16, 16)] = jnp.zeros((16,), jnp.float32)
                return 0
            return lax.fori_loop(0, 8, zlane, 0)
        lax.fori_loop(0, 8, zrow, 0)
        row0 = s * RPT
        nz = jnp.where(s == NS - 1, (N - (NS - 1) * RPT) // 8, RPT // 8)

        def zchunk(i, _):
            pltpu.sync_copy(zbuf, acc.at[pl.ds(row0 + i * 8, 8)])
            return 0
        lax.fori_loop(0, nz, zchunk, 0)
        plsc.subcore_barrier()

        base = (c * NS + s) * ew

        def body(g, _):
            e0 = base + g * K
            pltpu.sync_copy(src_hbm.at[pl.ds(e0, K)], sidx)
            pltpu.sync_copy(dst_hbm.at[pl.ds(e0, K)], didx)
            pltpu.async_copy(q_hbm.at[sidx], rows, sem).wait()
            pltpu.sync_copy(rows, acc.at[didx], add=True)
            return 0
        lax.fori_loop(0, ew // K, body, 0)
        plsc.subcore_barrier()

        @pl.when(s < NS - 1)
        def _():
            pltpu.sync_copy(acc.at[pl.ds(row0, RPT)], out_hbm.at[c, pl.ds(row0, RPT)])

        @pl.when(s == NS - 1)
        def _():
            r0 = (NS - 1) * RPT
            pltpu.sync_copy(acc.at[pl.ds(r0, N - (NS - 1) * RPT)],
                            out_hbm.at[c, pl.ds(r0, N - (NS - 1) * RPT)])

    return k(src, dst, q)


def _gat_edge_sc(src, dst, h4, asrcp, adstp):
    mesh = plsc.VectorSubcoreMesh(core_axis_name="c", subcore_axis_name="s")
    ew = E // (NC * NS)

    @functools.partial(
        pl.kernel,
        mesh=mesh,
        out_type=(
            jax.ShapeDtypeStruct((HEADS, NC, N, 128), jnp.float32),
            jax.ShapeDtypeStruct((NC, N, 128), jnp.float32),
            jax.ShapeDtypeStruct((E, 128), jnp.float32),
        ),
        scratch_types=[
            pltpu.VMEM((K,), jnp.int32),
            pltpu.VMEM((K,), jnp.int32),
            pltpu.VMEM((K,), jnp.int32),
            pltpu.VMEM((K,), jnp.int32),
            pltpu.VMEM((K, 128), jnp.float32),
            pltpu.VMEM((K, 128), jnp.float32),
            pltpu.VMEM((K, 128), jnp.float32),
            pltpu.VMEM_SHARED((N, 128), jnp.float32),
            pltpu.SemaphoreType.DMA,
            pltpu.SemaphoreType.DMA,
        ],
    )
    def k(src_hbm, dst_hbm, h4_hbm, asrc_hbm, adst_hbm,
          out_hbm, den_hbm, ea4_hbm,
          sidx, didx, sidx2, didx2, bufa, bufb, bufc, acc, sem1, sem2):
        c = lax.axis_index("c")
        s = lax.axis_index("s")
        zero16 = jnp.zeros((16,), jnp.float32)
        pt2 = jnp.full((16,), 0.2, jnp.float32)

        row0 = s * RPT
        nz = jnp.where(s == NS - 1, (N - (NS - 1) * RPT) // 8, RPT // 8)
        base = (c * NS + s) * ew

        def zero_acc():
            def zrow(i, _):
                def zlane(j, _):
                    bufa[i, pl.ds(j * 16, 16)] = zero16
                    return 0
                return lax.fori_loop(0, 8, zlane, 0)
            lax.fori_loop(0, 8, zrow, 0)

            def zchunk(i, _):
                pltpu.sync_copy(bufa.at[pl.ds(0, 8)], acc.at[pl.ds(row0 + i * 8, 8)])
                return 0
            lax.fori_loop(0, nz, zchunk, 0)

        def readout(dst_ref):
            @pl.when(s < NS - 1)
            def _():
                pltpu.sync_copy(acc.at[pl.ds(row0, RPT)],
                                dst_ref.at[pl.ds(row0, RPT)])

            @pl.when(s == NS - 1)
            def _():
                r0 = (NS - 1) * RPT
                pltpu.sync_copy(acc.at[pl.ds(r0, N - (NS - 1) * RPT)],
                                dst_ref.at[pl.ds(r0, N - (NS - 1) * RPT)])

        zero_acc()
        plsc.subcore_barrier()

        def body0(g, _):
            e0 = base + g * K
            pltpu.sync_copy(src_hbm.at[pl.ds(e0, K)], sidx)
            pltpu.sync_copy(dst_hbm.at[pl.ds(e0, K)], didx)
            cp1 = pltpu.async_copy(asrc_hbm.at[sidx], bufa, sem1)
            cp2 = pltpu.async_copy(adst_hbm.at[didx], bufb, sem2)
            cp1.wait()
            cp2.wait()

            def ecomp(j, _):
                for hh in range(HEADS):
                    sl = pl.ds(hh * 32, 16)
                    al = bufa[j, sl] + bufb[j, sl]
                    al = jnp.where(al >= zero16, al, al * pt2)
                    bufa[j, sl] = jnp.exp(al)
                return 0
            lax.fori_loop(0, K, ecomp, 0)
            pltpu.sync_copy(bufa, ea4_hbm.at[pl.ds(e0, K)])
            pltpu.sync_copy(bufa, acc.at[didx], add=True)
            return 0
        lax.fori_loop(0, ew // K, body0, 0)
        plsc.subcore_barrier()
        readout(den_hbm.at[c])
        plsc.subcore_barrier()

        for hh in range(HEADS):
            zero_acc()
            plsc.subcore_barrier()

            def scale_scatter(gbuf, e0, dbuf):
                pltpu.sync_copy(ea4_hbm.at[pl.ds(e0, K)], bufb)

                def scale(j, _):
                    ea = bufb[j, pl.ds(hh * 32, 16)]

                    def mul(cc, _):
                        sl = pl.ds(cc * 16, 16)
                        gbuf[j, sl] = gbuf[j, sl] * ea
                        return 0
                    lax.fori_loop(0, 8, mul, 0)
                    return 0
                lax.fori_loop(0, K, scale, 0)
                pltpu.sync_copy(gbuf, acc.at[dbuf], add=True)

            def bodyh(g, _):
                e0 = base + (2 * g) * K
                e1 = e0 + K
                pltpu.sync_copy(src_hbm.at[pl.ds(e0, K)], sidx)
                pltpu.sync_copy(dst_hbm.at[pl.ds(e0, K)], didx)
                pltpu.sync_copy(src_hbm.at[pl.ds(e1, K)], sidx2)
                pltpu.sync_copy(dst_hbm.at[pl.ds(e1, K)], didx2)
                cp0 = pltpu.async_copy(h4_hbm.at[hh].at[sidx], bufa, sem1)
                cp1 = pltpu.async_copy(h4_hbm.at[hh].at[sidx2], bufc, sem2)
                cp0.wait()
                scale_scatter(bufa, e0, didx)
                cp1.wait()
                scale_scatter(bufc, e1, didx2)
                return 0
            lax.fori_loop(0, ew // (2 * K), bodyh, 0)

            if (ew // K) % 2 == 1:
                et = base + (ew // K - 1) * K
                pltpu.sync_copy(src_hbm.at[pl.ds(et, K)], sidx)
                pltpu.sync_copy(dst_hbm.at[pl.ds(et, K)], didx)
                cpt = pltpu.async_copy(h4_hbm.at[hh].at[sidx], bufa, sem1)
                cpt.wait()
                scale_scatter(bufa, et, didx)
            plsc.subcore_barrier()
            readout(out_hbm.at[hh, c])
            plsc.subcore_barrier()

    return k(src, dst, h4, asrcp, adstp)


def kernel(x, edge_index, batch, W_gat, att_src, att_dst, b_gat, W1, b1, W2, b2, Wf, bf):
    src, dst = edge_index[0], edge_index[1]
    h = (x @ W_gat).reshape(N, HEADS, OUT_C)
    a_src = jnp.sum(h * att_src, axis=-1)
    a_dst = jnp.sum(h * att_dst, axis=-1)
    h4 = jnp.transpose(h, (1, 0, 2))

    asrcp = jnp.broadcast_to(a_src[:, :, None], (N, HEADS, 32)).reshape(N, 128)
    adstp = jnp.broadcast_to(a_dst[:, :, None], (N, HEADS, 32)).reshape(N, 128)
    out4, den, _ea4 = _gat_edge_sc(src, dst, h4, asrcp, adstp)
    num = out4[:, 0] + out4[:, 1]
    dall = den[0] + den[1]
    dsum = jnp.transpose(dall.reshape(N, HEADS, 32)[:, :, 0])

    ea_self = jnp.exp(jax.nn.leaky_relu(a_src + a_dst, 0.2))
    ea_self_t = jnp.transpose(ea_self)
    outh = (num + ea_self_t[:, :, None] * h4) / (
        (dsum + ea_self_t)[:, :, None] + 1e-16)
    out = jnp.transpose(outh, (1, 0, 2)).reshape(N, HEADS * OUT_C)
    out = jax.nn.relu(out + b_gat)

    q = out @ W1
    agg_p = _gin_agg_sc(src, dst, q)
    g = jax.nn.relu(q + agg_p[0] + agg_p[1] + b1)
    g = g @ W2 + b2

    sums = jax.ops.segment_sum(g, batch, num_segments=G)
    counts = jax.ops.segment_sum(jnp.ones((N,), jnp.float32), batch, num_segments=G)
    pooled = sums / jnp.maximum(counts, 1.0)[:, None]
    return pooled @ Wf + bf

# --- scband reference (transcript-rebuilt; emitter-appended) ---
"""Pipeline reference for scband-gnnmodel-9337258901633 (READ-ONLY COPY).

The authoritative reference and input builder live on the scoring server;
editing this copy changes nothing except your own understanding.
"""

import jax, jax.numpy as jnp
import numpy as np

N = 10000
E = 320000
IN_C = 128
OUT_C = 128
HEADS = 4
G = 64


def setup_inputs(seed: int = 0) -> dict:
    key = jax.random.key(seed)
    ks = jax.random.split(key, 12)
    x = jax.random.normal(ks[0], (N, IN_C), dtype=jnp.float32)
    edge_index = jax.random.randint(ks[1], (2, E), 0, N, dtype=jnp.int32)
    batch = jnp.sort(jax.random.randint(ks[2], (N,), 0, G, dtype=jnp.int32))
    s = 0.05
    W_gat = jax.random.normal(ks[3], (IN_C, HEADS * OUT_C), dtype=jnp.float32) * s
    att_src = jax.random.normal(ks[4], (1, HEADS, OUT_C), dtype=jnp.float32) * s
    att_dst = jax.random.normal(ks[5], (1, HEADS, OUT_C), dtype=jnp.float32) * s
    b_gat = jnp.zeros((HEADS * OUT_C,), dtype=jnp.float32)
    W1 = jax.random.normal(ks[6], (HEADS * OUT_C, 128), dtype=jnp.float32) * s
    b1 = jnp.zeros((128,), dtype=jnp.float32)
    W2 = jax.random.normal(ks[7], (128, 64), dtype=jnp.float32) * s
    b2 = jnp.zeros((64,), dtype=jnp.float32)
    Wf = jax.random.normal(ks[8], (64, 64), dtype=jnp.float32) * s
    bf = jnp.zeros((64,), dtype=jnp.float32)
    return {"x": x, "edge_index": edge_index, "batch": batch,
            "W_gat": W_gat, "att_src": att_src, "att_dst": att_dst, "b_gat": b_gat,
            "W1": W1, "b1": b1, "W2": W2, "b2": b2, "Wf": Wf, "bf": bf}


def reference(x, edge_index, batch, W_gat, att_src, att_dst, b_gat, W1, b1, W2, b2, Wf, bf):
    src, dst = edge_index[0], edge_index[1]
    # --- GATConv (heads=4, concat=True, add_self_loops=True, eval -> no dropout) ---
    loop = jnp.arange(N, dtype=src.dtype)
    src_sl = jnp.concatenate([src, loop])
    dst_sl = jnp.concatenate([dst, loop])
    h = (x @ W_gat).reshape(N, HEADS, OUT_C)
    a_src = jnp.sum(h * att_src, axis=-1)  # [N, H]
    a_dst = jnp.sum(h * att_dst, axis=-1)  # [N, H]
    alpha = a_src[src_sl] + a_dst[dst_sl]  # [E+N, H]
    alpha = jax.nn.leaky_relu(alpha, negative_slope=0.2)
    amax = jax.ops.segment_max(alpha, dst_sl, num_segments=N)
    amax = jnp.where(jnp.isfinite(amax), amax, 0.0)
    ea = jnp.exp(alpha - amax[dst_sl])
    denom = jax.ops.segment_sum(ea, dst_sl, num_segments=N)
    attn = ea / (denom[dst_sl] + 1e-16)
    msg = h[src_sl] * attn[:, :, None]
    out = jax.ops.segment_sum(msg, dst_sl, num_segments=N)
    out = out.reshape(N, HEADS * OUT_C) + b_gat
    out = jax.nn.relu(out)
    # --- GINConv (eps=0): mlp((1+eps)*x + sum_{j in N(i)} x_j) ---
    agg = jax.ops.segment_sum(out[src], dst, num_segments=N)
    g = out + agg
    g = jax.nn.relu(g @ W1 + b1)
    g = g @ W2 + b2
    # --- global_mean_pool ---
    sums = jax.ops.segment_sum(g, batch, num_segments=G)
    counts = jax.ops.segment_sum(jnp.ones((N,), dtype=jnp.float32), batch, num_segments=G)
    pooled = sums / jnp.maximum(counts, 1.0)[:, None]
    # --- fc ---
    return pooled @ Wf + bf

if __name__ == "__main__":
    import jax
    _d = setup_inputs()
    print(jax.jit(kernel)(*tuple(_d.values())))

</pallas_src>

<mosaic_0001>
#map = affine_map<(d0, d1) -> (0)>
#map1 = affine_map<(d0, d1) -> (0, 0, 0)>
#map2 = affine_map<(d0, d1) -> (0, 0)>
#map3 = affine_map<(d0, d1) -> (0, 0, 0, 0)>
module attributes {stable_mosaic.version = 14 : i64} {
  func.func @k(%arg0: i32, %arg1: i32, %arg2: memref<320000xi32, #tpu.memory_space<hbm>>, %arg3: memref<320000xi32, #tpu.memory_space<hbm>>, %arg4: memref<4x10000x128xf32, #tpu.memory_space<hbm>>, %arg5: memref<10000x128xf32, #tpu.memory_space<hbm>>, %arg6: memref<10000x128xf32, #tpu.memory_space<hbm>>, %arg7: memref<4x2x10000x128xf32, #tpu.memory_space<hbm>>, %arg8: memref<2x10000x128xf32, #tpu.memory_space<hbm>>, %arg9: memref<320000x128xf32, #tpu.memory_space<hbm>>, %arg10: memref<80xi32, #tpu.memory_space<vmem>>, %arg11: memref<80xi32, #tpu.memory_space<vmem>>, %arg12: memref<80xi32, #tpu.memory_space<vmem>>, %arg13: memref<80xi32, #tpu.memory_space<vmem>>, %arg14: memref<80x128xf32, #tpu.memory_space<vmem>>, %arg15: memref<80x128xf32, #tpu.memory_space<vmem>>, %arg16: memref<80x128xf32, #tpu.memory_space<vmem>>, %arg17: memref<10000x128xf32, #tpu.memory_space<vmem_shared>>, %arg18: memref<!tpu.dma_semaphore, #tpu.memory_space<semaphore_mem>>, %arg19: memref<!tpu.dma_semaphore, #tpu.memory_space<semaphore_mem>>) attributes {dimension_semantics = [#tpu.dimension_semantics<core_parallel>, #tpu.dimension_semantics<subcore_parallel>], iteration_bounds = array<i64: 2, 16>, scalar_prefetch = 0 : i64, scratch_operands = 10 : i64, tpu.core_type = #tpu.core_type<sc_vector_subcore>, window_params = [{transform_indices = #map}, {transform_indices = #map}, {transform_indices = #map1}, {transform_indices = #map2}, {transform_indices = #map2}, {transform_indices = #map3}, {transform_indices = #map1}, {transform_indices = #map2}]} {
    %broadcast_in_dim3A = arith.constant 0.000000e+00 : f32
    %broadcast_in_dim3A_0 = vector.broadcast %broadcast_in_dim3A : f32 to vector<16xf32>
    %broadcast_in_dim3A_1 = arith.constant 2.000000e-01 : f32
    %broadcast_in_dim3A_2 = vector.broadcast %broadcast_in_dim3A_1 : f32 to vector<16xf32>
    %mul3A = arith.constant 632 : i32
    %mul3A_3 = arith.muli %arg1, %mul3A : i32
    %eq3A = arith.constant 15 : i32
    %eq3A_4 = arith.cmpi eq, %arg1, %eq3A : i32
    %jit3A = arith.constant 65 : i32
    %jit3A_5 = arith.constant 79 : i32
    %select_n3A = arith.select %eq3A_4, %jit3A, %jit3A_5 : i32
    %mul3A_6 = arith.constant 16 : i32
    %mul3A_7 = arith.muli %arg0, %mul3A_6 : i32
    %add3A = arith.addi %mul3A_7, %arg1 : i32
    %mul3A_8 = arith.constant 10000 : i32
    %mul3A_9 = arith.muli %add3A, %mul3A_8 : i32
    %scan3A = arith.constant 0 : i32
    %scan3A_10 = arith.constant 0 : i32
    %scan3A_11 = arith.constant 8 : i32
    %scan3A_12 = arith.addi %scan3A_10, %scan3A_11 : i32
    %scan3A_13 = arith.constant 1 : i32
    %scan3A_14 = scf.for %scan3A_305 = %scan3A_10 to %scan3A_12 step %scan3A_13 iter_args(%scan3A_306 = %scan3A) -> (i32)  : i32 {
      %scan3A_307 = arith.constant 0 : i32
      %scan3A_308 = arith.constant 0 : i32
      %scan3A_309 = arith.constant 8 : i32
      %scan3A_310 = arith.addi %scan3A_308, %scan3A_309 : i32
      %scan3A_311 = arith.constant 1 : i32
      %scan3A_312 = scf.for %scan3A_314 = %scan3A_308 to %scan3A_310 step %scan3A_311 iter_args(%scan3A_315 = %scan3A_307) -> (i32)  : i32 {
        %mul3A_316 = arith.constant 16 : i32
        %mul3A_317 = arith.muli %scan3A_314, %mul3A_316 : i32
        %swap3A = arith.index_cast %scan3A_305 : i32 to index
        %swap3A_318 = arith.index_cast %mul3A_317 : i32 to index
        %swap3A_319 = tpu.vector_load %arg14[%swap3A, %swap3A_318] {strides = array<i32>} : memref<80x128xf32, #tpu.memory_space<vmem>>, vector<1x16xf32>,
        %swap3A_320 = vector.shape_cast %swap3A_319 : vector<1x16xf32> to vector<16xf32>
        %swap3A_321 = vector.shape_cast %broadcast_in_dim3A_0 : vector<16xf32> to vector<1x16xf32>
        tpu.vector_store %arg14[%swap3A, %swap3A_318], %swap3A_321 {strides = array<i32>} : memref<80x128xf32, #tpu.memory_space<vmem>>, vector<1x16xf32>,
        %scan3A_322 = arith.constant 0 : i32
        scf.yield %scan3A_322 : i32
      }
      %scan3A_313 = arith.constant 8 : i32
      scf.yield %scan3A_312 : i32
    }
    %scan3A_15 = arith.constant 8 : i32
    %while3A = arith.constant 0 : i32
    %while3A_16 = arith.constant 0 : i32
    %while3A_17 = arith.subi %select_n3A, %while3A : i32
    %while3A_18 = arith.addi %while3A, %while3A_17 : i32
    %while3A_19 = arith.constant 1 : i32
    %while3A_20 = arith.divsi %while3A_17, %while3A_19 : i32
    %while3A_21 = arith.muli %while3A_20, %while3A_19 : i32
    %while3A_22 = arith.addi %while3A, %while3A_21 : i32
    %while3A_23 = arith.constant 1 : i32
    %while3A_24 = scf.for %while3A_305 = %while3A to %while3A_22 step %while3A_23 iter_args(%while3A_306 = %while3A_16) -> (i32)  : i32 {
      %mul3A_307 = arith.constant 8 : i32
      %mul3A_308 = arith.muli %while3A_305, %mul3A_307 : i32
      %add3A_309 = arith.addi %mul3A_3, %mul3A_308 : i32
      "tpu.region"() ({
        %run_scoped3A = tpu.sem_alloc : memref<!tpu.dma_semaphore, #tpu.memory_space<semaphore_mem>>
        %dma_start3A_311 = arith.constant 0 : i32
        %dma_start3A_312 = arith.constant 0 : i32
        %dma_start3A_313 = tpu.memref_slice %arg14[%dma_start3A_311, %dma_start3A_312] : memref<80x128xf32, #tpu.memory_space<vmem>> -> memref<8x128xf32, #tpu.memory_space<vmem>>
        %dma_start3A_314 = arith.constant 0 : i32
        %dma_start3A_315 = tpu.memref_slice %arg17[%add3A_309, %dma_start3A_314] : memref<10000x128xf32, #tpu.memory_space<vmem_shared>> -> memref<8x128xf32, #tpu.memory_space<vmem_shared>>
        %dma_start3A_316 = arith.constant 0 : i32
        %dma_start3A_317 = tpu.memref_slice %arg17[%add3A_309, %dma_start3A_316] : memref<10000x128xf32, #tpu.memory_space<vmem_shared>> -> memref<8x128xf32, #tpu.memory_space<vmem_shared>>
        %dma_start3A_318 = arith.constant 0 : i32
        %dma_start3A_319 = arith.constant 0 : i32
        %dma_start3A_320 = tpu.memref_slice %arg14[%dma_start3A_318, %dma_start3A_319] : memref<80x128xf32, #tpu.memory_space<vmem>> -> memref<8x128xf32, #tpu.memory_space<vmem>>
        tpu.enqueue_dma source(%dma_start3A_320 : memref<8x128xf32, #tpu.memory_space<vmem>>) target(%dma_start3A_317 : memref<8x128xf32, #tpu.memory_space<vmem_shared>>) target_semaphore(%run_scoped3A : memref<!tpu.dma_semaphore, #tpu.memory_space<semaphore_mem>>)
        %dma_wait3A_321 = arith.constant 0 : i32
        %dma_wait3A_322 = arith.constant 0 : i32
        %dma_wait3A_323 = tpu.memref_slice %arg14[%dma_wait3A_321, %dma_wait3A_322] : memref<80x128xf32, #tpu.memory_space<vmem>> -> memref<8x128xf32, #tpu.memory_space<vmem>>
        %dma_wait3A_324 = arith.constant 0 : i32
        %dma_wait3A_325 = tpu.memref_slice %arg17[%add3A_309, %dma_wait3A_324] : memref<10000x128xf32, #tpu.memory_space<vmem_shared>> -> memref<8x128xf32, #tpu.memory_space<vmem_shared>>
        %dma_wait3A_326 = arith.constant 0 : i32
        %dma_wait3A_327 = tpu.memref_slice %arg17[%add3A_309, %dma_wait3A_326] : memref<10000x128xf32, #tpu.memory_space<vmem_shared>> -> memref<8x128xf32, #tpu.memory_space<vmem_shared>>
        %dma_wait3A_328 = arith.constant 0 : i32
        %dma_wait3A_329 = arith.constant 0 : i32
        %dma_wait3A_330 = tpu.memref_slice %arg14[%dma_wait3A_328, %dma_wait3A_329] : memref<80x128xf32, #tpu.memory_space<vmem>> -> memref<8x128xf32, #tpu.memory_space<vmem>>
        tpu.wait_dma2 semaphore(%run_scoped3A : memref<!tpu.dma_semaphore, #tpu.memory_space<semaphore_mem>>) src(%dma_wait3A_330 : memref<8x128xf32, #tpu.memory_space<vmem>>) dst(%dma_wait3A_327 : memref<8x128xf32, #tpu.memory_space<vmem_shared>>)
        tpu.yield
      }) : () -> ()
      %while3A_310 = arith.constant 0 : i32
      scf.yield %while3A_310 : i32
    }
    %while3A_25 = arith.constant 1 : i32
    %while3A_26 = scf.for %while3A_305 = %while3A_22 to %while3A_18 step %while3A_25 iter_args(%while3A_306 = %while3A_24) -> (i32)  : i32 {
      %mul3A_307 = arith.constant 8 : i32
      %mul3A_308 = arith.muli %while3A_305, %mul3A_307 : i32
      %add3A_309 = arith.addi %mul3A_3, %mul3A_308 : i32
      "tpu.region"() ({
        %run_scoped3A = tpu.sem_alloc : memref<!tpu.dma_semaphore, #tpu.memory_space<semaphore_mem>>
        %dma_start3A_311 = arith.constant 0 : i32
        %dma_start3A_312 = arith.constant 0 : i32
        %dma_start3A_313 = tpu.memref_slice %arg14[%dma_start3A_311, %dma_start3A_312] : memref<80x128xf32, #tpu.memory_space<vmem>> -> memref<8x128xf32, #tpu.memory_space<vmem>>
        %dma_start3A_314 = arith.constant 0 : i32
        %dma_start3A_315 = tpu.memref_slice %arg17[%add3A_309, %dma_start3A_314] : memref<10000x128xf32, #tpu.memory_space<vmem_shared>> -> memref<8x128xf32, #tpu.memory_space<vmem_shared>>
        %dma_start3A_316 = arith.constant 0 : i32
        %dma_start3A_317 = tpu.memref_slice %arg17[%add3A_309, %dma_start3A_316] : memref<10000x128xf32, #tpu.memory_space<vmem_shared>> -> memref<8x128xf32, #tpu.memory_space<vmem_shared>>
        %dma_start3A_318 = arith.constant 0 : i32
        %dma_start3A_319 = arith.constant 0 : i32
        %dma_start3A_320 = tpu.memref_slice %arg14[%dma_start3A_318, %dma_start3A_319] : memref<80x128xf32, #tpu.memory_space<vmem>> -> memref<8x128xf32, #tpu.memory_space<vmem>>
        tpu.enqueue_dma source(%dma_start3A_320 : memref<8x128xf32, #tpu.memory_space<vmem>>) target(%dma_start3A_317 : memref<8x128xf32, #tpu.memory_space<vmem_shared>>) target_semaphore(%run_scoped3A : memref<!tpu.dma_semaphore, #tpu.memory_space<semaphore_mem>>)
        %dma_wait3A_321 = arith.constant 0 : i32
        %dma_wait3A_322 = arith.constant 0 : i32
        %dma_wait3A_323 = tpu.memref_slice %arg14[%dma_wait3A_321, %dma_wait3A_322] : memref<80x128xf32, #tpu.memory_space<vmem>> -> memref<8x128xf32, #tpu.memory_space<vmem>>
        %dma_wait3A_324 = arith.constant 0 : i32
        %dma_wait3A_325 = tpu.memref_slice %arg17[%add3A_309, %dma_wait3A_324] : memref<10000x128xf32, #tpu.memory_space<vmem_shared>> -> memref<8x128xf32, #tpu.memory_space<vmem_shared>>
        %dma_wait3A_326 = arith.constant 0 : i32
        %dma_wait3A_327 = tpu.memref_slice %arg17[%add3A_309, %dma_wait3A_326] : memref<10000x128xf32, #tpu.memory_space<vmem_shared>> -> memref<8x128xf32, #tpu.memory_space<vmem_shared>>
        %dma_wait3A_328 = arith.constant 0 : i32
        %dma_wait3A_329 = arith.constant 0 : i32
        %dma_wait3A_330 = tpu.memref_slice %arg14[%dma_wait3A_328, %dma_wait3A_329] : memref<80x128xf32, #tpu.memory_space<vmem>> -> memref<8x128xf32, #tpu.memory_space<vmem>>
        tpu.wait_dma2 semaphore(%run_scoped3A : memref<!tpu.dma_semaphore, #tpu.memory_space<semaphore_mem>>) src(%dma_wait3A_330 : memref<8x128xf32, #tpu.memory_space<vmem>>) dst(%dma_wait3A_327 : memref<8x128xf32, #tpu.memory_space<vmem_shared>>)
        tpu.yield
      }) : () -> ()
      %while3A_310 = arith.constant 0 : i32
      scf.yield %while3A_310 : i32
    }
    %barrier3A = arith.constant 0 : index
    tpu.barrier barrier_id(%barrier3A)
    %scan3A_27 = arith.constant 0 : i32
    %scan3A_28 = arith.constant 0 : i32
    %scan3A_29 = arith.constant 125 : i32
    %scan3A_30 = arith.addi %scan3A_28, %scan3A_29 : i32
    %scan3A_31 = arith.constant 1 : i32
    %scan3A_32 = scf.for %scan3A_305 = %scan3A_28 to %scan3A_30 step %scan3A_31 iter_args(%scan3A_306 = %scan3A_27) -> (i32)  : i32 {
      %mul3A_307 = arith.constant 80 : i32
      %mul3A_308 = arith.muli %scan3A_305, %mul3A_307 : i32
      %add3A_309 = arith.addi %mul3A_9, %mul3A_308 : i32
      "tpu.region"() ({
        %run_scoped3A = tpu.sem_alloc : memref<!tpu.dma_semaphore, #tpu.memory_space<semaphore_mem>>
        %dma_start3A_330 = tpu.memref_slice %arg2[%add3A_309] : memref<320000xi32, #tpu.memory_space<hbm>> -> memref<80xi32, #tpu.memory_space<hbm>>
        %dma_start3A_331 = tpu.memref_slice %arg2[%add3A_309] : memref<320000xi32, #tpu.memory_space<hbm>> -> memref<80xi32, #tpu.memory_space<hbm>>
        tpu.enqueue_dma source(%dma_start3A_331 : memref<80xi32, #tpu.memory_space<hbm>>) target(%arg10 : memref<80xi32, #tpu.memory_space<vmem>>) target_semaphore(%run_scoped3A : memref<!tpu.dma_semaphore, #tpu.memory_space<semaphore_mem>>)
        %dma_wait3A_332 = tpu.memref_slice %arg2[%add3A_309] : memref<320000xi32, #tpu.memory_space<hbm>> -> memref<80xi32, #tpu.memory_space<hbm>>
        %dma_wait3A_333 = tpu.memref_slice %arg2[%add3A_309] : memref<320000xi32, #tpu.memory_space<hbm>> -> memref<80xi32, #tpu.memory_space<hbm>>
        tpu.wait_dma2 semaphore(%run_scoped3A : memref<!tpu.dma_semaphore, #tpu.memory_space<semaphore_mem>>) src(%dma_wait3A_333 : memref<80xi32, #tpu.memory_space<hbm>>) dst(%arg10 : memref<80xi32, #tpu.memory_space<vmem>>)
        tpu.yield
      }) : () -> ()
      "tpu.region"() ({
        %run_scoped3A = tpu.sem_alloc : memref<!tpu.dma_semaphore, #tpu.memory_space<semaphore_mem>>
        %dma_start3A_330 = tpu.memref_slice %arg3[%add3A_309] : memref<320000xi32, #tpu.memory_space<hbm>> -> memref<80xi32, #tpu.memory_space<hbm>>
        %dma_start3A_331 = tpu.memref_slice %arg3[%add3A_309] : memref<320000xi32, #tpu.memory_space<hbm>> -> memref<80xi32, #tpu.memory_space<hbm>>
        tpu.enqueue_dma source(%dma_start3A_331 : memref<80xi32, #tpu.memory_space<hbm>>) target(%arg11 : memref<80xi32, #tpu.memory_space<vmem>>) target_semaphore(%run_scoped3A : memref<!tpu.dma_semaphore, #tpu.memory_space<semaphore_mem>>)
        %dma_wait3A_332 = tpu.memref_slice %arg3[%add3A_309] : memref<320000xi32, #tpu.memory_space<hbm>> -> memref<80xi32, #tpu.memory_space<hbm>>
        %dma_wait3A_333 = tpu.memref_slice %arg3[%add3A_309] : memref<320000xi32, #tpu.memory_space<hbm>> -> memref<80xi32, #tpu.memory_space<hbm>>
        tpu.wait_dma2 semaphore(%run_scoped3A : memref<!tpu.dma_semaphore, #tpu.memory_space<semaphore_mem>>) src(%dma_wait3A_333 : memref<80xi32, #tpu.memory_space<hbm>>) dst(%arg11 : memref<80xi32, #tpu.memory_space<vmem>>)
        tpu.yield
      }) : () -> ()
      %dma_start3A_310 = arith.constant 0 : i32
      %dma_start3A_311 = arith.constant 0 : i32
      %dma_start3A_312 = tpu.memref_slice %arg5[%dma_start3A_310, %dma_start3A_311] : memref<10000x128xf32, #tpu.memory_space<hbm>> -> memref<10000x128xf32, #tpu.memory_space<hbm>>
      tpu.enqueue_indirect_dma source(%dma_start3A_312 : memref<10000x128xf32, #tpu.memory_space<hbm>>) target(%arg14 : memref<80x128xf32, #tpu.memory_space<vmem>>) offsets(%arg10 : memref<80xi32, #tpu.memory_space<vmem>>) semaphore(%arg18 : memref<!tpu.dma_semaphore, #tpu.memory_space<semaphore_mem>>)
      %dma_start3A_313 = arith.constant 0 : i32
      %dma_start3A_314 = arith.constant 0 : i32
      %dma_start3A_315 = tpu.memref_slice %arg6[%dma_start3A_313, %dma_start3A_314] : memref<10000x128xf32, #tpu.memory_space<hbm>> -> memref<10000x128xf32, #tpu.memory_space<hbm>>
      tpu.enqueue_indirect_dma source(%dma_start3A_315 : memref<10000x128xf32, #tpu.memory_space<hbm>>) target(%arg15 : memref<80x128xf32, #tpu.memory_space<vmem>>) offsets(%arg11 : memref<80xi32, #tpu.memory_space<vmem>>) semaphore(%arg19 : memref<!tpu.dma_semaphore, #tpu.memory_space<semaphore_mem>>)
      %dma_wait3A_316 = arith.constant 0 : i32
      %dma_wait3A_317 = arith.constant 0 : i32
      %dma_wait3A_318 = tpu.memref_slice %arg5[%dma_wait3A_316, %dma_wait3A_317] : memref<10000x128xf32, #tpu.memory_space<hbm>> -> memref<10000x128xf32, #tpu.memory_space<hbm>>
      tpu.wait_indirect_dma semaphore(%arg18 : memref<!tpu.dma_semaphore, #tpu.memory_space<semaphore_mem>>) src(%dma_wait3A_318 : memref<10000x128xf32, #tpu.memory_space<hbm>>) dst(%arg14 : memref<80x128xf32, #tpu.memory_space<vmem>>)
      %dma_wait3A_319 = arith.constant 0 : i32
      %dma_wait3A_320 = arith.constant 0 : i32
      %dma_wait3A_321 = tpu.memref_slice %arg6[%dma_wait3A_319, %dma_wait3A_320] : memref<10000x128xf32, #tpu.memory_space<hbm>> -> memref<10000x128xf32, #tpu.memory_space<hbm>>
      tpu.wait_indirect_dma semaphore(%arg19 : memref<!tpu.dma_semaphore, #tpu.memory_space<semaphore_mem>>) src(%dma_wait3A_321 : memref<10000x128xf32, #tpu.memory_space<hbm>>) dst(%arg15 : memref<80x128xf32, #tpu.memory_space<vmem>>)
      %scan3A_322 = arith.constant 0 : i32
      %scan3A_323 = arith.constant 0 : i32
      %scan3A_324 = arith.constant 80 : i32
      %scan3A_325 = arith.addi %scan3A_323, %scan3A_324 : i32
      %scan3A_326 = arith.constant 1 : i32
      %scan3A_327 = scf.for %scan3A_330 = %scan3A_323 to %scan3A_325 step %scan3A_326 iter_args(%scan3A_331 = %scan3A_322) -> (i32)  : i32 {
        %get3A = arith.index_cast %scan3A_330 : i32 to index
        %get3A_332 = arith.constant 0 : index
        %get3A_333 = tpu.vector_load %arg14[%get3A, %get3A_332] {strides = array<i32>} : memref<80x128xf32, #tpu.memory_space<vmem>>, vector<1x16xf32>,
        %get3A_334 = vector.shape_cast %get3A_333 : vector<1x16xf32> to vector<16xf32>
        %get3A_335 = arith.index_cast %scan3A_330 : i32 to index
        %get3A_336 = arith.constant 0 : index
        %get3A_337 = tpu.vector_load %arg15[%get3A_335, %get3A_336] {strides = array<i32>} : memref<80x128xf32, #tpu.memory_space<vmem>>, vector<1x16xf32>,
        %get3A_338 = vector.shape_cast %get3A_337 : vector<1x16xf32> to vector<16xf32>
        %add3A_339 = arith.addf %get3A_334, %get3A_338 : vector<16xf32>
        %ge3A = arith.cmpf oge, %add3A_339, %broadcast_in_dim3A_0 : vector<16xf32>
        %mul3A_340 = arith.mulf %add3A_339, %broadcast_in_dim3A_2 : vector<16xf32>
        %select_n3A_341 = arith.select %ge3A, %add3A_339, %mul3A_340 : vector<16xi1>, vector<16xf32>
        %exp3A = math.exp %select_n3A_341 : vector<16xf32>
        %swap3A = arith.index_cast %scan3A_330 : i32 to index
        %swap3A_342 = arith.constant 0 : index
        %swap3A_343 = tpu.vector_load %arg14[%swap3A, %swap3A_342] {strides = array<i32>} : memref<80x128xf32, #tpu.memory_space<vmem>>, vector<1x16xf32>,
        %swap3A_344 = vector.shape_cast %swap3A_343 : vector<1x16xf32> to vector<16xf32>
        %swap3A_345 = vector.shape_cast %exp3A : vector<16xf32> to vector<1x16xf32>
        tpu.vector_store %arg14[%swap3A, %swap3A_342], %swap3A_345 {strides = array<i32>} : memref<80x128xf32, #tpu.memory_space<vmem>>, vector<1x16xf32>,
        %get3A_346 = arith.index_cast %scan3A_330 : i32 to index
        %get3A_347 = arith.constant 32 : index
        %get3A_348 = tpu.vector_load %arg14[%get3A_346, %get3A_347] {strides = array<i32>} : memref<80x128xf32, #tpu.memory_space<vmem>>, vector<1x16xf32>,
        %get3A_349 = vector.shape_cast %get3A_348 : vector<1x16xf32> to vector<16xf32>
        %get3A_350 = arith.index_cast %scan3A_330 : i32 to index
        %get3A_351 = arith.constant 32 : index
        %get3A_352 = tpu.vector_load %arg15[%get3A_350, %get3A_351] {strides = array<i32>} : memref<80x128xf32, #tpu.memory_space<vmem>>, vector<1x16xf32>,
        %get3A_353 = vector.shape_cast %get3A_352 : vector<1x16xf32> to vector<16xf32>
        %add3A_354 = arith.addf %get3A_349, %get3A_353 : vector<16xf32>
        %ge3A_355 = arith.cmpf oge, %add3A_354, %broadcast_in_dim3A_0 : vector<16xf32>
        %mul3A_356 = arith.mulf %add3A_354, %broadcast_in_dim3A_2 : vector<16xf32>
        %select_n3A_357 = arith.select %ge3A_355, %add3A_354, %mul3A_356 : vector<16xi1>, vector<16xf32>
        %exp3A_358 = math.exp %select_n3A_357 : vector<16xf32>
        %swap3A_359 = arith.index_cast %scan3A_330 : i32 to index
        %swap3A_360 = arith.constant 32 : index
        %swap3A_361 = tpu.vector_load %arg14[%swap3A_359, %swap3A_360] {strides = array<i32>} : memref<80x128xf32, #tpu.memory_space<vmem>>, vector<1x16xf32>,
        %swap3A_362 = vector.shape_cast %swap3A_361 : vector<1x16xf32> to vector<16xf32>
        %swap3A_363 = vector.shape_cast %exp3A_358 : vector<16xf32> to vector<1x16xf32>
        tpu.vector_store %arg14[%swap3A_359, %swap3A_360], %swap3A_363 {strides = array<i32>} : memref<80x128xf32, #tpu.memory_space<vmem>>, vector<1x16xf32>,
        %get3A_364 = arith.index_cast %scan3A_330 : i32 to index
        %get3A_365 = arith.constant 64 : index
        %get3A_366 = tpu.vector_load %arg14[%get3A_364, %get3A_365] {strides = array<i32>} : memref<80x128xf32, #tpu.memory_space<vmem>>, vector<1x16xf32>,
        %get3A_367 = vector.shape_cast %get3A_366 : vector<1x16xf32> to vector<16xf32>
        %get3A_368 = arith.index_cast %scan3A_330 : i32 to index
        %get3A_369 = arith.constant 64 : index
        %get3A_370 = tpu.vector_load %arg15[%get3A_368, %get3A_369] {strides = array<i32>} : memref<80x128xf32, #tpu.memory_space<vmem>>, vector<1x16xf32>,
        %get3A_371 = vector.shape_cast %get3A_370 : vector<1x16xf32> to vector<16xf32>
        %add3A_372 = arith.addf %get3A_367, %get3A_371 : vector<16xf32>
        %ge3A_373 = arith.cmpf oge, %add3A_372, %broadcast_in_dim3A_0 : vector<16xf32>
        %mul3A_374 = arith.mulf %add3A_372, %broadcast_in_dim3A_2 : vector<16xf32>
        %select_n3A_375 = arith.select %ge3A_373, %add3A_372, %mul3A_374 : vector<16xi1>, vector<16xf32>
        %exp3A_376 = math.exp %select_n3A_375 : vector<16xf32>
        %swap3A_377 = arith.index_cast %scan3A_330 : i32 to index
        %swap3A_378 = arith.constant 64 : index
        %swap3A_379 = tpu.vector_load %arg14[%swap3A_377, %swap3A_378] {strides = array<i32>} : memref<80x128xf32, #tpu.memory_space<vmem>>, vector<1x16xf32>,
        %swap3A_380 = vector.shape_cast %swap3A_379 : vector<1x16xf32> to vector<16xf32>
        %swap3A_381 = vector.shape_cast %exp3A_376 : vector<16xf32> to vector<1x16xf32>
        tpu.vector_store %arg14[%swap3A_377, %swap3A_378], %swap3A_381 {strides = array<i32>} : memref<80x128xf32, #tpu.memory_space<vmem>>, vector<1x16xf32>,
        %get3A_382 = arith.index_cast %scan3A_330 : i32 to index
        %get3A_383 = arith.constant 96 : index
        %get3A_384 = tpu.vector_load %arg14[%get3A_382, %get3A_383] {strides = array<i32>} : memref<80x128xf32, #tpu.memory_space<vmem>>, vector<1x16xf32>,
        %get3A_385 = vector.shape_cast %get3A_384 : vector<1x16xf32> to vector<16xf32>
        %get3A_386 = arith.index_cast %scan3A_330 : i32 to index
        %get3A_387 = arith.constant 96 : index
        %get3A_388 = tpu.vector_load %arg15[%get3A_386, %get3A_387] {strides = array<i32>} : memref<80x128xf32, #tpu.memory_space<vmem>>, vector<1x16xf32>,
        %get3A_389 = vector.shape_cast %get3A_388 : vector<1x16xf32> to vector<16xf32>
        %add3A_390 = arith.addf %get3A_385, %get3A_389 : vector<16xf32>
        %ge3A_391 = arith.cmpf oge, %add3A_390, %broadcast_in_dim3A_0 : vector<16xf32>
        %mul3A_392 = arith.mulf %add3A_390, %broadcast_in_dim3A_2 : vector<16xf32>
        %select_n3A_393 = arith.select %ge3A_391, %add3A_390, %mul3A_392 : vector<16xi1>, vector<16xf32>
        %exp3A_394 = math.exp %select_n3A_393 : vector<16xf32>
        %swap3A_395 = arith.index_cast %scan3A_330 : i32 to index
        %swap3A_396 = arith.constant 96 : index
        %swap3A_397 = tpu.vector_load %arg14[%swap3A_395, %swap3A_396] {strides = array<i32>} : memref<80x128xf32, #tpu.memory_space<vmem>>, vector<1x16xf32>,
        %swap3A_398 = vector.shape_cast %swap3A_397 : vector<1x16xf32> to vector<16xf32>
        %swap3A_399 = vector.shape_cast %exp3A_394 : vector<16xf32> to vector<1x16xf32>
        tpu.vector_store %arg14[%swap3A_395, %swap3A_396], %swap3A_399 {strides = array<i32>} : memref<80x128xf32, #tpu.memory_space<vmem>>, vector<1x16xf32>,
        %scan3A_400 = arith.constant 0 : i32
        scf.yield %scan3A_400 : i32
      }
      %scan3A_328 = arith.constant 80 : i32
      "tpu.region"() ({
        %run_scoped3A = tpu.sem_alloc : memref<!tpu.dma_semaphore, #tpu.memory_space<semaphore_mem>>
        %dma_start3A_330 = arith.constant 0 : i32
        %dma_start3A_331 = tpu.memref_slice %arg9[%add3A_309, %dma_start3A_330] : memref<320000x128xf32, #tpu.memory_space<hbm>> -> memref<80x128xf32, #tpu.memory_space<hbm>>
        %dma_start3A_332 = arith.constant 0 : i32
        %dma_start3A_333 = tpu.memref_slice %arg9[%add3A_309, %dma_start3A_332] : memref<320000x128xf32, #tpu.memory_space<hbm>> -> memref<80x128xf32, #tpu.memory_space<hbm>>
        tpu.enqueue_dma source(%arg14 : memref<80x128xf32, #tpu.memory_space<vmem>>) target(%dma_start3A_333 : memref<80x128xf32, #tpu.memory_space<hbm>>) target_semaphore(%run_scoped3A : memref<!tpu.dma_semaphore, #tpu.memory_space<semaphore_mem>>)
        %dma_wait3A_334 = arith.constant 0 : i32
        %dma_wait3A_335 = tpu.memref_slice %arg9[%add3A_309, %dma_wait3A_334] : memref<320000x128xf32, #tpu.memory_space<hbm>> -> memref<80x128xf32, #tpu.memory_space<hbm>>
        %dma_wait3A_336 = arith.constant 0 : i32
        %dma_wait3A_337 = tpu.memref_slice %arg9[%add3A_309, %dma_wait3A_336] : memref<320000x128xf32, #tpu.memory_space<hbm>> -> memref<80x128xf32, #tpu.memory_space<hbm>>
        tpu.wait_dma2 semaphore(%run_scoped3A : memref<!tpu.dma_semaphore, #tpu.memory_space<semaphore_mem>>) src(%arg14 : memref<80x128xf32, #tpu.memory_space<vmem>>) dst(%dma_wait3A_337 : memref<80x128xf32, #tpu.memory_space<hbm>>)
        tpu.yield
      }) : () -> ()
      "tpu.region"() ({
        %run_scoped3A = tpu.sem_alloc : memref<!tpu.dma_semaphore, #tpu.memory_space<semaphore_mem>>
        %dma_start3A_330 = arith.constant 0 : i32
        %dma_start3A_331 = arith.constant 0 : i32
        %dma_start3A_332 = tpu.memref_slice %arg17[%dma_start3A_330, %dma_start3A_331] : memref<10000x128xf32, #tpu.memory_space<vmem_shared>> -> memref<10000x128xf32, #tpu.memory_space<vmem_shared>>
        tpu.enqueue_indirect_dma source(%arg14 : memref<80x128xf32, #tpu.memory_space<vmem>>) target(%dma_start3A_332 : memref<10000x128xf32, #tpu.memory_space<vmem_shared>>) offsets(%arg11 : memref<80xi32, #tpu.memory_space<vmem>>) semaphore(%run_scoped3A : memref<!tpu.dma_semaphore, #tpu.memory_space<semaphore_mem>>) {add = true}
        %dma_wait3A_333 = arith.constant 0 : i32
        %dma_wait3A_334 = arith.constant 0 : i32
        %dma_wait3A_335 = tpu.memref_slice %arg17[%dma_wait3A_333, %dma_wait3A_334] : memref<10000x128xf32, #tpu.memory_space<vmem_shared>> -> memref<10000x128xf32, #tpu.memory_space<vmem_shared>>
        tpu.wait_indirect_dma semaphore(%run_scoped3A : memref<!tpu.dma_semaphore, #tpu.memory_space<semaphore_mem>>) src(%arg14 : memref<80x128xf32, #tpu.memory_space<vmem>>) dst(%dma_wait3A_335 : memref<10000x128xf32, #tpu.memory_space<vmem_shared>>)
        tpu.yield
      }) : () -> ()
      %scan3A_329 = arith.constant 0 : i32
      scf.yield %scan3A_329 : i32
    }
    %scan3A_33 = arith.constant 125 : i32
    %barrier3A_34 = arith.constant 0 : index
    tpu.barrier barrier_id(%barrier3A_34)
    %lt3A = arith.constant 15 : i32
    %lt3A_35 = arith.cmpi slt, %arg1, %lt3A : i32
    %convert_element_type3A = arith.extui %lt3A_35 : i1 to i32
    %cond3A = arith.constant 0 : i32
    %cond3A_36 = arith.cmpi ne, %convert_element_type3A, %cond3A : i32
    scf.if %cond3A_36 {
      "tpu.region"() ({
        %run_scoped3A = tpu.sem_alloc : memref<!tpu.dma_semaphore, #tpu.memory_space<semaphore_mem>>
        %dma_start3A_305 = arith.constant 0 : i32
        %dma_start3A_306 = arith.constant 0 : i32
        %dma_start3A_307 = tpu.memref_slice %arg8[%arg0, %dma_start3A_305, %dma_start3A_306] : memref<2x10000x128xf32, #tpu.memory_space<hbm>> -> memref<1x10000x128xf32, #tpu.memory_space<hbm>>
        %dma_start3A_308 = tpu.memref_squeeze %dma_start3A_307 : memref<1x10000x128xf32, #tpu.memory_space<hbm>> -> memref<10000x128xf32, #tpu.memory_space<hbm>>
        %dma_start3A_309 = arith.constant 0 : i32
        %dma_start3A_310 = tpu.memref_slice %dma_start3A_308[%mul3A_3, %dma_start3A_309] : memref<10000x128xf32, #tpu.memory_space<hbm>> -> memref<632x128xf32, #tpu.memory_space<hbm>>
        %dma_start3A_311 = arith.constant 0 : i32
        %dma_start3A_312 = tpu.memref_slice %arg17[%mul3A_3, %dma_start3A_311] : memref<10000x128xf32, #tpu.memory_space<vmem_shared>> -> memref<632x128xf32, #tpu.memory_space<vmem_shared>>
        tpu.enqueue_dma source(%dma_start3A_312 : memref<632x128xf32, #tpu.memory_space<vmem_shared>>) target(%dma_start3A_310 : memref<632x128xf32, #tpu.memory_space<hbm>>) target_semaphore(%run_scoped3A : memref<!tpu.dma_semaphore, #tpu.memory_space<semaphore_mem>>)
        %dma_wait3A_313 = arith.constant 0 : i32
        %dma_wait3A_314 = arith.constant 0 : i32
        %dma_wait3A_315 = tpu.memref_slice %arg8[%arg0, %dma_wait3A_313, %dma_wait3A_314] : memref<2x10000x128xf32, #tpu.memory_space<hbm>> -> memref<1x10000x128xf32, #tpu.memory_space<hbm>>
        %dma_wait3A_316 = tpu.memref_squeeze %dma_wait3A_315 : memref<1x10000x128xf32, #tpu.memory_space<hbm>> -> memref<10000x128xf32, #tpu.memory_space<hbm>>
        %dma_wait3A_317 = arith.constant 0 : i32
        %dma_wait3A_318 = tpu.memref_slice %dma_wait3A_316[%mul3A_3, %dma_wait3A_317] : memref<10000x128xf32, #tpu.memory_space<hbm>> -> memref<632x128xf32, #tpu.memory_space<hbm>>
        %dma_wait3A_319 = arith.constant 0 : i32
        %dma_wait3A_320 = tpu.memref_slice %arg17[%mul3A_3, %dma_wait3A_319] : memref<10000x128xf32, #tpu.memory_space<vmem_shared>> -> memref<632x128xf32, #tpu.memory_space<vmem_shared>>
        tpu.wait_dma2 semaphore(%run_scoped3A : memref<!tpu.dma_semaphore, #tpu.memory_space<semaphore_mem>>) src(%dma_wait3A_320 : memref<632x128xf32, #tpu.memory_space<vmem_shared>>) dst(%dma_wait3A_318 : memref<632x128xf32, #tpu.memory_space<hbm>>)
        tpu.yield
      }) : () -> ()
    } else {
    }
    %eq3A_37 = arith.constant 15 : i32
    %eq3A_38 = arith.cmpi eq, %arg1, %eq3A_37 : i32
    %convert_element_type3A_39 = arith.extui %eq3A_38 : i1 to i32
    %cond3A_40 = arith.constant 0 : i32
    %cond3A_41 = arith.cmpi ne, %convert_element_type3A_39, %cond3A_40 : i32
    scf.if %cond3A_41 {
      "tpu.region"() ({
        %run_scoped3A = tpu.sem_alloc : memref<!tpu.dma_semaphore, #tpu.memory_space<semaphore_mem>>
        %dma_start3A_305 = arith.constant 0 : i32
        %dma_start3A_306 = arith.constant 0 : i32
        %dma_start3A_307 = tpu.memref_slice %arg8[%arg0, %dma_start3A_305, %dma_start3A_306] : memref<2x10000x128xf32, #tpu.memory_space<hbm>> -> memref<1x10000x128xf32, #tpu.memory_space<hbm>>
        %dma_start3A_308 = tpu.memref_squeeze %dma_start3A_307 : memref<1x10000x128xf32, #tpu.memory_space<hbm>> -> memref<10000x128xf32, #tpu.memory_space<hbm>>
        %dma_start3A_309 = arith.constant 9480 : i32
        %dma_start3A_310 = arith.constant 0 : i32
        %dma_start3A_311 = tpu.memref_slice %dma_start3A_308[%dma_start3A_309, %dma_start3A_310] : memref<10000x128xf32, #tpu.memory_space<hbm>> -> memref<520x128xf32, #tpu.memory_space<hbm>>
        %dma_start3A_312 = arith.constant 9480 : i32
        %dma_start3A_313 = arith.constant 0 : i32
        %dma_start3A_314 = tpu.memref_slice %arg17[%dma_start3A_312, %dma_start3A_313] : memref<10000x128xf32, #tpu.memory_space<vmem_shared>> -> memref<520x128xf32, #tpu.memory_space<vmem_shared>>
        tpu.enqueue_dma source(%dma_start3A_314 : memref<520x128xf32, #tpu.memory_space<vmem_shared>>) target(%dma_start3A_311 : memref<520x128xf32, #tpu.memory_space<hbm>>) target_semaphore(%run_scoped3A : memref<!tpu.dma_semaphore, #tpu.memory_space<semaphore_mem>>)
        %dma_wait3A_315 = arith.constant 0 : i32
        %dma_wait3A_316 = arith.constant 0 : i32
        %dma_wait3A_317 = tpu.memref_slice %arg8[%arg0, %dma_wait3A_315, %dma_wait3A_316] : memref<2x10000x128xf32, #tpu.memory_space<hbm>> -> memref<1x10000x128xf32, #tpu.memory_space<hbm>>
        %dma_wait3A_318 = tpu.memref_squeeze %dma_wait3A_317 : memref<1x10000x128xf32, #tpu.memory_space<hbm>> -> memref<10000x128xf32, #tpu.memory_space<hbm>>
        %dma_wait3A_319 = arith.constant 9480 : i32
        %dma_wait3A_320 = arith.constant 0 : i32
        %dma_wait3A_321 = tpu.memref_slice %dma_wait3A_318[%dma_wait3A_319, %dma_wait3A_320] : memref<10000x128xf32, #tpu.memory_space<hbm>> -> memref<520x128xf32, #tpu.memory_space<hbm>>
        %dma_wait3A_322 = arith.constant 9480 : i32
        %dma_wait3A_323 = arith.constant 0 : i32
        %dma_wait3A_324 = tpu.memref_slice %arg17[%dma_wait3A_322, %dma_wait3A_323] : memref<10000x128xf32, #tpu.memory_space<vmem_shared>> -> memref<520x128xf32, #tpu.memory_space<vmem_shared>>
        tpu.wait_dma2 semaphore(%run_scoped3A : memref<!tpu.dma_semaphore, #tpu.memory_space<semaphore_mem>>) src(%dma_wait3A_324 : memref<520x128xf32, #tpu.memory_space<vmem_shared>>) dst(%dma_wait3A_321 : memref<520x128xf32, #tpu.memory_space<hbm>>)
        tpu.yield
      }) : () -> ()
    } else {
    }
    %barrier3A_42 = arith.constant 0 : index
    tpu.barrier barrier_id(%barrier3A_42)
    %scan3A_43 = arith.constant 0 : i32
    %scan3A_44 = arith.constant 0 : i32
    %scan3A_45 = arith.constant 8 : i32
    %scan3A_46 = arith.addi %scan3A_44, %scan3A_45 : i32
    %scan3A_47 = arith.constant 1 : i32
    %scan3A_48 = scf.for %scan3A_305 = %scan3A_44 to %scan3A_46 step %scan3A_47 iter_args(%scan3A_306 = %scan3A_43) -> (i32)  : i32 {
      %scan3A_307 = arith.constant 0 : i32
      %scan3A_308 = arith.constant 0 : i32
      %scan3A_309 = arith.constant 8 : i32
      %scan3A_310 = arith.addi %scan3A_308, %scan3A_309 : i32
      %scan3A_311 = arith.constant 1 : i32
      %scan3A_312 = scf.for %scan3A_314 = %scan3A_308 to %scan3A_310 step %scan3A_311 iter_args(%scan3A_315 = %scan3A_307) -> (i32)  : i32 {
        %mul3A_316 = arith.constant 16 : i32
        %mul3A_317 = arith.muli %scan3A_314, %mul3A_316 : i32
        %swap3A = arith.index_cast %scan3A_305 : i32 to index
        %swap3A_318 = arith.index_cast %mul3A_317 : i32 to index
        %swap3A_319 = tpu.vector_load %arg14[%swap3A, %swap3A_318] {strides = array<i32>} : memref<80x128xf32, #tpu.memory_space<vmem>>, vector<1x16xf32>,
        %swap3A_320 = vector.shape_cast %swap3A_319 : vector<1x16xf32> to vector<16xf32>
        %swap3A_321 = vector.shape_cast %broadcast_in_dim3A_0 : vector<16xf32> to vector<1x16xf32>
        tpu.vector_store %arg14[%swap3A, %swap3A_318], %swap3A_321 {strides = array<i32>} : memref<80x128xf32, #tpu.memory_space<vmem>>, vector<1x16xf32>,
        %scan3A_322 = arith.constant 0 : i32
        scf.yield %scan3A_322 : i32
      }
      %scan3A_313 = arith.constant 8 : i32
      scf.yield %scan3A_312 : i32
    }
    %scan3A_49 = arith.constant 8 : i32
    %while3A_50 = arith.constant 0 : i32
    %while3A_51 = arith.constant 0 : i32
    %while3A_52 = arith.subi %select_n3A, %while3A_50 : i32
    %while3A_53 = arith.addi %while3A_50, %while3A_52 : i32
    %while3A_54 = arith.constant 1 : i32
    %while3A_55 = arith.divsi %while3A_52, %while3A_54 : i32
    %while3A_56 = arith.muli %while3A_55, %while3A_54 : i32
    %while3A_57 = arith.addi %while3A_50, %while3A_56 : i32
    %while3A_58 = arith.constant 1 : i32
    %while3A_59 = scf.for %while3A_305 = %while3A_50 to %while3A_57 step %while3A_58 iter_args(%while3A_306 = %while3A_51) -> (i32)  : i32 {
      %mul3A_307 = arith.constant 8 : i32
      %mul3A_308 = arith.muli %while3A_305, %mul3A_307 : i32
      %add3A_309 = arith.addi %mul3A_3, %mul3A_308 : i32
      "tpu.region"() ({
        %run_scoped3A = tpu.sem_alloc : memref<!tpu.dma_semaphore, #tpu.memory_space<semaphore_mem>>
        %dma_start3A_311 = arith.constant 0 : i32
        %dma_start3A_312 = arith.constant 0 : i32
        %dma_start3A_313 = tpu.memref_slice %arg14[%dma_start3A_311, %dma_start3A_312] : memref<80x128xf32, #tpu.memory_space<vmem>> -> memref<8x128xf32, #tpu.memory_space<vmem>>
        %dma_start3A_314 = arith.constant 0 : i32
        %dma_start3A_315 = tpu.memref_slice %arg17[%add3A_309, %dma_start3A_314] : memref<10000x128xf32, #tpu.memory_space<vmem_shared>> -> memref<8x128xf32, #tpu.memory_space<vmem_shared>>
        %dma_start3A_316 = arith.constant 0 : i32
        %dma_start3A_317 = tpu.memref_slice %arg17[%add3A_309, %dma_start3A_316] : memref<10000x128xf32, #tpu.memory_space<vmem_shared>> -> memref<8x128xf32, #tpu.memory_space<vmem_shared>>
        %dma_start3A_318 = arith.constant 0 : i32
        %dma_start3A_319 = arith.constant 0 : i32
        %dma_start3A_320 = tpu.memref_slice %arg14[%dma_start3A_318, %dma_start3A_319] : memref<80x128xf32, #tpu.memory_space<vmem>> -> memref<8x128xf32, #tpu.memory_space<vmem>>
        tpu.enqueue_dma source(%dma_start3A_320 : memref<8x128xf32, #tpu.memory_space<vmem>>) target(%dma_start3A_317 : memref<8x128xf32, #tpu.memory_space<vmem_shared>>) target_semaphore(%run_scoped3A : memref<!tpu.dma_semaphore, #tpu.memory_space<semaphore_mem>>)
        %dma_wait3A_321 = arith.constant 0 : i32
        %dma_wait3A_322 = arith.constant 0 : i32
        %dma_wait3A_323 = tpu.memref_slice %arg14[%dma_wait3A_321, %dma_wait3A_322] : memref<80x128xf32, #tpu.memory_space<vmem>> -> memref<8x128xf32, #tpu.memory_space<vmem>>
        %dma_wait3A_324 = arith.constant 0 : i32
        %dma_wait3A_325 = tpu.memref_slice %arg17[%add3A_309, %dma_wait3A_324] : memref<10000x128xf32, #tpu.memory_space<vmem_shared>> -> memref<8x128xf32, #tpu.memory_space<vmem_shared>>
        %dma_wait3A_326 = arith.constant 0 : i32
        %dma_wait3A_327 = tpu.memref_slice %arg17[%add3A_309, %dma_wait3A_326] : memref<10000x128xf32, #tpu.memory_space<vmem_shared>> -> memref<8x128xf32, #tpu.memory_space<vmem_shared>>
        %dma_wait3A_328 = arith.constant 0 : i32
        %dma_wait3A_329 = arith.constant 0 : i32
        %dma_wait3A_330 = tpu.memref_slice %arg14[%dma_wait3A_328, %dma_wait3A_329] : memref<80x128xf32, #tpu.memory_space<vmem>> -> memref<8x128xf32, #tpu.memory_space<vmem>>
        tpu.wait_dma2 semaphore(%run_scoped3A : memref<!tpu.dma_semaphore, #tpu.memory_space<semaphore_mem>>) src(%dma_wait3A_330 : memref<8x128xf32, #tpu.memory_space<vmem>>) dst(%dma_wait3A_327 : memref<8x128xf32, #tpu.memory_space<vmem_shared>>)
        tpu.yield
      }) : () -> ()
      %while3A_310 = arith.constant 0 : i32
      scf.yield %while3A_310 : i32
    }
    %while3A_60 = arith.constant 1 : i32
    %while3A_61 = scf.for %while3A_305 = %while3A_57 to %while3A_53 step %while3A_60 iter_args(%while3A_306 = %while3A_59) -> (i32)  : i32 {
      %mul3A_307 = arith.constant 8 : i32
      %mul3A_308 = arith.muli %while3A_305, %mul3A_307 : i32
      %add3A_309 = arith.addi %mul3A_3, %mul3A_308 : i32
      "tpu.region"() ({
        %run_scoped3A = tpu.sem_alloc : memref<!tpu.dma_semaphore, #tpu.memory_space<semaphore_mem>>
        %dma_start3A_311 = arith.constant 0 : i32
        %dma_start3A_312 = arith.constant 0 : i32
        %dma_start3A_313 = tpu.memref_slice %arg14[%dma_start3A_311, %dma_start3A_312] : memref<80x128xf32, #tpu.memory_space<vmem>> -> memref<8x128xf32, #tpu.memory_space<vmem>>
        %dma_start3A_314 = arith.constant 0 : i32
        %dma_start3A_315 = tpu.memref_slice %arg17[%add3A_309, %dma_start3A_314] : memref<10000x128xf32, #tpu.memory_space<vmem_shared>> -> memref<8x128xf32, #tpu.memory_space<vmem_shared>>
        %dma_start3A_316 = arith.constant 0 : i32
        %dma_start3A_317 = tpu.memref_slice %arg17[%add3A_309, %dma_start3A_316] : memref<10000x128xf32, #tpu.memory_space<vmem_shared>> -> memref<8x128xf32, #tpu.memory_space<vmem_shared>>
        %dma_start3A_318 = arith.constant 0 : i32
        %dma_start3A_319 = arith.constant 0 : i32
        %dma_start3A_320 = tpu.memref_slice %arg14[%dma_start3A_318, %dma_start3A_319] : memref<80x128xf32, #tpu.memory_space<vmem>> -> memref<8x128xf32, #tpu.memory_space<vmem>>
        tpu.enqueue_dma source(%dma_start3A_320 : memref<8x128xf32, #tpu.memory_space<vmem>>) target(%dma_start3A_317 : memref<8x128xf32, #tpu.memory_space<vmem_shared>>) target_semaphore(%run_scoped3A : memref<!tpu.dma_semaphore, #tpu.memory_space<semaphore_mem>>)
        %dma_wait3A_321 = arith.constant 0 : i32
        %dma_wait3A_322 = arith.constant 0 : i32
        %dma_wait3A_323 = tpu.memref_slice %arg14[%dma_wait3A_321, %dma_wait3A_322] : memref<80x128xf32, #tpu.memory_space<vmem>> -> memref<8x128xf32, #tpu.memory_space<vmem>>
        %dma_wait3A_324 = arith.constant 0 : i32
        %dma_wait3A_325 = tpu.memref_slice %arg17[%add3A_309, %dma_wait3A_324] : memref<10000x128xf32, #tpu.memory_space<vmem_shared>> -> memref<8x128xf32, #tpu.memory_space<vmem_shared>>
        %dma_wait3A_326 = arith.constant 0 : i32
        %dma_wait3A_327 = tpu.memref_slice %arg17[%add3A_309, %dma_wait3A_326] : memref<10000x128xf32, #tpu.memory_space<vmem_shared>> -> memref<8x128xf32, #tpu.memory_space<vmem_shared>>
        %dma_wait3A_328 = arith.constant 0 : i32
        %dma_wait3A_329 = arith.constant 0 : i32
        %dma_wait3A_330 = tpu.memref_slice %arg14[%dma_wait3A_328, %dma_wait3A_329] : memref<80x128xf32, #tpu.memory_space<vmem>> -> memref<8x128xf32, #tpu.memory_space<vmem>>
        tpu.wait_dma2 semaphore(%run_scoped3A : memref<!tpu.dma_semaphore, #tpu.memory_space<semaphore_mem>>) src(%dma_wait3A_330 : memref<8x128xf32, #tpu.memory_space<vmem>>) dst(%dma_wait3A_327 : memref<8x128xf32, #tpu.memory_space<vmem_shared>>)
        tpu.yield
      }) : () -> ()
      %while3A_310 = arith.constant 0 : i32
      scf.yield %while3A_310 : i32
    }
    %barrier3A_62 = arith.constant 0 : index
    tpu.barrier barrier_id(%barrier3A_62)
    %scan3A_63 = arith.constant 0 : i32
    %scan3A_64 = arith.constant 0 : i32
    %scan3A_65 = arith.constant 62 : i32
    %scan3A_66 = arith.addi %scan3A_64, %scan3A_65 : i32
    %scan3A_67 = arith.constant 1 : i32
    %scan3A_68 = scf.for %scan3A_305 = %scan3A_64 to %scan3A_66 step %scan3A_67 iter_args(%scan3A_306 = %scan3A_63) -> (i32)  : i32 {
      %mul3A_307 = arith.constant 2 : i32
      %mul3A_308 = arith.muli %mul3A_307, %scan3A_305 : i32
      %mul3A_309 = arith.constant 80 : i32
      %mul3A_310 = arith.muli %mul3A_308, %mul3A_309 : i32
      %add3A_311 = arith.addi %mul3A_9, %mul3A_310 : i32
      %add3A_312 = arith.constant 80 : i32
      %add3A_313 = arith.addi %add3A_311, %add3A_312 : i32
      "tpu.region"() ({
        %run_scoped3A = tpu.sem_alloc : memref<!tpu.dma_semaphore, #tpu.memory_space<semaphore_mem>>
        %dma_start3A_361 = tpu.memref_slice %arg2[%add3A_311] : memref<320000xi32, #tpu.memory_space<hbm>> -> memref<80xi32, #tpu.memory_space<hbm>>
        %dma_start3A_362 = tpu.memref_slice %arg2[%add3A_311] : memref<320000xi32, #tpu.memory_space<hbm>> -> memref<80xi32, #tpu.memory_space<hbm>>
        tpu.enqueue_dma source(%dma_start3A_362 : memref<80xi32, #tpu.memory_space<hbm>>) target(%arg10 : memref<80xi32, #tpu.memory_space<vmem>>) target_semaphore(%run_scoped3A : memref<!tpu.dma_semaphore, #tpu.memory_space<semaphore_mem>>)
        %dma_wait3A_363 = tpu.memref_slice %arg2[%add3A_311] : memref<320000xi32, #tpu.memory_space<hbm>> -> memref<80xi32, #tpu.memory_space<hbm>>
        %dma_wait3A_364 = tpu.memref_slice %arg2[%add3A_311] : memref<320000xi32, #tpu.memory_space<hbm>> -> memref<80xi32, #tpu.memory_space<hbm>>
        tpu.wait_dma2 semaphore(%run_scoped3A : memref<!tpu.dma_semaphore, #tpu.memory_space<semaphore_mem>>) src(%dma_wait3A_364 : memref<80xi32, #tpu.memory_space<hbm>>) dst(%arg10 : memref<80xi32, #tpu.memory_space<vmem>>)
        tpu.yield
      }) : () -> ()
      "tpu.region"() ({
        %run_scoped3A = tpu.sem_alloc : memref<!tpu.dma_semaphore, #tpu.memory_space<semaphore_mem>>
        %dma_start3A_361 = tpu.memref_slice %arg3[%add3A_311] : memref<320000xi32, #tpu.memory_space<hbm>> -> memref<80xi32, #tpu.memory_space<hbm>>
        %dma_start3A_362 = tpu.memref_slice %arg3[%add3A_311] : memref<320000xi32, #tpu.memory_space<hbm>> -> memref<80xi32, #tpu.memory_space<hbm>>
        tpu.enqueue_dma source(%dma_start3A_362 : memref<80xi32, #tpu.memory_space<hbm>>) target(%arg11 : memref<80xi32, #tpu.memory_space<vmem>>) target_semaphore(%run_scoped3A : memref<!tpu.dma_semaphore, #tpu.memory_space<semaphore_mem>>)
        %dma_wait3A_363 = tpu.memref_slice %arg3[%add3A_311] : memref<320000xi32, #tpu.memory_space<hbm>> -> memref<80xi32, #tpu.memory_space<hbm>>
        %dma_wait3A_364 = tpu.memref_slice %arg3[%add3A_311] : memref<320000xi32, #tpu.memory_space<hbm>> -> memref<80xi32, #tpu.memory_space<hbm>>
        tpu.wait_dma2 semaphore(%run_scoped3A : memref<!tpu.dma_semaphore, #tpu.memory_space<semaphore_mem>>) src(%dma_wait3A_364 : memref<80xi32, #tpu.memory_space<hbm>>) dst(%arg11 : memref<80xi32, #tpu.memory_space<vmem>>)
        tpu.yield
      }) : () -> ()
      "tpu.region"() ({
        %run_scoped3A = tpu.sem_alloc : memref<!tpu.dma_semaphore, #tpu.memory_space<semaphore_mem>>
        %dma_start3A_361 = tpu.memref_slice %arg2[%add3A_313] : memref<320000xi32, #tpu.memory_space<hbm>> -> memref<80xi32, #tpu.memory_space<hbm>>
        %dma_start3A_362 = tpu.memref_slice %arg2[%add3A_313] : memref<320000xi32, #tpu.memory_space<hbm>> -> memref<80xi32, #tpu.memory_space<hbm>>
        tpu.enqueue_dma source(%dma_start3A_362 : memref<80xi32, #tpu.memory_space<hbm>>) target(%arg12 : memref<80xi32, #tpu.memory_space<vmem>>) target_semaphore(%run_scoped3A : memref<!tpu.dma_semaphore, #tpu.memory_space<semaphore_mem>>)
        %dma_wait3A_363 = tpu.memref_slice %arg2[%add3A_313] : memref<320000xi32, #tpu.memory_space<hbm>> -> memref<80xi32, #tpu.memory_space<hbm>>
        %dma_wait3A_364 = tpu.memref_slice %arg2[%add3A_313] : memref<320000xi32, #tpu.memory_space<hbm>> -> memref<80xi32, #tpu.memory_space<hbm>>
        tpu.wait_dma2 semaphore(%run_scoped3A : memref<!tpu.dma_semaphore, #tpu.memory_space<semaphore_mem>>) src(%dma_wait3A_364 : memref<80xi32, #tpu.memory_space<hbm>>) dst(%arg12 : memref<80xi32, #tpu.memory_space<vmem>>)
        tpu.yield
      }) : () -> ()
      "tpu.region"() ({
        %run_scoped3A = tpu.sem_alloc : memref<!tpu.dma_semaphore, #tpu.memory_space<semaphore_mem>>
        %dma_start3A_361 = tpu.memref_slice %arg3[%add3A_313] : memref<320000xi32, #tpu.memory_space<hbm>> -> memref<80xi32, #tpu.memory_space<hbm>>
        %dma_start3A_362 = tpu.memref_slice %arg3[%add3A_313] : memref<320000xi32, #tpu.memory_space<hbm>> -> memref<80xi32, #tpu.memory_space<hbm>>
        tpu.enqueue_dma source(%dma_start3A_362 : memref<80xi32, #tpu.memory_space<hbm>>) target(%arg13 : memref<80xi32, #tpu.memory_space<vmem>>) target_semaphore(%run_scoped3A : memref<!tpu.dma_semaphore, #tpu.memory_space<semaphore_mem>>)
        %dma_wait3A_363 = tpu.memref_slice %arg3[%add3A_313] : memref<320000xi32, #tpu.memory_space<hbm>> -> memref<80xi32, #tpu.memory_space<hbm>>
        %dma_wait3A_364 = tpu.memref_slice %arg3[%add3A_313] : memref<320000xi32, #tpu.memory_space<hbm>> -> memref<80xi32, #tpu.memory_space<hbm>>
        tpu.wait_dma2 semaphore(%run_scoped3A : memref<!tpu.dma_semaphore, #tpu.memory_space<semaphore_mem>>) src(%dma_wait3A_364 : memref<80xi32, #tpu.memory_space<hbm>>) dst(%arg13 : memref<80xi32, #tpu.memory_space<vmem>>)
        tpu.yield
      }) : () -> ()
      %dma_start3A_314 = arith.constant 0 : i32
      %dma_start3A_315 = arith.constant 0 : i32
      %dma_start3A_316 = arith.constant 0 : i32
      %dma_start3A_317 = tpu.memref_slice %arg4[%dma_start3A_314, %dma_start3A_315, %dma_start3A_316] : memref<4x10000x128xf32, #tpu.memory_space<hbm>> -> memref<1x10000x128xf32, #tpu.memory_space<hbm>>
      %dma_start3A_318 = tpu.memref_squeeze %dma_start3A_317 : memref<1x10000x128xf32, #tpu.memory_space<hbm>> -> memref<10000x128xf32, #tpu.memory_space<hbm>>
      %dma_start3A_319 = arith.constant 0 : i32
      %dma_start3A_320 = arith.constant 0 : i32
      %dma_start3A_321 = tpu.memref_slice %dma_start3A_318[%dma_start3A_319, %dma_start3A_320] : memref<10000x128xf32, #tpu.memory_space<hbm>> -> memref<10000x128xf32, #tpu.memory_space<hbm>>
      tpu.enqueue_indirect_dma source(%dma_start3A_321 : memref<10000x128xf32, #tpu.memory_space<hbm>>) target(%arg14 : memref<80x128xf32, #tpu.memory_space<vmem>>) offsets(%arg10 : memref<80xi32, #tpu.memory_space<vmem>>) semaphore(%arg18 : memref<!tpu.dma_semaphore, #tpu.memory_space<semaphore_mem>>)
      %dma_start3A_322 = arith.constant 0 : i32
      %dma_start3A_323 = arith.constant 0 : i32
      %dma_start3A_324 = arith.constant 0 : i32
      %dma_start3A_325 = tpu.memref_slice %arg4[%dma_start3A_322, %dma_start3A_323, %dma_start3A_324] : memref<4x10000x128xf32, #tpu.memory_space<hbm>> -> memref<1x10000x128xf32, #tpu.memory_space<hbm>>
      %dma_start3A_326 = tpu.memref_squeeze %dma_start3A_325 : memref<1x10000x128xf32, #tpu.memory_space<hbm>> -> memref<10000x128xf32, #tpu.memory_space<hbm>>
      %dma_start3A_327 = arith.constant 0 : i32
      %dma_start3A_328 = arith.constant 0 : i32
      %dma_start3A_329 = tpu.memref_slice %dma_start3A_326[%dma_start3A_327, %dma_start3A_328] : memref<10000x128xf32, #tpu.memory_space<hbm>> -> memref<10000x128xf32, #tpu.memory_space<hbm>>
      tpu.enqueue_indirect_dma source(%dma_start3A_329 : memref<10000x128xf32, #tpu.memory_space<hbm>>) target(%arg16 : memref<80x128xf32, #tpu.memory_space<vmem>>) offsets(%arg12 : memref<80xi32, #tpu.memory_space<vmem>>) semaphore(%arg19 : memref<!tpu.dma_semaphore, #tpu.memory_space<semaphore_mem>>)
      %dma_wait3A_330 = arith.constant 0 : i32
      %dma_wait3A_331 = arith.constant 0 : i32
      %dma_wait3A_332 = arith.constant 0 : i32
      %dma_wait3A_333 = tpu.memref_slice %arg4[%dma_wait3A_330, %dma_wait3A_331, %dma_wait3A_332] : memref<4x10000x128xf32, #tpu.memory_space<hbm>> -> memref<1x10000x128xf32, #tpu.memory_space<hbm>>
      %dma_wait3A_334 = tpu.memref_squeeze %dma_wait3A_333 : memref<1x10000x128xf32, #tpu.memory_space<hbm>> -> memref<10000x128xf32, #tpu.memory_space<hbm>>
      %dma_wait3A_335 = arith.constant 0 : i32
      %dma_wait3A_336 = arith.constant 0 : i32
      %dma_wait3A_337 = tpu.memref_slice %dma_wait3A_334[%dma_wait3A_335, %dma_wait3A_336] : memref<10000x128xf32, #tpu.memory_space<hbm>> -> memref<10000x128xf32, #tpu.memory_space<hbm>>
      tpu.wait_indirect_dma semaphore(%arg18 : memref<!tpu.dma_semaphore, #tpu.memory_space<semaphore_mem>>) src(%dma_wait3A_337 : memref<10000x128xf32, #tpu.memory_space<hbm>>) dst(%arg14 : memref<80x128xf32, #tpu.memory_space<vmem>>)
      "tpu.region"() ({
        %run_scoped3A = tpu.sem_alloc : memref<!tpu.dma_semaphore, #tpu.memory_space<semaphore_mem>>
        %dma_start3A_361 = arith.constant 0 : i32
        %dma_start3A_362 = tpu.memref_slice %arg9[%add3A_311, %dma_start3A_361] : memref<320000x128xf32, #tpu.memory_space<hbm>> -> memref<80x128xf32, #tpu.memory_space<hbm>>
        %dma_start3A_363 = arith.constant 0 : i32
        %dma_start3A_364 = tpu.memref_slice %arg9[%add3A_311, %dma_start3A_363] : memref<320000x128xf32, #tpu.memory_space<hbm>> -> memref<80x128xf32, #tpu.memory_space<hbm>>
        tpu.enqueue_dma source(%dma_start3A_364 : memref<80x128xf32, #tpu.memory_space<hbm>>) target(%arg15 : memref<80x128xf32, #tpu.memory_space<vmem>>) target_semaphore(%run_scoped3A : memref<!tpu.dma_semaphore, #tpu.memory_space<semaphore_mem>>)
        %dma_wait3A_365 = arith.constant 0 : i32
        %dma_wait3A_366 = tpu.memref_slice %arg9[%add3A_311, %dma_wait3A_365] : memref<320000x128xf32, #tpu.memory_space<hbm>> -> memref<80x128xf32, #tpu.memory_space<hbm>>
        %dma_wait3A_367 = arith.constant 0 : i32
        %dma_wait3A_368 = tpu.memref_slice %arg9[%add3A_311, %dma_wait3A_367] : memref<320000x128xf32, #tpu.memory_space<hbm>> -> memref<80x128xf32, #tpu.memory_space<hbm>>
        tpu.wait_dma2 semaphore(%run_scoped3A : memref<!tpu.dma_semaphore, #tpu.memory_space<semaphore_mem>>) src(%dma_wait3A_368 : memref<80x128xf32, #tpu.memory_space<hbm>>) dst(%arg15 : memref<80x128xf32, #tpu.memory_space<vmem>>)
        tpu.yield
      }) : () -> ()
      %scan3A_338 = arith.constant 0 : i32
      %scan3A_339 = arith.constant 0 : i32
      %scan3A_340 = arith.constant 80 : i32
      %scan3A_341 = arith.addi %scan3A_339, %scan3A_340 : i32
      %scan3A_342 = arith.constant 1 : i32
      %scan3A_343 = scf.for %scan3A_361 = %scan3A_339 to %scan3A_341 step %scan3A_342 iter_args(%scan3A_362 = %scan3A_338) -> (i32)  : i32 {
        %get3A = arith.index_cast %scan3A_361 : i32 to index
        %get3A_363 = arith.constant 0 : index
        %get3A_364 = tpu.vector_load %arg15[%get3A, %get3A_363] {strides = array<i32>} : memref<80x128xf32, #tpu.memory_space<vmem>>, vector<1x16xf32>,
        %get3A_365 = vector.shape_cast %get3A_364 : vector<1x16xf32> to vector<16xf32>
        %scan3A_366 = arith.constant 0 : i32
        %scan3A_367 = arith.constant 0 : i32
        %scan3A_368 = arith.constant 8 : i32
        %scan3A_369 = arith.addi %scan3A_367, %scan3A_368 : i32
        %scan3A_370 = arith.constant 1 : i32
        %scan3A_371 = scf.for %scan3A_374 = %scan3A_367 to %scan3A_369 step %scan3A_370 iter_args(%scan3A_375 = %scan3A_366) -> (i32)  : i32 {
          %mul3A_376 = arith.constant 16 : i32
          %mul3A_377 = arith.muli %scan3A_374, %mul3A_376 : i32
          %get3A_378 = arith.index_cast %scan3A_361 : i32 to index
          %get3A_379 = arith.index_cast %mul3A_377 : i32 to index
          %get3A_380 = tpu.vector_load %arg14[%get3A_378, %get3A_379] {strides = array<i32>} : memref<80x128xf32, #tpu.memory_space<vmem>>, vector<1x16xf32>,
          %get3A_381 = vector.shape_cast %get3A_380 : vector<1x16xf32> to vector<16xf32>
          %mul3A_382 = arith.mulf %get3A_381, %get3A_365 : vector<16xf32>
          %swap3A = arith.index_cast %scan3A_361 : i32 to index
          %swap3A_383 = arith.index_cast %mul3A_377 : i32 to index
          %swap3A_384 = tpu.vector_load %arg14[%swap3A, %swap3A_383] {strides = array<i32>} : memref<80x128xf32, #tpu.memory_space<vmem>>, vector<1x16xf32>,
          %swap3A_385 = vector.shape_cast %swap3A_384 : vector<1x16xf32> to vector<16xf32>
          %swap3A_386 = vector.shape_cast %mul3A_382 : vector<16xf32> to vector<1x16xf32>
          tpu.vector_store %arg14[%swap3A, %swap3A_383], %swap3A_386 {strides = array<i32>} : memref<80x128xf32, #tpu.memory_space<vmem>>, vector<1x16xf32>,
          %scan3A_387 = arith.constant 0 : i32
          scf.yield %scan3A_387 : i32
        }
        %scan3A_372 = arith.constant 8 : i32
        %scan3A_373 = arith.constant 0 : i32
        scf.yield %scan3A_373 : i32
      }
      %scan3A_344 = arith.constant 80 : i32
      "tpu.region"() ({
        %run_scoped3A = tpu.sem_alloc : memref<!tpu.dma_semaphore, #tpu.memory_space<semaphore_mem>>
        %dma_start3A_361 = arith.constant 0 : i32
        %dma_start3A_362 = arith.constant 0 : i32
        %dma_start3A_363 = tpu.memref_slice %arg17[%dma_start3A_361, %dma_start3A_362] : memref<10000x128xf32, #tpu.memory_space<vmem_shared>> -> memref<10000x128xf32, #tpu.memory_space<vmem_shared>>
        tpu.enqueue_indirect_dma source(%arg14 : memref<80x128xf32, #tpu.memory_space<vmem>>) target(%dma_start3A_363 : memref<10000x128xf32, #tpu.memory_space<vmem_shared>>) offsets(%arg11 : memref<80xi32, #tpu.memory_space<vmem>>) semaphore(%run_scoped3A : memref<!tpu.dma_semaphore, #tpu.memory_space<semaphore_mem>>) {add = true}
        %dma_wait3A_364 = arith.constant 0 : i32
        %dma_wait3A_365 = arith.constant 0 : i32
        %dma_wait3A_366 = tpu.memref_slice %arg17[%dma_wait3A_364, %dma_wait3A_365] : memref<10000x128xf32, #tpu.memory_space<vmem_shared>> -> memref<10000x128xf32, #tpu.memory_space<vmem_shared>>
        tpu.wait_indirect_dma semaphore(%run_scoped3A : memref<!tpu.dma_semaphore, #tpu.memory_space<semaphore_mem>>) src(%arg14 : memref<80x128xf32, #tpu.memory_space<vmem>>) dst(%dma_wait3A_366 : memref<10000x128xf32, #tpu.memory_space<vmem_shared>>)
        tpu.yield
      }) : () -> ()
      %dma_wait3A_345 = arith.constant 0 : i32
      %dma_wait3A_346 = arith.constant 0 : i32
      %dma_wait3A_347 = arith.constant 0 : i32
      %dma_wait3A_348 = tpu.memref_slice %arg4[%dma_wait3A_345, %dma_wait3A_346, %dma_wait3A_347] : memref<4x10000x128xf32, #tpu.memory_space<hbm>> -> memref<1x10000x128xf32, #tpu.memory_space<hbm>>
      %dma_wait3A_349 = tpu.memref_squeeze %dma_wait3A_348 : memref<1x10000x128xf32, #tpu.memory_space<hbm>> -> memref<10000x128xf32, #tpu.memory_space<hbm>>
      %dma_wait3A_350 = arith.constant 0 : i32
      %dma_wait3A_351 = arith.constant 0 : i32
      %dma_wait3A_352 = tpu.memref_slice %dma_wait3A_349[%dma_wait3A_350, %dma_wait3A_351] : memref<10000x128xf32, #tpu.memory_space<hbm>> -> memref<10000x128xf32, #tpu.memory_space<hbm>>
      tpu.wait_indirect_dma semaphore(%arg19 : memref<!tpu.dma_semaphore, #tpu.memory_space<semaphore_mem>>) src(%dma_wait3A_352 : memref<10000x128xf32, #tpu.memory_space<hbm>>) dst(%arg16 : memref<80x128xf32, #tpu.memory_space<vmem>>)
      "tpu.region"() ({
        %run_scoped3A = tpu.sem_alloc : memref<!tpu.dma_semaphore, #tpu.memory_space<semaphore_mem>>
        %dma_start3A_361 = arith.constant 0 : i32
        %dma_start3A_362 = tpu.memref_slice %arg9[%add3A_313, %dma_start3A_361] : memref<320000x128xf32, #tpu.memory_space<hbm>> -> memref<80x128xf32, #tpu.memory_space<hbm>>
        %dma_start3A_363 = arith.constant 0 : i32
        %dma_start3A_364 = tpu.memref_slice %arg9[%add3A_313, %dma_start3A_363] : memref<320000x128xf32, #tpu.memory_space<hbm>> -> memref<80x128xf32, #tpu.memory_space<hbm>>
        tpu.enqueue_dma source(%dma_start3A_364 : memref<80x128xf32, #tpu.memory_space<hbm>>) target(%arg15 : memref<80x128xf32, #tpu.memory_space<vmem>>) target_semaphore(%run_scoped3A : memref<!tpu.dma_semaphore, #tpu.memory_space<semaphore_mem>>)
        %dma_wait3A_365 = arith.constant 0 : i32
        %dma_wait3A_366 = tpu.memref_slice %arg9[%add3A_313, %dma_wait3A_365] : memref<320000x128xf32, #tpu.memory_space<hbm>> -> memref<80x128xf32, #tpu.memory_space<hbm>>
        %dma_wait3A_367 = arith.constant 0 : i32
        %dma_wait3A_368 = tpu.memref_slice %arg9[%add3A_313, %dma_wait3A_367] : memref<320000x128xf32, #tpu.memory_space<hbm>> -> memref<80x128xf32, #tpu.memory_space<hbm>>
        tpu.wait_dma2 semaphore(%run_scoped3A : memref<!tpu.dma_semaphore, #tpu.memory_space<semaphore_mem>>) src(%dma_wait3A_368 : memref<80x128xf32, #tpu.memory_space<hbm>>) dst(%arg15 : memref<80x128xf32, #tpu.memory_space<vmem>>)
        tpu.yield
      }) : () -> ()
      %scan3A_353 = arith.constant 0 : i32
      %scan3A_354 = arith.constant 0 : i32
      %scan3A_355 = arith.constant 80 : i32
      %scan3A_356 = arith.addi %scan3A_354, %scan3A_355 : i32
      %scan3A_357 = arith.constant 1 : i32
      %scan3A_358 = scf.for %scan3A_361 = %scan3A_354 to %scan3A_356 step %scan3A_357 iter_args(%scan3A_362 = %scan3A_353) -> (i32)  : i32 {
        %get3A = arith.index_cast %scan3A_361 : i32 to index
        %get3A_363 = arith.constant 0 : index
        %get3A_364 = tpu.vector_load %arg15[%get3A, %get3A_363] {strides = array<i32>} : memref<80x128xf32, #tpu.memory_space<vmem>>, vector<1x16xf32>,
        %get3A_365 = vector.shape_cast %get3A_364 : vector<1x16xf32> to vector<16xf32>
        %scan3A_366 = arith.constant 0 : i32
        %scan3A_367 = arith.constant 0 : i32
        %scan3A_368 = arith.constant 8 : i32
        %scan3A_369 = arith.addi %scan3A_367, %scan3A_368 : i32
        %scan3A_370 = arith.constant 1 : i32
        %scan3A_371 = scf.for %scan3A_374 = %scan3A_367 to %scan3A_369 step %scan3A_370 iter_args(%scan3A_375 = %scan3A_366) -> (i32)  : i32 {
          %mul3A_376 = arith.constant 16 : i32
          %mul3A_377 = arith.muli %scan3A_374, %mul3A_376 : i32
          %get3A_378 = arith.index_cast %scan3A_361 : i32 to index
          %get3A_379 = arith.index_cast %mul3A_377 : i32 to index
          %get3A_380 = tpu.vector_load %arg16[%get3A_378, %get3A_379] {strides = array<i32>} : memref<80x128xf32, #tpu.memory_space<vmem>>, vector<1x16xf32>,
          %get3A_381 = vector.shape_cast %get3A_380 : vector<1x16xf32> to vector<16xf32>
          %mul3A_382 = arith.mulf %get3A_381, %get3A_365 : vector<16xf32>
          %swap3A = arith.index_cast %scan3A_361 : i32 to index
          %swap3A_383 = arith.index_cast %mul3A_377 : i32 to index
          %swap3A_384 = tpu.vector_load %arg16[%swap3A, %swap3A_383] {strides = array<i32>} : memref<80x128xf32, #tpu.memory_space<vmem>>, vector<1x16xf32>,
          %swap3A_385 = vector.shape_cast %swap3A_384 : vector<1x16xf32> to vector<16xf32>
          %swap3A_386 = vector.shape_cast %mul3A_382 : vector<16xf32> to vector<1x16xf32>
          tpu.vector_store %arg16[%swap3A, %swap3A_383], %swap3A_386 {strides = array<i32>} : memref<80x128xf32, #tpu.memory_space<vmem>>, vector<1x16xf32>,
          %scan3A_387 = arith.constant 0 : i32
          scf.yield %scan3A_387 : i32
        }
        %scan3A_372 = arith.constant 8 : i32
        %scan3A_373 = arith.constant 0 : i32
        scf.yield %scan3A_373 : i32
      }
      %scan3A_359 = arith.constant 80 : i32
      "tpu.region"() ({
        %run_scoped3A = tpu.sem_alloc : memref<!tpu.dma_semaphore, #tpu.memory_space<semaphore_mem>>
        %dma_start3A_361 = arith.constant 0 : i32
        %dma_start3A_362 = arith.constant 0 : i32
        %dma_start3A_363 = tpu.memref_slice %arg17[%dma_start3A_361, %dma_start3A_362] : memref<10000x128xf32, #tpu.memory_space<vmem_shared>> -> memref<10000x128xf32, #tpu.memory_space<vmem_shared>>
        tpu.enqueue_indirect_dma source(%arg16 : memref<80x128xf32, #tpu.memory_space<vmem>>) target(%dma_start3A_363 : memref<10000x128xf32, #tpu.memory_space<vmem_shared>>) offsets(%arg13 : memref<80xi32, #tpu.memory_space<vmem>>) semaphore(%run_scoped3A : memref<!tpu.dma_semaphore, #tpu.memory_space<semaphore_mem>>) {add = true}
        %dma_wait3A_364 = arith.constant 0 : i32
        %dma_wait3A_365 = arith.constant 0 : i32
        %dma_wait3A_366 = tpu.memref_slice %arg17[%dma_wait3A_364, %dma_wait3A_365] : memref<10000x128xf32, #tpu.memory_space<vmem_shared>> -> memref<10000x128xf32, #tpu.memory_space<vmem_shared>>
        tpu.wait_indirect_dma semaphore(%run_scoped3A : memref<!tpu.dma_semaphore, #tpu.memory_space<semaphore_mem>>) src(%arg16 : memref<80x128xf32, #tpu.memory_space<vmem>>) dst(%dma_wait3A_366 : memref<10000x128xf32, #tpu.memory_space<vmem_shared>>)
        tpu.yield
      }) : () -> ()
      %scan3A_360 = arith.constant 0 : i32
      scf.yield %scan3A_360 : i32
    }
    %scan3A_69 = arith.constant 62 : i32
    %add3A_70 = arith.constant 9920 : i32
    %add3A_71 = arith.addi %mul3A_9, %add3A_70 : i32
    "tpu.region"() ({
      %run_scoped3A = tpu.sem_alloc : memref<!tpu.dma_semaphore, #tpu.memory_space<semaphore_mem>>
      %dma_start3A_305 = tpu.memref_slice %arg2[%add3A_71] : memref<320000xi32, #tpu.memory_space<hbm>> -> memref<80xi32, #tpu.memory_space<hbm>>
      %dma_start3A_306 = tpu.memref_slice %arg2[%add3A_71] : memref<320000xi32, #tpu.memory_space<hbm>> -> memref<80xi32, #tpu.memory_space<hbm>>
      tpu.enqueue_dma source(%dma_start3A_306 : memref<80xi32, #tpu.memory_space<hbm>>) target(%arg10 : memref<80xi32, #tpu.memory_space<vmem>>) target_semaphore(%run_scoped3A : memref<!tpu.dma_semaphore, #tpu.memory_space<semaphore_mem>>)
      %dma_wait3A_307 = tpu.memref_slice %arg2[%add3A_71] : memref<320000xi32, #tpu.memory_space<hbm>> -> memref<80xi32, #tpu.memory_space<hbm>>
      %dma_wait3A_308 = tpu.memref_slice %arg2[%add3A_71] : memref<320000xi32, #tpu.memory_space<hbm>> -> memref<80xi32, #tpu.memory_space<hbm>>
      tpu.wait_dma2 semaphore(%run_scoped3A : memref<!tpu.dma_semaphore, #tpu.memory_space<semaphore_mem>>) src(%dma_wait3A_308 : memref<80xi32, #tpu.memory_space<hbm>>) dst(%arg10 : memref<80xi32, #tpu.memory_space<vmem>>)
      tpu.yield
    }) : () -> ()
    "tpu.region"() ({
      %run_scoped3A = tpu.sem_alloc : memref<!tpu.dma_semaphore, #tpu.memory_space<semaphore_mem>>
      %dma_start3A_305 = tpu.memref_slice %arg3[%add3A_71] : memref<320000xi32, #tpu.memory_space<hbm>> -> memref<80xi32, #tpu.memory_space<hbm>>
      %dma_start3A_306 = tpu.memref_slice %arg3[%add3A_71] : memref<320000xi32, #tpu.memory_space<hbm>> -> memref<80xi32, #tpu.memory_space<hbm>>
      tpu.enqueue_dma source(%dma_start3A_306 : memref<80xi32, #tpu.memory_space<hbm>>) target(%arg11 : memref<80xi32, #tpu.memory_space<vmem>>) target_semaphore(%run_scoped3A : memref<!tpu.dma_semaphore, #tpu.memory_space<semaphore_mem>>)
      %dma_wait3A_307 = tpu.memref_slice %arg3[%add3A_71] : memref<320000xi32, #tpu.memory_space<hbm>> -> memref<80xi32, #tpu.memory_space<hbm>>
      %dma_wait3A_308 = tpu.memref_slice %arg3[%add3A_71] : memref<320000xi32, #tpu.memory_space<hbm>> -> memref<80xi32, #tpu.memory_space<hbm>>
      tpu.wait_dma2 semaphore(%run_scoped3A : memref<!tpu.dma_semaphore, #tpu.memory_space<semaphore_mem>>) src(%dma_wait3A_308 : memref<80xi32, #tpu.memory_space<hbm>>) dst(%arg11 : memref<80xi32, #tpu.memory_space<vmem>>)
      tpu.yield
    }) : () -> ()
    %dma_start3A = arith.constant 0 : i32
    %dma_start3A_72 = arith.constant 0 : i32
    %dma_start3A_73 = arith.constant 0 : i32
    %dma_start3A_74 = tpu.memref_slice %arg4[%dma_start3A, %dma_start3A_72, %dma_start3A_73] : memref<4x10000x128xf32, #tpu.memory_space<hbm>> -> memref<1x10000x128xf32, #tpu.memory_space<hbm>>
    %dma_start3A_75 = tpu.memref_squeeze %dma_start3A_74 : memref<1x10000x128xf32, #tpu.memory_space<hbm>> -> memref<10000x128xf32, #tpu.memory_space<hbm>>
    %dma_start3A_76 = arith.constant 0 : i32
    %dma_start3A_77 = arith.constant 0 : i32
    %dma_start3A_78 = tpu.memref_slice %dma_start3A_75[%dma_start3A_76, %dma_start3A_77] : memref<10000x128xf32, #tpu.memory_space<hbm>> -> memref<10000x128xf32, #tpu.memory_space<hbm>>
    tpu.enqueue_indirect_dma source(%dma_start3A_78 : memref<10000x128xf32, #tpu.memory_space<hbm>>) target(%arg14 : memref<80x128xf32, #tpu.memory_space<vmem>>) offsets(%arg10 : memref<80xi32, #tpu.memory_space<vmem>>) semaphore(%arg18 : memref<!tpu.dma_semaphore, #tpu.memory_space<semaphore_mem>>)
    %dma_wait3A = arith.constant 0 : i32
    %dma_wait3A_79 = arith.constant 0 : i32
    %dma_wait3A_80 = arith.constant 0 : i32
    %dma_wait3A_81 = tpu.memref_slice %arg4[%dma_wait3A, %dma_wait3A_79, %dma_wait3A_80] : memref<4x10000x128xf32, #tpu.memory_space<hbm>> -> memref<1x10000x128xf32, #tpu.memory_space<hbm>>
    %dma_wait3A_82 = tpu.memref_squeeze %dma_wait3A_81 : memref<1x10000x128xf32, #tpu.memory_space<hbm>> -> memref<10000x128xf32, #tpu.memory_space<hbm>>
    %dma_wait3A_83 = arith.constant 0 : i32
    %dma_wait3A_84 = arith.constant 0 : i32
    %dma_wait3A_85 = tpu.memref_slice %dma_wait3A_82[%dma_wait3A_83, %dma_wait3A_84] : memref<10000x128xf32, #tpu.memory_space<hbm>> -> memref<10000x128xf32, #tpu.memory_space<hbm>>
    tpu.wait_indirect_dma semaphore(%arg18 : memref<!tpu.dma_semaphore, #tpu.memory_space<semaphore_mem>>) src(%dma_wait3A_85 : memref<10000x128xf32, #tpu.memory_space<hbm>>) dst(%arg14 : memref<80x128xf32, #tpu.memory_space<vmem>>)
    "tpu.region"() ({
      %run_scoped3A = tpu.sem_alloc : memref<!tpu.dma_semaphore, #tpu.memory_space<semaphore_mem>>
      %dma_start3A_305 = arith.constant 0 : i32
      %dma_start3A_306 = tpu.memref_slice %arg9[%add3A_71, %dma_start3A_305] : memref<320000x128xf32, #tpu.memory_space<hbm>> -> memref<80x128xf32, #tpu.memory_space<hbm>>
      %dma_start3A_307 = arith.constant 0 : i32
      %dma_start3A_308 = tpu.memref_slice %arg9[%add3A_71, %dma_start3A_307] : memref<320000x128xf32, #tpu.memory_space<hbm>> -> memref<80x128xf32, #tpu.memory_space<hbm>>
      tpu.enqueue_dma source(%dma_start3A_308 : memref<80x128xf32, #tpu.memory_space<hbm>>) target(%arg15 : memref<80x128xf32, #tpu.memory_space<vmem>>) target_semaphore(%run_scoped3A : memref<!tpu.dma_semaphore, #tpu.memory_space<semaphore_mem>>)
      %dma_wait3A_309 = arith.constant 0 : i32
      %dma_wait3A_310 = tpu.memref_slice %arg9[%add3A_71, %dma_wait3A_309] : memref<320000x128xf32, #tpu.memory_space<hbm>> -> memref<80x128xf32, #tpu.memory_space<hbm>>
      %dma_wait3A_311 = arith.constant 0 : i32
      %dma_wait3A_312 = tpu.memref_slice %arg9[%add3A_71, %dma_wait3A_311] : memref<320000x128xf32, #tpu.memory_space<hbm>> -> memref<80x128xf32, #tpu.memory_space<hbm>>
      tpu.wait_dma2 semaphore(%run_scoped3A : memref<!tpu.dma_semaphore, #tpu.memory_space<semaphore_mem>>) src(%dma_wait3A_312 : memref<80x128xf32, #tpu.memory_space<hbm>>) dst(%arg15 : memref<80x128xf32, #tpu.memory_space<vmem>>)
      tpu.yield
    }) : () -> ()
    %scan3A_86 = arith.constant 0 : i32
    %scan3A_87 = arith.constant 0 : i32
    %scan3A_88 = arith.constant 80 : i32
    %scan3A_89 = arith.addi %scan3A_87, %scan3A_88 : i32
    %scan3A_90 = arith.constant 1 : i32
    %scan3A_91 = scf.for %scan3A_305 = %scan3A_87 to %scan3A_89 step %scan3A_90 iter_args(%scan3A_306 = %scan3A_86) -> (i32)  : i32 {
      %get3A = arith.index_cast %scan3A_305 : i32 to index
      %get3A_307 = arith.constant 0 : index
      %get3A_308 = tpu.vector_load %arg15[%get3A, %get3A_307] {strides = array<i32>} : memref<80x128xf32, #tpu.memory_space<vmem>>, vector<1x16xf32>,
      %get3A_309 = vector.shape_cast %get3A_308 : vector<1x16xf32> to vector<16xf32>
      %scan3A_310 = arith.constant 0 : i32
      %scan3A_311 = arith.constant 0 : i32
      %scan3A_312 = arith.constant 8 : i32
      %scan3A_313 = arith.addi %scan3A_311, %scan3A_312 : i32
      %scan3A_314 = arith.constant 1 : i32
      %scan3A_315 = scf.for %scan3A_318 = %scan3A_311 to %scan3A_313 step %scan3A_314 iter_args(%scan3A_319 = %scan3A_310) -> (i32)  : i32 {
        %mul3A_320 = arith.constant 16 : i32
        %mul3A_321 = arith.muli %scan3A_318, %mul3A_320 : i32
        %get3A_322 = arith.index_cast %scan3A_305 : i32 to index
        %get3A_323 = arith.index_cast %mul3A_321 : i32 to index
        %get3A_324 = tpu.vector_load %arg14[%get3A_322, %get3A_323] {strides = array<i32>} : memref<80x128xf32, #tpu.memory_space<vmem>>, vector<1x16xf32>,
        %get3A_325 = vector.shape_cast %get3A_324 : vector<1x16xf32> to vector<16xf32>
        %mul3A_326 = arith.mulf %get3A_325, %get3A_309 : vector<16xf32>
        %swap3A = arith.index_cast %scan3A_305 : i32 to index
        %swap3A_327 = arith.index_cast %mul3A_321 : i32 to index
        %swap3A_328 = tpu.vector_load %arg14[%swap3A, %swap3A_327] {strides = array<i32>} : memref<80x128xf32, #tpu.memory_space<vmem>>, vector<1x16xf32>,
        %swap3A_329 = vector.shape_cast %swap3A_328 : vector<1x16xf32> to vector<16xf32>
        %swap3A_330 = vector.shape_cast %mul3A_326 : vector<16xf32> to vector<1x16xf32>
        tpu.vector_store %arg14[%swap3A, %swap3A_327], %swap3A_330 {strides = array<i32>} : memref<80x128xf32, #tpu.memory_space<vmem>>, vector<1x16xf32>,
        %scan3A_331 = arith.constant 0 : i32
        scf.yield %scan3A_331 : i32
      }
      %scan3A_316 = arith.constant 8 : i32
      %scan3A_317 = arith.constant 0 : i32
      scf.yield %scan3A_317 : i32
    }
    %scan3A_92 = arith.constant 80 : i32
    "tpu.region"() ({
      %run_scoped3A = tpu.sem_alloc : memref<!tpu.dma_semaphore, #tpu.memory_space<semaphore_mem>>
      %dma_start3A_305 = arith.constant 0 : i32
      %dma_start3A_306 = arith.constant 0 : i32
      %dma_start3A_307 = tpu.memref_slice %arg17[%dma_start3A_305, %dma_start3A_306] : memref<10000x128xf32, #tpu.memory_space<vmem_shared>> -> memref<10000x128xf32, #tpu.memory_space<vmem_shared>>
      tpu.enqueue_indirect_dma source(%arg14 : memref<80x128xf32, #tpu.memory_space<vmem>>) target(%dma_start3A_307 : memref<10000x128xf32, #tpu.memory_space<vmem_shared>>) offsets(%arg11 : memref<80xi32, #tpu.memory_space<vmem>>) semaphore(%run_scoped3A : memref<!tpu.dma_semaphore, #tpu.memory_space<semaphore_mem>>) {add = true}
      %dma_wait3A_308 = arith.constant 0 : i32
      %dma_wait3A_309 = arith.constant 0 : i32
      %dma_wait3A_310 = tpu.memref_slice %arg17[%dma_wait3A_308, %dma_wait3A_309] : memref<10000x128xf32, #tpu.memory_space<vmem_shared>> -> memref<10000x128xf32, #tpu.memory_space<vmem_shared>>
      tpu.wait_indirect_dma semaphore(%run_scoped3A : memref<!tpu.dma_semaphore, #tpu.memory_space<semaphore_mem>>) src(%arg14 : memref<80x128xf32, #tpu.memory_space<vmem>>) dst(%dma_wait3A_310 : memref<10000x128xf32, #tpu.memory_space<vmem_shared>>)
      tpu.yield
    }) : () -> ()
    %barrier3A_93 = arith.constant 0 : index
    tpu.barrier barrier_id(%barrier3A_93)
    %lt3A_94 = arith.constant 15 : i32
    %lt3A_95 = arith.cmpi slt, %arg1, %lt3A_94 : i32
    %convert_element_type3A_96 = arith.extui %lt3A_95 : i1 to i32
    %cond3A_97 = arith.constant 0 : i32
    %cond3A_98 = arith.constant 0 : i32
    %cond3A_99 = arith.cmpi ne, %convert_element_type3A_96, %cond3A_98 : i32
    scf.if %cond3A_99 {
      "tpu.region"() ({
        %run_scoped3A = tpu.sem_alloc : memref<!tpu.dma_semaphore, #tpu.memory_space<semaphore_mem>>
        %dma_start3A_305 = arith.constant 0 : i32
        %dma_start3A_306 = arith.constant 0 : i32
        %dma_start3A_307 = tpu.memref_slice %arg7[%cond3A_97, %arg0, %dma_start3A_305, %dma_start3A_306] : memref<4x2x10000x128xf32, #tpu.memory_space<hbm>> -> memref<1x1x10000x128xf32, #tpu.memory_space<hbm>>
        %dma_start3A_308 = tpu.memref_squeeze %dma_start3A_307 : memref<1x1x10000x128xf32, #tpu.memory_space<hbm>> -> memref<10000x128xf32, #tpu.memory_space<hbm>>
        %dma_start3A_309 = arith.constant 0 : i32
        %dma_start3A_310 = tpu.memref_slice %dma_start3A_308[%mul3A_3, %dma_start3A_309] : memref<10000x128xf32, #tpu.memory_space<hbm>> -> memref<632x128xf32, #tpu.memory_space<hbm>>
        %dma_start3A_311 = arith.constant 0 : i32
        %dma_start3A_312 = tpu.memref_slice %arg17[%mul3A_3, %dma_start3A_311] : memref<10000x128xf32, #tpu.memory_space<vmem_shared>> -> memref<632x128xf32, #tpu.memory_space<vmem_shared>>
        tpu.enqueue_dma source(%dma_start3A_312 : memref<632x128xf32, #tpu.memory_space<vmem_shared>>) target(%dma_start3A_310 : memref<632x128xf32, #tpu.memory_space<hbm>>) target_semaphore(%run_scoped3A : memref<!tpu.dma_semaphore, #tpu.memory_space<semaphore_mem>>)
        %dma_wait3A_313 = arith.constant 0 : i32
        %dma_wait3A_314 = arith.constant 0 : i32
        %dma_wait3A_315 = tpu.memref_slice %arg7[%cond3A_97, %arg0, %dma_wait3A_313, %dma_wait3A_314] : memref<4x2x10000x128xf32, #tpu.memory_space<hbm>> -> memref<1x1x10000x128xf32, #tpu.memory_space<hbm>>
        %dma_wait3A_316 = tpu.memref_squeeze %dma_wait3A_315 : memref<1x1x10000x128xf32, #tpu.memory_space<hbm>> -> memref<10000x128xf32, #tpu.memory_space<hbm>>
        %dma_wait3A_317 = arith.constant 0 : i32
        %dma_wait3A_318 = tpu.memref_slice %dma_wait3A_316[%mul3A_3, %dma_wait3A_317] : memref<10000x128xf32, #tpu.memory_space<hbm>> -> memref<632x128xf32, #tpu.memory_space<hbm>>
        %dma_wait3A_319 = arith.constant 0 : i32
        %dma_wait3A_320 = tpu.memref_slice %arg17[%mul3A_3, %dma_wait3A_319] : memref<10000x128xf32, #tpu.memory_space<vmem_shared>> -> memref<632x128xf32, #tpu.memory_space<vmem_shared>>
        tpu.wait_dma2 semaphore(%run_scoped3A : memref<!tpu.dma_semaphore, #tpu.memory_space<semaphore_mem>>) src(%dma_wait3A_320 : memref<632x128xf32, #tpu.memory_space<vmem_shared>>) dst(%dma_wait3A_318 : memref<632x128xf32, #tpu.memory_space<hbm>>)
        tpu.yield
      }) : () -> ()
    } else {
    }
    %eq3A_100 = arith.constant 15 : i32
    %eq3A_101 = arith.cmpi eq, %arg1, %eq3A_100 : i32
    %convert_element_type3A_102 = arith.extui %eq3A_101 : i1 to i32
    %cond3A_103 = arith.constant 0 : i32
    %cond3A_104 = arith.constant 0 : i32
    %cond3A_105 = arith.cmpi ne, %convert_element_type3A_102, %cond3A_104 : i32
    scf.if %cond3A_105 {
      "tpu.region"() ({
        %run_scoped3A = tpu.sem_alloc : memref<!tpu.dma_semaphore, #tpu.memory_space<semaphore_mem>>
        %dma_start3A_305 = arith.constant 0 : i32
        %dma_start3A_306 = arith.constant 0 : i32
        %dma_start3A_307 = tpu.memref_slice %arg7[%cond3A_103, %arg0, %dma_start3A_305, %dma_start3A_306] : memref<4x2x10000x128xf32, #tpu.memory_space<hbm>> -> memref<1x1x10000x128xf32, #tpu.memory_space<hbm>>
        %dma_start3A_308 = tpu.memref_squeeze %dma_start3A_307 : memref<1x1x10000x128xf32, #tpu.memory_space<hbm>> -> memref<10000x128xf32, #tpu.memory_space<hbm>>
        %dma_start3A_309 = arith.constant 9480 : i32
        %dma_start3A_310 = arith.constant 0 : i32
        %dma_start3A_311 = tpu.memref_slice %dma_start3A_308[%dma_start3A_309, %dma_start3A_310] : memref<10000x128xf32, #tpu.memory_space<hbm>> -> memref<520x128xf32, #tpu.memory_space<hbm>>
        %dma_start3A_312 = arith.constant 9480 : i32
        %dma_start3A_313 = arith.constant 0 : i32
        %dma_start3A_314 = tpu.memref_slice %arg17[%dma_start3A_312, %dma_start3A_313] : memref<10000x128xf32, #tpu.memory_space<vmem_shared>> -> memref<520x128xf32, #tpu.memory_space<vmem_shared>>
        tpu.enqueue_dma source(%dma_start3A_314 : memref<520x128xf32, #tpu.memory_space<vmem_shared>>) target(%dma_start3A_311 : memref<520x128xf32, #tpu.memory_space<hbm>>) target_semaphore(%run_scoped3A : memref<!tpu.dma_semaphore, #tpu.memory_space<semaphore_mem>>)
        %dma_wait3A_315 = arith.constant 0 : i32
        %dma_wait3A_316 = arith.constant 0 : i32
        %dma_wait3A_317 = tpu.memref_slice %arg7[%cond3A_103, %arg0, %dma_wait3A_315, %dma_wait3A_316] : memref<4x2x10000x128xf32, #tpu.memory_space<hbm>> -> memref<1x1x10000x128xf32, #tpu.memory_space<hbm>>
        %dma_wait3A_318 = tpu.memref_squeeze %dma_wait3A_317 : memref<1x1x10000x128xf32, #tpu.memory_space<hbm>> -> memref<10000x128xf32, #tpu.memory_space<hbm>>
        %dma_wait3A_319 = arith.constant 9480 : i32
        %dma_wait3A_320 = arith.constant 0 : i32
        %dma_wait3A_321 = tpu.memref_slice %dma_wait3A_318[%dma_wait3A_319, %dma_wait3A_320] : memref<10000x128xf32, #tpu.memory_space<hbm>> -> memref<520x128xf32, #tpu.memory_space<hbm>>
        %dma_wait3A_322 = arith.constant 9480 : i32
        %dma_wait3A_323 = arith.constant 0 : i32
        %dma_wait3A_324 = tpu.memref_slice %arg17[%dma_wait3A_322, %dma_wait3A_323] : memref<10000x128xf32, #tpu.memory_space<vmem_shared>> -> memref<520x128xf32, #tpu.memory_space<vmem_shared>>
        tpu.wait_dma2 semaphore(%run_scoped3A : memref<!tpu.dma_semaphore, #tpu.memory_space<semaphore_mem>>) src(%dma_wait3A_324 : memref<520x128xf32, #tpu.memory_space<vmem_shared>>) dst(%dma_wait3A_321 : memref<520x128xf32, #tpu.memory_space<hbm>>)
        tpu.yield
      }) : () -> ()
    } else {
    }
    %barrier3A_106 = arith.constant 0 : index
    tpu.barrier barrier_id(%barrier3A_106)
    %scan3A_107 = arith.constant 0 : i32
    %scan3A_108 = arith.constant 0 : i32
    %scan3A_109 = arith.constant 8 : i32
    %scan3A_110 = arith.addi %scan3A_108, %scan3A_109 : i32
    %scan3A_111 = arith.constant 1 : i32
    %scan3A_112 = scf.for %scan3A_305 = %scan3A_108 to %scan3A_110 step %scan3A_111 iter_args(%scan3A_306 = %scan3A_107) -> (i32)  : i32 {
      %scan3A_307 = arith.constant 0 : i32
      %scan3A_308 = arith.constant 0 : i32
      %scan3A_309 = arith.constant 8 : i32
      %scan3A_310 = arith.addi %scan3A_308, %scan3A_309 : i32
      %scan3A_311 = arith.constant 1 : i32
      %scan3A_312 = scf.for %scan3A_314 = %scan3A_308 to %scan3A_310 step %scan3A_311 iter_args(%scan3A_315 = %scan3A_307) -> (i32)  : i32 {
        %mul3A_316 = arith.constant 16 : i32
        %mul3A_317 = arith.muli %scan3A_314, %mul3A_316 : i32
        %swap3A = arith.index_cast %scan3A_305 : i32 to index
        %swap3A_318 = arith.index_cast %mul3A_317 : i32 to index
        %swap3A_319 = tpu.vector_load %arg14[%swap3A, %swap3A_318] {strides = array<i32>} : memref<80x128xf32, #tpu.memory_space<vmem>>, vector<1x16xf32>,
        %swap3A_320 = vector.shape_cast %swap3A_319 : vector<1x16xf32> to vector<16xf32>
        %swap3A_321 = vector.shape_cast %broadcast_in_dim3A_0 : vector<16xf32> to vector<1x16xf32>
        tpu.vector_store %arg14[%swap3A, %swap3A_318], %swap3A_321 {strides = array<i32>} : memref<80x128xf32, #tpu.memory_space<vmem>>, vector<1x16xf32>,
        %scan3A_322 = arith.constant 0 : i32
        scf.yield %scan3A_322 : i32
      }
      %scan3A_313 = arith.constant 8 : i32
      scf.yield %scan3A_312 : i32
    }
    %scan3A_113 = arith.constant 8 : i32
    %while3A_114 = arith.constant 0 : i32
    %while3A_115 = arith.constant 0 : i32
    %while3A_116 = arith.subi %select_n3A, %while3A_114 : i32
    %while3A_117 = arith.addi %while3A_114, %while3A_116 : i32
    %while3A_118 = arith.constant 1 : i32
    %while3A_119 = arith.divsi %while3A_116, %while3A_118 : i32
    %while3A_120 = arith.muli %while3A_119, %while3A_118 : i32
    %while3A_121 = arith.addi %while3A_114, %while3A_120 : i32
    %while3A_122 = arith.constant 1 : i32
    %while3A_123 = scf.for %while3A_305 = %while3A_114 to %while3A_121 step %while3A_122 iter_args(%while3A_306 = %while3A_115) -> (i32)  : i32 {
      %mul3A_307 = arith.constant 8 : i32
      %mul3A_308 = arith.muli %while3A_305, %mul3A_307 : i32
      %add3A_309 = arith.addi %mul3A_3, %mul3A_308 : i32
      "tpu.region"() ({
        %run_scoped3A = tpu.sem_alloc : memref<!tpu.dma_semaphore, #tpu.memory_space<semaphore_mem>>
        %dma_start3A_311 = arith.constant 0 : i32
        %dma_start3A_312 = arith.constant 0 : i32
        %dma_start3A_313 = tpu.memref_slice %arg14[%dma_start3A_311, %dma_start3A_312] : memref<80x128xf32, #tpu.memory_space<vmem>> -> memref<8x128xf32, #tpu.memory_space<vmem>>
        %dma_start3A_314 = arith.constant 0 : i32
        %dma_start3A_315 = tpu.memref_slice %arg17[%add3A_309, %dma_start3A_314] : memref<10000x128xf32, #tpu.memory_space<vmem_shared>> -> memref<8x128xf32, #tpu.memory_space<vmem_shared>>
        %dma_start3A_316 = arith.constant 0 : i32
        %dma_start3A_317 = tpu.memref_slice %arg17[%add3A_309, %dma_start3A_316] : memref<10000x128xf32, #tpu.memory_space<vmem_shared>> -> memref<8x128xf32, #tpu.memory_space<vmem_shared>>
        %dma_start3A_318 = arith.constant 0 : i32
        %dma_start3A_319 = arith.constant 0 : i32
        %dma_start3A_320 = tpu.memref_slice %arg14[%dma_start3A_318, %dma_start3A_319] : memref<80x128xf32, #tpu.memory_space<vmem>> -> memref<8x128xf32, #tpu.memory_space<vmem>>
        tpu.enqueue_dma source(%dma_start3A_320 : memref<8x128xf32, #tpu.memory_space<vmem>>) target(%dma_start3A_317 : memref<8x128xf32, #tpu.memory_space<vmem_shared>>) target_semaphore(%run_scoped3A : memref<!tpu.dma_semaphore, #tpu.memory_space<semaphore_mem>>)
        %dma_wait3A_321 = arith.constant 0 : i32
        %dma_wait3A_322 = arith.constant 0 : i32
        %dma_wait3A_323 = tpu.memref_slice %arg14[%dma_wait3A_321, %dma_wait3A_322] : memref<80x128xf32, #tpu.memory_space<vmem>> -> memref<8x128xf32, #tpu.memory_space<vmem>>
        %dma_wait3A_324 = arith.constant 0 : i32
        %dma_wait3A_325 = tpu.memref_slice %arg17[%add3A_309, %dma_wait3A_324] : memref<10000x128xf32, #tpu.memory_space<vmem_shared>> -> memref<8x128xf32, #tpu.memory_space<vmem_shared>>
        %dma_wait3A_326 = arith.constant 0 : i32
        %dma_wait3A_327 = tpu.memref_slice %arg17[%add3A_309, %dma_wait3A_326] : memref<10000x128xf32, #tpu.memory_space<vmem_shared>> -> memref<8x128xf32, #tpu.memory_space<vmem_shared>>
        %dma_wait3A_328 = arith.constant 0 : i32
        %dma_wait3A_329 = arith.constant 0 : i32
        %dma_wait3A_330 = tpu.memref_slice %arg14[%dma_wait3A_328, %dma_wait3A_329] : memref<80x128xf32, #tpu.memory_space<vmem>> -> memref<8x128xf32, #tpu.memory_space<vmem>>
        tpu.wait_dma2 semaphore(%run_scoped3A : memref<!tpu.dma_semaphore, #tpu.memory_space<semaphore_mem>>) src(%dma_wait3A_330 : memref<8x128xf32, #tpu.memory_space<vmem>>) dst(%dma_wait3A_327 : memref<8x128xf32, #tpu.memory_space<vmem_shared>>)
        tpu.yield
      }) : () -> ()
      %while3A_310 = arith.constant 0 : i32
      scf.yield %while3A_310 : i32
    }
    %while3A_124 = arith.constant 1 : i32
    %while3A_125 = scf.for %while3A_305 = %while3A_121 to %while3A_117 step %while3A_124 iter_args(%while3A_306 = %while3A_123) -> (i32)  : i32 {
      %mul3A_307 = arith.constant 8 : i32
      %mul3A_308 = arith.muli %while3A_305, %mul3A_307 : i32
      %add3A_309 = arith.addi %mul3A_3, %mul3A_308 : i32
      "tpu.region"() ({
        %run_scoped3A = tpu.sem_alloc : memref<!tpu.dma_semaphore, #tpu.memory_space<semaphore_mem>>
        %dma_start3A_311 = arith.constant 0 : i32
        %dma_start3A_312 = arith.constant 0 : i32
        %dma_start3A_313 = tpu.memref_slice %arg14[%dma_start3A_311, %dma_start3A_312] : memref<80x128xf32, #tpu.memory_space<vmem>> -> memref<8x128xf32, #tpu.memory_space<vmem>>
        %dma_start3A_314 = arith.constant 0 : i32
        %dma_start3A_315 = tpu.memref_slice %arg17[%add3A_309, %dma_start3A_314] : memref<10000x128xf32, #tpu.memory_space<vmem_shared>> -> memref<8x128xf32, #tpu.memory_space<vmem_shared>>
        %dma_start3A_316 = arith.constant 0 : i32
        %dma_start3A_317 = tpu.memref_slice %arg17[%add3A_309, %dma_start3A_316] : memref<10000x128xf32, #tpu.memory_space<vmem_shared>> -> memref<8x128xf32, #tpu.memory_space<vmem_shared>>
        %dma_start3A_318 = arith.constant 0 : i32
        %dma_start3A_319 = arith.constant 0 : i32
        %dma_start3A_320 = tpu.memref_slice %arg14[%dma_start3A_318, %dma_start3A_319] : memref<80x128xf32, #tpu.memory_space<vmem>> -> memref<8x128xf32, #tpu.memory_space<vmem>>
        tpu.enqueue_dma source(%dma_start3A_320 : memref<8x128xf32, #tpu.memory_space<vmem>>) target(%dma_start3A_317 : memref<8x128xf32, #tpu.memory_space<vmem_shared>>) target_semaphore(%run_scoped3A : memref<!tpu.dma_semaphore, #tpu.memory_space<semaphore_mem>>)
        %dma_wait3A_321 = arith.constant 0 : i32
        %dma_wait3A_322 = arith.constant 0 : i32
        %dma_wait3A_323 = tpu.memref_slice %arg14[%dma_wait3A_321, %dma_wait3A_322] : memref<80x128xf32, #tpu.memory_space<vmem>> -> memref<8x128xf32, #tpu.memory_space<vmem>>
        %dma_wait3A_324 = arith.constant 0 : i32
        %dma_wait3A_325 = tpu.memref_slice %arg17[%add3A_309, %dma_wait3A_324] : memref<10000x128xf32, #tpu.memory_space<vmem_shared>> -> memref<8x128xf32, #tpu.memory_space<vmem_shared>>
        %dma_wait3A_326 = arith.constant 0 : i32
        %dma_wait3A_327 = tpu.memref_slice %arg17[%add3A_309, %dma_wait3A_326] : memref<10000x128xf32, #tpu.memory_space<vmem_shared>> -> memref<8x128xf32, #tpu.memory_space<vmem_shared>>
        %dma_wait3A_328 = arith.constant 0 : i32
        %dma_wait3A_329 = arith.constant 0 : i32
        %dma_wait3A_330 = tpu.memref_slice %arg14[%dma_wait3A_328, %dma_wait3A_329] : memref<80x128xf32, #tpu.memory_space<vmem>> -> memref<8x128xf32, #tpu.memory_space<vmem>>
        tpu.wait_dma2 semaphore(%run_scoped3A : memref<!tpu.dma_semaphore, #tpu.memory_space<semaphore_mem>>) src(%dma_wait3A_330 : memref<8x128xf32, #tpu.memory_space<vmem>>) dst(%dma_wait3A_327 : memref<8x128xf32, #tpu.memory_space<vmem_shared>>)
        tpu.yield
      }) : () -> ()
      %while3A_310 = arith.constant 0 : i32
      scf.yield %while3A_310 : i32
    }
    %barrier3A_126 = arith.constant 0 : index
    tpu.barrier barrier_id(%barrier3A_126)
    %scan3A_127 = arith.constant 0 : i32
    %scan3A_128 = arith.constant 0 : i32
    %scan3A_129 = arith.constant 62 : i32
    %scan3A_130 = arith.addi %scan3A_128, %scan3A_129 : i32
    %scan3A_131 = arith.constant 1 : i32
    %scan3A_132 = scf.for %scan3A_305 = %scan3A_128 to %scan3A_130 step %scan3A_131 iter_args(%scan3A_306 = %scan3A_127) -> (i32)  : i32 {
      %mul3A_307 = arith.constant 2 : i32
      %mul3A_308 = arith.muli %mul3A_307, %scan3A_305 : i32
      %mul3A_309 = arith.constant 80 : i32
      %mul3A_310 = arith.muli %mul3A_308, %mul3A_309 : i32
      %add3A_311 = arith.addi %mul3A_9, %mul3A_310 : i32
      %add3A_312 = arith.constant 80 : i32
      %add3A_313 = arith.addi %add3A_311, %add3A_312 : i32
      "tpu.region"() ({
        %run_scoped3A = tpu.sem_alloc : memref<!tpu.dma_semaphore, #tpu.memory_space<semaphore_mem>>
        %dma_start3A_361 = tpu.memref_slice %arg2[%add3A_311] : memref<320000xi32, #tpu.memory_space<hbm>> -> memref<80xi32, #tpu.memory_space<hbm>>
        %dma_start3A_362 = tpu.memref_slice %arg2[%add3A_311] : memref<320000xi32, #tpu.memory_space<hbm>> -> memref<80xi32, #tpu.memory_space<hbm>>
        tpu.enqueue_dma source(%dma_start3A_362 : memref<80xi32, #tpu.memory_space<hbm>>) target(%arg10 : memref<80xi32, #tpu.memory_space<vmem>>) target_semaphore(%run_scoped3A : memref<!tpu.dma_semaphore, #tpu.memory_space<semaphore_mem>>)
        %dma_wait3A_363 = tpu.memref_slice %arg2[%add3A_311] : memref<320000xi32, #tpu.memory_space<hbm>> -> memref<80xi32, #tpu.memory_space<hbm>>
        %dma_wait3A_364 = tpu.memref_slice %arg2[%add3A_311] : memref<320000xi32, #tpu.memory_space<hbm>> -> memref<80xi32, #tpu.memory_space<hbm>>
        tpu.wait_dma2 semaphore(%run_scoped3A : memref<!tpu.dma_semaphore, #tpu.memory_space<semaphore_mem>>) src(%dma_wait3A_364 : memref<80xi32, #tpu.memory_space<hbm>>) dst(%arg10 : memref<80xi32, #tpu.memory_space<vmem>>)
        tpu.yield
      }) : () -> ()
      "tpu.region"() ({
        %run_scoped3A = tpu.sem_alloc : memref<!tpu.dma_semaphore, #tpu.memory_space<semaphore_mem>>
        %dma_start3A_361 = tpu.memref_slice %arg3[%add3A_311] : memref<320000xi32, #tpu.memory_space<hbm>> -> memref<80xi32, #tpu.memory_space<hbm>>
        %dma_start3A_362 = tpu.memref_slice %arg3[%add3A_311] : memref<320000xi32, #tpu.memory_space<hbm>> -> memref<80xi32, #tpu.memory_space<hbm>>
        tpu.enqueue_dma source(%dma_start3A_362 : memref<80xi32, #tpu.memory_space<hbm>>) target(%arg11 : memref<80xi32, #tpu.memory_space<vmem>>) target_semaphore(%run_scoped3A : memref<!tpu.dma_semaphore, #tpu.memory_space<semaphore_mem>>)
        %dma_wait3A_363 = tpu.memref_slice %arg3[%add3A_311] : memref<320000xi32, #tpu.memory_space<hbm>> -> memref<80xi32, #tpu.memory_space<hbm>>
        %dma_wait3A_364 = tpu.memref_slice %arg3[%add3A_311] : memref<320000xi32, #tpu.memory_space<hbm>> -> memref<80xi32, #tpu.memory_space<hbm>>
        tpu.wait_dma2 semaphore(%run_scoped3A : memref<!tpu.dma_semaphore, #tpu.memory_space<semaphore_mem>>) src(%dma_wait3A_364 : memref<80xi32, #tpu.memory_space<hbm>>) dst(%arg11 : memref<80xi32, #tpu.memory_space<vmem>>)
        tpu.yield
      }) : () -> ()
      "tpu.region"() ({
        %run_scoped3A = tpu.sem_alloc : memref<!tpu.dma_semaphore, #tpu.memory_space<semaphore_mem>>
        %dma_start3A_361 = tpu.memref_slice %arg2[%add3A_313] : memref<320000xi32, #tpu.memory_space<hbm>> -> memref<80xi32, #tpu.memory_space<hbm>>
        %dma_start3A_362 = tpu.memref_slice %arg2[%add3A_313] : memref<320000xi32, #tpu.memory_space<hbm>> -> memref<80xi32, #tpu.memory_space<hbm>>
        tpu.enqueue_dma source(%dma_start3A_362 : memref<80xi32, #tpu.memory_space<hbm>>) target(%arg12 : memref<80xi32, #tpu.memory_space<vmem>>) target_semaphore(%run_scoped3A : memref<!tpu.dma_semaphore, #tpu.memory_space<semaphore_mem>>)
        %dma_wait3A_363 = tpu.memref_slice %arg2[%add3A_313] : memref<320000xi32, #tpu.memory_space<hbm>> -> memref<80xi32, #tpu.memory_space<hbm>>
        %dma_wait3A_364 = tpu.memref_slice %arg2[%add3A_313] : memref<320000xi32, #tpu.memory_space<hbm>> -> memref<80xi32, #tpu.memory_space<hbm>>
        tpu.wait_dma2 semaphore(%run_scoped3A : memref<!tpu.dma_semaphore, #tpu.memory_space<semaphore_mem>>) src(%dma_wait3A_364 : memref<80xi32, #tpu.memory_space<hbm>>) dst(%arg12 : memref<80xi32, #tpu.memory_space<vmem>>)
        tpu.yield
      }) : () -> ()
      "tpu.region"() ({
        %run_scoped3A = tpu.sem_alloc : memref<!tpu.dma_semaphore, #tpu.memory_space<semaphore_mem>>
        %dma_start3A_361 = tpu.memref_slice %arg3[%add3A_313] : memref<320000xi32, #tpu.memory_space<hbm>> -> memref<80xi32, #tpu.memory_space<hbm>>
        %dma_start3A_362 = tpu.memref_slice %arg3[%add3A_313] : memref<320000xi32, #tpu.memory_space<hbm>> -> memref<80xi32, #tpu.memory_space<hbm>>
        tpu.enqueue_dma source(%dma_start3A_362 : memref<80xi32, #tpu.memory_space<hbm>>) target(%arg13 : memref<80xi32, #tpu.memory_space<vmem>>) target_semaphore(%run_scoped3A : memref<!tpu.dma_semaphore, #tpu.memory_space<semaphore_mem>>)
        %dma_wait3A_363 = tpu.memref_slice %arg3[%add3A_313] : memref<320000xi32, #tpu.memory_space<hbm>> -> memref<80xi32, #tpu.memory_space<hbm>>
        %dma_wait3A_364 = tpu.memref_slice %arg3[%add3A_313] : memref<320000xi32, #tpu.memory_space<hbm>> -> memref<80xi32, #tpu.memory_space<hbm>>
        tpu.wait_dma2 semaphore(%run_scoped3A : memref<!tpu.dma_semaphore, #tpu.memory_space<semaphore_mem>>) src(%dma_wait3A_364 : memref<80xi32, #tpu.memory_space<hbm>>) dst(%arg13 : memref<80xi32, #tpu.memory_space<vmem>>)
        tpu.yield
      }) : () -> ()
      %dma_start3A_314 = arith.constant 1 : i32
      %dma_start3A_315 = arith.constant 0 : i32
      %dma_start3A_316 = arith.constant 0 : i32
      %dma_start3A_317 = tpu.memref_slice %arg4[%dma_start3A_314, %dma_start3A_315, %dma_start3A_316] : memref<4x10000x128xf32, #tpu.memory_space<hbm>> -> memref<1x10000x128xf32, #tpu.memory_space<hbm>>
      %dma_start3A_318 = tpu.memref_squeeze %dma_start3A_317 : memref<1x10000x128xf32, #tpu.memory_space<hbm>> -> memref<10000x128xf32, #tpu.memory_space<hbm>>
      %dma_start3A_319 = arith.constant 0 : i32
      %dma_start3A_320 = arith.constant 0 : i32
      %dma_start3A_321 = tpu.memref_slice %dma_start3A_318[%dma_start3A_319, %dma_start3A_320] : memref<10000x128xf32, #tpu.memory_space<hbm>> -> memref<10000x128xf32, #tpu.memory_space<hbm>>
      tpu.enqueue_indirect_dma source(%dma_start3A_321 : memref<10000x128xf32, #tpu.memory_space<hbm>>) target(%arg14 : memref<80x128xf32, #tpu.memory_space<vmem>>) offsets(%arg10 : memref<80xi32, #tpu.memory_space<vmem>>) semaphore(%arg18 : memref<!tpu.dma_semaphore, #tpu.memory_space<semaphore_mem>>)
      %dma_start3A_322 = arith.constant 1 : i32
      %dma_start3A_323 = arith.constant 0 : i32
      %dma_start3A_324 = arith.constant 0 : i32
      %dma_start3A_325 = tpu.memref_slice %arg4[%dma_start3A_322, %dma_start3A_323, %dma_start3A_324] : memref<4x10000x128xf32, #tpu.memory_space<hbm>> -> memref<1x10000x128xf32, #tpu.memory_space<hbm>>
      %dma_start3A_326 = tpu.memref_squeeze %dma_start3A_325 : memref<1x10000x128xf32, #tpu.memory_space<hbm>> -> memref<10000x128xf32, #tpu.memory_space<hbm>>
      %dma_start3A_327 = arith.constant 0 : i32
      %dma_start3A_328 = arith.constant 0 : i32
      %dma_start3A_329 = tpu.memref_slice %dma_start3A_326[%dma_start3A_327, %dma_start3A_328] : memref<10000x128xf32, #tpu.memory_space<hbm>> -> memref<10000x128xf32, #tpu.memory_space<hbm>>
      tpu.enqueue_indirect_dma source(%dma_start3A_329 : memref<10000x128xf32, #tpu.memory_space<hbm>>) target(%arg16 : memref<80x128xf32, #tpu.memory_space<vmem>>) offsets(%arg12 : memref<80xi32, #tpu.memory_space<vmem>>) semaphore(%arg19 : memref<!tpu.dma_semaphore, #tpu.memory_space<semaphore_mem>>)
      %dma_wait3A_330 = arith.constant 1 : i32
      %dma_wait3A_331 = arith.constant 0 : i32
      %dma_wait3A_332 = arith.constant 0 : i32
      %dma_wait3A_333 = tpu.memref_slice %arg4[%dma_wait3A_330, %dma_wait3A_331, %dma_wait3A_332] : memref<4x10000x128xf32, #tpu.memory_space<hbm>> -> memref<1x10000x128xf32, #tpu.memory_space<hbm>>
      %dma_wait3A_334 = tpu.memref_squeeze %dma_wait3A_333 : memref<1x10000x128xf32, #tpu.memory_space<hbm>> -> memref<10000x128xf32, #tpu.memory_space<hbm>>
      %dma_wait3A_335 = arith.constant 0 : i32
      %dma_wait3A_336 = arith.constant 0 : i32
      %dma_wait3A_337 = tpu.memref_slice %dma_wait3A_334[%dma_wait3A_335, %dma_wait3A_336] : memref<10000x128xf32, #tpu.memory_space<hbm>> -> memref<10000x128xf32, #tpu.memory_space<hbm>>
      tpu.wait_indirect_dma semaphore(%arg18 : memref<!tpu.dma_semaphore, #tpu.memory_space<semaphore_mem>>) src(%dma_wait3A_337 : memref<10000x128xf32, #tpu.memory_space<hbm>>) dst(%arg14 : memref<80x128xf32, #tpu.memory_space<vmem>>)
      "tpu.region"() ({
        %run_scoped3A = tpu.sem_alloc : memref<!tpu.dma_semaphore, #tpu.memory_space<semaphore_mem>>
        %dma_start3A_361 = arith.constant 0 : i32
        %dma_start3A_362 = tpu.memref_slice %arg9[%add3A_311, %dma_start3A_361] : memref<320000x128xf32, #tpu.memory_space<hbm>> -> memref<80x128xf32, #tpu.memory_space<hbm>>
        %dma_start3A_363 = arith.constant 0 : i32
        %dma_start3A_364 = tpu.memref_slice %arg9[%add3A_311, %dma_start3A_363] : memref<320000x128xf32, #tpu.memory_space<hbm>> -> memref<80x128xf32, #tpu.memory_space<hbm>>
        tpu.enqueue_dma source(%dma_start3A_364 : memref<80x128xf32, #tpu.memory_space<hbm>>) target(%arg15 : memref<80x128xf32, #tpu.memory_space<vmem>>) target_semaphore(%run_scoped3A : memref<!tpu.dma_semaphore, #tpu.memory_space<semaphore_mem>>)
        %dma_wait3A_365 = arith.constant 0 : i32
        %dma_wait3A_366 = tpu.memref_slice %arg9[%add3A_311, %dma_wait3A_365] : memref<320000x128xf32, #tpu.memory_space<hbm>> -> memref<80x128xf32, #tpu.memory_space<hbm>>
        %dma_wait3A_367 = arith.constant 0 : i32
        %dma_wait3A_368 = tpu.memref_slice %arg9[%add3A_311, %dma_wait3A_367] : memref<320000x128xf32, #tpu.memory_space<hbm>> -> memref<80x128xf32, #tpu.memory_space<hbm>>
        tpu.wait_dma2 semaphore(%run_scoped3A : memref<!tpu.dma_semaphore, #tpu.memory_space<semaphore_mem>>) src(%dma_wait3A_368 : memref<80x128xf32, #tpu.memory_space<hbm>>) dst(%arg15 : memref<80x128xf32, #tpu.memory_space<vmem>>)
        tpu.yield
      }) : () -> ()
      %scan3A_338 = arith.constant 0 : i32
      %scan3A_339 = arith.constant 0 : i32
      %scan3A_340 = arith.constant 80 : i32
      %scan3A_341 = arith.addi %scan3A_339, %scan3A_340 : i32
      %scan3A_342 = arith.constant 1 : i32
      %scan3A_343 = scf.for %scan3A_361 = %scan3A_339 to %scan3A_341 step %scan3A_342 iter_args(%scan3A_362 = %scan3A_338) -> (i32)  : i32 {
        %get3A = arith.index_cast %scan3A_361 : i32 to index
        %get3A_363 = arith.constant 32 : index
        %get3A_364 = tpu.vector_load %arg15[%get3A, %get3A_363] {strides = array<i32>} : memref<80x128xf32, #tpu.memory_space<vmem>>, vector<1x16xf32>,
        %get3A_365 = vector.shape_cast %get3A_364 : vector<1x16xf32> to vector<16xf32>
        %scan3A_366 = arith.constant 0 : i32
        %scan3A_367 = arith.constant 0 : i32
        %scan3A_368 = arith.constant 8 : i32
        %scan3A_369 = arith.addi %scan3A_367, %scan3A_368 : i32
        %scan3A_370 = arith.constant 1 : i32
        %scan3A_371 = scf.for %scan3A_374 = %scan3A_367 to %scan3A_369 step %scan3A_370 iter_args(%scan3A_375 = %scan3A_366) -> (i32)  : i32 {
          %mul3A_376 = arith.constant 16 : i32
          %mul3A_377 = arith.muli %scan3A_374, %mul3A_376 : i32
          %get3A_378 = arith.index_cast %scan3A_361 : i32 to index
          %get3A_379 = arith.index_cast %mul3A_377 : i32 to index
          %get3A_380 = tpu.vector_load %arg14[%get3A_378, %get3A_379] {strides = array<i32>} : memref<80x128xf32, #tpu.memory_space<vmem>>, vector<1x16xf32>,
          %get3A_381 = vector.shape_cast %get3A_380 : vector<1x16xf32> to vector<16xf32>
          %mul3A_382 = arith.mulf %get3A_381, %get3A_365 : vector<16xf32>
          %swap3A = arith.index_cast %scan3A_361 : i32 to index
          %swap3A_383 = arith.index_cast %mul3A_377 : i32 to index
          %swap3A_384 = tpu.vector_load %arg14[%swap3A, %swap3A_383] {strides = array<i32>} : memref<80x128xf32, #tpu.memory_space<vmem>>, vector<1x16xf32>,
          %swap3A_385 = vector.shape_cast %swap3A_384 : vector<1x16xf32> to vector<16xf32>
          %swap3A_386 = vector.shape_cast %mul3A_382 : vector<16xf32> to vector<1x16xf32>
          tpu.vector_store %arg14[%swap3A, %swap3A_383], %swap3A_386 {strides = array<i32>} : memref<80x128xf32, #tpu.memory_space<vmem>>, vector<1x16xf32>,
          %scan3A_387 = arith.constant 0 : i32
          scf.yield %scan3A_387 : i32
        }
        %scan3A_372 = arith.constant 8 : i32
        %scan3A_373 = arith.constant 0 : i32
        scf.yield %scan3A_373 : i32
      }
      %scan3A_344 = arith.constant 80 : i32
      "tpu.region"() ({
        %run_scoped3A = tpu.sem_alloc : memref<!tpu.dma_semaphore, #tpu.memory_space<semaphore_mem>>
        %dma_start3A_361 = arith.constant 0 : i32
        %dma_start3A_362 = arith.constant 0 : i32
        %dma_start3A_363 = tpu.memref_slice %arg17[%dma_start3A_361, %dma_start3A_362] : memref<10000x128xf32, #tpu.memory_space<vmem_shared>> -> memref<10000x128xf32, #tpu.memory_space<vmem_shared>>
        tpu.enqueue_indirect_dma source(%arg14 : memref<80x128xf32, #tpu.memory_space<vmem>>) target(%dma_start3A_363 : memref<10000x128xf32, #tpu.memory_space<vmem_shared>>) offsets(%arg11 : memref<80xi32, #tpu.memory_space<vmem>>) semaphore(%run_scoped3A : memref<!tpu.dma_semaphore, #tpu.memory_space<semaphore_mem>>) {add = true}
        %dma_wait3A_364 = arith.constant 0 : i32
        %dma_wait3A_365 = arith.constant 0 : i32
        %dma_wait3A_366 = tpu.memref_slice %arg17[%dma_wait3A_364, %dma_wait3A_365] : memref<10000x128xf32, #tpu.memory_space<vmem_shared>> -> memref<10000x128xf32, #tpu.memory_space<vmem_shared>>
        tpu.wait_indirect_dma semaphore(%run_scoped3A : memref<!tpu.dma_semaphore, #tpu.memory_space<semaphore_mem>>) src(%arg14 : memref<80x128xf32, #tpu.memory_space<vmem>>) dst(%dma_wait3A_366 : memref<10000x128xf32, #tpu.memory_space<vmem_shared>>)
        tpu.yield
      }) : () -> ()
      %dma_wait3A_345 = arith.constant 1 : i32
      %dma_wait3A_346 = arith.constant 0 : i32
      %dma_wait3A_347 = arith.constant 0 : i32
      %dma_wait3A_348 = tpu.memref_slice %arg4[%dma_wait3A_345, %dma_wait3A_346, %dma_wait3A_347] : memref<4x10000x128xf32, #tpu.memory_space<hbm>> -> memref<1x10000x128xf32, #tpu.memory_space<hbm>>
      %dma_wait3A_349 = tpu.memref_squeeze %dma_wait3A_348 : memref<1x10000x128xf32, #tpu.memory_space<hbm>> -> memref<10000x128xf32, #tpu.memory_space<hbm>>
      %dma_wait3A_350 = arith.constant 0 : i32
      %dma_wait3A_351 = arith.constant 0 : i32
      %dma_wait3A_352 = tpu.memref_slice %dma_wait3A_349[%dma_wait3A_350, %dma_wait3A_351] : memref<10000x128xf32, #tpu.memory_space<hbm>> -> memref<10000x128xf32, #tpu.memory_space<hbm>>
      tpu.wait_indirect_dma semaphore(%arg19 : memref<!tpu.dma_semaphore, #tpu.memory_space<semaphore_mem>>) src(%dma_wait3A_352 : memref<10000x128xf32, #tpu.memory_space<hbm>>) dst(%arg16 : memref<80x128xf32, #tpu.memory_space<vmem>>)
      "tpu.region"() ({
        %run_scoped3A = tpu.sem_alloc : memref<!tpu.dma_semaphore, #tpu.memory_space<semaphore_mem>>
        %dma_start3A_361 = arith.constant 0 : i32
        %dma_start3A_362 = tpu.memref_slice %arg9[%add3A_313, %dma_start3A_361] : memref<320000x128xf32, #tpu.memory_space<hbm>> -> memref<80x128xf32, #tpu.memory_space<hbm>>
        %dma_start3A_363 = arith.constant 0 : i32
        %dma_start3A_364 = tpu.memref_slice %arg9[%add3A_313, %dma_start3A_363] : memref<320000x128xf32, #tpu.memory_space<hbm>> -> memref<80x128xf32, #tpu.memory_space<hbm>>
        tpu.enqueue_dma source(%dma_start3A_364 : memref<80x128xf32, #tpu.memory_space<hbm>>) target(%arg15 : memref<80x128xf32, #tpu.memory_space<vmem>>) target_semaphore(%run_scoped3A : memref<!tpu.dma_semaphore, #tpu.memory_space<semaphore_mem>>)
        %dma_wait3A_365 = arith.constant 0 : i32
        %dma_wait3A_366 = tpu.memref_slice %arg9[%add3A_313, %dma_wait3A_365] : memref<320000x128xf32, #tpu.memory_space<hbm>> -> memref<80x128xf32, #tpu.memory_space<hbm>>
        %dma_wait3A_367 = arith.constant 0 : i32
        %dma_wait3A_368 = tpu.memref_slice %arg9[%add3A_313, %dma_wait3A_367] : memref<320000x128xf32, #tpu.memory_space<hbm>> -> memref<80x128xf32, #tpu.memory_space<hbm>>
        tpu.wait_dma2 semaphore(%run_scoped3A : memref<!tpu.dma_semaphore, #tpu.memory_space<semaphore_mem>>) src(%dma_wait3A_368 : memref<80x128xf32, #tpu.memory_space<hbm>>) dst(%arg15 : memref<80x128xf32, #tpu.memory_space<vmem>>)
        tpu.yield
      }) : () -> ()
      %scan3A_353 = arith.constant 0 : i32
      %scan3A_354 = arith.constant 0 : i32
      %scan3A_355 = arith.constant 80 : i32
      %scan3A_356 = arith.addi %scan3A_354, %scan3A_355 : i32
      %scan3A_357 = arith.constant 1 : i32
      %scan3A_358 = scf.for %scan3A_361 = %scan3A_354 to %scan3A_356 step %scan3A_357 iter_args(%scan3A_362 = %scan3A_353) -> (i32)  : i32 {
        %get3A = arith.index_cast %scan3A_361 : i32 to index
        %get3A_363 = arith.constant 32 : index
        %get3A_364 = tpu.vector_load %arg15[%get3A, %get3A_363] {strides = array<i32>} : memref<80x128xf32, #tpu.memory_space<vmem>>, vector<1x16xf32>,
        %get3A_365 = vector.shape_cast %get3A_364 : vector<1x16xf32> to vector<16xf32>
        %scan3A_366 = arith.constant 0 : i32
        %scan3A_367 = arith.constant 0 : i32
        %scan3A_368 = arith.constant 8 : i32
        %scan3A_369 = arith.addi %scan3A_367, %scan3A_368 : i32
        %scan3A_370 = arith.constant 1 : i32
        %scan3A_371 = scf.for %scan3A_374 = %scan3A_367 to %scan3A_369 step %scan3A_370 iter_args(%scan3A_375 = %scan3A_366) -> (i32)  : i32 {
          %mul3A_376 = arith.constant 16 : i32
          %mul3A_377 = arith.muli %scan3A_374, %mul3A_376 : i32
          %get3A_378 = arith.index_cast %scan3A_361 : i32 to index
          %get3A_379 = arith.index_cast %mul3A_377 : i32 to index
          %get3A_380 = tpu.vector_load %arg16[%get3A_378, %get3A_379] {strides = array<i32>} : memref<80x128xf32, #tpu.memory_space<vmem>>, vector<1x16xf32>,
          %get3A_381 = vector.shape_cast %get3A_380 : vector<1x16xf32> to vector<16xf32>
          %mul3A_382 = arith.mulf %get3A_381, %get3A_365 : vector<16xf32>
          %swap3A = arith.index_cast %scan3A_361 : i32 to index
          %swap3A_383 = arith.index_cast %mul3A_377 : i32 to index
          %swap3A_384 = tpu.vector_load %arg16[%swap3A, %swap3A_383] {strides = array<i32>} : memref<80x128xf32, #tpu.memory_space<vmem>>, vector<1x16xf32>,
          %swap3A_385 = vector.shape_cast %swap3A_384 : vector<1x16xf32> to vector<16xf32>
          %swap3A_386 = vector.shape_cast %mul3A_382 : vector<16xf32> to vector<1x16xf32>
          tpu.vector_store %arg16[%swap3A, %swap3A_383], %swap3A_386 {strides = array<i32>} : memref<80x128xf32, #tpu.memory_space<vmem>>, vector<1x16xf32>,
          %scan3A_387 = arith.constant 0 : i32
          scf.yield %scan3A_387 : i32
        }
        %scan3A_372 = arith.constant 8 : i32
        %scan3A_373 = arith.constant 0 : i32
        scf.yield %scan3A_373 : i32
      }
      %scan3A_359 = arith.constant 80 : i32
      "tpu.region"() ({
        %run_scoped3A = tpu.sem_alloc : memref<!tpu.dma_semaphore, #tpu.memory_space<semaphore_mem>>
        %dma_start3A_361 = arith.constant 0 : i32
        %dma_start3A_362 = arith.constant 0 : i32
        %dma_start3A_363 = tpu.memref_slice %arg17[%dma_start3A_361, %dma_start3A_362] : memref<10000x128xf32, #tpu.memory_space<vmem_shared>> -> memref<10000x128xf32, #tpu.memory_space<vmem_shared>>
        tpu.enqueue_indirect_dma source(%arg16 : memref<80x128xf32, #tpu.memory_space<vmem>>) target(%dma_start3A_363 : memref<10000x128xf32, #tpu.memory_space<vmem_shared>>) offsets(%arg13 : memref<80xi32, #tpu.memory_space<vmem>>) semaphore(%run_scoped3A : memref<!tpu.dma_semaphore, #tpu.memory_space<semaphore_mem>>) {add = true}
        %dma_wait3A_364 = arith.constant 0 : i32
        %dma_wait3A_365 = arith.constant 0 : i32
        %dma_wait3A_366 = tpu.memref_slice %arg17[%dma_wait3A_364, %dma_wait3A_365] : memref<10000x128xf32, #tpu.memory_space<vmem_shared>> -> memref<10000x128xf32, #tpu.memory_space<vmem_shared>>
        tpu.wait_indirect_dma semaphore(%run_scoped3A : memref<!tpu.dma_semaphore, #tpu.memory_space<semaphore_mem>>) src(%arg16 : memref<80x128xf32, #tpu.memory_space<vmem>>) dst(%dma_wait3A_366 : memref<10000x128xf32, #tpu.memory_space<vmem_shared>>)
        tpu.yield
      }) : () -> ()
      %scan3A_360 = arith.constant 0 : i32
      scf.yield %scan3A_360 : i32
    }
    %scan3A_133 = arith.constant 62 : i32
    %add3A_134 = arith.constant 9920 : i32
    %add3A_135 = arith.addi %mul3A_9, %add3A_134 : i32
    "tpu.region"() ({
      %run_scoped3A = tpu.sem_alloc : memref<!tpu.dma_semaphore, #tpu.memory_space<semaphore_mem>>
      %dma_start3A_305 = tpu.memref_slice %arg2[%add3A_135] : memref<320000xi32, #tpu.memory_space<hbm>> -> memref<80xi32, #tpu.memory_space<hbm>>
      %dma_start3A_306 = tpu.memref_slice %arg2[%add3A_135] : memref<320000xi32, #tpu.memory_space<hbm>> -> memref<80xi32, #tpu.memory_space<hbm>>
      tpu.enqueue_dma source(%dma_start3A_306 : memref<80xi32, #tpu.memory_space<hbm>>) target(%arg10 : memref<80xi32, #tpu.memory_space<vmem>>) target_semaphore(%run_scoped3A : memref<!tpu.dma_semaphore, #tpu.memory_space<semaphore_mem>>)
      %dma_wait3A_307 = tpu.memref_slice %arg2[%add3A_135] : memref<320000xi32, #tpu.memory_space<hbm>> -> memref<80xi32, #tpu.memory_space<hbm>>
      %dma_wait3A_308 = tpu.memref_slice %arg2[%add3A_135] : memref<320000xi32, #tpu.memory_space<hbm>> -> memref<80xi32, #tpu.memory_space<hbm>>
      tpu.wait_dma2 semaphore(%run_scoped3A : memref<!tpu.dma_semaphore, #tpu.memory_space<semaphore_mem>>) src(%dma_wait3A_308 : memref<80xi32, #tpu.memory_space<hbm>>) dst(%arg10 : memref<80xi32, #tpu.memory_space<vmem>>)
      tpu.yield
    }) : () -> ()
    "tpu.region"() ({
      %run_scoped3A = tpu.sem_alloc : memref<!tpu.dma_semaphore, #tpu.memory_space<semaphore_mem>>
      %dma_start3A_305 = tpu.memref_slice %arg3[%add3A_135] : memref<320000xi32, #tpu.memory_space<hbm>> -> memref<80xi32, #tpu.memory_space<hbm>>
      %dma_start3A_306 = tpu.memref_slice %arg3[%add3A_135] : memref<320000xi32, #tpu.memory_space<hbm>> -> memref<80xi32, #tpu.memory_space<hbm>>
      tpu.enqueue_dma source(%dma_start3A_306 : memref<80xi32, #tpu.memory_space<hbm>>) target(%arg11 : memref<80xi32, #tpu.memory_space<vmem>>) target_semaphore(%run_scoped3A : memref<!tpu.dma_semaphore, #tpu.memory_space<semaphore_mem>>)
      %dma_wait3A_307 = tpu.memref_slice %arg3[%add3A_135] : memref<320000xi32, #tpu.memory_space<hbm>> -> memref<80xi32, #tpu.memory_space<hbm>>
      %dma_wait3A_308 = tpu.memref_slice %arg3[%add3A_135] : memref<320000xi32, #tpu.memory_space<hbm>> -> memref<80xi32, #tpu.memory_space<hbm>>
      tpu.wait_dma2 semaphore(%run_scoped3A : memref<!tpu.dma_semaphore, #tpu.memory_space<semaphore_mem>>) src(%dma_wait3A_308 : memref<80xi32, #tpu.memory_space<hbm>>) dst(%arg11 : memref<80xi32, #tpu.memory_space<vmem>>)
      tpu.yield
    }) : () -> ()
    %dma_start3A_136 = arith.constant 1 : i32
    %dma_start3A_137 = arith.constant 0 : i32
    %dma_start3A_138 = arith.constant 0 : i32
    %dma_start3A_139 = tpu.memref_slice %arg4[%dma_start3A_136, %dma_start3A_137, %dma_start3A_138] : memref<4x10000x128xf32, #tpu.memory_space<hbm>> -> memref<1x10000x128xf32, #tpu.memory_space<hbm>>
    %dma_start3A_140 = tpu.memref_squeeze %dma_start3A_139 : memref<1x10000x128xf32, #tpu.memory_space<hbm>> -> memref<10000x128xf32, #tpu.memory_space<hbm>>
    %dma_start3A_141 = arith.constant 0 : i32
    %dma_start3A_142 = arith.constant 0 : i32
    %dma_start3A_143 = tpu.memref_slice %dma_start3A_140[%dma_start3A_141, %dma_start3A_142] : memref<10000x128xf32, #tpu.memory_space<hbm>> -> memref<10000x128xf32, #tpu.memory_space<hbm>>
    tpu.enqueue_indirect_dma source(%dma_start3A_143 : memref<10000x128xf32, #tpu.memory_space<hbm>>) target(%arg14 : memref<80x128xf32, #tpu.memory_space<vmem>>) offsets(%arg10 : memref<80xi32, #tpu.memory_space<vmem>>) semaphore(%arg18 : memref<!tpu.dma_semaphore, #tpu.memory_space<semaphore_mem>>)
    %dma_wait3A_144 = arith.constant 1 : i32
    %dma_wait3A_145 = arith.constant 0 : i32
    %dma_wait3A_146 = arith.constant 0 : i32
    %dma_wait3A_147 = tpu.memref_slice %arg4[%dma_wait3A_144, %dma_wait3A_145, %dma_wait3A_146] : memref<4x10000x128xf32, #tpu.memory_space<hbm>> -> memref<1x10000x128xf32, #tpu.memory_space<hbm>>
    %dma_wait3A_148 = tpu.memref_squeeze %dma_wait3A_147 : memref<1x10000x128xf32, #tpu.memory_space<hbm>> -> memref<10000x128xf32, #tpu.memory_space<hbm>>
    %dma_wait3A_149 = arith.constant 0 : i32
    %dma_wait3A_150 = arith.constant 0 : i32
    %dma_wait3A_151 = tpu.memref_slice %dma_wait3A_148[%dma_wait3A_149, %dma_wait3A_150] : memref<10000x128xf32, #tpu.memory_space<hbm>> -> memref<10000x128xf32, #tpu.memory_space<hbm>>
    tpu.wait_indirect_dma semaphore(%arg18 : memref<!tpu.dma_semaphore, #tpu.memory_space<semaphore_mem>>) src(%dma_wait3A_151 : memref<10000x128xf32, #tpu.memory_space<hbm>>) dst(%arg14 : memref<80x128xf32, #tpu.memory_space<vmem>>)
    "tpu.region"() ({
      %run_scoped3A = tpu.sem_alloc : memref<!tpu.dma_semaphore, #tpu.memory_space<semaphore_mem>>
      %dma_start3A_305 = arith.constant 0 : i32
      %dma_start3A_306 = tpu.memref_slice %arg9[%add3A_135, %dma_start3A_305] : memref<320000x128xf32, #tpu.memory_space<hbm>> -> memref<80x128xf32, #tpu.memory_space<hbm>>
      %dma_start3A_307 = arith.constant 0 : i32
      %dma_start3A_308 = tpu.memref_slice %arg9[%add3A_135, %dma_start3A_307] : memref<320000x128xf32, #tpu.memory_space<hbm>> -> memref<80x128xf32, #tpu.memory_space<hbm>>
      tpu.enqueue_dma source(%dma_start3A_308 : memref<80x128xf32, #tpu.memory_space<hbm>>) target(%arg15 : memref<80x128xf32, #tpu.memory_space<vmem>>) target_semaphore(%run_scoped3A : memref<!tpu.dma_semaphore, #tpu.memory_space<semaphore_mem>>)
      %dma_wait3A_309 = arith.constant 0 : i32
      %dma_wait3A_310 = tpu.memref_slice %arg9[%add3A_135, %dma_wait3A_309] : memref<320000x128xf32, #tpu.memory_space<hbm>> -> memref<80x128xf32, #tpu.memory_space<hbm>>
      %dma_wait3A_311 = arith.constant 0 : i32
      %dma_wait3A_312 = tpu.memref_slice %arg9[%add3A_135, %dma_wait3A_311] : memref<320000x128xf32, #tpu.memory_space<hbm>> -> memref<80x128xf32, #tpu.memory_space<hbm>>
      tpu.wait_dma2 semaphore(%run_scoped3A : memref<!tpu.dma_semaphore, #tpu.memory_space<semaphore_mem>>) src(%dma_wait3A_312 : memref<80x128xf32, #tpu.memory_space<hbm>>) dst(%arg15 : memref<80x128xf32, #tpu.memory_space<vmem>>)
      tpu.yield
    }) : () -> ()
    %scan3A_152 = arith.constant 0 : i32
    %scan3A_153 = arith.constant 0 : i32
    %scan3A_154 = arith.constant 80 : i32
    %scan3A_155 = arith.addi %scan3A_153, %scan3A_154 : i32
    %scan3A_156 = arith.constant 1 : i32
    %scan3A_157 = scf.for %scan3A_305 = %scan3A_153 to %scan3A_155 step %scan3A_156 iter_args(%scan3A_306 = %scan3A_152) -> (i32)  : i32 {
      %get3A = arith.index_cast %scan3A_305 : i32 to index
      %get3A_307 = arith.constant 32 : index
      %get3A_308 = tpu.vector_load %arg15[%get3A, %get3A_307] {strides = array<i32>} : memref<80x128xf32, #tpu.memory_space<vmem>>, vector<1x16xf32>,
      %get3A_309 = vector.shape_cast %get3A_308 : vector<1x16xf32> to vector<16xf32>
      %scan3A_310 = arith.constant 0 : i32
      %scan3A_311 = arith.constant 0 : i32
      %scan3A_312 = arith.constant 8 : i32
      %scan3A_313 = arith.addi %scan3A_311, %scan3A_312 : i32
      %scan3A_314 = arith.constant 1 : i32
      %scan3A_315 = scf.for %scan3A_318 = %scan3A_311 to %scan3A_313 step %scan3A_314 iter_args(%scan3A_319 = %scan3A_310) -> (i32)  : i32 {
        %mul3A_320 = arith.constant 16 : i32
        %mul3A_321 = arith.muli %scan3A_318, %mul3A_320 : i32
        %get3A_322 = arith.index_cast %scan3A_305 : i32 to index
        %get3A_323 = arith.index_cast %mul3A_321 : i32 to index
        %get3A_324 = tpu.vector_load %arg14[%get3A_322, %get3A_323] {strides = array<i32>} : memref<80x128xf32, #tpu.memory_space<vmem>>, vector<1x16xf32>,
        %get3A_325 = vector.shape_cast %get3A_324 : vector<1x16xf32> to vector<16xf32>
        %mul3A_326 = arith.mulf %get3A_325, %get3A_309 : vector<16xf32>
        %swap3A = arith.index_cast %scan3A_305 : i32 to index
        %swap3A_327 = arith.index_cast %mul3A_321 : i32 to index
        %swap3A_328 = tpu.vector_load %arg14[%swap3A, %swap3A_327] {strides = array<i32>} : memref<80x128xf32, #tpu.memory_space<vmem>>, vector<1x16xf32>,
        %swap3A_329 = vector.shape_cast %swap3A_328 : vector<1x16xf32> to vector<16xf32>
        %swap3A_330 = vector.shape_cast %mul3A_326 : vector<16xf32> to vector<1x16xf32>
        tpu.vector_store %arg14[%swap3A, %swap3A_327], %swap3A_330 {strides = array<i32>} : memref<80x128xf32, #tpu.memory_space<vmem>>, vector<1x16xf32>,
        %scan3A_331 = arith.constant 0 : i32
        scf.yield %scan3A_331 : i32
      }
      %scan3A_316 = arith.constant 8 : i32
      %scan3A_317 = arith.constant 0 : i32
      scf.yield %scan3A_317 : i32
    }
    %scan3A_158 = arith.constant 80 : i32
    "tpu.region"() ({
      %run_scoped3A = tpu.sem_alloc : memref<!tpu.dma_semaphore, #tpu.memory_space<semaphore_mem>>
      %dma_start3A_305 = arith.constant 0 : i32
      %dma_start3A_306 = arith.constant 0 : i32
      %dma_start3A_307 = tpu.memref_slice %arg17[%dma_start3A_305, %dma_start3A_306] : memref<10000x128xf32, #tpu.memory_space<vmem_shared>> -> memref<10000x128xf32, #tpu.memory_space<vmem_shared>>
      tpu.enqueue_indirect_dma source(%arg14 : memref<80x128xf32, #tpu.memory_space<vmem>>) target(%dma_start3A_307 : memref<10000x128xf32, #tpu.memory_space<vmem_shared>>) offsets(%arg11 : memref<80xi32, #tpu.memory_space<vmem>>) semaphore(%run_scoped3A : memref<!tpu.dma_semaphore, #tpu.memory_space<semaphore_mem>>) {add = true}
      %dma_wait3A_308 = arith.constant 0 : i32
      %dma_wait3A_309 = arith.constant 0 : i32
      %dma_wait3A_310 = tpu.memref_slice %arg17[%dma_wait3A_308, %dma_wait3A_309] : memref<10000x128xf32, #tpu.memory_space<vmem_shared>> -> memref<10000x128xf32, #tpu.memory_space<vmem_shared>>
      tpu.wait_indirect_dma semaphore(%run_scoped3A : memref<!tpu.dma_semaphore, #tpu.memory_space<semaphore_mem>>) src(%arg14 : memref<80x128xf32, #tpu.memory_space<vmem>>) dst(%dma_wait3A_310 : memref<10000x128xf32, #tpu.memory_space<vmem_shared>>)
      tpu.yield
    }) : () -> ()
    %barrier3A_159 = arith.constant 0 : index
    tpu.barrier barrier_id(%barrier3A_159)
    %lt3A_160 = arith.constant 15 : i32
    %lt3A_161 = arith.cmpi slt, %arg1, %lt3A_160 : i32
    %convert_element_type3A_162 = arith.extui %lt3A_161 : i1 to i32
    %cond3A_163 = arith.constant 1 : i32
    %cond3A_164 = arith.constant 0 : i32
    %cond3A_165 = arith.cmpi ne, %convert_element_type3A_162, %cond3A_164 : i32
    scf.if %cond3A_165 {
      "tpu.region"() ({
        %run_scoped3A = tpu.sem_alloc : memref<!tpu.dma_semaphore, #tpu.memory_space<semaphore_mem>>
        %dma_start3A_305 = arith.constant 0 : i32
        %dma_start3A_306 = arith.constant 0 : i32
        %dma_start3A_307 = tpu.memref_slice %arg7[%cond3A_163, %arg0, %dma_start3A_305, %dma_start3A_306] : memref<4x2x10000x128xf32, #tpu.memory_space<hbm>> -> memref<1x1x10000x128xf32, #tpu.memory_space<hbm>>
        %dma_start3A_308 = tpu.memref_squeeze %dma_start3A_307 : memref<1x1x10000x128xf32, #tpu.memory_space<hbm>> -> memref<10000x128xf32, #tpu.memory_space<hbm>>
        %dma_start3A_309 = arith.constant 0 : i32
        %dma_start3A_310 = tpu.memref_slice %dma_start3A_308[%mul3A_3, %dma_start3A_309] : memref<10000x128xf32, #tpu.memory_space<hbm>> -> memref<632x128xf32, #tpu.memory_space<hbm>>
        %dma_start3A_311 = arith.constant 0 : i32
        %dma_start3A_312 = tpu.memref_slice %arg17[%mul3A_3, %dma_start3A_311] : memref<10000x128xf32, #tpu.memory_space<vmem_shared>> -> memref<632x128xf32, #tpu.memory_space<vmem_shared>>
        tpu.enqueue_dma source(%dma_start3A_312 : memref<632x128xf32, #tpu.memory_space<vmem_shared>>) target(%dma_start3A_310 : memref<632x128xf32, #tpu.memory_space<hbm>>) target_semaphore(%run_scoped3A : memref<!tpu.dma_semaphore, #tpu.memory_space<semaphore_mem>>)
        %dma_wait3A_313 = arith.constant 0 : i32
        %dma_wait3A_314 = arith.constant 0 : i32
        %dma_wait3A_315 = tpu.memref_slice %arg7[%cond3A_163, %arg0, %dma_wait3A_313, %dma_wait3A_314] : memref<4x2x10000x128xf32, #tpu.memory_space<hbm>> -> memref<1x1x10000x128xf32, #tpu.memory_space<hbm>>
        %dma_wait3A_316 = tpu.memref_squeeze %dma_wait3A_315 : memref<1x1x10000x128xf32, #tpu.memory_space<hbm>> -> memref<10000x128xf32, #tpu.memory_space<hbm>>
        %dma_wait3A_317 = arith.constant 0 : i32
        %dma_wait3A_318 = tpu.memref_slice %dma_wait3A_316[%mul3A_3, %dma_wait3A_317] : memref<10000x128xf32, #tpu.memory_space<hbm>> -> memref<632x128xf32, #tpu.memory_space<hbm>>
        %dma_wait3A_319 = arith.constant 0 : i32
        %dma_wait3A_320 = tpu.memref_slice %arg17[%mul3A_3, %dma_wait3A_319] : memref<10000x128xf32, #tpu.memory_space<vmem_shared>> -> memref<632x128xf32, #tpu.memory_space<vmem_shared>>
        tpu.wait_dma2 semaphore(%run_scoped3A : memref<!tpu.dma_semaphore, #tpu.memory_space<semaphore_mem>>) src(%dma_wait3A_320 : memref<632x128xf32, #tpu.memory_space<vmem_shared>>) dst(%dma_wait3A_318 : memref<632x128xf32, #tpu.memory_space<hbm>>)
        tpu.yield
      }) : () -> ()
    } else {
    }
    %eq3A_166 = arith.constant 15 : i32
    %eq3A_167 = arith.cmpi eq, %arg1, %eq3A_166 : i32
    %convert_element_type3A_168 = arith.extui %eq3A_167 : i1 to i32
    %cond3A_169 = arith.constant 1 : i32
    %cond3A_170 = arith.constant 0 : i32
    %cond3A_171 = arith.cmpi ne, %convert_element_type3A_168, %cond3A_170 : i32
    scf.if %cond3A_171 {
      "tpu.region"() ({
        %run_scoped3A = tpu.sem_alloc : memref<!tpu.dma_semaphore, #tpu.memory_space<semaphore_mem>>
        %dma_start3A_305 = arith.constant 0 : i32
        %dma_start3A_306 = arith.constant 0 : i32
        %dma_start3A_307 = tpu.memref_slice %arg7[%cond3A_169, %arg0, %dma_start3A_305, %dma_start3A_306] : memref<4x2x10000x128xf32, #tpu.memory_space<hbm>> -> memref<1x1x10000x128xf32, #tpu.memory_space<hbm>>
        %dma_start3A_308 = tpu.memref_squeeze %dma_start3A_307 : memref<1x1x10000x128xf32, #tpu.memory_space<hbm>> -> memref<10000x128xf32, #tpu.memory_space<hbm>>
        %dma_start3A_309 = arith.constant 9480 : i32
        %dma_start3A_310 = arith.constant 0 : i32
        %dma_start3A_311 = tpu.memref_slice %dma_start3A_308[%dma_start3A_309, %dma_start3A_310] : memref<10000x128xf32, #tpu.memory_space<hbm>> -> memref<520x128xf32, #tpu.memory_space<hbm>>
        %dma_start3A_312 = arith.constant 9480 : i32
        %dma_start3A_313 = arith.constant 0 : i32
        %dma_start3A_314 = tpu.memref_slice %arg17[%dma_start3A_312, %dma_start3A_313] : memref<10000x128xf32, #tpu.memory_space<vmem_shared>> -> memref<520x128xf32, #tpu.memory_space<vmem_shared>>
        tpu.enqueue_dma source(%dma_start3A_314 : memref<520x128xf32, #tpu.memory_space<vmem_shared>>) target(%dma_start3A_311 : memref<520x128xf32, #tpu.memory_space<hbm>>) target_semaphore(%run_scoped3A : memref<!tpu.dma_semaphore, #tpu.memory_space<semaphore_mem>>)
        %dma_wait3A_315 = arith.constant 0 : i32
        %dma_wait3A_316 = arith.constant 0 : i32
        %dma_wait3A_317 = tpu.memref_slice %arg7[%cond3A_169, %arg0, %dma_wait3A_315, %dma_wait3A_316] : memref<4x2x10000x128xf32, #tpu.memory_space<hbm>> -> memref<1x1x10000x128xf32, #tpu.memory_space<hbm>>
        %dma_wait3A_318 = tpu.memref_squeeze %dma_wait3A_317 : memref<1x1x10000x128xf32, #tpu.memory_space<hbm>> -> memref<10000x128xf32, #tpu.memory_space<hbm>>
        %dma_wait3A_319 = arith.constant 9480 : i32
        %dma_wait3A_320 = arith.constant 0 : i32
        %dma_wait3A_321 = tpu.memref_slice %dma_wait3A_318[%dma_wait3A_319, %dma_wait3A_320] : memref<10000x128xf32, #tpu.memory_space<hbm>> -> memref<520x128xf32, #tpu.memory_space<hbm>>
        %dma_wait3A_322 = arith.constant 9480 : i32
        %dma_wait3A_323 = arith.constant 0 : i32
        %dma_wait3A_324 = tpu.memref_slice %arg17[%dma_wait3A_322, %dma_wait3A_323] : memref<10000x128xf32, #tpu.memory_space<vmem_shared>> -> memref<520x128xf32, #tpu.memory_space<vmem_shared>>
        tpu.wait_dma2 semaphore(%run_scoped3A : memref<!tpu.dma_semaphore, #tpu.memory_space<semaphore_mem>>) src(%dma_wait3A_324 : memref<520x128xf32, #tpu.memory_space<vmem_shared>>) dst(%dma_wait3A_321 : memref<520x128xf32, #tpu.memory_space<hbm>>)
        tpu.yield
      }) : () -> ()
    } else {
    }
    %barrier3A_172 = arith.constant 0 : index
    tpu.barrier barrier_id(%barrier3A_172)
    %scan3A_173 = arith.constant 0 : i32
    %scan3A_174 = arith.constant 0 : i32
    %scan3A_175 = arith.constant 8 : i32
    %scan3A_176 = arith.addi %scan3A_174, %scan3A_175 : i32
    %scan3A_177 = arith.constant 1 : i32
    %scan3A_178 = scf.for %scan3A_305 = %scan3A_174 to %scan3A_176 step %scan3A_177 iter_args(%scan3A_306 = %scan3A_173) -> (i32)  : i32 {
      %scan3A_307 = arith.constant 0 : i32
      %scan3A_308 = arith.constant 0 : i32
      %scan3A_309 = arith.constant 8 : i32
      %scan3A_310 = arith.addi %scan3A_308, %scan3A_309 : i32
      %scan3A_311 = arith.constant 1 : i32
      %scan3A_312 = scf.for %scan3A_314 = %scan3A_308 to %scan3A_310 step %scan3A_311 iter_args(%scan3A_315 = %scan3A_307) -> (i32)  : i32 {
        %mul3A_316 = arith.constant 16 : i32
        %mul3A_317 = arith.muli %scan3A_314, %mul3A_316 : i32
        %swap3A = arith.index_cast %scan3A_305 : i32 to index
        %swap3A_318 = arith.index_cast %mul3A_317 : i32 to index
        %swap3A_319 = tpu.vector_load %arg14[%swap3A, %swap3A_318] {strides = array<i32>} : memref<80x128xf32, #tpu.memory_space<vmem>>, vector<1x16xf32>,
        %swap3A_320 = vector.shape_cast %swap3A_319 : vector<1x16xf32> to vector<16xf32>
        %swap3A_321 = vector.shape_cast %broadcast_in_dim3A_0 : vector<16xf32> to vector<1x16xf32>
        tpu.vector_store %arg14[%swap3A, %swap3A_318], %swap3A_321 {strides = array<i32>} : memref<80x128xf32, #tpu.memory_space<vmem>>, vector<1x16xf32>,
        %scan3A_322 = arith.constant 0 : i32
        scf.yield %scan3A_322 : i32
      }
      %scan3A_313 = arith.constant 8 : i32
      scf.yield %scan3A_312 : i32
    }
    %scan3A_179 = arith.constant 8 : i32
    %while3A_180 = arith.constant 0 : i32
    %while3A_181 = arith.constant 0 : i32
    %while3A_182 = arith.subi %select_n3A, %while3A_180 : i32
    %while3A_183 = arith.addi %while3A_180, %while3A_182 : i32
    %while3A_184 = arith.constant 1 : i32
    %while3A_185 = arith.divsi %while3A_182, %while3A_184 : i32
    %while3A_186 = arith.muli %while3A_185, %while3A_184 : i32
    %while3A_187 = arith.addi %while3A_180, %while3A_186 : i32
    %while3A_188 = arith.constant 1 : i32
    %while3A_189 = scf.for %while3A_305 = %while3A_180 to %while3A_187 step %while3A_188 iter_args(%while3A_306 = %while3A_181) -> (i32)  : i32 {
      %mul3A_307 = arith.constant 8 : i32
      %mul3A_308 = arith.muli %while3A_305, %mul3A_307 : i32
      %add3A_309 = arith.addi %mul3A_3, %mul3A_308 : i32
      "tpu.region"() ({
        %run_scoped3A = tpu.sem_alloc : memref<!tpu.dma_semaphore, #tpu.memory_space<semaphore_mem>>
        %dma_start3A_311 = arith.constant 0 : i32
        %dma_start3A_312 = arith.constant 0 : i32
        %dma_start3A_313 = tpu.memref_slice %arg14[%dma_start3A_311, %dma_start3A_312] : memref<80x128xf32, #tpu.memory_space<vmem>> -> memref<8x128xf32, #tpu.memory_space<vmem>>
        %dma_start3A_314 = arith.constant 0 : i32
        %dma_start3A_315 = tpu.memref_slice %arg17[%add3A_309, %dma_start3A_314] : memref<10000x128xf32, #tpu.memory_space<vmem_shared>> -> memref<8x128xf32, #tpu.memory_space<vmem_shared>>
        %dma_start3A_316 = arith.constant 0 : i32
        %dma_start3A_317 = tpu.memref_slice %arg17[%add3A_309, %dma_start3A_316] : memref<10000x128xf32, #tpu.memory_space<vmem_shared>> -> memref<8x128xf32, #tpu.memory_space<vmem_shared>>
        %dma_start3A_318 = arith.constant 0 : i32
        %dma_start3A_319 = arith.constant 0 : i32
        %dma_start3A_320 = tpu.memref_slice %arg14[%dma_start3A_318, %dma_start3A_319] : memref<80x128xf32, #tpu.memory_space<vmem>> -> memref<8x128xf32, #tpu.memory_space<vmem>>
        tpu.enqueue_dma source(%dma_start3A_320 : memref<8x128xf32, #tpu.memory_space<vmem>>) target(%dma_start3A_317 : memref<8x128xf32, #tpu.memory_space<vmem_shared>>) target_semaphore(%run_scoped3A : memref<!tpu.dma_semaphore, #tpu.memory_space<semaphore_mem>>)
        %dma_wait3A_321 = arith.constant 0 : i32
        %dma_wait3A_322 = arith.constant 0 : i32
        %dma_wait3A_323 = tpu.memref_slice %arg14[%dma_wait3A_321, %dma_wait3A_322] : memref<80x128xf32, #tpu.memory_space<vmem>> -> memref<8x128xf32, #tpu.memory_space<vmem>>
        %dma_wait3A_324 = arith.constant 0 : i32
        %dma_wait3A_325 = tpu.memref_slice %arg17[%add3A_309, %dma_wait3A_324] : memref<10000x128xf32, #tpu.memory_space<vmem_shared>> -> memref<8x128xf32, #tpu.memory_space<vmem_shared>>
        %dma_wait3A_326 = arith.constant 0 : i32
        %dma_wait3A_327 = tpu.memref_slice %arg17[%add3A_309, %dma_wait3A_326] : memref<10000x128xf32, #tpu.memory_space<vmem_shared>> -> memref<8x128xf32, #tpu.memory_space<vmem_shared>>
        %dma_wait3A_328 = arith.constant 0 : i32
        %dma_wait3A_329 = arith.constant 0 : i32
        %dma_wait3A_330 = tpu.memref_slice %arg14[%dma_wait3A_328, %dma_wait3A_329] : memref<80x128xf32, #tpu.memory_space<vmem>> -> memref<8x128xf32, #tpu.memory_space<vmem>>
        tpu.wait_dma2 semaphore(%run_scoped3A : memref<!tpu.dma_semaphore, #tpu.memory_space<semaphore_mem>>) src(%dma_wait3A_330 : memref<8x128xf32, #tpu.memory_space<vmem>>) dst(%dma_wait3A_327 : memref<8x128xf32, #tpu.memory_space<vmem_shared>>)
        tpu.yield
      }) : () -> ()
      %while3A_310 = arith.constant 0 : i32
      scf.yield %while3A_310 : i32
    }
    %while3A_190 = arith.constant 1 : i32
    %while3A_191 = scf.for %while3A_305 = %while3A_187 to %while3A_183 step %while3A_190 iter_args(%while3A_306 = %while3A_189) -> (i32)  : i32 {
      %mul3A_307 = arith.constant 8 : i32
      %mul3A_308 = arith.muli %while3A_305, %mul3A_307 : i32
      %add3A_309 = arith.addi %mul3A_3, %mul3A_308 : i32
      "tpu.region"() ({
        %run_scoped3A = tpu.sem_alloc : memref<!tpu.dma_semaphore, #tpu.memory_space<semaphore_mem>>
        %dma_start3A_311 = arith.constant 0 : i32
        %dma_start3A_312 = arith.constant 0 : i32
        %dma_start3A_313 = tpu.memref_slice %arg14[%dma_start3A_311, %dma_start3A_312] : memref<80x128xf32, #tpu.memory_space<vmem>> -> memref<8x128xf32, #tpu.memory_space<vmem>>
        %dma_start3A_314 = arith.constant 0 : i32
        %dma_start3A_315 = tpu.memref_slice %arg17[%add3A_309, %dma_start3A_314] : memref<10000x128xf32, #tpu.memory_space<vmem_shared>> -> memref<8x128xf32, #tpu.memory_space<vmem_shared>>
        %dma_start3A_316 = arith.constant 0 : i32
        %dma_start3A_317 = tpu.memref_slice %arg17[%add3A_309, %dma_start3A_316] : memref<10000x128xf32, #tpu.memory_space<vmem_shared>> -> memref<8x128xf32, #tpu.memory_space<vmem_shared>>
        %dma_start3A_318 = arith.constant 0 : i32
        %dma_start3A_319 = arith.constant 0 : i32
        %dma_start3A_320 = tpu.memref_slice %arg14[%dma_start3A_318, %dma_start3A_319] : memref<80x128xf32, #tpu.memory_space<vmem>> -> memref<8x128xf32, #tpu.memory_space<vmem>>
        tpu.enqueue_dma source(%dma_start3A_320 : memref<8x128xf32, #tpu.memory_space<vmem>>) target(%dma_start3A_317 : memref<8x128xf32, #tpu.memory_space<vmem_shared>>) target_semaphore(%run_scoped3A : memref<!tpu.dma_semaphore, #tpu.memory_space<semaphore_mem>>)
        %dma_wait3A_321 = arith.constant 0 : i32
        %dma_wait3A_322 = arith.constant 0 : i32
        %dma_wait3A_323 = tpu.memref_slice %arg14[%dma_wait3A_321, %dma_wait3A_322] : memref<80x128xf32, #tpu.memory_space<vmem>> -> memref<8x128xf32, #tpu.memory_space<vmem>>
        %dma_wait3A_324 = arith.constant 0 : i32
        %dma_wait3A_325 = tpu.memref_slice %arg17[%add3A_309, %dma_wait3A_324] : memref<10000x128xf32, #tpu.memory_space<vmem_shared>> -> memref<8x128xf32, #tpu.memory_space<vmem_shared>>
        %dma_wait3A_326 = arith.constant 0 : i32
        %dma_wait3A_327 = tpu.memref_slice %arg17[%add3A_309, %dma_wait3A_326] : memref<10000x128xf32, #tpu.memory_space<vmem_shared>> -> memref<8x128xf32, #tpu.memory_space<vmem_shared>>
        %dma_wait3A_328 = arith.constant 0 : i32
        %dma_wait3A_329 = arith.constant 0 : i32
        %dma_wait3A_330 = tpu.memref_slice %arg14[%dma_wait3A_328, %dma_wait3A_329] : memref<80x128xf32, #tpu.memory_space<vmem>> -> memref<8x128xf32, #tpu.memory_space<vmem>>
        tpu.wait_dma2 semaphore(%run_scoped3A : memref<!tpu.dma_semaphore, #tpu.memory_space<semaphore_mem>>) src(%dma_wait3A_330 : memref<8x128xf32, #tpu.memory_space<vmem>>) dst(%dma_wait3A_327 : memref<8x128xf32, #tpu.memory_space<vmem_shared>>)
        tpu.yield
      }) : () -> ()
      %while3A_310 = arith.constant 0 : i32
      scf.yield %while3A_310 : i32
    }
    %barrier3A_192 = arith.constant 0 : index
    tpu.barrier barrier_id(%barrier3A_192)
    %scan3A_193 = arith.constant 0 : i32
    %scan3A_194 = arith.constant 0 : i32
    %scan3A_195 = arith.constant 62 : i32
    %scan3A_196 = arith.addi %scan3A_194, %scan3A_195 : i32
    %scan3A_197 = arith.constant 1 : i32
    %scan3A_198 = scf.for %scan3A_305 = %scan3A_194 to %scan3A_196 step %scan3A_197 iter_args(%scan3A_306 = %scan3A_193) -> (i32)  : i32 {
      %mul3A_307 = arith.constant 2 : i32
      %mul3A_308 = arith.muli %mul3A_307, %scan3A_305 : i32
      %mul3A_309 = arith.constant 80 : i32
      %mul3A_310 = arith.muli %mul3A_308, %mul3A_309 : i32
      %add3A_311 = arith.addi %mul3A_9, %mul3A_310 : i32
      %add3A_312 = arith.constant 80 : i32
      %add3A_313 = arith.addi %add3A_311, %add3A_312 : i32
      "tpu.region"() ({
        %run_scoped3A = tpu.sem_alloc : memref<!tpu.dma_semaphore, #tpu.memory_space<semaphore_mem>>
        %dma_start3A_361 = tpu.memref_slice %arg2[%add3A_311] : memref<320000xi32, #tpu.memory_space<hbm>> -> memref<80xi32, #tpu.memory_space<hbm>>
        %dma_start3A_362 = tpu.memref_slice %arg2[%add3A_311] : memref<320000xi32, #tpu.memory_space<hbm>> -> memref<80xi32, #tpu.memory_space<hbm>>
        tpu.enqueue_dma source(%dma_start3A_362 : memref<80xi32, #tpu.memory_space<hbm>>) target(%arg10 : memref<80xi32, #tpu.memory_space<vmem>>) target_semaphore(%run_scoped3A : memref<!tpu.dma_semaphore, #tpu.memory_space<semaphore_mem>>)
        %dma_wait3A_363 = tpu.memref_slice %arg2[%add3A_311] : memref<320000xi32, #tpu.memory_space<hbm>> -> memref<80xi32, #tpu.memory_space<hbm>>
        %dma_wait3A_364 = tpu.memref_slice %arg2[%add3A_311] : memref<320000xi32, #tpu.memory_space<hbm>> -> memref<80xi32, #tpu.memory_space<hbm>>
        tpu.wait_dma2 semaphore(%run_scoped3A : memref<!tpu.dma_semaphore, #tpu.memory_space<semaphore_mem>>) src(%dma_wait3A_364 : memref<80xi32, #tpu.memory_space<hbm>>) dst(%arg10 : memref<80xi32, #tpu.memory_space<vmem>>)
        tpu.yield
      }) : () -> ()
      "tpu.region"() ({
        %run_scoped3A = tpu.sem_alloc : memref<!tpu.dma_semaphore, #tpu.memory_space<semaphore_mem>>
        %dma_start3A_361 = tpu.memref_slice %arg3[%add3A_311] : memref<320000xi32, #tpu.memory_space<hbm>> -> memref<80xi32, #tpu.memory_space<hbm>>
        %dma_start3A_362 = tpu.memref_slice %arg3[%add3A_311] : memref<320000xi32, #tpu.memory_space<hbm>> -> memref<80xi32, #tpu.memory_space<hbm>>
        tpu.enqueue_dma source(%dma_start3A_362 : memref<80xi32, #tpu.memory_space<hbm>>) target(%arg11 : memref<80xi32, #tpu.memory_space<vmem>>) target_semaphore(%run_scoped3A : memref<!tpu.dma_semaphore, #tpu.memory_space<semaphore_mem>>)
        %dma_wait3A_363 = tpu.memref_slice %arg3[%add3A_311] : memref<320000xi32, #tpu.memory_space<hbm>> -> memref<80xi32, #tpu.memory_space<hbm>>
        %dma_wait3A_364 = tpu.memref_slice %arg3[%add3A_311] : memref<320000xi32, #tpu.memory_space<hbm>> -> memref<80xi32, #tpu.memory_space<hbm>>
        tpu.wait_dma2 semaphore(%run_scoped3A : memref<!tpu.dma_semaphore, #tpu.memory_space<semaphore_mem>>) src(%dma_wait3A_364 : memref<80xi32, #tpu.memory_space<hbm>>) dst(%arg11 : memref<80xi32, #tpu.memory_space<vmem>>)
        tpu.yield
      }) : () -> ()
      "tpu.region"() ({
        %run_scoped3A = tpu.sem_alloc : memref<!tpu.dma_semaphore, #tpu.memory_space<semaphore_mem>>
        %dma_start3A_361 = tpu.memref_slice %arg2[%add3A_313] : memref<320000xi32, #tpu.memory_space<hbm>> -> memref<80xi32, #tpu.memory_space<hbm>>
        %dma_start3A_362 = tpu.memref_slice %arg2[%add3A_313] : memref<320000xi32, #tpu.memory_space<hbm>> -> memref<80xi32, #tpu.memory_space<hbm>>
        tpu.enqueue_dma source(%dma_start3A_362 : memref<80xi32, #tpu.memory_space<hbm>>) target(%arg12 : memref<80xi32, #tpu.memory_space<vmem>>) target_semaphore(%run_scoped3A : memref<!tpu.dma_semaphore, #tpu.memory_space<semaphore_mem>>)
        %dma_wait3A_363 = tpu.memref_slice %arg2[%add3A_313] : memref<320000xi32, #tpu.memory_space<hbm>> -> memref<80xi32, #tpu.memory_space<hbm>>
        %dma_wait3A_364 = tpu.memref_slice %arg2[%add3A_313] : memref<320000xi32, #tpu.memory_space<hbm>> -> memref<80xi32, #tpu.memory_space<hbm>>
        tpu.wait_dma2 semaphore(%run_scoped3A : memref<!tpu.dma_semaphore, #tpu.memory_space<semaphore_mem>>) src(%dma_wait3A_364 : memref<80xi32, #tpu.memory_space<hbm>>) dst(%arg12 : memref<80xi32, #tpu.memory_space<vmem>>)
        tpu.yield
      }) : () -> ()
      "tpu.region"() ({
        %run_scoped3A = tpu.sem_alloc : memref<!tpu.dma_semaphore, #tpu.memory_space<semaphore_mem>>
        %dma_start3A_361 = tpu.memref_slice %arg3[%add3A_313] : memref<320000xi32, #tpu.memory_space<hbm>> -> memref<80xi32, #tpu.memory_space<hbm>>
        %dma_start3A_362 = tpu.memref_slice %arg3[%add3A_313] : memref<320000xi32, #tpu.memory_space<hbm>> -> memref<80xi32, #tpu.memory_space<hbm>>
        tpu.enqueue_dma source(%dma_start3A_362 : memref<80xi32, #tpu.memory_space<hbm>>) target(%arg13 : memref<80xi32, #tpu.memory_space<vmem>>) target_semaphore(%run_scoped3A : memref<!tpu.dma_semaphore, #tpu.memory_space<semaphore_mem>>)
        %dma_wait3A_363 = tpu.memref_slice %arg3[%add3A_313] : memref<320000xi32, #tpu.memory_space<hbm>> -> memref<80xi32, #tpu.memory_space<hbm>>
        %dma_wait3A_364 = tpu.memref_slice %arg3[%add3A_313] : memref<320000xi32, #tpu.memory_space<hbm>> -> memref<80xi32, #tpu.memory_space<hbm>>
        tpu.wait_dma2 semaphore(%run_scoped3A : memref<!tpu.dma_semaphore, #tpu.memory_space<semaphore_mem>>) src(%dma_wait3A_364 : memref<80xi32, #tpu.memory_space<hbm>>) dst(%arg13 : memref<80xi32, #tpu.memory_space<vmem>>)
        tpu.yield
      }) : () -> ()
      %dma_start3A_314 = arith.constant 2 : i32
      %dma_start3A_315 = arith.constant 0 : i32
      %dma_start3A_316 = arith.constant 0 : i32
      %dma_start3A_317 = tpu.memref_slice %arg4[%dma_start3A_314, %dma_start3A_315, %dma_start3A_316] : memref<4x10000x128xf32, #tpu.memory_space<hbm>> -> memref<1x10000x128xf32, #tpu.memory_space<hbm>>
      %dma_start3A_318 = tpu.memref_squeeze %dma_start3A_317 : memref<1x10000x128xf32, #tpu.memory_space<hbm>> -> memref<10000x128xf32, #tpu.memory_space<hbm>>
      %dma_start3A_319 = arith.constant 0 : i32
      %dma_start3A_320 = arith.constant 0 : i32
      %dma_start3A_321 = tpu.memref_slice %dma_start3A_318[%dma_start3A_319, %dma_start3A_320] : memref<10000x128xf32, #tpu.memory_space<hbm>> -> memref<10000x128xf32, #tpu.memory_space<hbm>>
      tpu.enqueue_indirect_dma source(%dma_start3A_321 : memref<10000x128xf32, #tpu.memory_space<hbm>>) target(%arg14 : memref<80x128xf32, #tpu.memory_space<vmem>>) offsets(%arg10 : memref<80xi32, #tpu.memory_space<vmem>>) semaphore(%arg18 : memref<!tpu.dma_semaphore, #tpu.memory_space<semaphore_mem>>)
      %dma_start3A_322 = arith.constant 2 : i32
      %dma_start3A_323 = arith.constant 0 : i32
      %dma_start3A_324 = arith.constant 0 : i32
      %dma_start3A_325 = tpu.memref_slice %arg4[%dma_start3A_322, %dma_start3A_323, %dma_start3A_324] : memref<4x10000x128xf32, #tpu.memory_space<hbm>> -> memref<1x10000x128xf32, #tpu.memory_space<hbm>>
      %dma_start3A_326 = tpu.memref_squeeze %dma_start3A_325 : memref<1x10000x128xf32, #tpu.memory_space<hbm>> -> memref<10000x128xf32, #tpu.memory_space<hbm>>
      %dma_start3A_327 = arith.constant 0 : i32
      %dma_start3A_328 = arith.constant 0 : i32
      %dma_start3A_329 = tpu.memref_slice %dma_start3A_326[%dma_start3A_327, %dma_start3A_328] : memref<10000x128xf32, #tpu.memory_space<hbm>> -> memref<10000x128xf32, #tpu.memory_space<hbm>>
      tpu.enqueue_indirect_dma source(%dma_start3A_329 : memref<10000x128xf32, #tpu.memory_space<hbm>>) target(%arg16 : memref<80x128xf32, #tpu.memory_space<vmem>>) offsets(%arg12 : memref<80xi32, #tpu.memory_space<vmem>>) semaphore(%arg19 : memref<!tpu.dma_semaphore, #tpu.memory_space<semaphore_mem>>)
      %dma_wait3A_330 = arith.constant 2 : i32
      %dma_wait3A_331 = arith.constant 0 : i32
      %dma_wait3A_332 = arith.constant 0 : i32
      %dma_wait3A_333 = tpu.memref_slice %arg4[%dma_wait3A_330, %dma_wait3A_331, %dma_wait3A_332] : memref<4x10000x128xf32, #tpu.memory_space<hbm>> -> memref<1x10000x128xf32, #tpu.memory_space<hbm>>
      %dma_wait3A_334 = tpu.memref_squeeze %dma_wait3A_333 : memref<1x10000x128xf32, #tpu.memory_space<hbm>> -> memref<10000x128xf32, #tpu.memory_space<hbm>>
      %dma_wait3A_335 = arith.constant 0 : i32
      %dma_wait3A_336 = arith.constant 0 : i32
      %dma_wait3A_337 = tpu.memref_slice %dma_wait3A_334[%dma_wait3A_335, %dma_wait3A_336] : memref<10000x128xf32, #tpu.memory_space<hbm>> -> memref<10000x128xf32, #tpu.memory_space<hbm>>
      tpu.wait_indirect_dma semaphore(%arg18 : memref<!tpu.dma_semaphore, #tpu.memory_space<semaphore_mem>>) src(%dma_wait3A_337 : memref<10000x128xf32, #tpu.memory_space<hbm>>) dst(%arg14 : memref<80x128xf32, #tpu.memory_space<vmem>>)
      "tpu.region"() ({
        %run_scoped3A = tpu.sem_alloc : memref<!tpu.dma_semaphore, #tpu.memory_space<semaphore_mem>>
        %dma_start3A_361 = arith.constant 0 : i32
        %dma_start3A_362 = tpu.memref_slice %arg9[%add3A_311, %dma_start3A_361] : memref<320000x128xf32, #tpu.memory_space<hbm>> -> memref<80x128xf32, #tpu.memory_space<hbm>>
        %dma_start3A_363 = arith.constant 0 : i32
        %dma_start3A_364 = tpu.memref_slice %arg9[%add3A_311, %dma_start3A_363] : memref<320000x128xf32, #tpu.memory_space<hbm>> -> memref<80x128xf32, #tpu.memory_space<hbm>>
        tpu.enqueue_dma source(%dma_start3A_364 : memref<80x128xf32, #tpu.memory_space<hbm>>) target(%arg15 : memref<80x128xf32, #tpu.memory_space<vmem>>) target_semaphore(%run_scoped3A : memref<!tpu.dma_semaphore, #tpu.memory_space<semaphore_mem>>)
        %dma_wait3A_365 = arith.constant 0 : i32
        %dma_wait3A_366 = tpu.memref_slice %arg9[%add3A_311, %dma_wait3A_365] : memref<320000x128xf32, #tpu.memory_space<hbm>> -> memref<80x128xf32, #tpu.memory_space<hbm>>
        %dma_wait3A_367 = arith.constant 0 : i32
        %dma_wait3A_368 = tpu.memref_slice %arg9[%add3A_311, %dma_wait3A_367] : memref<320000x128xf32, #tpu.memory_space<hbm>> -> memref<80x128xf32, #tpu.memory_space<hbm>>
        tpu.wait_dma2 semaphore(%run_scoped3A : memref<!tpu.dma_semaphore, #tpu.memory_space<semaphore_mem>>) src(%dma_wait3A_368 : memref<80x128xf32, #tpu.memory_space<hbm>>) dst(%arg15 : memref<80x128xf32, #tpu.memory_space<vmem>>)
        tpu.yield
      }) : () -> ()
      %scan3A_338 = arith.constant 0 : i32
      %scan3A_339 = arith.constant 0 : i32
      %scan3A_340 = arith.constant 80 : i32
      %scan3A_341 = arith.addi %scan3A_339, %scan3A_340 : i32
      %scan3A_342 = arith.constant 1 : i32
      %scan3A_343 = scf.for %scan3A_361 = %scan3A_339 to %scan3A_341 step %scan3A_342 iter_args(%scan3A_362 = %scan3A_338) -> (i32)  : i32 {
        %get3A = arith.index_cast %scan3A_361 : i32 to index
        %get3A_363 = arith.constant 64 : index
        %get3A_364 = tpu.vector_load %arg15[%get3A, %get3A_363] {strides = array<i32>} : memref<80x128xf32, #tpu.memory_space<vmem>>, vector<1x16xf32>,
        %get3A_365 = vector.shape_cast %get3A_364 : vector<1x16xf32> to vector<16xf32>
        %scan3A_366 = arith.constant 0 : i32
        %scan3A_367 = arith.constant 0 : i32
        %scan3A_368 = arith.constant 8 : i32
        %scan3A_369 = arith.addi %scan3A_367, %scan3A_368 : i32
        %scan3A_370 = arith.constant 1 : i32
        %scan3A_371 = scf.for %scan3A_374 = %scan3A_367 to %scan3A_369 step %scan3A_370 iter_args(%scan3A_375 = %scan3A_366) -> (i32)  : i32 {
          %mul3A_376 = arith.constant 16 : i32
          %mul3A_377 = arith.muli %scan3A_374, %mul3A_376 : i32
          %get3A_378 = arith.index_cast %scan3A_361 : i32 to index
          %get3A_379 = arith.index_cast %mul3A_377 : i32 to index
          %get3A_380 = tpu.vector_load %arg14[%get3A_378, %get3A_379] {strides = array<i32>} : memref<80x128xf32, #tpu.memory_space<vmem>>, vector<1x16xf32>,
          %get3A_381 = vector.shape_cast %get3A_380 : vector<1x16xf32> to vector<16xf32>
          %mul3A_382 = arith.mulf %get3A_381, %get3A_365 : vector<16xf32>
          %swap3A = arith.index_cast %scan3A_361 : i32 to index
          %swap3A_383 = arith.index_cast %mul3A_377 : i32 to index
          %swap3A_384 = tpu.vector_load %arg14[%swap3A, %swap3A_383] {strides = array<i32>} : memref<80x128xf32, #tpu.memory_space<vmem>>, vector<1x16xf32>,
          %swap3A_385 = vector.shape_cast %swap3A_384 : vector<1x16xf32> to vector<16xf32>
          %swap3A_386 = vector.shape_cast %mul3A_382 : vector<16xf32> to vector<1x16xf32>
          tpu.vector_store %arg14[%swap3A, %swap3A_383], %swap3A_386 {strides = array<i32>} : memref<80x128xf32, #tpu.memory_space<vmem>>, vector<1x16xf32>,
          %scan3A_387 = arith.constant 0 : i32
          scf.yield %scan3A_387 : i32
        }
        %scan3A_372 = arith.constant 8 : i32
        %scan3A_373 = arith.constant 0 : i32
        scf.yield %scan3A_373 : i32
      }
      %scan3A_344 = arith.constant 80 : i32
      "tpu.region"() ({
        %run_scoped3A = tpu.sem_alloc : memref<!tpu.dma_semaphore, #tpu.memory_space<semaphore_mem>>
        %dma_start3A_361 = arith.constant 0 : i32
        %dma_start3A_362 = arith.constant 0 : i32
        %dma_start3A_363 = tpu.memref_slice %arg17[%dma_start3A_361, %dma_start3A_362] : memref<10000x128xf32, #tpu.memory_space<vmem_shared>> -> memref<10000x128xf32, #tpu.memory_space<vmem_shared>>
        tpu.enqueue_indirect_dma source(%arg14 : memref<80x128xf32, #tpu.memory_space<vmem>>) target(%dma_start3A_363 : memref<10000x128xf32, #tpu.memory_space<vmem_shared>>) offsets(%arg11 : memref<80xi32, #tpu.memory_space<vmem>>) semaphore(%run_scoped3A : memref<!tpu.dma_semaphore, #tpu.memory_space<semaphore_mem>>) {add = true}
        %dma_wait3A_364 = arith.constant 0 : i32
        %dma_wait3A_365 = arith.constant 0 : i32
        %dma_wait3A_366 = tpu.memref_slice %arg17[%dma_wait3A_364, %dma_wait3A_365] : memref<10000x128xf32, #tpu.memory_space<vmem_shared>> -> memref<10000x128xf32, #tpu.memory_space<vmem_shared>>
        tpu.wait_indirect_dma semaphore(%run_scoped3A : memref<!tpu.dma_semaphore, #tpu.memory_space<semaphore_mem>>) src(%arg14 : memref<80x128xf32, #tpu.memory_space<vmem>>) dst(%dma_wait3A_366 : memref<10000x128xf32, #tpu.memory_space<vmem_shared>>)
        tpu.yield
      }) : () -> ()
      %dma_wait3A_345 = arith.constant 2 : i32
      %dma_wait3A_346 = arith.constant 0 : i32
      %dma_wait3A_347 = arith.constant 0 : i32
      %dma_wait3A_348 = tpu.memref_slice %arg4[%dma_wait3A_345, %dma_wait3A_346, %dma_wait3A_347] : memref<4x10000x128xf32, #tpu.memory_space<hbm>> -> memref<1x10000x128xf32, #tpu.memory_space<hbm>>
      %dma_wait3A_349 = tpu.memref_squeeze %dma_wait3A_348 : memref<1x10000x128xf32, #tpu.memory_space<hbm>> -> memref<10000x128xf32, #tpu.memory_space<hbm>>
      %dma_wait3A_350 = arith.constant 0 : i32
      %dma_wait3A_351 = arith.constant 0 : i32
      %dma_wait3A_352 = tpu.memref_slice %dma_wait3A_349[%dma_wait3A_350, %dma_wait3A_351] : memref<10000x128xf32, #tpu.memory_space<hbm>> -> memref<10000x128xf32, #tpu.memory_space<hbm>>
      tpu.wait_indirect_dma semaphore(%arg19 : memref<!tpu.dma_semaphore, #tpu.memory_space<semaphore_mem>>) src(%dma_wait3A_352 : memref<10000x128xf32, #tpu.memory_space<hbm>>) dst(%arg16 : memref<80x128xf32, #tpu.memory_space<vmem>>)
      "tpu.region"() ({
        %run_scoped3A = tpu.sem_alloc : memref<!tpu.dma_semaphore, #tpu.memory_space<semaphore_mem>>
        %dma_start3A_361 = arith.constant 0 : i32
        %dma_start3A_362 = tpu.memref_slice %arg9[%add3A_313, %dma_start3A_361] : memref<320000x128xf32, #tpu.memory_space<hbm>> -> memref<80x128xf32, #tpu.memory_space<hbm>>
        %dma_start3A_363 = arith.constant 0 : i32
        %dma_start3A_364 = tpu.memref_slice %arg9[%add3A_313, %dma_start3A_363] : memref<320000x128xf32, #tpu.memory_space<hbm>> -> memref<80x128xf32, #tpu.memory_space<hbm>>
        tpu.enqueue_dma source(%dma_start3A_364 : memref<80x128xf32, #tpu.memory_space<hbm>>) target(%arg15 : memref<80x128xf32, #tpu.memory_space<vmem>>) target_semaphore(%run_scoped3A : memref<!tpu.dma_semaphore, #tpu.memory_space<semaphore_mem>>)
        %dma_wait3A_365 = arith.constant 0 : i32
        %dma_wait3A_366 = tpu.memref_slice %arg9[%add3A_313, %dma_wait3A_365] : memref<320000x128xf32, #tpu.memory_space<hbm>> -> memref<80x128xf32, #tpu.memory_space<hbm>>
        %dma_wait3A_367 = arith.constant 0 : i32
        %dma_wait3A_368 = tpu.memref_slice %arg9[%add3A_313, %dma_wait3A_367] : memref<320000x128xf32, #tpu.memory_space<hbm>> -> memref<80x128xf32, #tpu.memory_space<hbm>>
        tpu.wait_dma2 semaphore(%run_scoped3A : memref<!tpu.dma_semaphore, #tpu.memory_space<semaphore_mem>>) src(%dma_wait3A_368 : memref<80x128xf32, #tpu.memory_space<hbm>>) dst(%arg15 : memref<80x128xf32, #tpu.memory_space<vmem>>)
        tpu.yield
      }) : () -> ()
      %scan3A_353 = arith.constant 0 : i32
      %scan3A_354 = arith.constant 0 : i32
      %scan3A_355 = arith.constant 80 : i32
      %scan3A_356 = arith.addi %scan3A_354, %scan3A_355 : i32
      %scan3A_357 = arith.constant 1 : i32
      %scan3A_358 = scf.for %scan3A_361 = %scan3A_354 to %scan3A_356 step %scan3A_357 iter_args(%scan3A_362 = %scan3A_353) -> (i32)  : i32 {
        %get3A = arith.index_cast %scan3A_361 : i32 to index
        %get3A_363 = arith.constant 64 : index
        %get3A_364 = tpu.vector_load %arg15[%get3A, %get3A_363] {strides = array<i32>} : memref<80x128xf32, #tpu.memory_space<vmem>>, vector<1x16xf32>,
        %get3A_365 = vector.shape_cast %get3A_364 : vector<1x16xf32> to vector<16xf32>
        %scan3A_366 = arith.constant 0 : i32
        %scan3A_367 = arith.constant 0 : i32
        %scan3A_368 = arith.constant 8 : i32
        %scan3A_369 = arith.addi %scan3A_367, %scan3A_368 : i32
        %scan3A_370 = arith.constant 1 : i32
        %scan3A_371 = scf.for %scan3A_374 = %scan3A_367 to %scan3A_369 step %scan3A_370 iter_args(%scan3A_375 = %scan3A_366) -> (i32)  : i32 {
          %mul3A_376 = arith.constant 16 : i32
          %mul3A_377 = arith.muli %scan3A_374, %mul3A_376 : i32
          %get3A_378 = arith.index_cast %scan3A_361 : i32 to index
          %get3A_379 = arith.index_cast %mul3A_377 : i32 to index
          %get3A_380 = tpu.vector_load %arg16[%get3A_378, %get3A_379] {strides = array<i32>} : memref<80x128xf32, #tpu.memory_space<vmem>>, vector<1x16xf32>,
          %get3A_381 = vector.shape_cast %get3A_380 : vector<1x16xf32> to vector<16xf32>
          %mul3A_382 = arith.mulf %get3A_381, %get3A_365 : vector<16xf32>
          %swap3A = arith.index_cast %scan3A_361 : i32 to index
          %swap3A_383 = arith.index_cast %mul3A_377 : i32 to index
          %swap3A_384 = tpu.vector_load %arg16[%swap3A, %swap3A_383] {strides = array<i32>} : memref<80x128xf32, #tpu.memory_space<vmem>>, vector<1x16xf32>,
          %swap3A_385 = vector.shape_cast %swap3A_384 : vector<1x16xf32> to vector<16xf32>
          %swap3A_386 = vector.shape_cast %mul3A_382 : vector<16xf32> to vector<1x16xf32>
          tpu.vector_store %arg16[%swap3A, %swap3A_383], %swap3A_386 {strides = array<i32>} : memref<80x128xf32, #tpu.memory_space<vmem>>, vector<1x16xf32>,
          %scan3A_387 = arith.constant 0 : i32
          scf.yield %scan3A_387 : i32
        }
        %scan3A_372 = arith.constant 8 : i32
        %scan3A_373 = arith.constant 0 : i32
        scf.yield %scan3A_373 : i32
      }
      %scan3A_359 = arith.constant 80 : i32
      "tpu.region"() ({
        %run_scoped3A = tpu.sem_alloc : memref<!tpu.dma_semaphore, #tpu.memory_space<semaphore_mem>>
        %dma_start3A_361 = arith.constant 0 : i32
        %dma_start3A_362 = arith.constant 0 : i32
        %dma_start3A_363 = tpu.memref_slice %arg17[%dma_start3A_361, %dma_start3A_362] : memref<10000x128xf32, #tpu.memory_space<vmem_shared>> -> memref<10000x128xf32, #tpu.memory_space<vmem_shared>>
        tpu.enqueue_indirect_dma source(%arg16 : memref<80x128xf32, #tpu.memory_space<vmem>>) target(%dma_start3A_363 : memref<10000x128xf32, #tpu.memory_space<vmem_shared>>) offsets(%arg13 : memref<80xi32, #tpu.memory_space<vmem>>) semaphore(%run_scoped3A : memref<!tpu.dma_semaphore, #tpu.memory_space<semaphore_mem>>) {add = true}
        %dma_wait3A_364 = arith.constant 0 : i32
        %dma_wait3A_365 = arith.constant 0 : i32
        %dma_wait3A_366 = tpu.memref_slice %arg17[%dma_wait3A_364, %dma_wait3A_365] : memref<10000x128xf32, #tpu.memory_space<vmem_shared>> -> memref<10000x128xf32, #tpu.memory_space<vmem_shared>>
        tpu.wait_indirect_dma semaphore(%run_scoped3A : memref<!tpu.dma_semaphore, #tpu.memory_space<semaphore_mem>>) src(%arg16 : memref<80x128xf32, #tpu.memory_space<vmem>>) dst(%dma_wait3A_366 : memref<10000x128xf32, #tpu.memory_space<vmem_shared>>)
        tpu.yield
      }) : () -> ()
      %scan3A_360 = arith.constant 0 : i32
      scf.yield %scan3A_360 : i32
    }
    %scan3A_199 = arith.constant 62 : i32
    %add3A_200 = arith.constant 9920 : i32
    %add3A_201 = arith.addi %mul3A_9, %add3A_200 : i32
    "tpu.region"() ({
      %run_scoped3A = tpu.sem_alloc : memref<!tpu.dma_semaphore, #tpu.memory_space<semaphore_mem>>
      %dma_start3A_305 = tpu.memref_slice %arg2[%add3A_201] : memref<320000xi32, #tpu.memory_space<hbm>> -> memref<80xi32, #tpu.memory_space<hbm>>
      %dma_start3A_306 = tpu.memref_slice %arg2[%add3A_201] : memref<320000xi32, #tpu.memory_space<hbm>> -> memref<80xi32, #tpu.memory_space<hbm>>
      tpu.enqueue_dma source(%dma_start3A_306 : memref<80xi32, #tpu.memory_space<hbm>>) target(%arg10 : memref<80xi32, #tpu.memory_space<vmem>>) target_semaphore(%run_scoped3A : memref<!tpu.dma_semaphore, #tpu.memory_space<semaphore_mem>>)
      %dma_wait3A_307 = tpu.memref_slice %arg2[%add3A_201] : memref<320000xi32, #tpu.memory_space<hbm>> -> memref<80xi32, #tpu.memory_space<hbm>>
      %dma_wait3A_308 = tpu.memref_slice %arg2[%add3A_201] : memref<320000xi32, #tpu.memory_space<hbm>> -> memref<80xi32, #tpu.memory_space<hbm>>
      tpu.wait_dma2 semaphore(%run_scoped3A : memref<!tpu.dma_semaphore, #tpu.memory_space<semaphore_mem>>) src(%dma_wait3A_308 : memref<80xi32, #tpu.memory_space<hbm>>) dst(%arg10 : memref<80xi32, #tpu.memory_space<vmem>>)
      tpu.yield
    }) : () -> ()
    "tpu.region"() ({
      %run_scoped3A = tpu.sem_alloc : memref<!tpu.dma_semaphore, #tpu.memory_space<semaphore_mem>>
      %dma_start3A_305 = tpu.memref_slice %arg3[%add3A_201] : memref<320000xi32, #tpu.memory_space<hbm>> -> memref<80xi32, #tpu.memory_space<hbm>>
      %dma_start3A_306 = tpu.memref_slice %arg3[%add3A_201] : memref<320000xi32, #tpu.memory_space<hbm>> -> memref<80xi32, #tpu.memory_space<hbm>>
      tpu.enqueue_dma source(%dma_start3A_306 : memref<80xi32, #tpu.memory_space<hbm>>) target(%arg11 : memref<80xi32, #tpu.memory_space<vmem>>) target_semaphore(%run_scoped3A : memref<!tpu.dma_semaphore, #tpu.memory_space<semaphore_mem>>)
      %dma_wait3A_307 = tpu.memref_slice %arg3[%add3A_201] : memref<320000xi32, #tpu.memory_space<hbm>> -> memref<80xi32, #tpu.memory_space<hbm>>
      %dma_wait3A_308 = tpu.memref_slice %arg3[%add3A_201] : memref<320000xi32, #tpu.memory_space<hbm>> -> memref<80xi32, #tpu.memory_space<hbm>>
      tpu.wait_dma2 semaphore(%run_scoped3A : memref<!tpu.dma_semaphore, #tpu.memory_space<semaphore_mem>>) src(%dma_wait3A_308 : memref<80xi32, #tpu.memory_space<hbm>>) dst(%arg11 : memref<80xi32, #tpu.memory_space<vmem>>)
      tpu.yield
    }) : () -> ()
    %dma_start3A_202 = arith.constant 2 : i32
    %dma_start3A_203 = arith.constant 0 : i32
    %dma_start3A_204 = arith.constant 0 : i32
    %dma_start3A_205 = tpu.memref_slice %arg4[%dma_start3A_202, %dma_start3A_203, %dma_start3A_204] : memref<4x10000x128xf32, #tpu.memory_space<hbm>> -> memref<1x10000x128xf32, #tpu.memory_space<hbm>>
    %dma_start3A_206 = tpu.memref_squeeze %dma_start3A_205 : memref<1x10000x128xf32, #tpu.memory_space<hbm>> -> memref<10000x128xf32, #tpu.memory_space<hbm>>
    %dma_start3A_207 = arith.constant 0 : i32
    %dma_start3A_208 = arith.constant 0 : i32
    %dma_start3A_209 = tpu.memref_slice %dma_start3A_206[%dma_start3A_207, %dma_start3A_208] : memref<10000x128xf32, #tpu.memory_space<hbm>> -> memref<10000x128xf32, #tpu.memory_space<hbm>>
    tpu.enqueue_indirect_dma source(%dma_start3A_209 : memref<10000x128xf32, #tpu.memory_space<hbm>>) target(%arg14 : memref<80x128xf32, #tpu.memory_space<vmem>>) offsets(%arg10 : memref<80xi32, #tpu.memory_space<vmem>>) semaphore(%arg18 : memref<!tpu.dma_semaphore, #tpu.memory_space<semaphore_mem>>)
    %dma_wait3A_210 = arith.constant 2 : i32
    %dma_wait3A_211 = arith.constant 0 : i32
    %dma_wait3A_212 = arith.constant 0 : i32
    %dma_wait3A_213 = tpu.memref_slice %arg4[%dma_wait3A_210, %dma_wait3A_211, %dma_wait3A_212] : memref<4x10000x128xf32, #tpu.memory_space<hbm>> -> memref<1x10000x128xf32, #tpu.memory_space<hbm>>
    %dma_wait3A_214 = tpu.memref_squeeze %dma_wait3A_213 : memref<1x10000x128xf32, #tpu.memory_space<hbm>> -> memref<10000x128xf32, #tpu.memory_space<hbm>>
    %dma_wait3A_215 = arith.constant 0 : i32
    %dma_wait3A_216 = arith.constant 0 : i32
    %dma_wait3A_217 = tpu.memref_slice %dma_wait3A_214[%dma_wait3A_215, %dma_wait3A_216] : memref<10000x128xf32, #tpu.memory_space<hbm>> -> memref<10000x128xf32, #tpu.memory_space<hbm>>
    tpu.wait_indirect_dma semaphore(%arg18 : memref<!tpu.dma_semaphore, #tpu.memory_space<semaphore_mem>>) src(%dma_wait3A_217 : memref<10000x128xf32, #tpu.memory_space<hbm>>) dst(%arg14 : memref<80x128xf32, #tpu.memory_space<vmem>>)
    "tpu.region"() ({
      %run_scoped3A = tpu.sem_alloc : memref<!tpu.dma_semaphore, #tpu.memory_space<semaphore_mem>>
      %dma_start3A_305 = arith.constant 0 : i32
      %dma_start3A_306 = tpu.memref_slice %arg9[%add3A_201, %dma_start3A_305] : memref<320000x128xf32, #tpu.memory_space<hbm>> -> memref<80x128xf32, #tpu.memory_space<hbm>>
      %dma_start3A_307 = arith.constant 0 : i32
      %dma_start3A_308 = tpu.memref_slice %arg9[%add3A_201, %dma_start3A_307] : memref<320000x128xf32, #tpu.memory_space<hbm>> -> memref<80x128xf32, #tpu.memory_space<hbm>>
      tpu.enqueue_dma source(%dma_start3A_308 : memref<80x128xf32, #tpu.memory_space<hbm>>) target(%arg15 : memref<80x128xf32, #tpu.memory_space<vmem>>) target_semaphore(%run_scoped3A : memref<!tpu.dma_semaphore, #tpu.memory_space<semaphore_mem>>)
      %dma_wait3A_309 = arith.constant 0 : i32
      %dma_wait3A_310 = tpu.memref_slice %arg9[%add3A_201, %dma_wait3A_309] : memref<320000x128xf32, #tpu.memory_space<hbm>> -> memref<80x128xf32, #tpu.memory_space<hbm>>
      %dma_wait3A_311 = arith.constant 0 : i32
      %dma_wait3A_312 = tpu.memref_slice %arg9[%add3A_201, %dma_wait3A_311] : memref<320000x128xf32, #tpu.memory_space<hbm>> -> memref<80x128xf32, #tpu.memory_space<hbm>>
      tpu.wait_dma2 semaphore(%run_scoped3A : memref<!tpu.dma_semaphore, #tpu.memory_space<semaphore_mem>>) src(%dma_wait3A_312 : memref<80x128xf32, #tpu.memory_space<hbm>>) dst(%arg15 : memref<80x128xf32, #tpu.memory_space<vmem>>)
      tpu.yield
    }) : () -> ()
    %scan3A_218 = arith.constant 0 : i32
    %scan3A_219 = arith.constant 0 : i32
    %scan3A_220 = arith.constant 80 : i32
    %scan3A_221 = arith.addi %scan3A_219, %scan3A_220 : i32
    %scan3A_222 = arith.constant 1 : i32
    %scan3A_223 = scf.for %scan3A_305 = %scan3A_219 to %scan3A_221 step %scan3A_222 iter_args(%scan3A_306 = %scan3A_218) -> (i32)  : i32 {
      %get3A = arith.index_cast %scan3A_305 : i32 to index
      %get3A_307 = arith.constant 64 : index
      %get3A_308 = tpu.vector_load %arg15[%get3A, %get3A_307] {strides = array<i32>} : memref<80x128xf32, #tpu.memory_space<vmem>>, vector<1x16xf32>,
      %get3A_309 = vector.shape_cast %get3A_308 : vector<1x16xf32> to vector<16xf32>
      %scan3A_310 = arith.constant 0 : i32
      %scan3A_311 = arith.constant 0 : i32
      %scan3A_312 = arith.constant 8 : i32
      %scan3A_313 = arith.addi %scan3A_311, %scan3A_312 : i32
      %scan3A_314 = arith.constant 1 : i32
      %scan3A_315 = scf.for %scan3A_318 = %scan3A_311 to %scan3A_313 step %scan3A_314 iter_args(%scan3A_319 = %scan3A_310) -> (i32)  : i32 {
        %mul3A_320 = arith.constant 16 : i32
        %mul3A_321 = arith.muli %scan3A_318, %mul3A_320 : i32
        %get3A_322 = arith.index_cast %scan3A_305 : i32 to index
        %get3A_323 = arith.index_cast %mul3A_321 : i32 to index
        %get3A_324 = tpu.vector_load %arg14[%get3A_322, %get3A_323] {strides = array<i32>} : memref<80x128xf32, #tpu.memory_space<vmem>>, vector<1x16xf32>,
        %get3A_325 = vector.shape_cast %get3A_324 : vector<1x16xf32> to vector<16xf32>
        %mul3A_326 = arith.mulf %get3A_325, %get3A_309 : vector<16xf32>
        %swap3A = arith.index_cast %scan3A_305 : i32 to index
        %swap3A_327 = arith.index_cast %mul3A_321 : i32 to index
        %swap3A_328 = tpu.vector_load %arg14[%swap3A, %swap3A_327] {strides = array<i32>} : memref<80x128xf32, #tpu.memory_space<vmem>>, vector<1x16xf32>,
        %swap3A_329 = vector.shape_cast %swap3A_328 : vector<1x16xf32> to vector<16xf32>
        %swap3A_330 = vector.shape_cast %mul3A_326 : vector<16xf32> to vector<1x16xf32>
        tpu.vector_store %arg14[%swap3A, %swap3A_327], %swap3A_330 {strides = array<i32>} : memref<80x128xf32, #tpu.memory_space<vmem>>, vector<1x16xf32>,
        %scan3A_331 = arith.constant 0 : i32
        scf.yield %scan3A_331 : i32
      }
      %scan3A_316 = arith.constant 8 : i32
      %scan3A_317 = arith.constant 0 : i32
      scf.yield %scan3A_317 : i32
    }
    %scan3A_224 = arith.constant 80 : i32
    "tpu.region"() ({
      %run_scoped3A = tpu.sem_alloc : memref<!tpu.dma_semaphore, #tpu.memory_space<semaphore_mem>>
      %dma_start3A_305 = arith.constant 0 : i32
      %dma_start3A_306 = arith.constant 0 : i32
      %dma_start3A_307 = tpu.memref_slice %arg17[%dma_start3A_305, %dma_start3A_306] : memref<10000x128xf32, #tpu.memory_space<vmem_shared>> -> memref<10000x128xf32, #tpu.memory_space<vmem_shared>>
      tpu.enqueue_indirect_dma source(%arg14 : memref<80x128xf32, #tpu.memory_space<vmem>>) target(%dma_start3A_307 : memref<10000x128xf32, #tpu.memory_space<vmem_shared>>) offsets(%arg11 : memref<80xi32, #tpu.memory_space<vmem>>) semaphore(%run_scoped3A : memref<!tpu.dma_semaphore, #tpu.memory_space<semaphore_mem>>) {add = true}
      %dma_wait3A_308 = arith.constant 0 : i32
      %dma_wait3A_309 = arith.constant 0 : i32
      %dma_wait3A_310 = tpu.memref_slice %arg17[%dma_wait3A_308, %dma_wait3A_309] : memref<10000x128xf32, #tpu.memory_space<vmem_shared>> -> memref<10000x128xf32, #tpu.memory_space<vmem_shared>>
      tpu.wait_indirect_dma semaphore(%run_scoped3A : memref<!tpu.dma_semaphore, #tpu.memory_space<semaphore_mem>>) src(%arg14 : memref<80x128xf32, #tpu.memory_space<vmem>>) dst(%dma_wait3A_310 : memref<10000x128xf32, #tpu.memory_space<vmem_shared>>)
      tpu.yield
    }) : () -> ()
    %barrier3A_225 = arith.constant 0 : index
    tpu.barrier barrier_id(%barrier3A_225)
    %lt3A_226 = arith.constant 15 : i32
    %lt3A_227 = arith.cmpi slt, %arg1, %lt3A_226 : i32
    %convert_element_type3A_228 = arith.extui %lt3A_227 : i1 to i32
    %cond3A_229 = arith.constant 2 : i32
    %cond3A_230 = arith.constant 0 : i32
    %cond3A_231 = arith.cmpi ne, %convert_element_type3A_228, %cond3A_230 : i32
    scf.if %cond3A_231 {
      "tpu.region"() ({
        %run_scoped3A = tpu.sem_alloc : memref<!tpu.dma_semaphore, #tpu.memory_space<semaphore_mem>>
        %dma_start3A_305 = arith.constant 0 : i32
        %dma_start3A_306 = arith.constant 0 : i32
        %dma_start3A_307 = tpu.memref_slice %arg7[%cond3A_229, %arg0, %dma_start3A_305, %dma_start3A_306] : memref<4x2x10000x128xf32, #tpu.memory_space<hbm>> -> memref<1x1x10000x128xf32, #tpu.memory_space<hbm>>
        %dma_start3A_308 = tpu.memref_squeeze %dma_start3A_307 : memref<1x1x10000x128xf32, #tpu.memory_space<hbm>> -> memref<10000x128xf32, #tpu.memory_space<hbm>>
        %dma_start3A_309 = arith.constant 0 : i32
        %dma_start3A_310 = tpu.memref_slice %dma_start3A_308[%mul3A_3, %dma_start3A_309] : memref<10000x128xf32, #tpu.memory_space<hbm>> -> memref<632x128xf32, #tpu.memory_space<hbm>>
        %dma_start3A_311 = arith.constant 0 : i32
        %dma_start3A_312 = tpu.memref_slice %arg17[%mul3A_3, %dma_start3A_311] : memref<10000x128xf32, #tpu.memory_space<vmem_shared>> -> memref<632x128xf32, #tpu.memory_space<vmem_shared>>
        tpu.enqueue_dma source(%dma_start3A_312 : memref<632x128xf32, #tpu.memory_space<vmem_shared>>) target(%dma_start3A_310 : memref<632x128xf32, #tpu.memory_space<hbm>>) target_semaphore(%run_scoped3A : memref<!tpu.dma_semaphore, #tpu.memory_space<semaphore_mem>>)
        %dma_wait3A_313 = arith.constant 0 : i32
        %dma_wait3A_314 = arith.constant 0 : i32
        %dma_wait3A_315 = tpu.memref_slice %arg7[%cond3A_229, %arg0, %dma_wait3A_313, %dma_wait3A_314] : memref<4x2x10000x128xf32, #tpu.memory_space<hbm>> -> memref<1x1x10000x128xf32, #tpu.memory_space<hbm>>
        %dma_wait3A_316 = tpu.memref_squeeze %dma_wait3A_315 : memref<1x1x10000x128xf32, #tpu.memory_space<hbm>> -> memref<10000x128xf32, #tpu.memory_space<hbm>>
        %dma_wait3A_317 = arith.constant 0 : i32
        %dma_wait3A_318 = tpu.memref_slice %dma_wait3A_316[%mul3A_3, %dma_wait3A_317] : memref<10000x128xf32, #tpu.memory_space<hbm>> -> memref<632x128xf32, #tpu.memory_space<hbm>>
        %dma_wait3A_319 = arith.constant 0 : i32
        %dma_wait3A_320 = tpu.memref_slice %arg17[%mul3A_3, %dma_wait3A_319] : memref<10000x128xf32, #tpu.memory_space<vmem_shared>> -> memref<632x128xf32, #tpu.memory_space<vmem_shared>>
        tpu.wait_dma2 semaphore(%run_scoped3A : memref<!tpu.dma_semaphore, #tpu.memory_space<semaphore_mem>>) src(%dma_wait3A_320 : memref<632x128xf32, #tpu.memory_space<vmem_shared>>) dst(%dma_wait3A_318 : memref<632x128xf32, #tpu.memory_space<hbm>>)
        tpu.yield
      }) : () -> ()
    } else {
    }
    %eq3A_232 = arith.constant 15 : i32
    %eq3A_233 = arith.cmpi eq, %arg1, %eq3A_232 : i32
    %convert_element_type3A_234 = arith.extui %eq3A_233 : i1 to i32
    %cond3A_235 = arith.constant 2 : i32
    %cond3A_236 = arith.constant 0 : i32
    %cond3A_237 = arith.cmpi ne, %convert_element_type3A_234, %cond3A_236 : i32
    scf.if %cond3A_237 {
      "tpu.region"() ({
        %run_scoped3A = tpu.sem_alloc : memref<!tpu.dma_semaphore, #tpu.memory_space<semaphore_mem>>
        %dma_start3A_305 = arith.constant 0 : i32
        %dma_start3A_306 = arith.constant 0 : i32
        %dma_start3A_307 = tpu.memref_slice %arg7[%cond3A_235, %arg0, %dma_start3A_305, %dma_start3A_306] : memref<4x2x10000x128xf32, #tpu.memory_space<hbm>> -> memref<1x1x10000x128xf32, #tpu.memory_space<hbm>>
        %dma_start3A_308 = tpu.memref_squeeze %dma_start3A_307 : memref<1x1x10000x128xf32, #tpu.memory_space<hbm>> -> memref<10000x128xf32, #tpu.memory_space<hbm>>
        %dma_start3A_309 = arith.constant 9480 : i32
        %dma_start3A_310 = arith.constant 0 : i32
        %dma_start3A_311 = tpu.memref_slice %dma_start3A_308[%dma_start3A_309, %dma_start3A_310] : memref<10000x128xf32, #tpu.memory_space<hbm>> -> memref<520x128xf32, #tpu.memory_space<hbm>>
        %dma_start3A_312 = arith.constant 9480 : i32
        %dma_start3A_313 = arith.constant 0 : i32
        %dma_start3A_314 = tpu.memref_slice %arg17[%dma_start3A_312, %dma_start3A_313] : memref<10000x128xf32, #tpu.memory_space<vmem_shared>> -> memref<520x128xf32, #tpu.memory_space<vmem_shared>>
        tpu.enqueue_dma source(%dma_start3A_314 : memref<520x128xf32, #tpu.memory_space<vmem_shared>>) target(%dma_start3A_311 : memref<520x128xf32, #tpu.memory_space<hbm>>) target_semaphore(%run_scoped3A : memref<!tpu.dma_semaphore, #tpu.memory_space<semaphore_mem>>)
        %dma_wait3A_315 = arith.constant 0 : i32
        %dma_wait3A_316 = arith.constant 0 : i32
        %dma_wait3A_317 = tpu.memref_slice %arg7[%cond3A_235, %arg0, %dma_wait3A_315, %dma_wait3A_316] : memref<4x2x10000x128xf32, #tpu.memory_space<hbm>> -> memref<1x1x10000x128xf32, #tpu.memory_space<hbm>>
        %dma_wait3A_318 = tpu.memref_squeeze %dma_wait3A_317 : memref<1x1x10000x128xf32, #tpu.memory_space<hbm>> -> memref<10000x128xf32, #tpu.memory_space<hbm>>
        %dma_wait3A_319 = arith.constant 9480 : i32
        %dma_wait3A_320 = arith.constant 0 : i32
        %dma_wait3A_321 = tpu.memref_slice %dma_wait3A_318[%dma_wait3A_319, %dma_wait3A_320] : memref<10000x128xf32, #tpu.memory_space<hbm>> -> memref<520x128xf32, #tpu.memory_space<hbm>>
        %dma_wait3A_322 = arith.constant 9480 : i32
        %dma_wait3A_323 = arith.constant 0 : i32
        %dma_wait3A_324 = tpu.memref_slice %arg17[%dma_wait3A_322, %dma_wait3A_323] : memref<10000x128xf32, #tpu.memory_space<vmem_shared>> -> memref<520x128xf32, #tpu.memory_space<vmem_shared>>
        tpu.wait_dma2 semaphore(%run_scoped3A : memref<!tpu.dma_semaphore, #tpu.memory_space<semaphore_mem>>) src(%dma_wait3A_324 : memref<520x128xf32, #tpu.memory_space<vmem_shared>>) dst(%dma_wait3A_321 : memref<520x128xf32, #tpu.memory_space<hbm>>)
        tpu.yield
      }) : () -> ()
    } else {
    }
    %barrier3A_238 = arith.constant 0 : index
    tpu.barrier barrier_id(%barrier3A_238)
    %scan3A_239 = arith.constant 0 : i32
    %scan3A_240 = arith.constant 0 : i32
    %scan3A_241 = arith.constant 8 : i32
    %scan3A_242 = arith.addi %scan3A_240, %scan3A_241 : i32
    %scan3A_243 = arith.constant 1 : i32
    %scan3A_244 = scf.for %scan3A_305 = %scan3A_240 to %scan3A_242 step %scan3A_243 iter_args(%scan3A_306 = %scan3A_239) -> (i32)  : i32 {
      %scan3A_307 = arith.constant 0 : i32
      %scan3A_308 = arith.constant 0 : i32
      %scan3A_309 = arith.constant 8 : i32
      %scan3A_310 = arith.addi %scan3A_308, %scan3A_309 : i32
      %scan3A_311 = arith.constant 1 : i32
      %scan3A_312 = scf.for %scan3A_314 = %scan3A_308 to %scan3A_310 step %scan3A_311 iter_args(%scan3A_315 = %scan3A_307) -> (i32)  : i32 {
        %mul3A_316 = arith.constant 16 : i32
        %mul3A_317 = arith.muli %scan3A_314, %mul3A_316 : i32
        %swap3A = arith.index_cast %scan3A_305 : i32 to index
        %swap3A_318 = arith.index_cast %mul3A_317 : i32 to index
        %swap3A_319 = tpu.vector_load %arg14[%swap3A, %swap3A_318] {strides = array<i32>} : memref<80x128xf32, #tpu.memory_space<vmem>>, vector<1x16xf32>,
        %swap3A_320 = vector.shape_cast %swap3A_319 : vector<1x16xf32> to vector<16xf32>
        %swap3A_321 = vector.shape_cast %broadcast_in_dim3A_0 : vector<16xf32> to vector<1x16xf32>
        tpu.vector_store %arg14[%swap3A, %swap3A_318], %swap3A_321 {strides = array<i32>} : memref<80x128xf32, #tpu.memory_space<vmem>>, vector<1x16xf32>,
        %scan3A_322 = arith.constant 0 : i32
        scf.yield %scan3A_322 : i32
      }
      %scan3A_313 = arith.constant 8 : i32
      scf.yield %scan3A_312 : i32
    }
    %scan3A_245 = arith.constant 8 : i32
    %while3A_246 = arith.constant 0 : i32
    %while3A_247 = arith.constant 0 : i32
    %while3A_248 = arith.subi %select_n3A, %while3A_246 : i32
    %while3A_249 = arith.addi %while3A_246, %while3A_248 : i32
    %while3A_250 = arith.constant 1 : i32
    %while3A_251 = arith.divsi %while3A_248, %while3A_250 : i32
    %while3A_252 = arith.muli %while3A_251, %while3A_250 : i32
    %while3A_253 = arith.addi %while3A_246, %while3A_252 : i32
    %while3A_254 = arith.constant 1 : i32
    %while3A_255 = scf.for %while3A_305 = %while3A_246 to %while3A_253 step %while3A_254 iter_args(%while3A_306 = %while3A_247) -> (i32)  : i32 {
      %mul3A_307 = arith.constant 8 : i32
      %mul3A_308 = arith.muli %while3A_305, %mul3A_307 : i32
      %add3A_309 = arith.addi %mul3A_3, %mul3A_308 : i32
      "tpu.region"() ({
        %run_scoped3A = tpu.sem_alloc : memref<!tpu.dma_semaphore, #tpu.memory_space<semaphore_mem>>
        %dma_start3A_311 = arith.constant 0 : i32
        %dma_start3A_312 = arith.constant 0 : i32
        %dma_start3A_313 = tpu.memref_slice %arg14[%dma_start3A_311, %dma_start3A_312] : memref<80x128xf32, #tpu.memory_space<vmem>> -> memref<8x128xf32, #tpu.memory_space<vmem>>
        %dma_start3A_314 = arith.constant 0 : i32
        %dma_start3A_315 = tpu.memref_slice %arg17[%add3A_309, %dma_start3A_314] : memref<10000x128xf32, #tpu.memory_space<vmem_shared>> -> memref<8x128xf32, #tpu.memory_space<vmem_shared>>
        %dma_start3A_316 = arith.constant 0 : i32
        %dma_start3A_317 = tpu.memref_slice %arg17[%add3A_309, %dma_start3A_316] : memref<10000x128xf32, #tpu.memory_space<vmem_shared>> -> memref<8x128xf32, #tpu.memory_space<vmem_shared>>
        %dma_start3A_318 = arith.constant 0 : i32
        %dma_start3A_319 = arith.constant 0 : i32
        %dma_start3A_320 = tpu.memref_slice %arg14[%dma_start3A_318, %dma_start3A_319] : memref<80x128xf32, #tpu.memory_space<vmem>> -> memref<8x128xf32, #tpu.memory_space<vmem>>
        tpu.enqueue_dma source(%dma_start3A_320 : memref<8x128xf32, #tpu.memory_space<vmem>>) target(%dma_start3A_317 : memref<8x128xf32, #tpu.memory_space<vmem_shared>>) target_semaphore(%run_scoped3A : memref<!tpu.dma_semaphore, #tpu.memory_space<semaphore_mem>>)
        %dma_wait3A_321 = arith.constant 0 : i32
        %dma_wait3A_322 = arith.constant 0 : i32
        %dma_wait3A_323 = tpu.memref_slice %arg14[%dma_wait3A_321, %dma_wait3A_322] : memref<80x128xf32, #tpu.memory_space<vmem>> -> memref<8x128xf32, #tpu.memory_space<vmem>>
        %dma_wait3A_324 = arith.constant 0 : i32
        %dma_wait3A_325 = tpu.memref_slice %arg17[%add3A_309, %dma_wait3A_324] : memref<10000x128xf32, #tpu.memory_space<vmem_shared>> -> memref<8x128xf32, #tpu.memory_space<vmem_shared>>
        %dma_wait3A_326 = arith.constant 0 : i32
        %dma_wait3A_327 = tpu.memref_slice %arg17[%add3A_309, %dma_wait3A_326] : memref<10000x128xf32, #tpu.memory_space<vmem_shared>> -> memref<8x128xf32, #tpu.memory_space<vmem_shared>>
        %dma_wait3A_328 = arith.constant 0 : i32
        %dma_wait3A_329 = arith.constant 0 : i32
        %dma_wait3A_330 = tpu.memref_slice %arg14[%dma_wait3A_328, %dma_wait3A_329] : memref<80x128xf32, #tpu.memory_space<vmem>> -> memref<8x128xf32, #tpu.memory_space<vmem>>
        tpu.wait_dma2 semaphore(%run_scoped3A : memref<!tpu.dma_semaphore, #tpu.memory_space<semaphore_mem>>) src(%dma_wait3A_330 : memref<8x128xf32, #tpu.memory_space<vmem>>) dst(%dma_wait3A_327 : memref<8x128xf32, #tpu.memory_space<vmem_shared>>)
        tpu.yield
      }) : () -> ()
      %while3A_310 = arith.constant 0 : i32
      scf.yield %while3A_310 : i32
    }
    %while3A_256 = arith.constant 1 : i32
    %while3A_257 = scf.for %while3A_305 = %while3A_253 to %while3A_249 step %while3A_256 iter_args(%while3A_306 = %while3A_255) -> (i32)  : i32 {
      %mul3A_307 = arith.constant 8 : i32
      %mul3A_308 = arith.muli %while3A_305, %mul3A_307 : i32
      %add3A_309 = arith.addi %mul3A_3, %mul3A_308 : i32
      "tpu.region"() ({
        %run_scoped3A = tpu.sem_alloc : memref<!tpu.dma_semaphore, #tpu.memory_space<semaphore_mem>>
        %dma_start3A_311 = arith.constant 0 : i32
        %dma_start3A_312 = arith.constant 0 : i32
        %dma_start3A_313 = tpu.memref_slice %arg14[%dma_start3A_311, %dma_start3A_312] : memref<80x128xf32, #tpu.memory_space<vmem>> -> memref<8x128xf32, #tpu.memory_space<vmem>>
        %dma_start3A_314 = arith.constant 0 : i32
        %dma_start3A_315 = tpu.memref_slice %arg17[%add3A_309, %dma_start3A_314] : memref<10000x128xf32, #tpu.memory_space<vmem_shared>> -> memref<8x128xf32, #tpu.memory_space<vmem_shared>>
        %dma_start3A_316 = arith.constant 0 : i32
        %dma_start3A_317 = tpu.memref_slice %arg17[%add3A_309, %dma_start3A_316] : memref<10000x128xf32, #tpu.memory_space<vmem_shared>> -> memref<8x128xf32, #tpu.memory_space<vmem_shared>>
        %dma_start3A_318 = arith.constant 0 : i32
        %dma_start3A_319 = arith.constant 0 : i32
        %dma_start3A_320 = tpu.memref_slice %arg14[%dma_start3A_318, %dma_start3A_319] : memref<80x128xf32, #tpu.memory_space<vmem>> -> memref<8x128xf32, #tpu.memory_space<vmem>>
        tpu.enqueue_dma source(%dma_start3A_320 : memref<8x128xf32, #tpu.memory_space<vmem>>) target(%dma_start3A_317 : memref<8x128xf32, #tpu.memory_space<vmem_shared>>) target_semaphore(%run_scoped3A : memref<!tpu.dma_semaphore, #tpu.memory_space<semaphore_mem>>)
        %dma_wait3A_321 = arith.constant 0 : i32
        %dma_wait3A_322 = arith.constant 0 : i32
        %dma_wait3A_323 = tpu.memref_slice %arg14[%dma_wait3A_321, %dma_wait3A_322] : memref<80x128xf32, #tpu.memory_space<vmem>> -> memref<8x128xf32, #tpu.memory_space<vmem>>
        %dma_wait3A_324 = arith.constant 0 : i32
        %dma_wait3A_325 = tpu.memref_slice %arg17[%add3A_309, %dma_wait3A_324] : memref<10000x128xf32, #tpu.memory_space<vmem_shared>> -> memref<8x128xf32, #tpu.memory_space<vmem_shared>>
        %dma_wait3A_326 = arith.constant 0 : i32
        %dma_wait3A_327 = tpu.memref_slice %arg17[%add3A_309, %dma_wait3A_326] : memref<10000x128xf32, #tpu.memory_space<vmem_shared>> -> memref<8x128xf32, #tpu.memory_space<vmem_shared>>
        %dma_wait3A_328 = arith.constant 0 : i32
        %dma_wait3A_329 = arith.constant 0 : i32
        %dma_wait3A_330 = tpu.memref_slice %arg14[%dma_wait3A_328, %dma_wait3A_329] : memref<80x128xf32, #tpu.memory_space<vmem>> -> memref<8x128xf32, #tpu.memory_space<vmem>>
        tpu.wait_dma2 semaphore(%run_scoped3A : memref<!tpu.dma_semaphore, #tpu.memory_space<semaphore_mem>>) src(%dma_wait3A_330 : memref<8x128xf32, #tpu.memory_space<vmem>>) dst(%dma_wait3A_327 : memref<8x128xf32, #tpu.memory_space<vmem_shared>>)
        tpu.yield
      }) : () -> ()
      %while3A_310 = arith.constant 0 : i32
      scf.yield %while3A_310 : i32
    }
    %barrier3A_258 = arith.constant 0 : index
    tpu.barrier barrier_id(%barrier3A_258)
    %scan3A_259 = arith.constant 0 : i32
    %scan3A_260 = arith.constant 0 : i32
    %scan3A_261 = arith.constant 62 : i32
    %scan3A_262 = arith.addi %scan3A_260, %scan3A_261 : i32
    %scan3A_263 = arith.constant 1 : i32
    %scan3A_264 = scf.for %scan3A_305 = %scan3A_260 to %scan3A_262 step %scan3A_263 iter_args(%scan3A_306 = %scan3A_259) -> (i32)  : i32 {
      %mul3A_307 = arith.constant 2 : i32
      %mul3A_308 = arith.muli %mul3A_307, %scan3A_305 : i32
      %mul3A_309 = arith.constant 80 : i32
      %mul3A_310 = arith.muli %mul3A_308, %mul3A_309 : i32
      %add3A_311 = arith.addi %mul3A_9, %mul3A_310 : i32
      %add3A_312 = arith.constant 80 : i32
      %add3A_313 = arith.addi %add3A_311, %add3A_312 : i32
      "tpu.region"() ({
        %run_scoped3A = tpu.sem_alloc : memref<!tpu.dma_semaphore, #tpu.memory_space<semaphore_mem>>
        %dma_start3A_361 = tpu.memref_slice %arg2[%add3A_311] : memref<320000xi32, #tpu.memory_space<hbm>> -> memref<80xi32, #tpu.memory_space<hbm>>
        %dma_start3A_362 = tpu.memref_slice %arg2[%add3A_311] : memref<320000xi32, #tpu.memory_space<hbm>> -> memref<80xi32, #tpu.memory_space<hbm>>
        tpu.enqueue_dma source(%dma_start3A_362 : memref<80xi32, #tpu.memory_space<hbm>>) target(%arg10 : memref<80xi32, #tpu.memory_space<vmem>>) target_semaphore(%run_scoped3A : memref<!tpu.dma_semaphore, #tpu.memory_space<semaphore_mem>>)
        %dma_wait3A_363 = tpu.memref_slice %arg2[%add3A_311] : memref<320000xi32, #tpu.memory_space<hbm>> -> memref<80xi32, #tpu.memory_space<hbm>>
        %dma_wait3A_364 = tpu.memref_slice %arg2[%add3A_311] : memref<320000xi32, #tpu.memory_space<hbm>> -> memref<80xi32, #tpu.memory_space<hbm>>
        tpu.wait_dma2 semaphore(%run_scoped3A : memref<!tpu.dma_semaphore, #tpu.memory_space<semaphore_mem>>) src(%dma_wait3A_364 : memref<80xi32, #tpu.memory_space<hbm>>) dst(%arg10 : memref<80xi32, #tpu.memory_space<vmem>>)
        tpu.yield
      }) : () -> ()
      "tpu.region"() ({
        %run_scoped3A = tpu.sem_alloc : memref<!tpu.dma_semaphore, #tpu.memory_space<semaphore_mem>>
        %dma_start3A_361 = tpu.memref_slice %arg3[%add3A_311] : memref<320000xi32, #tpu.memory_space<hbm>> -> memref<80xi32, #tpu.memory_space<hbm>>
        %dma_start3A_362 = tpu.memref_slice %arg3[%add3A_311] : memref<320000xi32, #tpu.memory_space<hbm>> -> memref<80xi32, #tpu.memory_space<hbm>>
        tpu.enqueue_dma source(%dma_start3A_362 : memref<80xi32, #tpu.memory_space<hbm>>) target(%arg11 : memref<80xi32, #tpu.memory_space<vmem>>) target_semaphore(%run_scoped3A : memref<!tpu.dma_semaphore, #tpu.memory_space<semaphore_mem>>)
        %dma_wait3A_363 = tpu.memref_slice %arg3[%add3A_311] : memref<320000xi32, #tpu.memory_space<hbm>> -> memref<80xi32, #tpu.memory_space<hbm>>
        %dma_wait3A_364 = tpu.memref_slice %arg3[%add3A_311] : memref<320000xi32, #tpu.memory_space<hbm>> -> memref<80xi32, #tpu.memory_space<hbm>>
        tpu.wait_dma2 semaphore(%run_scoped3A : memref<!tpu.dma_semaphore, #tpu.memory_space<semaphore_mem>>) src(%dma_wait3A_364 : memref<80xi32, #tpu.memory_space<hbm>>) dst(%arg11 : memref<80xi32, #tpu.memory_space<vmem>>)
        tpu.yield
      }) : () -> ()
      "tpu.region"() ({
        %run_scoped3A = tpu.sem_alloc : memref<!tpu.dma_semaphore, #tpu.memory_space<semaphore_mem>>
        %dma_start3A_361 = tpu.memref_slice %arg2[%add3A_313] : memref<320000xi32, #tpu.memory_space<hbm>> -> memref<80xi32, #tpu.memory_space<hbm>>
        %dma_start3A_362 = tpu.memref_slice %arg2[%add3A_313] : memref<320000xi32, #tpu.memory_space<hbm>> -> memref<80xi32, #tpu.memory_space<hbm>>
        tpu.enqueue_dma source(%dma_start3A_362 : memref<80xi32, #tpu.memory_space<hbm>>) target(%arg12 : memref<80xi32, #tpu.memory_space<vmem>>) target_semaphore(%run_scoped3A : memref<!tpu.dma_semaphore, #tpu.memory_space<semaphore_mem>>)
        %dma_wait3A_363 = tpu.memref_slice %arg2[%add3A_313] : memref<320000xi32, #tpu.memory_space<hbm>> -> memref<80xi32, #tpu.memory_space<hbm>>
        %dma_wait3A_364 = tpu.memref_slice %arg2[%add3A_313] : memref<320000xi32, #tpu.memory_space<hbm>> -> memref<80xi32, #tpu.memory_space<hbm>>
        tpu.wait_dma2 semaphore(%run_scoped3A : memref<!tpu.dma_semaphore, #tpu.memory_space<semaphore_mem>>) src(%dma_wait3A_364 : memref<80xi32, #tpu.memory_space<hbm>>) dst(%arg12 : memref<80xi32, #tpu.memory_space<vmem>>)
        tpu.yield
      }) : () -> ()
      "tpu.region"() ({
        %run_scoped3A = tpu.sem_alloc : memref<!tpu.dma_semaphore, #tpu.memory_space<semaphore_mem>>
        %dma_start3A_361 = tpu.memref_slice %arg3[%add3A_313] : memref<320000xi32, #tpu.memory_space<hbm>> -> memref<80xi32, #tpu.memory_space<hbm>>
        %dma_start3A_362 = tpu.memref_slice %arg3[%add3A_313] : memref<320000xi32, #tpu.memory_space<hbm>> -> memref<80xi32, #tpu.memory_space<hbm>>
        tpu.enqueue_dma source(%dma_start3A_362 : memref<80xi32, #tpu.memory_space<hbm>>) target(%arg13 : memref<80xi32, #tpu.memory_space<vmem>>) target_semaphore(%run_scoped3A : memref<!tpu.dma_semaphore, #tpu.memory_space<semaphore_mem>>)
        %dma_wait3A_363 = tpu.memref_slice %arg3[%add3A_313] : memref<320000xi32, #tpu.memory_space<hbm>> -> memref<80xi32, #tpu.memory_space<hbm>>
        %dma_wait3A_364 = tpu.memref_slice %arg3[%add3A_313] : memref<320000xi32, #tpu.memory_space<hbm>> -> memref<80xi32, #tpu.memory_space<hbm>>
        tpu.wait_dma2 semaphore(%run_scoped3A : memref<!tpu.dma_semaphore, #tpu.memory_space<semaphore_mem>>) src(%dma_wait3A_364 : memref<80xi32, #tpu.memory_space<hbm>>) dst(%arg13 : memref<80xi32, #tpu.memory_space<vmem>>)
        tpu.yield
      }) : () -> ()
      %dma_start3A_314 = arith.constant 3 : i32
      %dma_start3A_315 = arith.constant 0 : i32
      %dma_start3A_316 = arith.constant 0 : i32
      %dma_start3A_317 = tpu.memref_slice %arg4[%dma_start3A_314, %dma_start3A_315, %dma_start3A_316] : memref<4x10000x128xf32, #tpu.memory_space<hbm>> -> memref<1x10000x128xf32, #tpu.memory_space<hbm>>
      %dma_start3A_318 = tpu.memref_squeeze %dma_start3A_317 : memref<1x10000x128xf32, #tpu.memory_space<hbm>> -> memref<10000x128xf32, #tpu.memory_space<hbm>>
      %dma_start3A_319 = arith.constant 0 : i32
      %dma_start3A_320 = arith.constant 0 : i32
      %dma_start3A_321 = tpu.memref_slice %dma_start3A_318[%dma_start3A_319, %dma_start3A_320] : memref<10000x128xf32, #tpu.memory_space<hbm>> -> memref<10000x128xf32, #tpu.memory_space<hbm>>
      tpu.enqueue_indirect_dma source(%dma_start3A_321 : memref<10000x128xf32, #tpu.memory_space<hbm>>) target(%arg14 : memref<80x128xf32, #tpu.memory_space<vmem>>) offsets(%arg10 : memref<80xi32, #tpu.memory_space<vmem>>) semaphore(%arg18 : memref<!tpu.dma_semaphore, #tpu.memory_space<semaphore_mem>>)
      %dma_start3A_322 = arith.constant 3 : i32
      %dma_start3A_323 = arith.constant 0 : i32
      %dma_start3A_324 = arith.constant 0 : i32
      %dma_start3A_325 = tpu.memref_slice %arg4[%dma_start3A_322, %dma_start3A_323, %dma_start3A_324] : memref<4x10000x128xf32, #tpu.memory_space<hbm>> -> memref<1x10000x128xf32, #tpu.memory_space<hbm>>
      %dma_start3A_326 = tpu.memref_squeeze %dma_start3A_325 : memref<1x10000x128xf32, #tpu.memory_space<hbm>> -> memref<10000x128xf32, #tpu.memory_space<hbm>>
      %dma_start3A_327 = arith.constant 0 : i32
      %dma_start3A_328 = arith.constant 0 : i32
      %dma_start3A_329 = tpu.memref_slice %dma_start3A_326[%dma_start3A_327, %dma_start3A_328] : memref<10000x128xf32, #tpu.memory_space<hbm>> -> memref<10000x128xf32, #tpu.memory_space<hbm>>
      tpu.enqueue_indirect_dma source(%dma_start3A_329 : memref<10000x128xf32, #tpu.memory_space<hbm>>) target(%arg16 : memref<80x128xf32, #tpu.memory_space<vmem>>) offsets(%arg12 : memref<80xi32, #tpu.memory_space<vmem>>) semaphore(%arg19 : memref<!tpu.dma_semaphore, #tpu.memory_space<semaphore_mem>>)
      %dma_wait3A_330 = arith.constant 3 : i32
      %dma_wait3A_331 = arith.constant 0 : i32
      %dma_wait3A_332 = arith.constant 0 : i32
      %dma_wait3A_333 = tpu.memref_slice %arg4[%dma_wait3A_330, %dma_wait3A_331, %dma_wait3A_332] : memref<4x10000x128xf32, #tpu.memory_space<hbm>> -> memref<1x10000x128xf32, #tpu.memory_space<hbm>>
      %dma_wait3A_334 = tpu.memref_squeeze %dma_wait3A_333 : memref<1x10000x128xf32, #tpu.memory_space<hbm>> -> memref<10000x128xf32, #tpu.memory_space<hbm>>
      %dma_wait3A_335 = arith.constant 0 : i32
      %dma_wait3A_336 = arith.constant 0 : i32
      %dma_wait3A_337 = tpu.memref_slice %dma_wait3A_334[%dma_wait3A_335, %dma_wait3A_336] : memref<10000x128xf32, #tpu.memory_space<hbm>> -> memref<10000x128xf32, #tpu.memory_space<hbm>>
      tpu.wait_indirect_dma semaphore(%arg18 : memref<!tpu.dma_semaphore, #tpu.memory_space<semaphore_mem>>) src(%dma_wait3A_337 : memref<10000x128xf32, #tpu.memory_space<hbm>>) dst(%arg14 : memref<80x128xf32, #tpu.memory_space<vmem>>)
      "tpu.region"() ({
        %run_scoped3A = tpu.sem_alloc : memref<!tpu.dma_semaphore, #tpu.memory_space<semaphore_mem>>
        %dma_start3A_361 = arith.constant 0 : i32
        %dma_start3A_362 = tpu.memref_slice %arg9[%add3A_311, %dma_start3A_361] : memref<320000x128xf32, #tpu.memory_space<hbm>> -> memref<80x128xf32, #tpu.memory_space<hbm>>
        %dma_start3A_363 = arith.constant 0 : i32
        %dma_start3A_364 = tpu.memref_slice %arg9[%add3A_311, %dma_start3A_363] : memref<320000x128xf32, #tpu.memory_space<hbm>> -> memref<80x128xf32, #tpu.memory_space<hbm>>
        tpu.enqueue_dma source(%dma_start3A_364 : memref<80x128xf32, #tpu.memory_space<hbm>>) target(%arg15 : memref<80x128xf32, #tpu.memory_space<vmem>>) target_semaphore(%run_scoped3A : memref<!tpu.dma_semaphore, #tpu.memory_space<semaphore_mem>>)
        %dma_wait3A_365 = arith.constant 0 : i32
        %dma_wait3A_366 = tpu.memref_slice %arg9[%add3A_311, %dma_wait3A_365] : memref<320000x128xf32, #tpu.memory_space<hbm>> -> memref<80x128xf32, #tpu.memory_space<hbm>>
        %dma_wait3A_367 = arith.constant 0 : i32
        %dma_wait3A_368 = tpu.memref_slice %arg9[%add3A_311, %dma_wait3A_367] : memref<320000x128xf32, #tpu.memory_space<hbm>> -> memref<80x128xf32, #tpu.memory_space<hbm>>
        tpu.wait_dma2 semaphore(%run_scoped3A : memref<!tpu.dma_semaphore, #tpu.memory_space<semaphore_mem>>) src(%dma_wait3A_368 : memref<80x128xf32, #tpu.memory_space<hbm>>) dst(%arg15 : memref<80x128xf32, #tpu.memory_space<vmem>>)
        tpu.yield
      }) : () -> ()
      %scan3A_338 = arith.constant 0 : i32
      %scan3A_339 = arith.constant 0 : i32
      %scan3A_340 = arith.constant 80 : i32
      %scan3A_341 = arith.addi %scan3A_339, %scan3A_340 : i32
      %scan3A_342 = arith.constant 1 : i32
      %scan3A_343 = scf.for %scan3A_361 = %scan3A_339 to %scan3A_341 step %scan3A_342 iter_args(%scan3A_362 = %scan3A_338) -> (i32)  : i32 {
        %get3A = arith.index_cast %scan3A_361 : i32 to index
        %get3A_363 = arith.constant 96 : index
        %get3A_364 = tpu.vector_load %arg15[%get3A, %get3A_363] {strides = array<i32>} : memref<80x128xf32, #tpu.memory_space<vmem>>, vector<1x16xf32>,
        %get3A_365 = vector.shape_cast %get3A_364 : vector<1x16xf32> to vector<16xf32>
        %scan3A_366 = arith.constant 0 : i32
        %scan3A_367 = arith.constant 0 : i32
        %scan3A_368 = arith.constant 8 : i32
        %scan3A_369 = arith.addi %scan3A_367, %scan3A_368 : i32
        %scan3A_370 = arith.constant 1 : i32
        %scan3A_371 = scf.for %scan3A_374 = %scan3A_367 to %scan3A_369 step %scan3A_370 iter_args(%scan3A_375 = %scan3A_366) -> (i32)  : i32 {
          %mul3A_376 = arith.constant 16 : i32
          %mul3A_377 = arith.muli %scan3A_374, %mul3A_376 : i32
          %get3A_378 = arith.index_cast %scan3A_361 : i32 to index
          %get3A_379 = arith.index_cast %mul3A_377 : i32 to index
          %get3A_380 = tpu.vector_load %arg14[%get3A_378, %get3A_379] {strides = array<i32>} : memref<80x128xf32, #tpu.memory_space<vmem>>, vector<1x16xf32>,
          %get3A_381 = vector.shape_cast %get3A_380 : vector<1x16xf32> to vector<16xf32>
          %mul3A_382 = arith.mulf %get3A_381, %get3A_365 : vector<16xf32>
          %swap3A = arith.index_cast %scan3A_361 : i32 to index
          %swap3A_383 = arith.index_cast %mul3A_377 : i32 to index
          %swap3A_384 = tpu.vector_load %arg14[%swap3A, %swap3A_383] {strides = array<i32>} : memref<80x128xf32, #tpu.memory_space<vmem>>, vector<1x16xf32>,
          %swap3A_385 = vector.shape_cast %swap3A_384 : vector<1x16xf32> to vector<16xf32>
          %swap3A_386 = vector.shape_cast %mul3A_382 : vector<16xf32> to vector<1x16xf32>
          tpu.vector_store %arg14[%swap3A, %swap3A_383], %swap3A_386 {strides = array<i32>} : memref<80x128xf32, #tpu.memory_space<vmem>>, vector<1x16xf32>,
          %scan3A_387 = arith.constant 0 : i32
          scf.yield %scan3A_387 : i32
        }
        %scan3A_372 = arith.constant 8 : i32
        %scan3A_373 = arith.constant 0 : i32
        scf.yield %scan3A_373 : i32
      }
      %scan3A_344 = arith.constant 80 : i32
      "tpu.region"() ({
        %run_scoped3A = tpu.sem_alloc : memref<!tpu.dma_semaphore, #tpu.memory_space<semaphore_mem>>
        %dma_start3A_361 = arith.constant 0 : i32
        %dma_start3A_362 = arith.constant 0 : i32
        %dma_start3A_363 = tpu.memref_slice %arg17[%dma_start3A_361, %dma_start3A_362] : memref<10000x128xf32, #tpu.memory_space<vmem_shared>> -> memref<10000x128xf32, #tpu.memory_space<vmem_shared>>
        tpu.enqueue_indirect_dma source(%arg14 : memref<80x128xf32, #tpu.memory_space<vmem>>) target(%dma_start3A_363 : memref<10000x128xf32, #tpu.memory_space<vmem_shared>>) offsets(%arg11 : memref<80xi32, #tpu.memory_space<vmem>>) semaphore(%run_scoped3A : memref<!tpu.dma_semaphore, #tpu.memory_space<semaphore_mem>>) {add = true}
        %dma_wait3A_364 = arith.constant 0 : i32
        %dma_wait3A_365 = arith.constant 0 : i32
        %dma_wait3A_366 = tpu.memref_slice %arg17[%dma_wait3A_364, %dma_wait3A_365] : memref<10000x128xf32, #tpu.memory_space<vmem_shared>> -> memref<10000x128xf32, #tpu.memory_space<vmem_shared>>
        tpu.wait_indirect_dma semaphore(%run_scoped3A : memref<!tpu.dma_semaphore, #tpu.memory_space<semaphore_mem>>) src(%arg14 : memref<80x128xf32, #tpu.memory_space<vmem>>) dst(%dma_wait3A_366 : memref<10000x128xf32, #tpu.memory_space<vmem_shared>>)
        tpu.yield
      }) : () -> ()
      %dma_wait3A_345 = arith.constant 3 : i32
      %dma_wait3A_346 = arith.constant 0 : i32
      %dma_wait3A_347 = arith.constant 0 : i32
      %dma_wait3A_348 = tpu.memref_slice %arg4[%dma_wait3A_345, %dma_wait3A_346, %dma_wait3A_347] : memref<4x10000x128xf32, #tpu.memory_space<hbm>> -> memref<1x10000x128xf32, #tpu.memory_space<hbm>>
      %dma_wait3A_349 = tpu.memref_squeeze %dma_wait3A_348 : memref<1x10000x128xf32, #tpu.memory_space<hbm>> -> memref<10000x128xf32, #tpu.memory_space<hbm>>
      %dma_wait3A_350 = arith.constant 0 : i32
      %dma_wait3A_351 = arith.constant 0 : i32
      %dma_wait3A_352 = tpu.memref_slice %dma_wait3A_349[%dma_wait3A_350, %dma_wait3A_351] : memref<10000x128xf32, #tpu.memory_space<hbm>> -> memref<10000x128xf32, #tpu.memory_space<hbm>>
      tpu.wait_indirect_dma semaphore(%arg19 : memref<!tpu.dma_semaphore, #tpu.memory_space<semaphore_mem>>) src(%dma_wait3A_352 : memref<10000x128xf32, #tpu.memory_space<hbm>>) dst(%arg16 : memref<80x128xf32, #tpu.memory_space<vmem>>)
      "tpu.region"() ({
        %run_scoped3A = tpu.sem_alloc : memref<!tpu.dma_semaphore, #tpu.memory_space<semaphore_mem>>
        %dma_start3A_361 = arith.constant 0 : i32
        %dma_start3A_362 = tpu.memref_slice %arg9[%add3A_313, %dma_start3A_361] : memref<320000x128xf32, #tpu.memory_space<hbm>> -> memref<80x128xf32, #tpu.memory_space<hbm>>
        %dma_start3A_363 = arith.constant 0 : i32
        %dma_start3A_364 = tpu.memref_slice %arg9[%add3A_313, %dma_start3A_363] : memref<320000x128xf32, #tpu.memory_space<hbm>> -> memref<80x128xf32, #tpu.memory_space<hbm>>
        tpu.enqueue_dma source(%dma_start3A_364 : memref<80x128xf32, #tpu.memory_space<hbm>>) target(%arg15 : memref<80x128xf32, #tpu.memory_space<vmem>>) target_semaphore(%run_scoped3A : memref<!tpu.dma_semaphore, #tpu.memory_space<semaphore_mem>>)
        %dma_wait3A_365 = arith.constant 0 : i32
        %dma_wait3A_366 = tpu.memref_slice %arg9[%add3A_313, %dma_wait3A_365] : memref<320000x128xf32, #tpu.memory_space<hbm>> -> memref<80x128xf32, #tpu.memory_space<hbm>>
        %dma_wait3A_367 = arith.constant 0 : i32
        %dma_wait3A_368 = tpu.memref_slice %arg9[%add3A_313, %dma_wait3A_367] : memref<320000x128xf32, #tpu.memory_space<hbm>> -> memref<80x128xf32, #tpu.memory_space<hbm>>
        tpu.wait_dma2 semaphore(%run_scoped3A : memref<!tpu.dma_semaphore, #tpu.memory_space<semaphore_mem>>) src(%dma_wait3A_368 : memref<80x128xf32, #tpu.memory_space<hbm>>) dst(%arg15 : memref<80x128xf32, #tpu.memory_space<vmem>>)
        tpu.yield
      }) : () -> ()
      %scan3A_353 = arith.constant 0 : i32
      %scan3A_354 = arith.constant 0 : i32
      %scan3A_355 = arith.constant 80 : i32
      %scan3A_356 = arith.addi %scan3A_354, %scan3A_355 : i32
      %scan3A_357 = arith.constant 1 : i32
      %scan3A_358 = scf.for %scan3A_361 = %scan3A_354 to %scan3A_356 step %scan3A_357 iter_args(%scan3A_362 = %scan3A_353) -> (i32)  : i32 {
        %get3A = arith.index_cast %scan3A_361 : i32 to index
        %get3A_363 = arith.constant 96 : index
        %get3A_364 = tpu.vector_load %arg15[%get3A, %get3A_363] {strides = array<i32>} : memref<80x128xf32, #tpu.memory_space<vmem>>, vector<1x16xf32>,
        %get3A_365 = vector.shape_cast %get3A_364 : vector<1x16xf32> to vector<16xf32>
        %scan3A_366 = arith.constant 0 : i32
        %scan3A_367 = arith.constant 0 : i32
        %scan3A_368 = arith.constant 8 : i32
        %scan3A_369 = arith.addi %scan3A_367, %scan3A_368 : i32
        %scan3A_370 = arith.constant 1 : i32
        %scan3A_371 = scf.for %scan3A_374 = %scan3A_367 to %scan3A_369 step %scan3A_370 iter_args(%scan3A_375 = %scan3A_366) -> (i32)  : i32 {
          %mul3A_376 = arith.constant 16 : i32
          %mul3A_377 = arith.muli %scan3A_374, %mul3A_376 : i32
          %get3A_378 = arith.index_cast %scan3A_361 : i32 to index
          %get3A_379 = arith.index_cast %mul3A_377 : i32 to index
          %get3A_380 = tpu.vector_load %arg16[%get3A_378, %get3A_379] {strides = array<i32>} : memref<80x128xf32, #tpu.memory_space<vmem>>, vector<1x16xf32>,
          %get3A_381 = vector.shape_cast %get3A_380 : vector<1x16xf32> to vector<16xf32>
          %mul3A_382 = arith.mulf %get3A_381, %get3A_365 : vector<16xf32>
          %swap3A = arith.index_cast %scan3A_361 : i32 to index
          %swap3A_383 = arith.index_cast %mul3A_377 : i32 to index
          %swap3A_384 = tpu.vector_load %arg16[%swap3A, %swap3A_383] {strides = array<i32>} : memref<80x128xf32, #tpu.memory_space<vmem>>, vector<1x16xf32>,
          %swap3A_385 = vector.shape_cast %swap3A_384 : vector<1x16xf32> to vector<16xf32>
          %swap3A_386 = vector.shape_cast %mul3A_382 : vector<16xf32> to vector<1x16xf32>
          tpu.vector_store %arg16[%swap3A, %swap3A_383], %swap3A_386 {strides = array<i32>} : memref<80x128xf32, #tpu.memory_space<vmem>>, vector<1x16xf32>,
          %scan3A_387 = arith.constant 0 : i32
          scf.yield %scan3A_387 : i32
        }
        %scan3A_372 = arith.constant 8 : i32
        %scan3A_373 = arith.constant 0 : i32
        scf.yield %scan3A_373 : i32
      }
      %scan3A_359 = arith.constant 80 : i32
      "tpu.region"() ({
        %run_scoped3A = tpu.sem_alloc : memref<!tpu.dma_semaphore, #tpu.memory_space<semaphore_mem>>
        %dma_start3A_361 = arith.constant 0 : i32
        %dma_start3A_362 = arith.constant 0 : i32
        %dma_start3A_363 = tpu.memref_slice %arg17[%dma_start3A_361, %dma_start3A_362] : memref<10000x128xf32, #tpu.memory_space<vmem_shared>> -> memref<10000x128xf32, #tpu.memory_space<vmem_shared>>
        tpu.enqueue_indirect_dma source(%arg16 : memref<80x128xf32, #tpu.memory_space<vmem>>) target(%dma_start3A_363 : memref<10000x128xf32, #tpu.memory_space<vmem_shared>>) offsets(%arg13 : memref<80xi32, #tpu.memory_space<vmem>>) semaphore(%run_scoped3A : memref<!tpu.dma_semaphore, #tpu.memory_space<semaphore_mem>>) {add = true}
        %dma_wait3A_364 = arith.constant 0 : i32
        %dma_wait3A_365 = arith.constant 0 : i32
        %dma_wait3A_366 = tpu.memref_slice %arg17[%dma_wait3A_364, %dma_wait3A_365] : memref<10000x128xf32, #tpu.memory_space<vmem_shared>> -> memref<10000x128xf32, #tpu.memory_space<vmem_shared>>
        tpu.wait_indirect_dma semaphore(%run_scoped3A : memref<!tpu.dma_semaphore, #tpu.memory_space<semaphore_mem>>) src(%arg16 : memref<80x128xf32, #tpu.memory_space<vmem>>) dst(%dma_wait3A_366 : memref<10000x128xf32, #tpu.memory_space<vmem_shared>>)
        tpu.yield
      }) : () -> ()
      %scan3A_360 = arith.constant 0 : i32
      scf.yield %scan3A_360 : i32
    }
    %scan3A_265 = arith.constant 62 : i32
    %add3A_266 = arith.constant 9920 : i32
    %add3A_267 = arith.addi %mul3A_9, %add3A_266 : i32
    "tpu.region"() ({
      %run_scoped3A = tpu.sem_alloc : memref<!tpu.dma_semaphore, #tpu.memory_space<semaphore_mem>>
      %dma_start3A_305 = tpu.memref_slice %arg2[%add3A_267] : memref<320000xi32, #tpu.memory_space<hbm>> -> memref<80xi32, #tpu.memory_space<hbm>>
      %dma_start3A_306 = tpu.memref_slice %arg2[%add3A_267] : memref<320000xi32, #tpu.memory_space<hbm>> -> memref<80xi32, #tpu.memory_space<hbm>>
      tpu.enqueue_dma source(%dma_start3A_306 : memref<80xi32, #tpu.memory_space<hbm>>) target(%arg10 : memref<80xi32, #tpu.memory_space<vmem>>) target_semaphore(%run_scoped3A : memref<!tpu.dma_semaphore, #tpu.memory_space<semaphore_mem>>)
      %dma_wait3A_307 = tpu.memref_slice %arg2[%add3A_267] : memref<320000xi32, #tpu.memory_space<hbm>> -> memref<80xi32, #tpu.memory_space<hbm>>
      %dma_wait3A_308 = tpu.memref_slice %arg2[%add3A_267] : memref<320000xi32, #tpu.memory_space<hbm>> -> memref<80xi32, #tpu.memory_space<hbm>>
      tpu.wait_dma2 semaphore(%run_scoped3A : memref<!tpu.dma_semaphore, #tpu.memory_space<semaphore_mem>>) src(%dma_wait3A_308 : memref<80xi32, #tpu.memory_space<hbm>>) dst(%arg10 : memref<80xi32, #tpu.memory_space<vmem>>)
      tpu.yield
    }) : () -> ()
    "tpu.region"() ({
      %run_scoped3A = tpu.sem_alloc : memref<!tpu.dma_semaphore, #tpu.memory_space<semaphore_mem>>
      %dma_start3A_305 = tpu.memref_slice %arg3[%add3A_267] : memref<320000xi32, #tpu.memory_space<hbm>> -> memref<80xi32, #tpu.memory_space<hbm>>
      %dma_start3A_306 = tpu.memref_slice %arg3[%add3A_267] : memref<320000xi32, #tpu.memory_space<hbm>> -> memref<80xi32, #tpu.memory_space<hbm>>
      tpu.enqueue_dma source(%dma_start3A_306 : memref<80xi32, #tpu.memory_space<hbm>>) target(%arg11 : memref<80xi32, #tpu.memory_space<vmem>>) target_semaphore(%run_scoped3A : memref<!tpu.dma_semaphore, #tpu.memory_space<semaphore_mem>>)
      %dma_wait3A_307 = tpu.memref_slice %arg3[%add3A_267] : memref<320000xi32, #tpu.memory_space<hbm>> -> memref<80xi32, #tpu.memory_space<hbm>>
      %dma_wait3A_308 = tpu.memref_slice %arg3[%add3A_267] : memref<320000xi32, #tpu.memory_space<hbm>> -> memref<80xi32, #tpu.memory_space<hbm>>
      tpu.wait_dma2 semaphore(%run_scoped3A : memref<!tpu.dma_semaphore, #tpu.memory_space<semaphore_mem>>) src(%dma_wait3A_308 : memref<80xi32, #tpu.memory_space<hbm>>) dst(%arg11 : memref<80xi32, #tpu.memory_space<vmem>>)
      tpu.yield
    }) : () -> ()
    %dma_start3A_268 = arith.constant 3 : i32
    %dma_start3A_269 = arith.constant 0 : i32
    %dma_start3A_270 = arith.constant 0 : i32
    %dma_start3A_271 = tpu.memref_slice %arg4[%dma_start3A_268, %dma_start3A_269, %dma_start3A_270] : memref<4x10000x128xf32, #tpu.memory_space<hbm>> -> memref<1x10000x128xf32, #tpu.memory_space<hbm>>
    %dma_start3A_272 = tpu.memref_squeeze %dma_start3A_271 : memref<1x10000x128xf32, #tpu.memory_space<hbm>> -> memref<10000x128xf32, #tpu.memory_space<hbm>>
    %dma_start3A_273 = arith.constant 0 : i32
    %dma_start3A_274 = arith.constant 0 : i32
    %dma_start3A_275 = tpu.memref_slice %dma_start3A_272[%dma_start3A_273, %dma_start3A_274] : memref<10000x128xf32, #tpu.memory_space<hbm>> -> memref<10000x128xf32, #tpu.memory_space<hbm>>
    tpu.enqueue_indirect_dma source(%dma_start3A_275 : memref<10000x128xf32, #tpu.memory_space<hbm>>) target(%arg14 : memref<80x128xf32, #tpu.memory_space<vmem>>) offsets(%arg10 : memref<80xi32, #tpu.memory_space<vmem>>) semaphore(%arg18 : memref<!tpu.dma_semaphore, #tpu.memory_space<semaphore_mem>>)
    %dma_wait3A_276 = arith.constant 3 : i32
    %dma_wait3A_277 = arith.constant 0 : i32
    %dma_wait3A_278 = arith.constant 0 : i32
    %dma_wait3A_279 = tpu.memref_slice %arg4[%dma_wait3A_276, %dma_wait3A_277, %dma_wait3A_278] : memref<4x10000x128xf32, #tpu.memory_space<hbm>> -> memref<1x10000x128xf32, #tpu.memory_space<hbm>>
    %dma_wait3A_280 = tpu.memref_squeeze %dma_wait3A_279 : memref<1x10000x128xf32, #tpu.memory_space<hbm>> -> memref<10000x128xf32, #tpu.memory_space<hbm>>
    %dma_wait3A_281 = arith.constant 0 : i32
    %dma_wait3A_282 = arith.constant 0 : i32
    %dma_wait3A_283 = tpu.memref_slice %dma_wait3A_280[%dma_wait3A_281, %dma_wait3A_282] : memref<10000x128xf32, #tpu.memory_space<hbm>> -> memref<10000x128xf32, #tpu.memory_space<hbm>>
    tpu.wait_indirect_dma semaphore(%arg18 : memref<!tpu.dma_semaphore, #tpu.memory_space<semaphore_mem>>) src(%dma_wait3A_283 : memref<10000x128xf32, #tpu.memory_space<hbm>>) dst(%arg14 : memref<80x128xf32, #tpu.memory_space<vmem>>)
    "tpu.region"() ({
      %run_scoped3A = tpu.sem_alloc : memref<!tpu.dma_semaphore, #tpu.memory_space<semaphore_mem>>
      %dma_start3A_305 = arith.constant 0 : i32
      %dma_start3A_306 = tpu.memref_slice %arg9[%add3A_267, %dma_start3A_305] : memref<320000x128xf32, #tpu.memory_space<hbm>> -> memref<80x128xf32, #tpu.memory_space<hbm>>
      %dma_start3A_307 = arith.constant 0 : i32
      %dma_start3A_308 = tpu.memref_slice %arg9[%add3A_267, %dma_start3A_307] : memref<320000x128xf32, #tpu.memory_space<hbm>> -> memref<80x128xf32, #tpu.memory_space<hbm>>
      tpu.enqueue_dma source(%dma_start3A_308 : memref<80x128xf32, #tpu.memory_space<hbm>>) target(%arg15 : memref<80x128xf32, #tpu.memory_space<vmem>>) target_semaphore(%run_scoped3A : memref<!tpu.dma_semaphore, #tpu.memory_space<semaphore_mem>>)
      %dma_wait3A_309 = arith.constant 0 : i32
      %dma_wait3A_310 = tpu.memref_slice %arg9[%add3A_267, %dma_wait3A_309] : memref<320000x128xf32, #tpu.memory_space<hbm>> -> memref<80x128xf32, #tpu.memory_space<hbm>>
      %dma_wait3A_311 = arith.constant 0 : i32
      %dma_wait3A_312 = tpu.memref_slice %arg9[%add3A_267, %dma_wait3A_311] : memref<320000x128xf32, #tpu.memory_space<hbm>> -> memref<80x128xf32, #tpu.memory_space<hbm>>
      tpu.wait_dma2 semaphore(%run_scoped3A : memref<!tpu.dma_semaphore, #tpu.memory_space<semaphore_mem>>) src(%dma_wait3A_312 : memref<80x128xf32, #tpu.memory_space<hbm>>) dst(%arg15 : memref<80x128xf32, #tpu.memory_space<vmem>>)
      tpu.yield
    }) : () -> ()
    %scan3A_284 = arith.constant 0 : i32
    %scan3A_285 = arith.constant 0 : i32
    %scan3A_286 = arith.constant 80 : i32
    %scan3A_287 = arith.addi %scan3A_285, %scan3A_286 : i32
    %scan3A_288 = arith.constant 1 : i32
    %scan3A_289 = scf.for %scan3A_305 = %scan3A_285 to %scan3A_287 step %scan3A_288 iter_args(%scan3A_306 = %scan3A_284) -> (i32)  : i32 {
      %get3A = arith.index_cast %scan3A_305 : i32 to index
      %get3A_307 = arith.constant 96 : index
      %get3A_308 = tpu.vector_load %arg15[%get3A, %get3A_307] {strides = array<i32>} : memref<80x128xf32, #tpu.memory_space<vmem>>, vector<1x16xf32>,
      %get3A_309 = vector.shape_cast %get3A_308 : vector<1x16xf32> to vector<16xf32>
      %scan3A_310 = arith.constant 0 : i32
      %scan3A_311 = arith.constant 0 : i32
      %scan3A_312 = arith.constant 8 : i32
      %scan3A_313 = arith.addi %scan3A_311, %scan3A_312 : i32
      %scan3A_314 = arith.constant 1 : i32
      %scan3A_315 = scf.for %scan3A_318 = %scan3A_311 to %scan3A_313 step %scan3A_314 iter_args(%scan3A_319 = %scan3A_310) -> (i32)  : i32 {
        %mul3A_320 = arith.constant 16 : i32
        %mul3A_321 = arith.muli %scan3A_318, %mul3A_320 : i32
        %get3A_322 = arith.index_cast %scan3A_305 : i32 to index
        %get3A_323 = arith.index_cast %mul3A_321 : i32 to index
        %get3A_324 = tpu.vector_load %arg14[%get3A_322, %get3A_323] {strides = array<i32>} : memref<80x128xf32, #tpu.memory_space<vmem>>, vector<1x16xf32>,
        %get3A_325 = vector.shape_cast %get3A_324 : vector<1x16xf32> to vector<16xf32>
        %mul3A_326 = arith.mulf %get3A_325, %get3A_309 : vector<16xf32>
        %swap3A = arith.index_cast %scan3A_305 : i32 to index
        %swap3A_327 = arith.index_cast %mul3A_321 : i32 to index
        %swap3A_328 = tpu.vector_load %arg14[%swap3A, %swap3A_327] {strides = array<i32>} : memref<80x128xf32, #tpu.memory_space<vmem>>, vector<1x16xf32>,
        %swap3A_329 = vector.shape_cast %swap3A_328 : vector<1x16xf32> to vector<16xf32>
        %swap3A_330 = vector.shape_cast %mul3A_326 : vector<16xf32> to vector<1x16xf32>
        tpu.vector_store %arg14[%swap3A, %swap3A_327], %swap3A_330 {strides = array<i32>} : memref<80x128xf32, #tpu.memory_space<vmem>>, vector<1x16xf32>,
        %scan3A_331 = arith.constant 0 : i32
        scf.yield %scan3A_331 : i32
      }
      %scan3A_316 = arith.constant 8 : i32
      %scan3A_317 = arith.constant 0 : i32
      scf.yield %scan3A_317 : i32
    }
    %scan3A_290 = arith.constant 80 : i32
    "tpu.region"() ({
      %run_scoped3A = tpu.sem_alloc : memref<!tpu.dma_semaphore, #tpu.memory_space<semaphore_mem>>
      %dma_start3A_305 = arith.constant 0 : i32
      %dma_start3A_306 = arith.constant 0 : i32
      %dma_start3A_307 = tpu.memref_slice %arg17[%dma_start3A_305, %dma_start3A_306] : memref<10000x128xf32, #tpu.memory_space<vmem_shared>> -> memref<10000x128xf32, #tpu.memory_space<vmem_shared>>
      tpu.enqueue_indirect_dma source(%arg14 : memref<80x128xf32, #tpu.memory_space<vmem>>) target(%dma_start3A_307 : memref<10000x128xf32, #tpu.memory_space<vmem_shared>>) offsets(%arg11 : memref<80xi32, #tpu.memory_space<vmem>>) semaphore(%run_scoped3A : memref<!tpu.dma_semaphore, #tpu.memory_space<semaphore_mem>>) {add = true}
      %dma_wait3A_308 = arith.constant 0 : i32
      %dma_wait3A_309 = arith.constant 0 : i32
      %dma_wait3A_310 = tpu.memref_slice %arg17[%dma_wait3A_308, %dma_wait3A_309] : memref<10000x128xf32, #tpu.memory_space<vmem_shared>> -> memref<10000x128xf32, #tpu.memory_space<vmem_shared>>
      tpu.wait_indirect_dma semaphore(%run_scoped3A : memref<!tpu.dma_semaphore, #tpu.memory_space<semaphore_mem>>) src(%arg14 : memref<80x128xf32, #tpu.memory_space<vmem>>) dst(%dma_wait3A_310 : memref<10000x128xf32, #tpu.memory_space<vmem_shared>>)
      tpu.yield
    }) : () -> ()
    %barrier3A_291 = arith.constant 0 : index
    tpu.barrier barrier_id(%barrier3A_291)
    %lt3A_292 = arith.constant 15 : i32
    %lt3A_293 = arith.cmpi slt, %arg1, %lt3A_292 : i32
    %convert_element_type3A_294 = arith.extui %lt3A_293 : i1 to i32
    %cond3A_295 = arith.constant 3 : i32
    %cond3A_296 = arith.constant 0 : i32
    %cond3A_297 = arith.cmpi ne, %convert_element_type3A_294, %cond3A_296 : i32
    scf.if %cond3A_297 {
      "tpu.region"() ({
        %run_scoped3A = tpu.sem_alloc : memref<!tpu.dma_semaphore, #tpu.memory_space<semaphore_mem>>
        %dma_start3A_305 = arith.constant 0 : i32
        %dma_start3A_306 = arith.constant 0 : i32
        %dma_start3A_307 = tpu.memref_slice %arg7[%cond3A_295, %arg0, %dma_start3A_305, %dma_start3A_306] : memref<4x2x10000x128xf32, #tpu.memory_space<hbm>> -> memref<1x1x10000x128xf32, #tpu.memory_space<hbm>>
        %dma_start3A_308 = tpu.memref_squeeze %dma_start3A_307 : memref<1x1x10000x128xf32, #tpu.memory_space<hbm>> -> memref<10000x128xf32, #tpu.memory_space<hbm>>
        %dma_start3A_309 = arith.constant 0 : i32
        %dma_start3A_310 = tpu.memref_slice %dma_start3A_308[%mul3A_3, %dma_start3A_309] : memref<10000x128xf32, #tpu.memory_space<hbm>> -> memref<632x128xf32, #tpu.memory_space<hbm>>
        %dma_start3A_311 = arith.constant 0 : i32
        %dma_start3A_312 = tpu.memref_slice %arg17[%mul3A_3, %dma_start3A_311] : memref<10000x128xf32, #tpu.memory_space<vmem_shared>> -> memref<632x128xf32, #tpu.memory_space<vmem_shared>>
        tpu.enqueue_dma source(%dma_start3A_312 : memref<632x128xf32, #tpu.memory_space<vmem_shared>>) target(%dma_start3A_310 : memref<632x128xf32, #tpu.memory_space<hbm>>) target_semaphore(%run_scoped3A : memref<!tpu.dma_semaphore, #tpu.memory_space<semaphore_mem>>)
        %dma_wait3A_313 = arith.constant 0 : i32
        %dma_wait3A_314 = arith.constant 0 : i32
        %dma_wait3A_315 = tpu.memref_slice %arg7[%cond3A_295, %arg0, %dma_wait3A_313, %dma_wait3A_314] : memref<4x2x10000x128xf32, #tpu.memory_space<hbm>> -> memref<1x1x10000x128xf32, #tpu.memory_space<hbm>>
        %dma_wait3A_316 = tpu.memref_squeeze %dma_wait3A_315 : memref<1x1x10000x128xf32, #tpu.memory_space<hbm>> -> memref<10000x128xf32, #tpu.memory_space<hbm>>
        %dma_wait3A_317 = arith.constant 0 : i32
        %dma_wait3A_318 = tpu.memref_slice %dma_wait3A_316[%mul3A_3, %dma_wait3A_317] : memref<10000x128xf32, #tpu.memory_space<hbm>> -> memref<632x128xf32, #tpu.memory_space<hbm>>
        %dma_wait3A_319 = arith.constant 0 : i32
        %dma_wait3A_320 = tpu.memref_slice %arg17[%mul3A_3, %dma_wait3A_319] : memref<10000x128xf32, #tpu.memory_space<vmem_shared>> -> memref<632x128xf32, #tpu.memory_space<vmem_shared>>
        tpu.wait_dma2 semaphore(%run_scoped3A : memref<!tpu.dma_semaphore, #tpu.memory_space<semaphore_mem>>) src(%dma_wait3A_320 : memref<632x128xf32, #tpu.memory_space<vmem_shared>>) dst(%dma_wait3A_318 : memref<632x128xf32, #tpu.memory_space<hbm>>)
        tpu.yield
      }) : () -> ()
    } else {
    }
    %eq3A_298 = arith.constant 15 : i32
    %eq3A_299 = arith.cmpi eq, %arg1, %eq3A_298 : i32
    %convert_element_type3A_300 = arith.extui %eq3A_299 : i1 to i32
    %cond3A_301 = arith.constant 3 : i32
    %cond3A_302 = arith.constant 0 : i32
    %cond3A_303 = arith.cmpi ne, %convert_element_type3A_300, %cond3A_302 : i32
    scf.if %cond3A_303 {
      "tpu.region"() ({
        %run_scoped3A = tpu.sem_alloc : memref<!tpu.dma_semaphore, #tpu.memory_space<semaphore_mem>>
        %dma_start3A_305 = arith.constant 0 : i32
        %dma_start3A_306 = arith.constant 0 : i32
        %dma_start3A_307 = tpu.memref_slice %arg7[%cond3A_301, %arg0, %dma_start3A_305, %dma_start3A_306] : memref<4x2x10000x128xf32, #tpu.memory_space<hbm>> -> memref<1x1x10000x128xf32, #tpu.memory_space<hbm>>
        %dma_start3A_308 = tpu.memref_squeeze %dma_start3A_307 : memref<1x1x10000x128xf32, #tpu.memory_space<hbm>> -> memref<10000x128xf32, #tpu.memory_space<hbm>>
        %dma_start3A_309 = arith.constant 9480 : i32
        %dma_start3A_310 = arith.constant 0 : i32
        %dma_start3A_311 = tpu.memref_slice %dma_start3A_308[%dma_start3A_309, %dma_start3A_310] : memref<10000x128xf32, #tpu.memory_space<hbm>> -> memref<520x128xf32, #tpu.memory_space<hbm>>
        %dma_start3A_312 = arith.constant 9480 : i32
        %dma_start3A_313 = arith.constant 0 : i32
        %dma_start3A_314 = tpu.memref_slice %arg17[%dma_start3A_312, %dma_start3A_313] : memref<10000x128xf32, #tpu.memory_space<vmem_shared>> -> memref<520x128xf32, #tpu.memory_space<vmem_shared>>
        tpu.enqueue_dma source(%dma_start3A_314 : memref<520x128xf32, #tpu.memory_space<vmem_shared>>) target(%dma_start3A_311 : memref<520x128xf32, #tpu.memory_space<hbm>>) target_semaphore(%run_scoped3A : memref<!tpu.dma_semaphore, #tpu.memory_space<semaphore_mem>>)
        %dma_wait3A_315 = arith.constant 0 : i32
        %dma_wait3A_316 = arith.constant 0 : i32
        %dma_wait3A_317 = tpu.memref_slice %arg7[%cond3A_301, %arg0, %dma_wait3A_315, %dma_wait3A_316] : memref<4x2x10000x128xf32, #tpu.memory_space<hbm>> -> memref<1x1x10000x128xf32, #tpu.memory_space<hbm>>
        %dma_wait3A_318 = tpu.memref_squeeze %dma_wait3A_317 : memref<1x1x10000x128xf32, #tpu.memory_space<hbm>> -> memref<10000x128xf32, #tpu.memory_space<hbm>>
        %dma_wait3A_319 = arith.constant 9480 : i32
        %dma_wait3A_320 = arith.constant 0 : i32
        %dma_wait3A_321 = tpu.memref_slice %dma_wait3A_318[%dma_wait3A_319, %dma_wait3A_320] : memref<10000x128xf32, #tpu.memory_space<hbm>> -> memref<520x128xf32, #tpu.memory_space<hbm>>
        %dma_wait3A_322 = arith.constant 9480 : i32
        %dma_wait3A_323 = arith.constant 0 : i32
        %dma_wait3A_324 = tpu.memref_slice %arg17[%dma_wait3A_322, %dma_wait3A_323] : memref<10000x128xf32, #tpu.memory_space<vmem_shared>> -> memref<520x128xf32, #tpu.memory_space<vmem_shared>>
        tpu.wait_dma2 semaphore(%run_scoped3A : memref<!tpu.dma_semaphore, #tpu.memory_space<semaphore_mem>>) src(%dma_wait3A_324 : memref<520x128xf32, #tpu.memory_space<vmem_shared>>) dst(%dma_wait3A_321 : memref<520x128xf32, #tpu.memory_space<hbm>>)
        tpu.yield
      }) : () -> ()
    } else {
    }
    %barrier3A_304 = arith.constant 0 : index
    tpu.barrier barrier_id(%barrier3A_304)
    return
  }
}

#map = affine_map<(d0, d1) -> (0)>
#map1 = affine_map<(d0, d1) -> (0, 0)>
#map2 = affine_map<(d0, d1) -> (0, 0, 0)>
module attributes {stable_mosaic.version = 14 : i64} {
  func.func @k(%arg0: i32, %arg1: i32, %arg2: memref<320000xi32, #tpu.memory_space<hbm>>, %arg3: memref<320000xi32, #tpu.memory_space<hbm>>, %arg4: memref<10000x128xf32, #tpu.memory_space<hbm>>, %arg5: memref<2x10000x128xf32, #tpu.memory_space<hbm>>, %arg6: memref<80xi32, #tpu.memory_space<vmem>>, %arg7: memref<80xi32, #tpu.memory_space<vmem>>, %arg8: memref<80x128xf32, #tpu.memory_space<vmem>>, %arg9: memref<8x128xf32, #tpu.memory_space<vmem>>, %arg10: memref<10000x128xf32, #tpu.memory_space<vmem_shared>>, %arg11: memref<!tpu.dma_semaphore, #tpu.memory_space<semaphore_mem>>) attributes {dimension_semantics = [#tpu.dimension_semantics<core_parallel>, #tpu.dimension_semantics<subcore_parallel>], iteration_bounds = array<i64: 2, 16>, scalar_prefetch = 0 : i64, scratch_operands = 6 : i64, tpu.core_type = #tpu.core_type<sc_vector_subcore>, window_params = [{transform_indices = #map}, {transform_indices = #map}, {transform_indices = #map1}, {transform_indices = #map2}]} {
    %scan3A = arith.constant 0 : i32
    %scan3A_0 = arith.constant 0 : i32
    %scan3A_1 = arith.constant 8 : i32
    %scan3A_2 = arith.addi %scan3A_0, %scan3A_1 : i32
    %scan3A_3 = arith.constant 1 : i32
    %scan3A_4 = scf.for %scan3A_39 = %scan3A_0 to %scan3A_2 step %scan3A_3 iter_args(%scan3A_40 = %scan3A) -> (i32)  : i32 {
      %scan3A_41 = arith.constant 0 : i32
      %scan3A_42 = arith.constant 0 : i32
      %scan3A_43 = arith.constant 8 : i32
      %scan3A_44 = arith.addi %scan3A_42, %scan3A_43 : i32
      %scan3A_45 = arith.constant 1 : i32
      %scan3A_46 = scf.for %scan3A_48 = %scan3A_42 to %scan3A_44 step %scan3A_45 iter_args(%scan3A_49 = %scan3A_41) -> (i32)  : i32 {
        %broadcast_in_dim3A = arith.constant 0.000000e+00 : f32
        %broadcast_in_dim3A_50 = vector.broadcast %broadcast_in_dim3A : f32 to vector<16xf32>
        %mul3A_51 = arith.constant 16 : i32
        %mul3A_52 = arith.muli %scan3A_48, %mul3A_51 : i32
        %swap3A = arith.index_cast %scan3A_39 : i32 to index
        %swap3A_53 = arith.index_cast %mul3A_52 : i32 to index
        %swap3A_54 = tpu.vector_load %arg9[%swap3A, %swap3A_53] {strides = array<i32>} : memref<8x128xf32, #tpu.memory_space<vmem>>, vector<1x16xf32>,
        %swap3A_55 = vector.shape_cast %swap3A_54 : vector<1x16xf32> to vector<16xf32>
        %swap3A_56 = vector.shape_cast %broadcast_in_dim3A_50 : vector<16xf32> to vector<1x16xf32>
        tpu.vector_store %arg9[%swap3A, %swap3A_53], %swap3A_56 {strides = array<i32>} : memref<8x128xf32, #tpu.memory_space<vmem>>, vector<1x16xf32>,
        %scan3A_57 = arith.constant 0 : i32
        scf.yield %scan3A_57 : i32
      }
      %scan3A_47 = arith.constant 8 : i32
      scf.yield %scan3A_46 : i32
    }
    %scan3A_5 = arith.constant 8 : i32
    %mul3A = arith.constant 632 : i32
    %mul3A_6 = arith.muli %arg1, %mul3A : i32
    %eq3A = arith.constant 15 : i32
    %eq3A_7 = arith.cmpi eq, %arg1, %eq3A : i32
    %jit3A = arith.constant 65 : i32
    %jit3A_8 = arith.constant 79 : i32
    %select_n3A = arith.select %eq3A_7, %jit3A, %jit3A_8 : i32
    %while3A = arith.constant 0 : i32
    %while3A_9 = arith.constant 0 : i32
    %while3A_10 = arith.subi %select_n3A, %while3A : i32
    %while3A_11 = arith.addi %while3A, %while3A_10 : i32
    %while3A_12 = arith.constant 1 : i32
    %while3A_13 = arith.divsi %while3A_10, %while3A_12 : i32
    %while3A_14 = arith.muli %while3A_13, %while3A_12 : i32
    %while3A_15 = arith.addi %while3A, %while3A_14 : i32
    %while3A_16 = arith.constant 1 : i32
    %while3A_17 = scf.for %while3A_39 = %while3A to %while3A_15 step %while3A_16 iter_args(%while3A_40 = %while3A_9) -> (i32)  : i32 {
      %mul3A_41 = arith.constant 8 : i32
      %mul3A_42 = arith.muli %while3A_39, %mul3A_41 : i32
      %add3A_43 = arith.addi %mul3A_6, %mul3A_42 : i32
      "tpu.region"() ({
        %run_scoped3A = tpu.sem_alloc : memref<!tpu.dma_semaphore, #tpu.memory_space<semaphore_mem>>
        %dma_start3A = arith.constant 0 : i32
        %dma_start3A_45 = tpu.memref_slice %arg10[%add3A_43, %dma_start3A] : memref<10000x128xf32, #tpu.memory_space<vmem_shared>> -> memref<8x128xf32, #tpu.memory_space<vmem_shared>>
        %dma_start3A_46 = arith.constant 0 : i32
        %dma_start3A_47 = tpu.memref_slice %arg10[%add3A_43, %dma_start3A_46] : memref<10000x128xf32, #tpu.memory_space<vmem_shared>> -> memref<8x128xf32, #tpu.memory_space<vmem_shared>>
        tpu.enqueue_dma source(%arg9 : memref<8x128xf32, #tpu.memory_space<vmem>>) target(%dma_start3A_47 : memref<8x128xf32, #tpu.memory_space<vmem_shared>>) target_semaphore(%run_scoped3A : memref<!tpu.dma_semaphore, #tpu.memory_space<semaphore_mem>>)
        %dma_wait3A = arith.constant 0 : i32
        %dma_wait3A_48 = tpu.memref_slice %arg10[%add3A_43, %dma_wait3A] : memref<10000x128xf32, #tpu.memory_space<vmem_shared>> -> memref<8x128xf32, #tpu.memory_space<vmem_shared>>
        %dma_wait3A_49 = arith.constant 0 : i32
        %dma_wait3A_50 = tpu.memref_slice %arg10[%add3A_43, %dma_wait3A_49] : memref<10000x128xf32, #tpu.memory_space<vmem_shared>> -> memref<8x128xf32, #tpu.memory_space<vmem_shared>>
        tpu.wait_dma2 semaphore(%run_scoped3A : memref<!tpu.dma_semaphore, #tpu.memory_space<semaphore_mem>>) src(%arg9 : memref<8x128xf32, #tpu.memory_space<vmem>>) dst(%dma_wait3A_50 : memref<8x128xf32, #tpu.memory_space<vmem_shared>>)
        tpu.yield
      }) : () -> ()
      %while3A_44 = arith.constant 0 : i32
      scf.yield %while3A_44 : i32
    }
    %while3A_18 = arith.constant 1 : i32
    %while3A_19 = scf.for %while3A_39 = %while3A_15 to %while3A_11 step %while3A_18 iter_args(%while3A_40 = %while3A_17) -> (i32)  : i32 {
      %mul3A_41 = arith.constant 8 : i32
      %mul3A_42 = arith.muli %while3A_39, %mul3A_41 : i32
      %add3A_43 = arith.addi %mul3A_6, %mul3A_42 : i32
      "tpu.region"() ({
        %run_scoped3A = tpu.sem_alloc : memref<!tpu.dma_semaphore, #tpu.memory_space<semaphore_mem>>
        %dma_start3A = arith.constant 0 : i32
        %dma_start3A_45 = tpu.memref_slice %arg10[%add3A_43, %dma_start3A] : memref<10000x128xf32, #tpu.memory_space<vmem_shared>> -> memref<8x128xf32, #tpu.memory_space<vmem_shared>>
        %dma_start3A_46 = arith.constant 0 : i32
        %dma_start3A_47 = tpu.memref_slice %arg10[%add3A_43, %dma_start3A_46] : memref<10000x128xf32, #tpu.memory_space<vmem_shared>> -> memref<8x128xf32, #tpu.memory_space<vmem_shared>>
        tpu.enqueue_dma source(%arg9 : memref<8x128xf32, #tpu.memory_space<vmem>>) target(%dma_start3A_47 : memref<8x128xf32, #tpu.memory_space<vmem_shared>>) target_semaphore(%run_scoped3A : memref<!tpu.dma_semaphore, #tpu.memory_space<semaphore_mem>>)
        %dma_wait3A = arith.constant 0 : i32
        %dma_wait3A_48 = tpu.memref_slice %arg10[%add3A_43, %dma_wait3A] : memref<10000x128xf32, #tpu.memory_space<vmem_shared>> -> memref<8x128xf32, #tpu.memory_space<vmem_shared>>
        %dma_wait3A_49 = arith.constant 0 : i32
        %dma_wait3A_50 = tpu.memref_slice %arg10[%add3A_43, %dma_wait3A_49] : memref<10000x128xf32, #tpu.memory_space<vmem_shared>> -> memref<8x128xf32, #tpu.memory_space<vmem_shared>>
        tpu.wait_dma2 semaphore(%run_scoped3A : memref<!tpu.dma_semaphore, #tpu.memory_space<semaphore_mem>>) src(%arg9 : memref<8x128xf32, #tpu.memory_space<vmem>>) dst(%dma_wait3A_50 : memref<8x128xf32, #tpu.memory_space<vmem_shared>>)
        tpu.yield
      }) : () -> ()
      %while3A_44 = arith.constant 0 : i32
      scf.yield %while3A_44 : i32
    }
    %barrier3A = arith.constant 0 : index
    tpu.barrier barrier_id(%barrier3A)
    %mul3A_20 = arith.constant 16 : i32
    %mul3A_21 = arith.muli %arg0, %mul3A_20 : i32
    %add3A = arith.addi %mul3A_21, %arg1 : i32
    %mul3A_22 = arith.constant 10000 : i32
    %mul3A_23 = arith.muli %add3A, %mul3A_22 : i32
    %scan3A_24 = arith.constant 0 : i32
    %scan3A_25 = arith.constant 0 : i32
    %scan3A_26 = arith.constant 125 : i32
    %scan3A_27 = arith.addi %scan3A_25, %scan3A_26 : i32
    %scan3A_28 = arith.constant 1 : i32
    %scan3A_29 = scf.for %scan3A_39 = %scan3A_25 to %scan3A_27 step %scan3A_28 iter_args(%scan3A_40 = %scan3A_24) -> (i32)  : i32 {
      %mul3A_41 = arith.constant 80 : i32
      %mul3A_42 = arith.muli %scan3A_39, %mul3A_41 : i32
      %add3A_43 = arith.addi %mul3A_23, %mul3A_42 : i32
      "tpu.region"() ({
        %run_scoped3A = tpu.sem_alloc : memref<!tpu.dma_semaphore, #tpu.memory_space<semaphore_mem>>
        %dma_start3A_49 = tpu.memref_slice %arg2[%add3A_43] : memref<320000xi32, #tpu.memory_space<hbm>> -> memref<80xi32, #tpu.memory_space<hbm>>
        %dma_start3A_50 = tpu.memref_slice %arg2[%add3A_43] : memref<320000xi32, #tpu.memory_space<hbm>> -> memref<80xi32, #tpu.memory_space<hbm>>
        tpu.enqueue_dma source(%dma_start3A_50 : memref<80xi32, #tpu.memory_space<hbm>>) target(%arg6 : memref<80xi32, #tpu.memory_space<vmem>>) target_semaphore(%run_scoped3A : memref<!tpu.dma_semaphore, #tpu.memory_space<semaphore_mem>>)
        %dma_wait3A_51 = tpu.memref_slice %arg2[%add3A_43] : memref<320000xi32, #tpu.memory_space<hbm>> -> memref<80xi32, #tpu.memory_space<hbm>>
        %dma_wait3A_52 = tpu.memref_slice %arg2[%add3A_43] : memref<320000xi32, #tpu.memory_space<hbm>> -> memref<80xi32, #tpu.memory_space<hbm>>
        tpu.wait_dma2 semaphore(%run_scoped3A : memref<!tpu.dma_semaphore, #tpu.memory_space<semaphore_mem>>) src(%dma_wait3A_52 : memref<80xi32, #tpu.memory_space<hbm>>) dst(%arg6 : memref<80xi32, #tpu.memory_space<vmem>>)
        tpu.yield
      }) : () -> ()
      "tpu.region"() ({
        %run_scoped3A = tpu.sem_alloc : memref<!tpu.dma_semaphore, #tpu.memory_space<semaphore_mem>>
        %dma_start3A_49 = tpu.memref_slice %arg3[%add3A_43] : memref<320000xi32, #tpu.memory_space<hbm>> -> memref<80xi32, #tpu.memory_space<hbm>>
        %dma_start3A_50 = tpu.memref_slice %arg3[%add3A_43] : memref<320000xi32, #tpu.memory_space<hbm>> -> memref<80xi32, #tpu.memory_space<hbm>>
        tpu.enqueue_dma source(%dma_start3A_50 : memref<80xi32, #tpu.memory_space<hbm>>) target(%arg7 : memref<80xi32, #tpu.memory_space<vmem>>) target_semaphore(%run_scoped3A : memref<!tpu.dma_semaphore, #tpu.memory_space<semaphore_mem>>)
        %dma_wait3A_51 = tpu.memref_slice %arg3[%add3A_43] : memref<320000xi32, #tpu.memory_space<hbm>> -> memref<80xi32, #tpu.memory_space<hbm>>
        %dma_wait3A_52 = tpu.memref_slice %arg3[%add3A_43] : memref<320000xi32, #tpu.memory_space<hbm>> -> memref<80xi32, #tpu.memory_space<hbm>>
        tpu.wait_dma2 semaphore(%run_scoped3A : memref<!tpu.dma_semaphore, #tpu.memory_space<semaphore_mem>>) src(%dma_wait3A_52 : memref<80xi32, #tpu.memory_space<hbm>>) dst(%arg7 : memref<80xi32, #tpu.memory_space<vmem>>)
        tpu.yield
      }) : () -> ()
      %dma_start3A = arith.constant 0 : i32
      %dma_start3A_44 = arith.constant 0 : i32
      %dma_start3A_45 = tpu.memref_slice %arg4[%dma_start3A, %dma_start3A_44] : memref<10000x128xf32, #tpu.memory_space<hbm>> -> memref<10000x128xf32, #tpu.memory_space<hbm>>
      tpu.enqueue_indirect_dma source(%dma_start3A_45 : memref<10000x128xf32, #tpu.memory_space<hbm>>) target(%arg8 : memref<80x128xf32, #tpu.memory_space<vmem>>) offsets(%arg6 : memref<80xi32, #tpu.memory_space<vmem>>) semaphore(%arg11 : memref<!tpu.dma_semaphore, #tpu.memory_space<semaphore_mem>>)
      %dma_wait3A = arith.constant 0 : i32
      %dma_wait3A_46 = arith.constant 0 : i32
      %dma_wait3A_47 = tpu.memref_slice %arg4[%dma_wait3A, %dma_wait3A_46] : memref<10000x128xf32, #tpu.memory_space<hbm>> -> memref<10000x128xf32, #tpu.memory_space<hbm>>
      tpu.wait_indirect_dma semaphore(%arg11 : memref<!tpu.dma_semaphore, #tpu.memory_space<semaphore_mem>>) src(%dma_wait3A_47 : memref<10000x128xf32, #tpu.memory_space<hbm>>) dst(%arg8 : memref<80x128xf32, #tpu.memory_space<vmem>>)
      "tpu.region"() ({
        %run_scoped3A = tpu.sem_alloc : memref<!tpu.dma_semaphore, #tpu.memory_space<semaphore_mem>>
        %dma_start3A_49 = arith.constant 0 : i32
        %dma_start3A_50 = arith.constant 0 : i32
        %dma_start3A_51 = tpu.memref_slice %arg10[%dma_start3A_49, %dma_start3A_50] : memref<10000x128xf32, #tpu.memory_space<vmem_shared>> -> memref<10000x128xf32, #tpu.memory_space<vmem_shared>>
        tpu.enqueue_indirect_dma source(%arg8 : memref<80x128xf32, #tpu.memory_space<vmem>>) target(%dma_start3A_51 : memref<10000x128xf32, #tpu.memory_space<vmem_shared>>) offsets(%arg7 : memref<80xi32, #tpu.memory_space<vmem>>) semaphore(%run_scoped3A : memref<!tpu.dma_semaphore, #tpu.memory_space<semaphore_mem>>) {add = true}
        %dma_wait3A_52 = arith.constant 0 : i32
        %dma_wait3A_53 = arith.constant 0 : i32
        %dma_wait3A_54 = tpu.memref_slice %arg10[%dma_wait3A_52, %dma_wait3A_53] : memref<10000x128xf32, #tpu.memory_space<vmem_shared>> -> memref<10000x128xf32, #tpu.memory_space<vmem_shared>>
        tpu.wait_indirect_dma semaphore(%run_scoped3A : memref<!tpu.dma_semaphore, #tpu.memory_space<semaphore_mem>>) src(%arg8 : memref<80x128xf32, #tpu.memory_space<vmem>>) dst(%dma_wait3A_54 : memref<10000x128xf32, #tpu.memory_space<vmem_shared>>)
        tpu.yield
      }) : () -> ()
      %scan3A_48 = arith.constant 0 : i32
      scf.yield %scan3A_48 : i32
    }
    %scan3A_30 = arith.constant 125 : i32
    %barrier3A_31 = arith.constant 0 : index
    tpu.barrier barrier_id(%barrier3A_31)
    %lt3A = arith.constant 15 : i32
    %lt3A_32 = arith.cmpi slt, %arg1, %lt3A : i32
    %convert_element_type3A = arith.extui %lt3A_32 : i1 to i32
    %cond3A = arith.constant 0 : i32
    %cond3A_33 = arith.cmpi ne, %convert_element_type3A, %cond3A : i32
    scf.if %cond3A_33 {
      "tpu.region"() ({
        %run_scoped3A = tpu.sem_alloc : memref<!tpu.dma_semaphore, #tpu.memory_space<semaphore_mem>>
        %dma_start3A = arith.constant 0 : i32
        %dma_start3A_39 = tpu.memref_slice %arg5[%arg0, %mul3A_6, %dma_start3A] : memref<2x10000x128xf32, #tpu.memory_space<hbm>> -> memref<1x632x128xf32, #tpu.memory_space<hbm>>
        %dma_start3A_40 = tpu.memref_squeeze %dma_start3A_39 : memref<1x632x128xf32, #tpu.memory_space<hbm>> -> memref<632x128xf32, #tpu.memory_space<hbm>>
        %dma_start3A_41 = arith.constant 0 : i32
        %dma_start3A_42 = tpu.memref_slice %arg10[%mul3A_6, %dma_start3A_41] : memref<10000x128xf32, #tpu.memory_space<vmem_shared>> -> memref<632x128xf32, #tpu.memory_space<vmem_shared>>
        tpu.enqueue_dma source(%dma_start3A_42 : memref<632x128xf32, #tpu.memory_space<vmem_shared>>) target(%dma_start3A_40 : memref<632x128xf32, #tpu.memory_space<hbm>>) target_semaphore(%run_scoped3A : memref<!tpu.dma_semaphore, #tpu.memory_space<semaphore_mem>>)
        %dma_wait3A = arith.constant 0 : i32
        %dma_wait3A_43 = tpu.memref_slice %arg5[%arg0, %mul3A_6, %dma_wait3A] : memref<2x10000x128xf32, #tpu.memory_space<hbm>> -> memref<1x632x128xf32, #tpu.memory_space<hbm>>
        %dma_wait3A_44 = tpu.memref_squeeze %dma_wait3A_43 : memref<1x632x128xf32, #tpu.memory_space<hbm>> -> memref<632x128xf32, #tpu.memory_space<hbm>>
        %dma_wait3A_45 = arith.constant 0 : i32
        %dma_wait3A_46 = tpu.memref_slice %arg10[%mul3A_6, %dma_wait3A_45] : memref<10000x128xf32, #tpu.memory_space<vmem_shared>> -> memref<632x128xf32, #tpu.memory_space<vmem_shared>>
        tpu.wait_dma2 semaphore(%run_scoped3A : memref<!tpu.dma_semaphore, #tpu.memory_space<semaphore_mem>>) src(%dma_wait3A_46 : memref<632x128xf32, #tpu.memory_space<vmem_shared>>) dst(%dma_wait3A_44 : memref<632x128xf32, #tpu.memory_space<hbm>>)
        tpu.yield
      }) : () -> ()
    } else {
    }
    %eq3A_34 = arith.constant 15 : i32
    %eq3A_35 = arith.cmpi eq, %arg1, %eq3A_34 : i32
    %convert_element_type3A_36 = arith.extui %eq3A_35 : i1 to i32
    %cond3A_37 = arith.constant 0 : i32
    %cond3A_38 = arith.cmpi ne, %convert_element_type3A_36, %cond3A_37 : i32
    scf.if %cond3A_38 {
      "tpu.region"() ({
        %run_scoped3A = tpu.sem_alloc : memref<!tpu.dma_semaphore, #tpu.memory_space<semaphore_mem>>
        %dma_start3A = arith.constant 9480 : i32
        %dma_start3A_39 = arith.constant 0 : i32
        %dma_start3A_40 = tpu.memref_slice %arg5[%arg0, %dma_start3A, %dma_start3A_39] : memref<2x10000x128xf32, #tpu.memory_space<hbm>> -> memref<1x520x128xf32, #tpu.memory_space<hbm>>
        %dma_start3A_41 = tpu.memref_squeeze %dma_start3A_40 : memref<1x520x128xf32, #tpu.memory_space<hbm>> -> memref<520x128xf32, #tpu.memory_space<hbm>>
        %dma_start3A_42 = arith.constant 9480 : i32
        %dma_start3A_43 = arith.constant 0 : i32
        %dma_start3A_44 = tpu.memref_slice %arg10[%dma_start3A_42, %dma_start3A_43] : memref<10000x128xf32, #tpu.memory_space<vmem_shared>> -> memref<520x128xf32, #tpu.memory_space<vmem_shared>>
        tpu.enqueue_dma source(%dma_start3A_44 : memref<520x128xf32, #tpu.memory_space<vmem_shared>>) target(%dma_start3A_41 : memref<520x128xf32, #tpu.memory_space<hbm>>) target_semaphore(%run_scoped3A : memref<!tpu.dma_semaphore, #tpu.memory_space<semaphore_mem>>)
        %dma_wait3A = arith.constant 9480 : i32
        %dma_wait3A_45 = arith.constant 0 : i32
        %dma_wait3A_46 = tpu.memref_slice %arg5[%arg0, %dma_wait3A, %dma_wait3A_45] : memref<2x10000x128xf32, #tpu.memory_space<hbm>> -> memref<1x520x128xf32, #tpu.memory_space<hbm>>
        %dma_wait3A_47 = tpu.memref_squeeze %dma_wait3A_46 : memref<1x520x128xf32, #tpu.memory_space<hbm>> -> memref<520x128xf32, #tpu.memory_space<hbm>>
        %dma_wait3A_48 = arith.constant 9480 : i32
        %dma_wait3A_49 = arith.constant 0 : i32
        %dma_wait3A_50 = tpu.memref_slice %arg10[%dma_wait3A_48, %dma_wait3A_49] : memref<10000x128xf32, #tpu.memory_space<vmem_shared>> -> memref<520x128xf32, #tpu.memory_space<vmem_shared>>
        tpu.wait_dma2 semaphore(%run_scoped3A : memref<!tpu.dma_semaphore, #tpu.memory_space<semaphore_mem>>) src(%dma_wait3A_50 : memref<520x128xf32, #tpu.memory_space<vmem_shared>>) dst(%dma_wait3A_47 : memref<520x128xf32, #tpu.memory_space<hbm>>)
        tpu.yield
      }) : () -> ()
    } else {
    }
    return
  }
}

</mosaic_0001>

<sc_bundles>
// kernel: kernel.4.cloned.1.call-start
scs
__scs_entry_jumppad:
0x0: {  	(pc) =	sbr.rel $0x88, $3  }
0x1: {  	(tag) =	ssettag $0x0;
	lr =	simm.s32 $0x1  }
0x2: {  	[smem:$0x3F94] =	sst lr;
	_ =	strace $0xD0000000  }
0x3: {  	_ = 	snop  }
0x4: {  	_ = 	snop  }
0x5: {  	_ = 	snop  }
0x6: {  	_ = 	snop  }
0x7: {  	_ = 	snop  }
__scs_overlays_trampoline_lowered:
0x8: {  	[smem:$0x3FA3] =	sst s0  }
0x9: {  	[smem:$0x3FA4] =	sst s1  }
0xa: {  	[smem:$0x3FA5] =	sst s2  }
0xb: {  	[smem:$0x3FA6] =	sst s3  }
0xc: {  	[smem:$0x3FA7] =	sst s4  }
0xd: {  	[smem:$0x3FA8] =	sst s5  }
0xe: {  	[smem:$0x3FA9] =	sst s6  }
0xf: {  	[smem:$0x3FAA] =	sst s7  }
0x10: {  	[smem:$0x3FAB] =	sst s8  }
0x11: {  	[smem:$0x3FAC] =	sst s9;
	s0 =	simm.s32 @!p0 $0x0  }
0x12: {  	s1 =	sld [smem:$0x3F92];
	s0 =	simm.s32 @p0 $0x1  }
0x13: {  	[smem:$0x3FAD] =	sst s0;
	s0 =	simm.s32 @!p1 $0x0  }
0x14: {  	s2 =	sld [smem:$0x3F91];
	s0 =	simm.s32 @p1 $0x1  }
0x15: {  	[smem:$0x3FAE] =	sst s0;
	s0 =	simm.s32 @!p2 $0x0  }
0x16: {  	s3 =	sld [smem:$0x3FDB];
	s0 =	simm.s32 @p2 $0x1  }
0x17: {  	s4 =	simm.s32 $0x1BF5;
	[smem:$0x3FB0] =	sst s0  }
0x18: {  	s0 =	sld [smem:$0x3F93];
	_ =	swait.ge [sflag:s4], $0x0  }
0x19: {  	s7 =	sld [smem:$0x3F94]  }
0x1a: {  	s8 =	sadd.s32 $0xFFFFE003, lr  }
0x1b: {  	s9 =	sadd.s32 $0xFFFFFEF7, lr;
	s5 =	simm.s32 $0xFFFFFFFF;
	p2 =	slt.u32 s8, $0xFFFFF086  }
0x1c: {  	p1 =	slt.u32 s9, $0xF7A;
	s5 =	simm.s32 @!p2 $0x0  }
0x1d: {  	s5 =	simm.s32 @p1 $0x1;
	p0 =	seq.s32 s7, s2  }
0x1e: {  	s7 =	smul.u32 @!p0 $0xF7A, s2;
	p2 =	seq.s32 @!p0 s5, $0x0  }
0x1f: {  	s9 =	smul.u32 $0xF7A, s1;
	s8 =	simm.s32 @!p0 $0x1BF5;
	p2 =	por !p2, p0  }
0x20: {  	[sflag:s8] =	ssyncset.s32 @!p0 $0xFFFFF086;
	s6 =	sadd.s32 @!p0 s3, s7;
	s7 =	simm.s32 @!p0 $0x108  }
0x21: {  	s3 =	sadd.s32 s3, s9;
	s6 =	sadd.s32 @!p0 $0x88, s6;
	s7 =	simm.s32 @p2 $0x1082  }
0x22: {  	[simem:s7], [sflag:s8] =	dma.local @!p0 [hbm:s6], $0xF7A  }
0x23: {  	s9 =	sor.u32 $0xD0000000, s2;
	s6 =	simm.s32 $0x108;
	_ =	swait.ge @!p0 [sflag:s8], $0x0  }
0x24: {  	s3 =	sadd.s32 $0x88, s3;
	s6 =	simm.s32 @!p1 $0x1082;
	[sflag:s4] =	ssyncset.s32 $0xFFFFF086  }
0x25: {  	[simem:s6], [sflag:s4] =	dma.local [hbm:s3], $0xF7A  }
0x26: {  	[smem:$0x3F94] =	sst s1;
	(tag) =	ssettag s2;
	_ =	strace s9  }
0x27: {  	s1 =	sld [smem:$0x3FA4]  }
0x28: {  	s2 =	sld [smem:$0x3FA5]  }
0x29: {  	s4 =	sld [smem:$0x3FA7]  }
0x2a: {  	p0 =	seq.s32 s5, $0x0;
	s5 =	sld [smem:$0x3FA8]  }
0x2b: {  	s6 =	sld [smem:$0x3FA9]  }
0x2c: {  	s7 =	sld [smem:$0x3FAA]  }
0x2d: {  	s3 =	simm.s32 $0x108;
	s8 =	sld [smem:$0x3FAB]  }
0x2e: {  	s3 =	simm.s32 @!p0 $0x1082;
	s9 =	sld [smem:$0x3FAC]  }
0x2f: {  	lr =	sadd.s32 s0, s3;
	s0 =	sld [smem:$0x3FA3]  }
0x30: {  	s3 =	sld [smem:$0x3FA6]  }
0x31: {  	[smem:$0x3FAF] =	sst s10  }
0x32: {  	s10 =	sld [smem:$0x3FAD];
	_ =	sdelay $0x3  }
0x33: {  	p0 =	seq.s32 s10, $0x1;
	s10 =	sld [smem:$0x3FAF];
	_ =	sdelay $0x3  }
0x34: {  	[smem:$0x3FAF] =	sst s10  }
0x35: {  	s10 =	sld [smem:$0x3FAE];
	_ =	sdelay $0x3  }
0x36: {  	p1 =	seq.s32 s10, $0x1;
	s10 =	sld [smem:$0x3FAF];
	_ =	sdelay $0x3  }
0x37: {  	[smem:$0x3FAF] =	sst s10  }
0x38: {  	s10 =	sld [smem:$0x3FB0]  }
0x39: {  	_ = 	snop;
	(pc) =	sbr.ind lr, $3  }
0x3a: {  	_ = 	snop  }
0x3b: {  	_ = 	snop  }
0x3c: {  	p2 =	seq.s32 s10, $0x1;
	s10 =	sld [smem:$0x3FAF]  }
0x3d: {  	_ =	shalt  }
0x3e: {  	_ =	shalt  }
0x3f: {  	_ =	shalt  }
0x40: {  	_ =	shalt  }
0x41: {  	_ =	shalt  }
0x42: {  	_ =	shalt  }
0x43: {  	_ =	shalt  }
0x44: {  	_ =	shalt  }
0x45: {  	_ =	shalt  }
0x46: {  	_ =	shalt  }
0x47: {  	_ =	shalt  }
0x48: {  	_ =	shalt  }
0x49: {  	_ =	shalt  }
0x4a: {  	_ =	shalt  }
0x4b: {  	_ =	shalt  }
0x4c: {  	_ =	shalt  }
0x4d: {  	_ =	shalt  }
0x4e: {  	_ =	shalt  }
0x4f: {  	_ =	shalt  }
0x50: {  	_ =	shalt  }
0x51: {  	_ =	shalt  }
0x52: {  	_ =	shalt  }
0x53: {  	_ =	shalt  }
0x54: {  	_ =	shalt  }
0x55: {  	_ =	shalt  }
0x56: {  	_ =	shalt  }
0x57: {  	_ =	shalt  }
0x58: {  	_ =	shalt  }
0x59: {  	_ =	shalt  }
0x5a: {  	_ =	shalt  }
0x5b: {  	_ =	shalt  }
0x5c: {  	_ =	shalt  }
0x5d: {  	_ =	shalt  }
0x5e: {  	_ =	shalt  }
0x5f: {  	_ =	shalt  }
0x60: {  	_ =	shalt  }
0x61: {  	_ =	shalt  }
0x62: {  	_ =	shalt  }
0x63: {  	_ =	shalt  }
0x64: {  	_ =	shalt  }
0x65: {  	_ =	shalt  }
0x66: {  	_ =	shalt  }
0x67: {  	_ =	shalt  }
0x68: {  	_ =	shalt  }
0x69: {  	_ =	shalt  }
0x6a: {  	_ =	shalt  }
0x6b: {  	_ =	shalt  }
0x6c: {  	_ =	shalt  }
0x6d: {  	_ =	shalt  }
0x6e: {  	_ =	shalt  }
0x6f: {  	_ =	shalt  }
0x70: {  	_ =	shalt  }
0x71: {  	_ =	shalt  }
0x72: {  	_ =	shalt  }
0x73: {  	_ =	shalt  }
0x74: {  	_ =	shalt  }
0x75: {  	_ =	shalt  }
0x76: {  	_ =	shalt  }
0x77: {  	_ =	shalt  }
0x78: {  	_ =	shalt  }
0x79: {  	_ =	shalt  }
0x7a: {  	_ =	shalt  }
0x7b: {  	_ =	shalt  }
0x7c: {  	_ =	shalt  }
0x7d: {  	_ =	shalt  }
0x7e: {  	_ =	shalt  }
0x7f: {  	_ =	shalt  }
0x80: {  	_ =	shalt  }
0x81: {  	_ =	shalt  }
0x82: {  	_ =	shalt  }
0x83: {  	_ =	shalt  }
0x84: {  	_ =	shalt  }
0x85: {  	_ =	shalt  }
0x86: {  	_ =	shalt  }
0x87: {  	_ =	shalt  }
.Lfunc_end0:
.L_simem_size_0:
called_computation.2_lowered:
.L_overlay_start_0:
0x88: {  	s2 =	sld [smem:$0x3FD9]  }
0x89: {  	s3 =	sld [smem:$0x3FFE];
	_ =	sdelay $0x1  }
0x8a: {  	s1 =	srdreg.scid  }
0x8b: {  	s0 =	sand.u32 $0x1, s1  }
0x8c: {  	s16 =	sshll.u32 s0, $0xA;
	s2 =	sadd.s32 s3, s2  }
0x8d: {  	s2 =	sadd.s32 s2, s16  }
0x8e: {  	[smem:$0x3FBB] =	sst s2  }
0x8f: {  	_ = 	snop  }
0x90: {  	(tm) =	ssettm $0x1  }
0x91: {  	s17 =	sld [smem:$0x3FFB];
	_ =	sdelay $0x3  }
0x92: {  	_ =	strace s17  }
0x93: {  	s2 =	sld [smem:$0x3FFC];
	_ =	sdelay $0x3  }
0x94: {  	_ =	strace s2  }
0x95: {  	s2 =	sld [smem:$0x3FFD];
	_ =	sdelay $0x3  }
0x96: {  	_ =	strace s2  }
0x97: {  	_ =	strace $0x8FFFFFFF  }
0x98: {  	s18 =	sld [smem:$0x3FDB];
	_ =	sdelay $0x1  }
0x99: {  	s19 =	simm.s32 $_scs_section_size  }
0x9a: {  	s4 =	simm.s32 $_size__tile_overlayer_lowered;
	s5 =	simm.s32 $_tile_overlayer_lowered  }
0x9b: {  	s22 =	simm.s32 $0x1BFF;
	s21 =	sshll.u32 s5, $0x1;
	s2 =	sadd.s32 s19, s18  }
0x9c: {  	s6 =	simm.s32 $0x0;
	s20 =	sshll.u32 s4, $0x1;
	s4 =	sadd.s32 s21, s2  }
0x9d: {  	[timem:s6], [sflag:s22] =	dma.local [hbm:s4], s20  }
0x9e: {  	_ =	swait.ge [sflag:s22], s20  }
0x9f: {  	s3 =	ssub.s32 $0x0, s20;
	[sflag:s22] =	ssyncset.done $0x0  }
0xa0: {  	[sflag:s22] =	ssyncadd.s32 s3;
	_ =	sdelay $0x1  }
0xa1: {  	s23 =	simm.s32 $0x1B8B  }
0xa2: {  	_ =	swait.ge [sflag:s23], $0x1  }
0xa3: {  	[sflag:s23] =	ssyncset.done $0x0  }
0xa4: {  	s25 =	simm.s32 $0x1B8E;
	s24 =	sld [smem:$0x3FFE];
	[sflag:s23] =	ssyncadd.s32 $0xFFFFFFFF  }
0xa5: {  	s26 =	simm.s32 $execute0_lowered;
	[smem:$0x3FD2] =	sst s25  }
0xa6: {  	s4 =	sshll.u32 s26, $0x1;
	_ =	strace $0x80000046;
	[dreg:$0x1] =	wrdreg $0xFFFFFFFF  }
0xa7: {  	s28 =	simm.s32 $_size_execute0_lowered;
	s2 =	sadd.s32 s2, s4;
	[dreg:$0x0] =	wrdreg $0x0  }
0xa8: {  	s4 =	sshll.u32 s28, $0x1;
	[dreg:$0x2] =	wrdreg s2  }
0xa9: {  	[dreg:$0x3] =	wrdreg s4  }
0xaa: {  	[dreg:$0x4] =	wrdreg $0xC0  }
0xab: {  	_ =	task [dreg:s6], $0x5FFFF  }
0xac: {  	[dreg:$0x1] =	wrdreg $0xFFFFFFFF  }
0xad: {  	[dreg:$0x0] =	wrdreg $0x60  }
0xae: {  	[dreg:$0x2] =	wrdreg s24  }
0xaf: {  	[dreg:$0x3] =	wrdreg $0x7A000  }
0xb0: {  	[dreg:$0x4] =	wrdreg $0x9  }
0xb1: {  	_ =	task.clear_ibuf [dreg:s6], $0x5FFFF;
	_ =	strace $0x90000046  }
0xb2: {  	s29 =	simm.s32 $0x9;
	_ =	strace $0x80000048  }
0xb3: {  	_ =	swait.ge [sflag:s29], $0x1  }
0xb4: {  	[sflag:s29] =	ssyncadd.s32 $0xFFFFFFFF  }
0xb5: {  	_ =	strace $0x90000048  }
0xb6: {  	_ =	sfence  }
0xb7: {  	s30 =	sld [smem:$0x0];
	_ =	sdelay $0x2  }
0xb8: {  	s31 =	sshll.u32 s1, $0xD;
	s1 =	sshrl.u32 s1, $0x2  }
0xb9: {  	s3 =	sand.u32 $0x4000, s31;
	s1 =	sadd.s32 s1, s30  }
0xba: {  	s0 =	sor.u32 s3, s0;
	s1 =	sshll.u32 s1, $0x11  }
0xbb: {  	s0 =	sor.u32 s1, s0  }
0xbc: {  	s0 =	sadd.s32 $0x8F2B, s0  }
0xbd: {  	[sflag:s0] =	ssyncadd.remote.s32 $0x1  }
0xbe: {  	_ =	sfence.sel $0xFFFF  }
0xbf: {  	[dreg:$0x0] =	wrdreg $0xFFFFFFFF;
	(pc) =	sbr.abs _section_cstart, $3  }
0xc0: {  	[dreg:$0x1] =	wrdreg $0xFFFFFFFF  }
0xc1: {  	_ =	task.clear_ibuf [dreg:s6], $0x2FFFF;
	_ =	strace $0x9FFFFFFF  }
0xc2: {  	(tm) =	ssettm $0x7FFFFFFF  }
0xc3: {  	_ =	shalt  }
tec
execute0_lowered:
.L_overlay_start_1:
0x0: {  	(tag) =	ssettag $0x1  }
0x1: {  	s0 =	rddreg [dreg:$0x0]  }
0x2: {  	s1 =	rddreg [dreg:$0x1];
	s2 =	simm.s32 $0x0  }
0x3: {  	s3 =	srdreg.scid;
	s18 =	stileid.u32;
	s28 =	simm.s32 $0x200  }
0x4: {  	s29 =	simm.s32 $0x3;
	s30 =	simm.s32 $0x80;
	s31 =	simm.s32 $0x50  }
0x5: {  	[smem:$0x7FF] =	sst s2;
	s6 =	sand.u32 $0x1, s3;
	s3 =	sadd.s32 $0xF5800, s0  }
0x6: {  	s4 =	sadd.s32 $0xEBA00, s0;
	s5 =	sadd.s32 $0x1200, s0;
	s7 =	sadd.s32 $0x9D600, s0  }
0x7: {  	s8 =	sadd.s32 $0xC4800, s0;
	s13 =	sadd.s32 $0x62F800, s0;
	s16 =	smul.u32 $0x4F000, s18  }
0x8: {  	p0 =	seq.s32 s18, $0xF;
	s19 =	smul.u32 $0x2780, s18;
	_ =	strace $0x80000047  }
0x9: {  	s11 =	smul.u32 $0x27100, s6;
	s10 =	ssub.s32 $0x2, s6;
	s9 =	sshll.u32 s6, $0x4  }
0xa: {  	s6 =	smul.u32 $0x138800, s6;
	s12 =	sshrl.u32 s10, $0x1;
	s15 =	sor.u32 s18, s9  }
0xb: {  	s9 =	sadd.s32 $0xFF600, s0;
	s24 =	sshrl.u32 s16, $0x2;
	[dreg:$0x5] =	wrdreg s19  }
0xc: {  	s19 =	sadd.s32 $0x28300, s0;
	s14 =	sadd.s32 s11, s0;
	s17 =	ssub.s32 s10, s12  }
0xd: {  	s10 =	smul.u32 $0x2710, s15;
	s15 =	simm.s32 $0x41;
	s11 =	sadd.s32 s13, s11  }
0xe: {  	s6 =	sshrl.u32 s6, $0x3;
	s15 =	simm.s32 @!p0 $0x4F;
	[dreg:$0x9] =	wrdreg s11  }
0xf: {  	s14 =	sadd.s32 $0x5E1600, s14;
	s6 =	sadd.s32 s13, s6;
	[dreg:$0x3] =	wrdreg s15  }
0x10: {  	s12 =	sadd.s32 s24, s1;
	[dreg:$0x4] =	wrdreg s14;
	s22 =	sadd.s32 $0x4E200, s6  }
0x11: {  	s25 =	sadd.s32 $0x26C0, s10;
	s23 =	sadd.s32 $0x9C400, s6;
	[dreg:$0xa] =	wrdreg s22  }
0x12: {  	s24 =	sadd.s32 $0xEA600, s6;
	s26 =	sshrl.u32 s25, $0x3;
	[dreg:$0xb] =	wrdreg s23  }
0x13: {  	s15 =	sshll.u32 s25, $0x4;
	[dreg:$0xc] =	wrdreg s24;
	s25 =	smax.u32 s17, $0x1  }
0x14: {  	s18 =	simm.s32 $0x5200;
	s20 =	sadd.s32 s3, s26;
	[dreg:$0xd] =	wrdreg s25  }
0x15: {  	s13 =	simm.s32 $0x180;
	s14 =	sadd.s32 s4, s26;
	[dreg:$0x6] =	wrdreg s20  }
0x16: {  	s6 =	simm.s32 $0x1;
	s21 =	sadd.s32 s9, s15;
	[dreg:$0x7] =	wrdreg s14  }
0x17: {  	s23 =	sadd.s32 $0x76500, s0;
	s26 =	sadd.s32 $0x128400, s1;
	[dreg:$0x8] =	wrdreg s21  }
0x18: {  	s25 =	simm.s32 $0x2;
	s21 =	sadd.s32 $0x4F400, s0;
	[dreg:$0xe] =	wrdreg s26  }
0x19: {  	v0 =	vimm.f32 $0.0e+00;
	s0 =	simm.s32 $0x2A00;
	s26 =	simm.s32 $0x100;
	s14 =	simm.s32 $0x0  }
.LBB2_1:
0x1a: {  	[tilespmem:$0x200] =	vst v0  }
0x1b: {  	[tilespmem:$0x210] =	vst v0  }
0x1c: {  	[tilespmem:$0x220] =	vst v0  }
0x1d: {  	[tilespmem:$0x230] =	vst v0  }
0x1e: {  	[tilespmem:$0x240] =	vst v0  }
0x1f: {  	[tilespmem:$0x250] =	vst v0  }
0x20: {  	[tilespmem:$0x260] =	vst v0  }
0x21: {  	[tilespmem:$0x270] =	vst v0  }
0x22: {  	[tilespmem:$0x280] =	vst v0  }
0x23: {  	[tilespmem:$0x290] =	vst v0  }
0x24: {  	[tilespmem:$0x2A0] =	vst v0  }
0x25: {  	[tilespmem:$0x2B0] =	vst v0  }
0x26: {  	[tilespmem:$0x2C0] =	vst v0  }
0x27: {  	[tilespmem:$0x2D0] =	vst v0  }
0x28: {  	[tilespmem:$0x2E0] =	vst v0  }
0x29: {  	[tilespmem:$0x2F0] =	vst v0  }
0x2a: {  	[tilespmem:$0x300] =	vst v0  }
0x2b: {  	[tilespmem:$0x310] =	vst v0  }
0x2c: {  	[tilespmem:$0x320] =	vst v0  }
0x2d: {  	[tilespmem:$0x330] =	vst v0  }
0x2e: {  	[tilespmem:$0x340] =	vst v0  }
0x2f: {  	[tilespmem:$0x350] =	vst v0  }
0x30: {  	[tilespmem:$0x360] =	vst v0  }
0x31: {  	[tilespmem:$0x370] =	vst v0  }
0x32: {  	[tilespmem:$0x380] =	vst v0  }
0x33: {  	[tilespmem:$0x390] =	vst v0  }
0x34: {  	[tilespmem:$0x3A0] =	vst v0  }
0x35: {  	[tilespmem:$0x3B0] =	vst v0  }
0x36: {  	[tilespmem:$0x3C0] =	vst v0  }
0x37: {  	[tilespmem:$0x3D0] =	vst v0  }
0x38: {  	[tilespmem:$0x3E0] =	vst v0  }
0x39: {  	[tilespmem:$0x3F0] =	vst v0  }
0x3a: {  	[tilespmem:$0x400] =	vst v0  }
0x3b: {  	[tilespmem:$0x410] =	vst v0  }
0x3c: {  	[tilespmem:$0x420] =	vst v0  }
0x3d: {  	[tilespmem:$0x430] =	vst v0  }
0x3e: {  	[tilespmem:$0x440] =	vst v0  }
0x3f: {  	[tilespmem:$0x450] =	vst v0  }
0x40: {  	[tilespmem:$0x460] =	vst v0  }
0x41: {  	[tilespmem:$0x470] =	vst v0  }
0x42: {  	[tilespmem:$0x480] =	vst v0  }
0x43: {  	[tilespmem:$0x490] =	vst v0  }
0x44: {  	[tilespmem:$0x4A0] =	vst v0  }
0x45: {  	[tilespmem:$0x4B0] =	vst v0  }
0x46: {  	[tilespmem:$0x4C0] =	vst v0  }
0x47: {  	[tilespmem:$0x4D0] =	vst v0  }
0x48: {  	[tilespmem:$0x4E0] =	vst v0  }
0x49: {  	[tilespmem:$0x4F0] =	vst v0  }
0x4a: {  	[tilespmem:$0x500] =	vst v0  }
0x4b: {  	[tilespmem:$0x510] =	vst v0  }
0x4c: {  	[tilespmem:$0x520] =	vst v0  }
0x4d: {  	[tilespmem:$0x530] =	vst v0  }
0x4e: {  	[tilespmem:$0x540] =	vst v0  }
0x4f: {  	[tilespmem:$0x550] =	vst v0  }
0x50: {  	[tilespmem:$0x560] =	vst v0  }
0x51: {  	[tilespmem:$0x570] =	vst v0  }
0x52: {  	[tilespmem:$0x580] =	vst v0  }
0x53: {  	[tilespmem:$0x590] =	vst v0  }
0x54: {  	[tilespmem:$0x5A0] =	vst v0  }
0x55: {  	[tilespmem:$0x5B0] =	vst v0  }
0x56: {  	[tilespmem:$0x5C0] =	vst v0;
	s11 =	rddreg [dreg:$0x3]  }
0x57: {  	[tilespmem:$0x5D0] =	vst v0;
	p1 =	sne.s32 s11, $0x1  }
.Ltmp0:
0x58: {  	[tilespmem:$0x5E0] =	vst v0;
	(pc) =	sbr.rel @!p1 .LBB2_3-.Ltmp0, $4  }
0x59: {  	[dreg:$0xf] =	wrdreg s14;
	[tilespmem:$0x5F0] =	vst v0  }
0x5a: {  	[spmem:s12] =	stream.linear.scatter [tilespmem:s28], [sflag:$0x3], $0x400, $0x38;
	[tilespmem:$0x1B280] =	vst v63  }
0x5b: {  	_ =	swait.ge [sflag:s29], $0x400  }
0x5c: {  	s14 =	smov.u32 s12;
	s11 =	sadd.s32 $0xFFFFFFFF, s11;
	[sflag:s29] =	ssyncset.done $0x0  }
.LBB2_2:
0x5d: {  	p2 =	sne.s32 s11, $0x1;
	[sflag:s29] =	ssyncadd.s32 $0xFFFFFC00;
	s14 =	sadd.s32 $0x400, s14  }
.Ltmp1:
0x5e: {  	s11 =	sadd.s32 $0xFFFFFFFF, s11;
	(pc) =	sbr.rel @p2 .LBB2_2-.Ltmp1, $4  }
0x5f: {  	_ = 	snop  }
0x60: {  	[spmem:s14] =	stream.linear.scatter [tilespmem:s28], [sflag:$0x3], $0x400, $0x38;
	[tilespmem:$0x1B280] =	vst v63  }
0x61: {  	_ =	swait.ge [sflag:s29], $0x400  }
0x62: {  	[sflag:s29] =	ssyncset.done $0x0  }
.LBB2_3:
0x63: {  	[sflag:s29] =	ssyncadd.s32 $0xFFFFFC00  }
0x64: {  	s15 =	simm.s32 $0x0;
	s16 =	simm.s32 $0x0;
	[bflag:$0x0] =	sbarrier.arrive $0xFFFF  }
.LBB2_4:
0x65: {  	s11 =	smul.u32 $0x50, s16;
	_ =	sdelay $0x1  }
0x66: {  	s17 =	sadd.s32 s10, s11  }
0x67: {  	s11 =	sshrl.u32 s17, $0x3  }
0x68: {  	s14 =	sadd.s32 s3, s11  }
0x69: {  	[tilespmem:s15], [sflag:$0x3] =	stream.linear.gather [hbm4b:s14+s15], $0x50, $0x38;
	[tilespmem:$0x1B280] =	vst v63  }
0x6a: {  	_ =	swait.ge [sflag:s29], $0x50  }
0x6b: {  	[sflag:s29] =	ssyncset.done $0x0  }
0x6c: {  	s11 =	sadd.s32 s4, s11;
	[sflag:s29] =	ssyncadd.s32 $0xFFFFFFB0  }
0x6d: {  	[tilespmem:s30], [sflag:$0x3] =	stream.linear.gather [hbm4b:s11+s15], $0x50, $0x38;
	[tilespmem:$0x1B280] =	vst v63  }
0x6e: {  	_ =	swait.ge [sflag:s29], $0x50  }
0x6f: {  	[sflag:s29] =	ssyncset.done $0x0  }
0x70: {  	[sflag:s29] =	ssyncadd.s32 $0xFFFFFFB0  }
0x71: {  	[tilespmem:s28], [sflag:$0x1] =	stream.indirect.gather [hbm4b:s7+s31], $0x80, s15, s31, $0xb8;
	[tilespmem:$0x1B280] =	vst v63  }
0x72: {  	_ = 	snop  }
0x73: {  	[tilespmem:s0], [sflag:$0x2] =	stream.indirect.gather [hbm4b:s8+s31], $0x80, s30, s31, $0xb8;
	[tilespmem:$0x1B280] =	vst v63  }
0x74: {  	_ =	swait.ge [sflag:s6], $0x2800  }
0x75: {  	[sflag:s6] =	ssyncset.done $0x0  }
0x76: {  	[sflag:s6] =	ssyncadd.s32 $0xFFFFD800  }
0x77: {  	_ =	swait.ge [sflag:s25], $0x2800  }
0x78: {  	[sflag:s25] =	ssyncset.done $0x0  }
0x79: {  	s22 =	simm.s32 $0x0;
	[sflag:s25] =	ssyncadd.s32 $0xFFFFD800  }
0x7a: {  	v1 =	vld [tilespmem:s22+$0x2A00]  }
0x7b: {  	v2 =	vld [tilespmem:s22+$0x2A40]  }
0x7c: {  	v3 =	vld [tilespmem:s22+$0x240]  }
0x7d: {  	v4 =	vld [tilespmem:s22+$0x2A20]  }
0x7e: {  	v5 =	vld [tilespmem:s22+$0x200]  }
0x7f: {  	v6 =	vld [tilespmem:s22+$0x220];
	_ =	sdelay $0x1  }
0x80: {  	v7 =	vld [tilespmem:s22+$0x2A60];
	v2 =	vadd.f32 v2, v3  }
0x81: {  	v8 =	vld [tilespmem:s22+$0x260]  }
0x82: {  	v1 =	vadd.f32 v1, v5;
	v3 =	vmul.f32 $2.000000030e-01, v2  }
0x83: {  	v4 =	vadd.f32 v4, v6;
	vm0 =	vge.f32 v2, $0.0e+00  }
0x84: {  	v5 =	vmul.f32 $2.000000030e-01, v1;
	v2 =	vsel vm0, v2, v3  }
0x85: {  	vm13 =	vge.f32 v1, $0.0e+00;
	v6 =	vmul.f32 $2.000000030e-01, v4;
	v2 =	vmul.f32 $1.442695020e+00, v2  }
0x86: {  	vm14 =	vge.f32 v4, $0.0e+00;
	v3 =	vadd.f32 v7, v8;
	v1 =	vsel vm13, v1, v5  }
0x87: {  	v4 =	vsel vm14, v4, v6;
	v1 =	vmul.f32 $1.442695020e+00, v1;
	(erf) = vpow2.f32 v2  }
0x88: {  	v63 =	vmul.f32 $2.000000030e-01, v3;
	v2 =	vmul.f32 $1.442695020e+00, v4  }
0x89: {  	vm15 =	vge.f32 v3, $0.0e+00;
	(erf) = vpow2.f32 v1  }
0x8a: {  	v3 =	vsel vm15, v3, v63;
	(erf) = vpow2.f32 v2  }
0x8b: {  	v1 =	vmul.f32 $1.442695020e+00, v3;
	_ =	sdelay $0x1  }
0x8c: {  	s24 =	simm.s32 $0x400;
	s14 =	simm.s32 $0x200;
	(erf) = vpow2.f32 v1  }
.LBB2_5:
0x8d: {  	p2 =	sne.s32 s24, $0x9E00  }
0x8e: {  	s11 =	sshra.s32 s14, $0x2;
	s14 =	smov.u32 s24;
	s24 =	sadd.s32 $0x200, s24  }
0x8f: {  	v1 =	vld [tilespmem:s11+$0x2A00];
	v2 =	vpop (erf)  }
0x90: {  	v3 =	vld [tilespmem:s11+$0x2A40];
	[tilespmem:s22+$0x240] =	vst v2  }
0x91: {  	v2 =	vld [tilespmem:s11+$0x240];
	v4 =	vpop (erf)  }
0x92: {  	v5 =	vld [tilespmem:s11+$0x2A20];
	[tilespmem:s22+$0x200] =	vst v4;
	v4 =	vpop (erf)  }
0x93: {  	v6 =	vld [tilespmem:s11+$0x200];
	[tilespmem:s22+$0x220] =	vst v4  }
0x94: {  	v4 =	vld [tilespmem:s11+$0x220]  }
0x95: {  	v7 =	vpop (erf)  }
0x96: {  	v2 =	vadd.f32 v3, v2;
	v3 =	vld [tilespmem:s11+$0x2A60];
	[tilespmem:s22+$0x260] =	vst v7;
	s22 =	smov.u32 s11  }
0x97: {  	v7 =	vld [tilespmem:s22+$0x260]  }
0x98: {  	v1 =	vadd.f32 v1, v6;
	v6 =	vmul.f32 $2.000000030e-01, v2  }
0x99: {  	vm0 =	vge.f32 v2, $0.0e+00;
	v4 =	vadd.f32 v5, v4  }
0x9a: {  	v5 =	vmul.f32 $2.000000030e-01, v1;
	v2 =	vsel vm0, v2, v6  }
0x9b: {  	vm0 =	vge.f32 v1, $0.0e+00;
	v6 =	vmul.f32 $2.000000030e-01, v4;
	v2 =	vmul.f32 $1.442695020e+00, v2  }
0x9c: {  	v1 =	vsel vm0, v1, v5;
	vm0 =	vge.f32 v4, $0.0e+00;
	v3 =	vadd.f32 v3, v7  }
0x9d: {  	v1 =	vmul.f32 $1.442695020e+00, v1;
	v4 =	vsel vm0, v4, v6;
	(erf) = vpow2.f32 v2  }
0x9e: {  	v2 =	vmul.f32 $1.442695020e+00, v4;
	vm0 =	vge.f32 v3, $0.0e+00;
	v4 =	vmul.f32 $2.000000030e-01, v3  }
.Ltmp2:
0x9f: {  	(erf) = vpow2.f32 v1;
	(pc) =	sbr.rel @p2 .LBB2_5-.Ltmp2, $3  }
0xa0: {  	v1 =	vsel vm0, v3, v4;
	(erf) = vpow2.f32 v2  }
0xa1: {  	v1 =	vmul.f32 $1.442695020e+00, v1;
	_ =	sdelay $0x1  }
0xa2: {  	(erf) = vpow2.f32 v1  }
0xa3: {  	_ =	sdelay $0x1  }
0xa4: {  	s11 =	sshra.s32 s14, $0x2  }
0xa5: {  	v1 =	vld [tilespmem:s11+$0x2A00];
	v2 =	vpop (erf)  }
0xa6: {  	v3 =	vld [tilespmem:s11+$0x2A40];
	[tilespmem:s22+$0x240] =	vst v2  }
0xa7: {  	v2 =	vld [tilespmem:s11+$0x240];
	v4 =	vpop (erf)  }
0xa8: {  	v5 =	vld [tilespmem:s11+$0x2A20];
	[tilespmem:s22+$0x200] =	vst v4;
	v60 =	vpop (erf)  }
0xa9: {  	v6 =	vld [tilespmem:s11+$0x200];
	[tilespmem:s22+$0x220] =	vst v60  }
0xaa: {  	v4 =	vld [tilespmem:s11+$0x220];
	v7 =	vpop (erf)  }
0xab: {  	v8 =	vld [tilespmem:s11+$0x2A60];
	[tilespmem:s22+$0x260] =	vst v7  }
0xac: {  	v7 =	vld [tilespmem:s11+$0x260]  }
0xad: {  	v2 =	vadd.f32 v3, v2;
	_ =	sdelay $0x1  }
0xae: {  	v1 =	vadd.f32 v1, v6;
	v3 =	vmul.f32 $2.000000030e-01, v2  }
0xaf: {  	vm0 =	vge.f32 v2, $0.0e+00;
	v4 =	vadd.f32 v5, v4  }
0xb0: {  	v61 =	vmul.f32 $2.000000030e-01, v1;
	v2 =	vsel vm0, v2, v3;
	v3 =	vadd.f32 v8, v7  }
0xb1: {  	vm13 =	vge.f32 v1, $0.0e+00;
	v62 =	vmul.f32 $2.000000030e-01, v4;
	v2 =	vmul.f32 $1.442695020e+00, v2  }
0xb2: {  	vm14 =	vge.f32 v4, $0.0e+00;
	v1 =	vsel vm13, v1, v61;
	v63 =	vmul.f32 $2.000000030e-01, v3  }
0xb3: {  	v1 =	vmul.f32 $1.442695020e+00, v1;
	v4 =	vsel vm14, v4, v62;
	vm15 =	vge.f32 v3, $0.0e+00  }
0xb4: {  	(erf) = vpow2.f32 v2;
	v2 =	vmul.f32 $1.442695020e+00, v4;
	v3 =	vsel vm15, v3, v63  }
0xb5: {  	(erf) = vpow2.f32 v1;
	v1 =	vmul.f32 $1.442695020e+00, v3  }
0xb6: {  	(erf) = vpow2.f32 v2  }
0xb7: {  	(erf) = vpow2.f32 v1;
	_ =	sdelay $0x5  }
0xb8: {  	v1 =	vpop (erf)  }
0xb9: {  	[tilespmem:s11+$0x240] =	vst v1;
	v1 =	vpop (erf)  }
0xba: {  	[tilespmem:s11+$0x200] =	vst v1;
	v1 =	vpop (erf)  }
0xbb: {  	s22 =	sshll.u32 s17, $0x4;
	[tilespmem:s11+$0x220] =	vst v1;
	v1 =	vpop (erf)  }
0xbc: {  	s24 =	sadd.s32 s9, s22;
	[tilespmem:s11+$0x260] =	vst v1  }
0xbd: {  	[hbm4b:s24+s2] =	stream.linear.scatter [tilespmem:s28], [sflag:$0x3], $0x2800, $0x38;
	[tilespmem:$0x1B280] =	vst v63  }
0xbe: {  	s16 =	sadd.s32 $0x1, s16;
	_ =	swait.ge [sflag:s29], $0x2800  }
0xbf: {  	p2 =	sne.s32 s16, $0x7D;
	[sflag:s29] =	ssyncset.done $0x0  }
.Ltmp3:
0xc0: {  	[sflag:s29] =	ssyncadd.s32 $0xFFFFD800;
	(pc) =	sbr.rel @p2 .LBB2_4-.Ltmp3, $4  }
0xc1: {  	[spmem:s1] =	stream.indirect.scatter.add.f32 [tilespmem:s28], [sflag:$0x3], $0x80, s30, s31, $0xb8;
	[tilespmem:$0x1B280] =	vst v63  }
0xc2: {  	_ =	swait.ge [sflag:s29], $0x2800  }
0xc3: {  	[sflag:s29] =	ssyncset.done $0x0  }
0xc4: {  	[sflag:s29] =	ssyncadd.s32 $0xFFFFD800  }
0xc5: {  	[bflag:$0x0] =	sbarrier.arrive $0xFFFF  }
0xc6: {  	s14 =	rddreg [dreg:$0xe]  }
0xc7: {  	s15 =	rddreg [dreg:$0x4];
	s16 =	sshrl.u32 @p0 s14, $0x3  }
0xc8: {  	s11 =	sadd.s32 @p0 $0x25080, s15;
	s14 =	simm.s32 @p0 $0x1FC3;
	[dreg:$0x10] =	wrdreg s16  }
0xc9: {  	[hbm:s11], [sflag:s14] =	dma.local @p0 [spmem:s16], $0x2080  }
0xca: {  	s11 =	simm.s32 @p0 $0x3  }
0xcb: {  	_ =	swait.ge @p0 [sflag:s11], $0x2080  }
0xcc: {  	[sflag:s11] =	ssyncset.done @p0 $0x0  }
0xcd: {  	s14 =	rddreg [dreg:$0x5];
	[sflag:s11] =	ssyncadd.s32 @p0 $0xFFFFDF80;
	s11 =	stileid.u32  }
0xce: {  	s14 =	sadd.s32 @!p0 s14, s15;
	s11 =	sshll.u32 @!p0 s11, $0x6  }
0xcf: {  	s15 =	sshrl.u32 @!p0 s12, $0x3;
	s24 =	sor.u32 @!p0 $0x1C03, s11;
	s11 =	simm.s32 @!p0 $0x3  }
0xd0: {  	[hbm:s14], [sflag:s24] =	dma.local @!p0 [spmem:s15], $0x2780  }
0xd1: {  	_ =	swait.ge @!p0 [sflag:s11], $0x2780  }
0xd2: {  	[sflag:s11] =	ssyncset.done @!p0 $0x0  }
0xd3: {  	[sflag:s11] =	ssyncadd.s32 @!p0 $0xFFFFD880  }
0xd4: {  	[bflag:$0x0] =	sbarrier.arrive $0xFFFF  }
0xd5: {  	[tilespmem:$0x200] =	vst v0  }
0xd6: {  	[tilespmem:$0x210] =	vst v0  }
0xd7: {  	[tilespmem:$0x220] =	vst v0  }
0xd8: {  	[tilespmem:$0x230] =	vst v0  }
0xd9: {  	[tilespmem:$0x240] =	vst v0  }
0xda: {  	[tilespmem:$0x250] =	vst v0  }
0xdb: {  	[tilespmem:$0x260] =	vst v0  }
0xdc: {  	[tilespmem:$0x270] =	vst v0  }
0xdd: {  	[tilespmem:$0x280] =	vst v0  }
0xde: {  	[tilespmem:$0x290] =	vst v0  }
0xdf: {  	[tilespmem:$0x2A0] =	vst v0  }
0xe0: {  	[tilespmem:$0x2B0] =	vst v0  }
0xe1: {  	[tilespmem:$0x2C0] =	vst v0  }
0xe2: {  	[tilespmem:$0x2D0] =	vst v0  }
0xe3: {  	[tilespmem:$0x2E0] =	vst v0  }
0xe4: {  	[tilespmem:$0x2F0] =	vst v0  }
0xe5: {  	[tilespmem:$0x300] =	vst v0  }
0xe6: {  	[tilespmem:$0x310] =	vst v0  }
0xe7: {  	[tilespmem:$0x320] =	vst v0  }
0xe8: {  	[tilespmem:$0x330] =	vst v0  }
0xe9: {  	[tilespmem:$0x340] =	vst v0  }
0xea: {  	[tilespmem:$0x350] =	vst v0  }
0xeb: {  	[tilespmem:$0x360] =	vst v0  }
0xec: {  	[tilespmem:$0x370] =	vst v0  }
0xed: {  	[tilespmem:$0x380] =	vst v0  }
0xee: {  	[tilespmem:$0x390] =	vst v0  }
0xef: {  	[tilespmem:$0x3A0] =	vst v0  }
0xf0: {  	[tilespmem:$0x3B0] =	vst v0  }
0xf1: {  	[tilespmem:$0x3C0] =	vst v0  }
0xf2: {  	[tilespmem:$0x3D0] =	vst v0  }
0xf3: {  	[tilespmem:$0x3E0] =	vst v0  }
0xf4: {  	[tilespmem:$0x3F0] =	vst v0  }
0xf5: {  	[tilespmem:$0x400] =	vst v0  }
0xf6: {  	[tilespmem:$0x410] =	vst v0  }
0xf7: {  	[tilespmem:$0x420] =	vst v0  }
0xf8: {  	[tilespmem:$0x430] =	vst v0  }
0xf9: {  	[tilespmem:$0x440] =	vst v0  }
0xfa: {  	[tilespmem:$0x450] =	vst v0  }
0xfb: {  	[tilespmem:$0x460] =	vst v0  }
0xfc: {  	[tilespmem:$0x470] =	vst v0  }
0xfd: {  	[tilespmem:$0x480] =	vst v0  }
0xfe: {  	[tilespmem:$0x490] =	vst v0  }
0xff: {  	[tilespmem:$0x4A0] =	vst v0  }
0x100: {  	[tilespmem:$0x4B0] =	vst v0  }
0x101: {  	[tilespmem:$0x4C0] =	vst v0  }
0x102: {  	[tilespmem:$0x4D0] =	vst v0  }
0x103: {  	[tilespmem:$0x4E0] =	vst v0  }
0x104: {  	[tilespmem:$0x4F0] =	vst v0  }
0x105: {  	[tilespmem:$0x500] =	vst v0  }
0x106: {  	[tilespmem:$0x510] =	vst v0  }
0x107: {  	[tilespmem:$0x520] =	vst v0  }
0x108: {  	[tilespmem:$0x530] =	vst v0  }
0x109: {  	[tilespmem:$0x540] =	vst v0  }
0x10a: {  	[tilespmem:$0x550] =	vst v0  }
0x10b: {  	[tilespmem:$0x560] =	vst v0  }
0x10c: {  	[tilespmem:$0x570] =	vst v0  }
0x10d: {  	[tilespmem:$0x580] =	vst v0  }
0x10e: {  	[tilespmem:$0x590] =	vst v0  }
0x10f: {  	[tilespmem:$0x5A0] =	vst v0  }
0x110: {  	[tilespmem:$0x5B0] =	vst v0  }
0x111: {  	[tilespmem:$0x5C0] =	vst v0  }
0x112: {  	[tilespmem:$0x5D0] =	vst v0  }
0x113: {  	[tilespmem:$0x5E0] =	vst v0  }
.Ltmp4:
0x114: {  	[tilespmem:$0x5F0] =	vst v0;
	(pc) =	sbr.rel @!p1 .LBB2_9-.Ltmp4, $4  }
0x115: {  	[spmem:s12] =	stream.linear.scatter [tilespmem:s28], [sflag:$0x3], $0x400, $0x38;
	[tilespmem:$0x1B280] =	vst v63  }
0x116: {  	_ =	swait.ge [sflag:s29], $0x400  }
0x117: {  	s22 =	rddreg [dreg:$0x3]  }
0x118: {  	s14 =	smov.u32 s12;
	[sflag:s29] =	ssyncset.done $0x0;
	s11 =	sadd.s32 $0xFFFFFFFF, s22  }
.LBB2_8:
0x119: {  	p2 =	sne.s32 s11, $0x1;
	[sflag:s29] =	ssyncadd.s32 $0xFFFFFC00;
	s14 =	sadd.s32 $0x400, s14  }
.Ltmp5:
0x11a: {  	s11 =	sadd.s32 $0xFFFFFFFF, s11;
	(pc) =	sbr.rel @p2 .LBB2_8-.Ltmp5, $4  }
0x11b: {  	_ = 	snop  }
0x11c: {  	[spmem:s14] =	stream.linear.scatter [tilespmem:s28], [sflag:$0x3], $0x400, $0x38;
	[tilespmem:$0x1B280] =	vst v63  }
0x11d: {  	_ =	swait.ge [sflag:s29], $0x400  }
0x11e: {  	[sflag:s29] =	ssyncset.done $0x0  }
.LBB2_9:
0x11f: {  	[sflag:s29] =	ssyncadd.s32 $0xFFFFFC00  }
0x120: {  	s16 =	simm.s32 $0x0;
	s17 =	simm.s32 $0x0;
	[bflag:$0x0] =	sbarrier.arrive $0xFFFF  }
.LBB2_10:
0x121: {  	s11 =	smul.u32 $0xA0, s17;
	_ =	sdelay $0x1  }
0x122: {  	s11 =	sadd.s32 s10, s11  }
0x123: {  	s14 =	sshrl.u32 s11, $0x3  }
0x124: {  	s20 =	sadd.s32 s3, s14  }
0x125: {  	[tilespmem:s16], [sflag:$0x3] =	stream.linear.gather [hbm4b:s20+s16], $0x50, $0x38;
	[tilespmem:$0x1B280] =	vst v63  }
0x126: {  	_ =	swait.ge [sflag:s29], $0x50  }
0x127: {  	[sflag:s29] =	ssyncset.done $0x0  }
0x128: {  	s14 =	sadd.s32 s4, s14;
	[sflag:s29] =	ssyncadd.s32 $0xFFFFFFB0  }
0x129: {  	[tilespmem:s30], [sflag:$0x3] =	stream.linear.gather [hbm4b:s14+s16], $0x50, $0x38;
	[tilespmem:$0x1B280] =	vst v63  }
0x12a: {  	s14 =	sadd.s32 $0x50, s11;
	_ =	swait.ge [sflag:s29], $0x50  }
0x12b: {  	s20 =	sshrl.u32 s14, $0x3;
	[sflag:s29] =	ssyncset.done $0x0  }
0x12c: {  	s22 =	sadd.s32 s3, s20;
	[sflag:s29] =	ssyncadd.s32 $0xFFFFFFB0  }
0x12d: {  	[tilespmem:s26], [sflag:$0x3] =	stream.linear.gather [hbm4b:s22+s16], $0x50, $0x38;
	[tilespmem:$0x1B280] =	vst v63  }
0x12e: {  	_ =	swait.ge [sflag:s29], $0x50  }
0x12f: {  	[sflag:s29] =	ssyncset.done $0x0  }
0x130: {  	s20 =	sadd.s32 s4, s20;
	[sflag:s29] =	ssyncadd.s32 $0xFFFFFFB0  }
0x131: {  	[tilespmem:s13], [sflag:$0x3] =	stream.linear.gather [hbm4b:s20+s16], $0x50, $0x38;
	[tilespmem:$0x1B280] =	vst v63  }
0x132: {  	_ =	swait.ge [sflag:s29], $0x50  }
0x133: {  	[sflag:s29] =	ssyncset.done $0x0  }
0x134: {  	[sflag:s29] =	ssyncadd.s32 $0xFFFFFFB0  }
0x135: {  	[tilespmem:s28], [sflag:$0x1] =	stream.indirect.gather [hbm4b:s5+s31], $0x80, s16, s31, $0xb8;
	[tilespmem:$0x1B280] =	vst v63  }
0x136: {  	_ = 	snop  }
0x137: {  	[tilespmem:s18], [sflag:$0x2] =	stream.indirect.gather [hbm4b:s5+s31], $0x80, s26, s31, $0xb8;
	[tilespmem:$0x1B280] =	vst v63  }
0x138: {  	_ =	swait.ge [sflag:s6], $0x2800  }
0x139: {  	s11 =	sshll.u32 s11, $0x4;
	[sflag:s6] =	ssyncset.done $0x0  }
0x13a: {  	s11 =	sadd.s32 s9, s11;
	[sflag:s6] =	ssyncadd.s32 $0xFFFFD800  }
0x13b: {  	[tilespmem:s0], [sflag:$0x3] =	stream.linear.gather [hbm4b:s11+s16], $0x2800, $0x38;
	[tilespmem:$0x1B280] =	vst v63  }
0x13c: {  	_ =	swait.ge [sflag:s29], $0x2800  }
0x13d: {  	[sflag:s29] =	ssyncset.done $0x0  }
0x13e: {  	s11 =	simm.s32 $0x0;
	[sflag:s29] =	ssyncadd.s32 $0xFFFFD800  }
0x13f: {  	v1 =	vld [tilespmem:s11+$0x2A00]  }
0x140: {  	v5 =	vld [tilespmem:s11+$0x200]  }
0x141: {  	v7 =	vld [tilespmem:s11+$0x210]  }
0x142: {  	v6 =	vld [tilespmem:s11+$0x220]  }
0x143: {  	v4 =	vld [tilespmem:s11+$0x230]  }
0x144: {  	v2 =	vld [tilespmem:s11+$0x240]  }
0x145: {  	v3 =	vld [tilespmem:s11+$0x250];
	v8 =	vmul.f32 v5, v1  }
0x146: {  	s20 =	simm.s32 $0x200;
	v7 =	vmul.f32 v7, v1;
	v5 =	vld [tilespmem:s11+$0x260]  }
.LBB2_11:
0x147: {  	s22 =	sshra.s32 s20, $0x2;
	p2 =	sne.s32 s20, $0x9E00;
	[tilespmem:s11+$0x200] =	vst v8;
	v6 =	vmul.f32 v6, v1;
	v8 =	vld [tilespmem:s11+$0x270]  }
0x148: {  	v9 =	vld [tilespmem:s22+$0x2A00];
	[tilespmem:s11+$0x210] =	vst v7;
	v4 =	vmul.f32 v4, v1  }
0x149: {  	v7 =	vld [tilespmem:s22+$0x200];
	[tilespmem:s11+$0x220] =	vst v6;
	v2 =	vmul.f32 v2, v1  }
0x14a: {  	v10 =	vld [tilespmem:s22+$0x210];
	[tilespmem:s11+$0x230] =	vst v4;
	v3 =	vmul.f32 v3, v1  }
.Ltmp6:
0x14b: {  	v6 =	vld [tilespmem:s22+$0x220];
	[tilespmem:s11+$0x240] =	vst v2;
	v5 =	vmul.f32 v5, v1;
	(pc) =	sbr.rel @p2 .LBB2_11-.Ltmp6, $4  }
0x14c: {  	v4 =	vld [tilespmem:s22+$0x230];
	[tilespmem:s11+$0x250] =	vst v3;
	v11 =	vmul.f32 v8, v1  }
0x14d: {  	v2 =	vld [tilespmem:s22+$0x240];
	[tilespmem:s11+$0x260] =	vst v5;
	v1 =	vmov v9  }
0x14e: {  	v8 =	vmul.f32 v7, v1;
	v3 =	vld [tilespmem:s22+$0x250];
	[tilespmem:s11+$0x270] =	vst v11;
	s11 =	smov.u32 s22  }
0x14f: {  	s20 =	sadd.s32 $0x200, s20;
	v7 =	vmul.f32 v10, v1;
	v5 =	vld [tilespmem:s11+$0x260]  }
0x150: {  	[tilespmem:s11+$0x200] =	vst v8;
	v6 =	vmul.f32 v6, v1;
	v8 =	vld [tilespmem:s11+$0x270]  }
0x151: {  	[tilespmem:s11+$0x210] =	vst v7;
	v4 =	vmul.f32 v4, v1  }
0x152: {  	[tilespmem:s11+$0x220] =	vst v6;
	v2 =	vmul.f32 v2, v1  }
0x153: {  	[tilespmem:s11+$0x230] =	vst v4;
	v3 =	vmul.f32 v3, v1  }
0x154: {  	[tilespmem:s11+$0x240] =	vst v2;
	v2 =	vmul.f32 v5, v1  }
0x155: {  	[tilespmem:s11+$0x250] =	vst v3;
	v1 =	vmul.f32 v8, v1  }
0x156: {  	[tilespmem:s11+$0x260] =	vst v2  }
0x157: {  	[tilespmem:s11+$0x270] =	vst v1  }
0x158: {  	[spmem:s1] =	stream.indirect.scatter.add.f32 [tilespmem:s28], [sflag:$0x3], $0x80, s30, s31, $0xb8;
	[tilespmem:$0x1B280] =	vst v63  }
0x159: {  	_ =	swait.ge [sflag:s29], $0x2800  }
0x15a: {  	[sflag:s29] =	ssyncset.done $0x0  }
0x15b: {  	[sflag:s29] =	ssyncadd.s32 $0xFFFFD800  }
0x15c: {  	_ =	swait.ge [sflag:s25], $0x2800  }
0x15d: {  	s20 =	sshll.u32 s14, $0x4;
	[sflag:s25] =	ssyncset.done $0x0  }
0x15e: {  	s22 =	simm.s32 $0x0;
	s11 =	sadd.s32 s9, s20;
	[sflag:s25] =	ssyncadd.s32 $0xFFFFD800  }
0x15f: {  	[tilespmem:s0], [sflag:$0x3] =	stream.linear.gather [hbm4b:s11+s22], $0x2800, $0x38;
	[tilespmem:$0x1B280] =	vst v63  }
0x160: {  	_ =	swait.ge [sflag:s29], $0x2800  }
0x161: {  	[sflag:s29] =	ssyncset.done $0x0  }
0x162: {  	s11 =	simm.s32 $0x0;
	[sflag:s29] =	ssyncadd.s32 $0xFFFFD800  }
0x163: {  	v1 =	vld [tilespmem:s11+$0x2A00]  }
0x164: {  	v5 =	vld [tilespmem:s11+$0x5200]  }
0x165: {  	v7 =	vld [tilespmem:s11+$0x5210]  }
0x166: {  	v6 =	vld [tilespmem:s11+$0x5220]  }
0x167: {  	v4 =	vld [tilespmem:s11+$0x5230]  }
0x168: {  	v2 =	vld [tilespmem:s11+$0x5240]  }
0x169: {  	v3 =	vld [tilespmem:s11+$0x5250];
	v8 =	vmul.f32 v5, v1  }
0x16a: {  	s14 =	simm.s32 $0x200;
	v7 =	vmul.f32 v7, v1;
	v5 =	vld [tilespmem:s11+$0x5260]  }
.LBB2_13:
0x16b: {  	s20 =	sshra.s32 s14, $0x2;
	p2 =	sne.s32 s14, $0x9E00;
	[tilespmem:s11+$0x5200] =	vst v8;
	v6 =	vmul.f32 v6, v1;
	v8 =	vld [tilespmem:s11+$0x5270]  }
0x16c: {  	v9 =	vld [tilespmem:s20+$0x2A00];
	[tilespmem:s11+$0x5210] =	vst v7;
	v4 =	vmul.f32 v4, v1  }
0x16d: {  	v7 =	vld [tilespmem:s20+$0x5200];
	[tilespmem:s11+$0x5220] =	vst v6;
	v2 =	vmul.f32 v2, v1  }
0x16e: {  	v10 =	vld [tilespmem:s20+$0x5210];
	[tilespmem:s11+$0x5230] =	vst v4;
	v3 =	vmul.f32 v3, v1  }
.Ltmp7:
0x16f: {  	v6 =	vld [tilespmem:s20+$0x5220];
	[tilespmem:s11+$0x5240] =	vst v2;
	v5 =	vmul.f32 v5, v1;
	(pc) =	sbr.rel @p2 .LBB2_13-.Ltmp7, $4  }
0x170: {  	v4 =	vld [tilespmem:s20+$0x5230];
	[tilespmem:s11+$0x5250] =	vst v3;
	v11 =	vmul.f32 v8, v1  }
0x171: {  	v2 =	vld [tilespmem:s20+$0x5240];
	[tilespmem:s11+$0x5260] =	vst v5;
	v1 =	vmov v9  }
0x172: {  	v8 =	vmul.f32 v7, v1;
	v3 =	vld [tilespmem:s20+$0x5250];
	[tilespmem:s11+$0x5270] =	vst v11;
	s11 =	smov.u32 s20  }
0x173: {  	s14 =	sadd.s32 $0x200, s14;
	v7 =	vmul.f32 v10, v1;
	v5 =	vld [tilespmem:s11+$0x5260]  }
0x174: {  	[tilespmem:s11+$0x5200] =	vst v8;
	v6 =	vmul.f32 v6, v1;
	v63 =	vld [tilespmem:s11+$0x5270]  }
0x175: {  	[tilespmem:s11+$0x5210] =	vst v7;
	v4 =	vmul.f32 v4, v1  }
0x176: {  	[tilespmem:s11+$0x5220] =	vst v6;
	v2 =	vmul.f32 v2, v1  }
0x177: {  	[tilespmem:s11+$0x5230] =	vst v4;
	v3 =	vmul.f32 v3, v1  }
0x178: {  	[tilespmem:s11+$0x5240] =	vst v2;
	v2 =	vmul.f32 v5, v1  }
0x179: {  	s17 =	sadd.s32 $0x1, s17;
	[tilespmem:s11+$0x5250] =	vst v3;
	v1 =	vmul.f32 v63, v1  }
0x17a: {  	p2 =	sne.s32 s17, $0x3E;
	[tilespmem:s11+$0x5260] =	vst v2  }
.Ltmp8:
0x17b: {  	[tilespmem:s11+$0x5270] =	vst v1;
	(pc) =	sbr.rel @p2 .LBB2_10-.Ltmp8, $4  }
0x17c: {  	[spmem:s1] =	stream.indirect.scatter.add.f32 [tilespmem:s18], [sflag:$0x3], $0x80, s13, s31, $0xb8;
	[tilespmem:$0x1B280] =	vst v63  }
0x17d: {  	_ =	swait.ge [sflag:s29], $0x2800  }
0x17e: {  	[sflag:s29] =	ssyncset.done $0x0  }
0x17f: {  	[sflag:s29] =	ssyncadd.s32 $0xFFFFD800  }
0x180: {  	s11 =	simm.s32 $0x0;
	s14 =	rddreg [dreg:$0x6]  }
0x181: {  	[tilespmem:s11], [sflag:$0x3] =	stream.linear.gather [hbm4b:s14+s11], $0x50, $0x38;
	[tilespmem:$0x1B280] =	vst v63  }
0x182: {  	_ =	swait.ge [sflag:s29], $0x50  }
0x183: {  	[sflag:s29] =	ssyncset.done $0x0  }
0x184: {  	s20 =	rddreg [dreg:$0x7];
	[sflag:s29] =	ssyncadd.s32 $0xFFFFFFB0  }
0x185: {  	[tilespmem:s30], [sflag:$0x3] =	stream.linear.gather [hbm4b:s20+s11], $0x50, $0x38;
	[tilespmem:$0x1B280] =	vst v63  }
0x186: {  	_ =	swait.ge [sflag:s29], $0x50  }
0x187: {  	[sflag:s29] =	ssyncset.done $0x0  }
0x188: {  	[sflag:s29] =	ssyncadd.s32 $0xFFFFFFB0  }
0x189: {  	[tilespmem:s28], [sflag:$0x1] =	stream.indirect.gather [hbm4b:s5+s31], $0x80, s11, s31, $0xb8;
	[tilespmem:$0x1B280] =	vst v63  }
0x18a: {  	_ =	swait.ge [sflag:s6], $0x2800  }
0x18b: {  	[sflag:s6] =	ssyncset.done $0x0  }
0x18c: {  	s22 =	rddreg [dreg:$0x8];
	[sflag:s6] =	ssyncadd.s32 $0xFFFFD800  }
0x18d: {  	[tilespmem:s0], [sflag:$0x3] =	stream.linear.gather [hbm4b:s22+s11], $0x2800, $0x38;
	[tilespmem:$0x1B280] =	vst v63  }
0x18e: {  	_ =	swait.ge [sflag:s29], $0x2800  }
0x18f: {  	[sflag:s29] =	ssyncset.done $0x0  }
0x190: {  	s11 =	simm.s32 $0x0;
	[sflag:s29] =	ssyncadd.s32 $0xFFFFD800  }
0x191: {  	v1 =	vld [tilespmem:s11+$0x2A00]  }
0x192: {  	v5 =	vld [tilespmem:s11+$0x200]  }
0x193: {  	v7 =	vld [tilespmem:s11+$0x210]  }
0x194: {  	v6 =	vld [tilespmem:s11+$0x220]  }
0x195: {  	v4 =	vld [tilespmem:s11+$0x230]  }
0x196: {  	v2 =	vld [tilespmem:s11+$0x240]  }
0x197: {  	v3 =	vld [tilespmem:s11+$0x250];
	v8 =	vmul.f32 v5, v1  }
0x198: {  	s14 =	simm.s32 $0x200;
	v7 =	vmul.f32 v7, v1;
	v5 =	vld [tilespmem:s11+$0x260]  }
.LBB2_16:
0x199: {  	s16 =	sshra.s32 s14, $0x2;
	p2 =	sne.s32 s14, $0x9E00;
	[tilespmem:s11+$0x200] =	vst v8;
	v6 =	vmul.f32 v6, v1;
	v8 =	vld [tilespmem:s11+$0x270]  }
0x19a: {  	v9 =	vld [tilespmem:s16+$0x2A00];
	[tilespmem:s11+$0x210] =	vst v7;
	v4 =	vmul.f32 v4, v1  }
0x19b: {  	v7 =	vld [tilespmem:s16+$0x200];
	[tilespmem:s11+$0x220] =	vst v6;
	v2 =	vmul.f32 v2, v1  }
0x19c: {  	v10 =	vld [tilespmem:s16+$0x210];
	[tilespmem:s11+$0x230] =	vst v4;
	v3 =	vmul.f32 v3, v1  }
.Ltmp9:
0x19d: {  	v6 =	vld [tilespmem:s16+$0x220];
	[tilespmem:s11+$0x240] =	vst v2;
	v5 =	vmul.f32 v5, v1;
	(pc) =	sbr.rel @p2 .LBB2_16-.Ltmp9, $4  }
0x19e: {  	v4 =	vld [tilespmem:s16+$0x230];
	[tilespmem:s11+$0x250] =	vst v3;
	v11 =	vmul.f32 v8, v1  }
0x19f: {  	v2 =	vld [tilespmem:s16+$0x240];
	[tilespmem:s11+$0x260] =	vst v5;
	v1 =	vmov v9  }
0x1a0: {  	v8 =	vmul.f32 v7, v1;
	v3 =	vld [tilespmem:s16+$0x250];
	[tilespmem:s11+$0x270] =	vst v11;
	s11 =	smov.u32 s16  }
0x1a1: {  	s14 =	sadd.s32 $0x200, s14;
	v7 =	vmul.f32 v10, v1;
	v5 =	vld [tilespmem:s11+$0x260]  }
0x1a2: {  	[tilespmem:s11+$0x200] =	vst v8;
	v6 =	vmul.f32 v6, v1;
	v63 =	vld [tilespmem:s11+$0x270]  }
0x1a3: {  	[tilespmem:s11+$0x210] =	vst v7;
	v4 =	vmul.f32 v4, v1  }
0x1a4: {  	[tilespmem:s11+$0x220] =	vst v6;
	v2 =	vmul.f32 v2, v1  }
0x1a5: {  	[tilespmem:s11+$0x230] =	vst v4;
	v3 =	vmul.f32 v3, v1  }
0x1a6: {  	[tilespmem:s11+$0x240] =	vst v2;
	v2 =	vmul.f32 v5, v1  }
0x1a7: {  	[tilespmem:s11+$0x250] =	vst v3;
	v1 =	vmul.f32 v63, v1  }
0x1a8: {  	[tilespmem:s11+$0x260] =	vst v2  }
0x1a9: {  	[tilespmem:s11+$0x270] =	vst v1  }
0x1aa: {  	[spmem:s1] =	stream.indirect.scatter.add.f32 [tilespmem:s28], [sflag:$0x3], $0x80, s30, s31, $0xb8;
	[tilespmem:$0x1B280] =	vst v63  }
0x1ab: {  	_ =	swait.ge [sflag:s29], $0x2800  }
0x1ac: {  	[sflag:s29] =	ssyncset.done $0x0  }
0x1ad: {  	[sflag:s29] =	ssyncadd.s32 $0xFFFFD800  }
0x1ae: {  	[bflag:$0x0] =	sbarrier.arrive $0xFFFF  }
0x1af: {  	s16 =	rddreg [dreg:$0x9]  }
0x1b0: {  	s14 =	simm.s32 @p0 $0x1FC3;
	s17 =	rddreg [dreg:$0x10];
	s11 =	sadd.s32 @p0 $0x25080, s16  }
0x1b1: {  	[hbm:s11], [sflag:s14] =	dma.local @p0 [spmem:s17], $0x2080  }
0x1b2: {  	s11 =	simm.s32 @p0 $0x3  }
0x1b3: {  	_ =	swait.ge @p0 [sflag:s11], $0x2080  }
0x1b4: {  	[sflag:s11] =	ssyncset.done @p0 $0x0  }
0x1b5: {  	[sflag:s11] =	ssyncadd.s32 @p0 $0xFFFFDF80;
	s11 =	rddreg [dreg:$0x5]  }
0x1b6: {  	s11 =	sadd.s32 @!p0 s11, s16  }
0x1b7: {  	[hbm:s11], [sflag:s24] =	dma.local @!p0 [spmem:s15], $0x2780  }
0x1b8: {  	s11 =	simm.s32 @!p0 $0x3  }
0x1b9: {  	_ =	swait.ge @!p0 [sflag:s11], $0x2780  }
0x1ba: {  	[sflag:s11] =	ssyncset.done @!p0 $0x0  }
0x1bb: {  	[sflag:s11] =	ssyncadd.s32 @!p0 $0xFFFFD880  }
0x1bc: {  	[bflag:$0x0] =	sbarrier.arrive $0xFFFF  }
0x1bd: {  	[tilespmem:$0x200] =	vst v0  }
0x1be: {  	[tilespmem:$0x210] =	vst v0  }
0x1bf: {  	[tilespmem:$0x220] =	vst v0  }
0x1c0: {  	[tilespmem:$0x230] =	vst v0  }
0x1c1: {  	[tilespmem:$0x240] =	vst v0  }
0x1c2: {  	[tilespmem:$0x250] =	vst v0  }
0x1c3: {  	[tilespmem:$0x260] =	vst v0  }
0x1c4: {  	[tilespmem:$0x270] =	vst v0  }
0x1c5: {  	[tilespmem:$0x280] =	vst v0  }
0x1c6: {  	[tilespmem:$0x290] =	vst v0  }
0x1c7: {  	[tilespmem:$0x2A0] =	vst v0  }
0x1c8: {  	[tilespmem:$0x2B0] =	vst v0  }
0x1c9: {  	[tilespmem:$0x2C0] =	vst v0  }
0x1ca: {  	[tilespmem:$0x2D0] =	vst v0  }
0x1cb: {  	[tilespmem:$0x2E0] =	vst v0  }
0x1cc: {  	[tilespmem:$0x2F0] =	vst v0  }
0x1cd: {  	[tilespmem:$0x300] =	vst v0  }
0x1ce: {  	[tilespmem:$0x310] =	vst v0  }
0x1cf: {  	[tilespmem:$0x320] =	vst v0  }
0x1d0: {  	[tilespmem:$0x330] =	vst v0  }
0x1d1: {  	[tilespmem:$0x340] =	vst v0  }
0x1d2: {  	[tilespmem:$0x350] =	vst v0  }
0x1d3: {  	[tilespmem:$0x360] =	vst v0  }
0x1d4: {  	[tilespmem:$0x370] =	vst v0  }
0x1d5: {  	[tilespmem:$0x380] =	vst v0  }
0x1d6: {  	[tilespmem:$0x390] =	vst v0  }
0x1d7: {  	[tilespmem:$0x3A0] =	vst v0  }
0x1d8: {  	[tilespmem:$0x3B0] =	vst v0  }
0x1d9: {  	[tilespmem:$0x3C0] =	vst v0  }
0x1da: {  	[tilespmem:$0x3D0] =	vst v0  }
0x1db: {  	[tilespmem:$0x3E0] =	vst v0  }
0x1dc: {  	[tilespmem:$0x3F0] =	vst v0  }
0x1dd: {  	[tilespmem:$0x400] =	vst v0  }
0x1de: {  	[tilespmem:$0x410] =	vst v0  }
0x1df: {  	[tilespmem:$0x420] =	vst v0  }
0x1e0: {  	[tilespmem:$0x430] =	vst v0  }
0x1e1: {  	[tilespmem:$0x440] =	vst v0  }
0x1e2: {  	[tilespmem:$0x450] =	vst v0  }
0x1e3: {  	[tilespmem:$0x460] =	vst v0  }
0x1e4: {  	[tilespmem:$0x470] =	vst v0  }
0x1e5: {  	[tilespmem:$0x480] =	vst v0  }
0x1e6: {  	[tilespmem:$0x490] =	vst v0  }
0x1e7: {  	[tilespmem:$0x4A0] =	vst v0  }
0x1e8: {  	[tilespmem:$0x4B0] =	vst v0  }
0x1e9: {  	[tilespmem:$0x4C0] =	vst v0  }
0x1ea: {  	[tilespmem:$0x4D0] =	vst v0  }
0x1eb: {  	[tilespmem:$0x4E0] =	vst v0  }
0x1ec: {  	[tilespmem:$0x4F0] =	vst v0  }
0x1ed: {  	[tilespmem:$0x500] =	vst v0  }
0x1ee: {  	[tilespmem:$0x510] =	vst v0  }
0x1ef: {  	[tilespmem:$0x520] =	vst v0  }
0x1f0: {  	[tilespmem:$0x530] =	vst v0  }
0x1f1: {  	[tilespmem:$0x540] =	vst v0  }
0x1f2: {  	[tilespmem:$0x550] =	vst v0  }
0x1f3: {  	[tilespmem:$0x560] =	vst v0  }
0x1f4: {  	[tilespmem:$0x570] =	vst v0  }
0x1f5: {  	[tilespmem:$0x580] =	vst v0  }
0x1f6: {  	[tilespmem:$0x590] =	vst v0  }
0x1f7: {  	[tilespmem:$0x5A0] =	vst v0  }
0x1f8: {  	[tilespmem:$0x5B0] =	vst v0  }
0x1f9: {  	[tilespmem:$0x5C0] =	vst v0  }
0x1fa: {  	[tilespmem:$0x5D0] =	vst v0  }
0x1fb: {  	[tilespmem:$0x5E0] =	vst v0  }
.Ltmp10:
0x1fc: {  	[tilespmem:$0x5F0] =	vst v0;
	(pc) =	sbr.rel @!p1 .LBB2_19-.Ltmp10, $4  }
0x1fd: {  	[spmem:s12] =	stream.linear.scatter [tilespmem:s28], [sflag:$0x3], $0x400, $0x38;
	[tilespmem:$0x1B280] =	vst v63  }
0x1fe: {  	_ =	swait.ge [sflag:s29], $0x400  }
0x1ff: {  	s22 =	rddreg [dreg:$0x3]  }
0x200: {  	s14 =	smov.u32 s12;
	[sflag:s29] =	ssyncset.done $0x0;
	s11 =	sadd.s32 $0xFFFFFFFF, s22  }
.LBB2_18:
0x201: {  	p2 =	sne.s32 s11, $0x1;
	[sflag:s29] =	ssyncadd.s32 $0xFFFFFC00;
	s14 =	sadd.s32 $0x400, s14  }
.Ltmp11:
0x202: {  	s11 =	sadd.s32 $0xFFFFFFFF, s11;
	(pc) =	sbr.rel @p2 .LBB2_18-.Ltmp11, $4  }
0x203: {  	_ = 	snop  }
0x204: {  	[spmem:s14] =	stream.linear.scatter [tilespmem:s28], [sflag:$0x3], $0x400, $0x38;
	[tilespmem:$0x1B280] =	vst v63  }
0x205: {  	_ =	swait.ge [sflag:s29], $0x400  }
0x206: {  	[sflag:s29] =	ssyncset.done $0x0  }
.LBB2_19:
0x207: {  	[sflag:s29] =	ssyncadd.s32 $0xFFFFFC00  }
0x208: {  	s16 =	simm.s32 $0x0;
	s17 =	simm.s32 $0x0;
	[bflag:$0x0] =	sbarrier.arrive $0xFFFF  }
.LBB2_20:
0x209: {  	s11 =	smul.u32 $0xA0, s17;
	_ =	sdelay $0x1  }
0x20a: {  	s11 =	sadd.s32 s10, s11  }
0x20b: {  	s14 =	sshrl.u32 s11, $0x3  }
0x20c: {  	s20 =	sadd.s32 s3, s14  }
0x20d: {  	[tilespmem:s16], [sflag:$0x3] =	stream.linear.gather [hbm4b:s20+s16], $0x50, $0x38;
	[tilespmem:$0x1B280] =	vst v63  }
0x20e: {  	_ =	swait.ge [sflag:s29], $0x50  }
0x20f: {  	[sflag:s29] =	ssyncset.done $0x0  }
0x210: {  	s14 =	sadd.s32 s4, s14;
	[sflag:s29] =	ssyncadd.s32 $0xFFFFFFB0  }
0x211: {  	[tilespmem:s30], [sflag:$0x3] =	stream.linear.gather [hbm4b:s14+s16], $0x50, $0x38;
	[tilespmem:$0x1B280] =	vst v63  }
0x212: {  	s14 =	sadd.s32 $0x50, s11;
	_ =	swait.ge [sflag:s29], $0x50  }
0x213: {  	s20 =	sshrl.u32 s14, $0x3;
	[sflag:s29] =	ssyncset.done $0x0  }
0x214: {  	s22 =	sadd.s32 s3, s20;
	[sflag:s29] =	ssyncadd.s32 $0xFFFFFFB0  }
0x215: {  	[tilespmem:s26], [sflag:$0x3] =	stream.linear.gather [hbm4b:s22+s16], $0x50, $0x38;
	[tilespmem:$0x1B280] =	vst v63  }
0x216: {  	_ =	swait.ge [sflag:s29], $0x50  }
0x217: {  	[sflag:s29] =	ssyncset.done $0x0  }
0x218: {  	s20 =	sadd.s32 s4, s20;
	[sflag:s29] =	ssyncadd.s32 $0xFFFFFFB0  }
0x219: {  	[tilespmem:s13], [sflag:$0x3] =	stream.linear.gather [hbm4b:s20+s16], $0x50, $0x38;
	[tilespmem:$0x1B280] =	vst v63  }
0x21a: {  	_ =	swait.ge [sflag:s29], $0x50  }
0x21b: {  	[sflag:s29] =	ssyncset.done $0x0  }
0x21c: {  	[sflag:s29] =	ssyncadd.s32 $0xFFFFFFB0  }
0x21d: {  	[tilespmem:s28], [sflag:$0x1] =	stream.indirect.gather [hbm4b:s19+s31], $0x80, s16, s31, $0xb8;
	[tilespmem:$0x1B280] =	vst v63  }
0x21e: {  	_ = 	snop  }
0x21f: {  	[tilespmem:s18], [sflag:$0x2] =	stream.indirect.gather [hbm4b:s19+s31], $0x80, s26, s31, $0xb8;
	[tilespmem:$0x1B280] =	vst v63  }
0x220: {  	_ =	swait.ge [sflag:s6], $0x2800  }
0x221: {  	s11 =	sshll.u32 s11, $0x4;
	[sflag:s6] =	ssyncset.done $0x0  }
0x222: {  	s11 =	sadd.s32 s9, s11;
	[sflag:s6] =	ssyncadd.s32 $0xFFFFD800  }
0x223: {  	[tilespmem:s0], [sflag:$0x3] =	stream.linear.gather [hbm4b:s11+s16], $0x2800, $0x38;
	[tilespmem:$0x1B280] =	vst v63  }
0x224: {  	_ =	swait.ge [sflag:s29], $0x2800  }
0x225: {  	[sflag:s29] =	ssyncset.done $0x0  }
0x226: {  	s11 =	simm.s32 $0x0;
	[sflag:s29] =	ssyncadd.s32 $0xFFFFD800  }
0x227: {  	v1 =	vld [tilespmem:s11+$0x2A20]  }
0x228: {  	v5 =	vld [tilespmem:s11+$0x200]  }
0x229: {  	v7 =	vld [tilespmem:s11+$0x210]  }
0x22a: {  	v6 =	vld [tilespmem:s11+$0x220]  }
0x22b: {  	v4 =	vld [tilespmem:s11+$0x230]  }
0x22c: {  	v2 =	vld [tilespmem:s11+$0x240]  }
0x22d: {  	v3 =	vld [tilespmem:s11+$0x250];
	v8 =	vmul.f32 v5, v1  }
0x22e: {  	s20 =	simm.s32 $0x200;
	v7 =	vmul.f32 v7, v1;
	v5 =	vld [tilespmem:s11+$0x260]  }
.LBB2_21:
0x22f: {  	s22 =	sshra.s32 s20, $0x2;
	p2 =	sne.s32 s20, $0x9E00;
	[tilespmem:s11+$0x200] =	vst v8;
	v6 =	vmul.f32 v6, v1;
	v8 =	vld [tilespmem:s11+$0x270]  }
0x230: {  	v9 =	vld [tilespmem:s22+$0x2A20];
	[tilespmem:s11+$0x210] =	vst v7;
	v4 =	vmul.f32 v4, v1  }
0x231: {  	v7 =	vld [tilespmem:s22+$0x200];
	[tilespmem:s11+$0x220] =	vst v6;
	v2 =	vmul.f32 v2, v1  }
0x232: {  	v10 =	vld [tilespmem:s22+$0x210];
	[tilespmem:s11+$0x230] =	vst v4;
	v3 =	vmul.f32 v3, v1  }
.Ltmp12:
0x233: {  	v6 =	vld [tilespmem:s22+$0x220];
	[tilespmem:s11+$0x240] =	vst v2;
	v5 =	vmul.f32 v5, v1;
	(pc) =	sbr.rel @p2 .LBB2_21-.Ltmp12, $4  }
0x234: {  	v4 =	vld [tilespmem:s22+$0x230];
	[tilespmem:s11+$0x250] =	vst v3;
	v11 =	vmul.f32 v8, v1  }
0x235: {  	v2 =	vld [tilespmem:s22+$0x240];
	[tilespmem:s11+$0x260] =	vst v5;
	v1 =	vmov v9  }
0x236: {  	v8 =	vmul.f32 v7, v1;
	v3 =	vld [tilespmem:s22+$0x250];
	[tilespmem:s11+$0x270] =	vst v11;
	s11 =	smov.u32 s22  }
0x237: {  	s20 =	sadd.s32 $0x200, s20;
	v7 =	vmul.f32 v10, v1;
	v5 =	vld [tilespmem:s11+$0x260]  }
0x238: {  	[tilespmem:s11+$0x200] =	vst v8;
	v6 =	vmul.f32 v6, v1;
	v8 =	vld [tilespmem:s11+$0x270]  }
0x239: {  	[tilespmem:s11+$0x210] =	vst v7;
	v4 =	vmul.f32 v4, v1  }
0x23a: {  	[tilespmem:s11+$0x220] =	vst v6;
	v2 =	vmul.f32 v2, v1  }
0x23b: {  	[tilespmem:s11+$0x230] =	vst v4;
	v3 =	vmul.f32 v3, v1  }
0x23c: {  	[tilespmem:s11+$0x240] =	vst v2;
	v2 =	vmul.f32 v5, v1  }
0x23d: {  	[tilespmem:s11+$0x250] =	vst v3;
	v1 =	vmul.f32 v8, v1  }
0x23e: {  	[tilespmem:s11+$0x260] =	vst v2  }
0x23f: {  	[tilespmem:s11+$0x270] =	vst v1  }
0x240: {  	[spmem:s1] =	stream.indirect.scatter.add.f32 [tilespmem:s28], [sflag:$0x3], $0x80, s30, s31, $0xb8;
	[tilespmem:$0x1B280] =	vst v63  }
0x241: {  	_ =	swait.ge [sflag:s29], $0x2800  }
0x242: {  	[sflag:s29] =	ssyncset.done $0x0  }
0x243: {  	[sflag:s29] =	ssyncadd.s32 $0xFFFFD800  }
0x244: {  	_ =	swait.ge [sflag:s25], $0x2800  }
0x245: {  	s20 =	sshll.u32 s14, $0x4;
	[sflag:s25] =	ssyncset.done $0x0  }
0x246: {  	s22 =	simm.s32 $0x0;
	s11 =	sadd.s32 s9, s20;
	[sflag:s25] =	ssyncadd.s32 $0xFFFFD800  }
0x247: {  	[tilespmem:s0], [sflag:$0x3] =	stream.linear.gather [hbm4b:s11+s22], $0x2800, $0x38;
	[tilespmem:$0x1B280] =	vst v63  }
0x248: {  	_ =	swait.ge [sflag:s29], $0x2800  }
0x249: {  	[sflag:s29] =	ssyncset.done $0x0  }
0x24a: {  	s11 =	simm.s32 $0x0;
	[sflag:s29] =	ssyncadd.s32 $0xFFFFD800  }
0x24b: {  	v1 =	vld [tilespmem:s11+$0x2A20]  }
0x24c: {  	v5 =	vld [tilespmem:s11+$0x5200]  }
0x24d: {  	v7 =	vld [tilespmem:s11+$0x5210]  }
0x24e: {  	v6 =	vld [tilespmem:s11+$0x5220]  }
0x24f: {  	v4 =	vld [tilespmem:s11+$0x5230]  }
0x250: {  	v2 =	vld [tilespmem:s11+$0x5240]  }
0x251: {  	v3 =	vld [tilespmem:s11+$0x5250];
	v8 =	vmul.f32 v5, v1  }
0x252: {  	s14 =	simm.s32 $0x200;
	v7 =	vmul.f32 v7, v1;
	v5 =	vld [tilespmem:s11+$0x5260]  }
.LBB2_23:
0x253: {  	s20 =	sshra.s32 s14, $0x2;
	p2 =	sne.s32 s14, $0x9E00;
	[tilespmem:s11+$0x5200] =	vst v8;
	v6 =	vmul.f32 v6, v1;
	v8 =	vld [tilespmem:s11+$0x5270]  }
0x254: {  	v9 =	vld [tilespmem:s20+$0x2A20];
	[tilespmem:s11+$0x5210] =	vst v7;
	v4 =	vmul.f32 v4, v1  }
0x255: {  	v7 =	vld [tilespmem:s20+$0x5200];
	[tilespmem:s11+$0x5220] =	vst v6;
	v2 =	vmul.f32 v2, v1  }
0x256: {  	v10 =	vld [tilespmem:s20+$0x5210];
	[tilespmem:s11+$0x5230] =	vst v4;
	v3 =	vmul.f32 v3, v1  }
.Ltmp13:
0x257: {  	v6 =	vld [tilespmem:s20+$0x5220];
	[tilespmem:s11+$0x5240] =	vst v2;
	v5 =	vmul.f32 v5, v1;
	(pc) =	sbr.rel @p2 .LBB2_23-.Ltmp13, $4  }
0x258: {  	v4 =	vld [tilespmem:s20+$0x5230];
	[tilespmem:s11+$0x5250] =	vst v3;
	v11 =	vmul.f32 v8, v1  }
0x259: {  	v2 =	vld [tilespmem:s20+$0x5240];
	[tilespmem:s11+$0x5260] =	vst v5;
	v1 =	vmov v9  }
0x25a: {  	v8 =	vmul.f32 v7, v1;
	v3 =	vld [tilespmem:s20+$0x5250];
	[tilespmem:s11+$0x5270] =	vst v11;
	s11 =	smov.u32 s20  }
0x25b: {  	s14 =	sadd.s32 $0x200, s14;
	v7 =	vmul.f32 v10, v1;
	v5 =	vld [tilespmem:s11+$0x5260]  }
0x25c: {  	[tilespmem:s11+$0x5200] =	vst v8;
	v6 =	vmul.f32 v6, v1;
	v63 =	vld [tilespmem:s11+$0x5270]  }
0x25d: {  	[tilespmem:s11+$0x5210] =	vst v7;
	v4 =	vmul.f32 v4, v1  }
0x25e: {  	[tilespmem:s11+$0x5220] =	vst v6;
	v2 =	vmul.f32 v2, v1  }
0x25f: {  	[tilespmem:s11+$0x5230] =	vst v4;
	v3 =	vmul.f32 v3, v1  }
0x260: {  	[tilespmem:s11+$0x5240] =	vst v2;
	v2 =	vmul.f32 v5, v1  }
0x261: {  	s17 =	sadd.s32 $0x1, s17;
	[tilespmem:s11+$0x5250] =	vst v3;
	v1 =	vmul.f32 v63, v1  }
0x262: {  	p2 =	sne.s32 s17, $0x3E;
	[tilespmem:s11+$0x5260] =	vst v2  }
.Ltmp14:
0x263: {  	[tilespmem:s11+$0x5270] =	vst v1;
	(pc) =	sbr.rel @p2 .LBB2_20-.Ltmp14, $4  }
0x264: {  	[spmem:s1] =	stream.indirect.scatter.add.f32 [tilespmem:s18], [sflag:$0x3], $0x80, s13, s31, $0xb8;
	[tilespmem:$0x1B280] =	vst v63  }
0x265: {  	_ =	swait.ge [sflag:s29], $0x2800  }
0x266: {  	[sflag:s29] =	ssyncset.done $0x0  }
0x267: {  	[sflag:s29] =	ssyncadd.s32 $0xFFFFD800  }
0x268: {  	s11 =	simm.s32 $0x0;
	s14 =	rddreg [dreg:$0x6]  }
0x269: {  	[tilespmem:s11], [sflag:$0x3] =	stream.linear.gather [hbm4b:s14+s11], $0x50, $0x38;
	[tilespmem:$0x1B280] =	vst v63  }
0x26a: {  	_ =	swait.ge [sflag:s29], $0x50  }
0x26b: {  	[sflag:s29] =	ssyncset.done $0x0  }
0x26c: {  	s20 =	rddreg [dreg:$0x7];
	[sflag:s29] =	ssyncadd.s32 $0xFFFFFFB0  }
0x26d: {  	[tilespmem:s30], [sflag:$0x3] =	stream.linear.gather [hbm4b:s20+s11], $0x50, $0x38;
	[tilespmem:$0x1B280] =	vst v63  }
0x26e: {  	_ =	swait.ge [sflag:s29], $0x50  }
0x26f: {  	[sflag:s29] =	ssyncset.done $0x0  }
0x270: {  	[sflag:s29] =	ssyncadd.s32 $0xFFFFFFB0  }
0x271: {  	[tilespmem:s28], [sflag:$0x1] =	stream.indirect.gather [hbm4b:s19+s31], $0x80, s11, s31, $0xb8;
	[tilespmem:$0x1B280] =	vst v63  }
0x272: {  	_ =	swait.ge [sflag:s6], $0x2800  }
0x273: {  	[sflag:s6] =	ssyncset.done $0x0  }
0x274: {  	s22 =	rddreg [dreg:$0x8];
	[sflag:s6] =	ssyncadd.s32 $0xFFFFD800  }
0x275: {  	[tilespmem:s0], [sflag:$0x3] =	stream.linear.gather [hbm4b:s22+s11], $0x2800, $0x38;
	[tilespmem:$0x1B280] =	vst v63  }
0x276: {  	_ =	swait.ge [sflag:s29], $0x2800  }
0x277: {  	[sflag:s29] =	ssyncset.done $0x0  }
0x278: {  	s11 =	simm.s32 $0x0;
	[sflag:s29] =	ssyncadd.s32 $0xFFFFD800  }
0x279: {  	v1 =	vld [tilespmem:s11+$0x2A20]  }
0x27a: {  	v5 =	vld [tilespmem:s11+$0x200]  }
0x27b: {  	v7 =	vld [tilespmem:s11+$0x210]  }
0x27c: {  	v6 =	vld [tilespmem:s11+$0x220]  }
0x27d: {  	v4 =	vld [tilespmem:s11+$0x230]  }
0x27e: {  	v2 =	vld [tilespmem:s11+$0x240]  }
0x27f: {  	v3 =	vld [tilespmem:s11+$0x250];
	v8 =	vmul.f32 v5, v1  }
0x280: {  	s14 =	simm.s32 $0x200;
	v7 =	vmul.f32 v7, v1;
	v5 =	vld [tilespmem:s11+$0x260]  }
.LBB2_26:
0x281: {  	s16 =	sshra.s32 s14, $0x2;
	p2 =	sne.s32 s14, $0x9E00;
	[tilespmem:s11+$0x200] =	vst v8;
	v6 =	vmul.f32 v6, v1;
	v8 =	vld [tilespmem:s11+$0x270]  }
0x282: {  	v9 =	vld [tilespmem:s16+$0x2A20];
	[tilespmem:s11+$0x210] =	vst v7;
	v4 =	vmul.f32 v4, v1  }
0x283: {  	v7 =	vld [tilespmem:s16+$0x200];
	[tilespmem:s11+$0x220] =	vst v6;
	v2 =	vmul.f32 v2, v1  }
0x284: {  	v10 =	vld [tilespmem:s16+$0x210];
	[tilespmem:s11+$0x230] =	vst v4;
	v3 =	vmul.f32 v3, v1  }
.Ltmp15:
0x285: {  	v6 =	vld [tilespmem:s16+$0x220];
	[tilespmem:s11+$0x240] =	vst v2;
	v5 =	vmul.f32 v5, v1;
	(pc) =	sbr.rel @p2 .LBB2_26-.Ltmp15, $4  }
0x286: {  	v4 =	vld [tilespmem:s16+$0x230];
	[tilespmem:s11+$0x250] =	vst v3;
	v11 =	vmul.f32 v8, v1  }
0x287: {  	v2 =	vld [tilespmem:s16+$0x240];
	[tilespmem:s11+$0x260] =	vst v5;
	v1 =	vmov v9  }
0x288: {  	v8 =	vmul.f32 v7, v1;
	v3 =	vld [tilespmem:s16+$0x250];
	[tilespmem:s11+$0x270] =	vst v11;
	s11 =	smov.u32 s16  }
0x289: {  	s14 =	sadd.s32 $0x200, s14;
	v7 =	vmul.f32 v10, v1;
	v5 =	vld [tilespmem:s11+$0x260]  }
0x28a: {  	[tilespmem:s11+$0x200] =	vst v8;
	v6 =	vmul.f32 v6, v1;
	v63 =	vld [tilespmem:s11+$0x270]  }
0x28b: {  	[tilespmem:s11+$0x210] =	vst v7;
	v4 =	vmul.f32 v4, v1  }
0x28c: {  	[tilespmem:s11+$0x220] =	vst v6;
	v2 =	vmul.f32 v2, v1  }
0x28d: {  	[tilespmem:s11+$0x230] =	vst v4;
	v3 =	vmul.f32 v3, v1  }
0x28e: {  	[tilespmem:s11+$0x240] =	vst v2;
	v2 =	vmul.f32 v5, v1  }
0x28f: {  	[tilespmem:s11+$0x250] =	vst v3;
	v1 =	vmul.f32 v63, v1  }
0x290: {  	[tilespmem:s11+$0x260] =	vst v2  }
0x291: {  	[tilespmem:s11+$0x270] =	vst v1  }
0x292: {  	[spmem:s1] =	stream.indirect.scatter.add.f32 [tilespmem:s28], [sflag:$0x3], $0x80, s30, s31, $0xb8;
	[tilespmem:$0x1B280] =	vst v63  }
0x293: {  	_ =	swait.ge [sflag:s29], $0x2800  }
0x294: {  	[sflag:s29] =	ssyncset.done $0x0  }
0x295: {  	[sflag:s29] =	ssyncadd.s32 $0xFFFFD800  }
0x296: {  	[bflag:$0x0] =	sbarrier.arrive $0xFFFF  }
0x297: {  	s16 =	rddreg [dreg:$0xa]  }
0x298: {  	s14 =	simm.s32 @p0 $0x1FC3;
	s17 =	rddreg [dreg:$0x10];
	s11 =	sadd.s32 @p0 $0x25080, s16  }
0x299: {  	[hbm:s11], [sflag:s14] =	dma.local @p0 [spmem:s17], $0x2080  }
0x29a: {  	s11 =	simm.s32 @p0 $0x3  }
0x29b: {  	_ =	swait.ge @p0 [sflag:s11], $0x2080  }
0x29c: {  	[sflag:s11] =	ssyncset.done @p0 $0x0  }
0x29d: {  	[sflag:s11] =	ssyncadd.s32 @p0 $0xFFFFDF80;
	s11 =	rddreg [dreg:$0x5]  }
0x29e: {  	s11 =	sadd.s32 @!p0 s11, s16  }
0x29f: {  	[hbm:s11], [sflag:s24] =	dma.local @!p0 [spmem:s15], $0x2780  }
0x2a0: {  	s11 =	simm.s32 @!p0 $0x3  }
0x2a1: {  	_ =	swait.ge @!p0 [sflag:s11], $0x2780  }
0x2a2: {  	[sflag:s11] =	ssyncset.done @!p0 $0x0  }
0x2a3: {  	[sflag:s11] =	ssyncadd.s32 @!p0 $0xFFFFD880  }
0x2a4: {  	[bflag:$0x0] =	sbarrier.arrive $0xFFFF  }
0x2a5: {  	[tilespmem:$0x200] =	vst v0  }
0x2a6: {  	[tilespmem:$0x210] =	vst v0  }
0x2a7: {  	[tilespmem:$0x220] =	vst v0  }
0x2a8: {  	[tilespmem:$0x230] =	vst v0  }
0x2a9: {  	[tilespmem:$0x240] =	vst v0  }
0x2aa: {  	[tilespmem:$0x250] =	vst v0  }
0x2ab: {  	[tilespmem:$0x260] =	vst v0  }
0x2ac: {  	[tilespmem:$0x270] =	vst v0  }
0x2ad: {  	[tilespmem:$0x280] =	vst v0  }
0x2ae: {  	[tilespmem:$0x290] =	vst v0  }
0x2af: {  	[tilespmem:$0x2A0] =	vst v0  }
0x2b0: {  	[tilespmem:$0x2B0] =	vst v0  }
0x2b1: {  	[tilespmem:$0x2C0] =	vst v0  }
0x2b2: {  	[tilespmem:$0x2D0] =	vst v0  }
0x2b3: {  	[tilespmem:$0x2E0] =	vst v0  }
0x2b4: {  	[tilespmem:$0x2F0] =	vst v0  }
0x2b5: {  	[tilespmem:$0x300] =	vst v0  }
0x2b6: {  	[tilespmem:$0x310] =	vst v0  }
0x2b7: {  	[tilespmem:$0x320] =	vst v0  }
0x2b8: {  	[tilespmem:$0x330] =	vst v0  }
0x2b9: {  	[tilespmem:$0x340] =	vst v0  }
0x2ba: {  	[tilespmem:$0x350] =	vst v0  }
0x2bb: {  	[tilespmem:$0x360] =	vst v0  }
0x2bc: {  	[tilespmem:$0x370] =	vst v0  }
0x2bd: {  	[tilespmem:$0x380] =	vst v0  }
0x2be: {  	[tilespmem:$0x390] =	vst v0  }
0x2bf: {  	[tilespmem:$0x3A0] =	vst v0  }
0x2c0: {  	[tilespmem:$0x3B0] =	vst v0  }
0x2c1: {  	[tilespmem:$0x3C0] =	vst v0  }
0x2c2: {  	[tilespmem:$0x3D0] =	vst v0  }
0x2c3: {  	[tilespmem:$0x3E0] =	vst v0  }
0x2c4: {  	[tilespmem:$0x3F0] =	vst v0  }
0x2c5: {  	[tilespmem:$0x400] =	vst v0  }
0x2c6: {  	[tilespmem:$0x410] =	vst v0  }
0x2c7: {  	[tilespmem:$0x420] =	vst v0  }
0x2c8: {  	[tilespmem:$0x430] =	vst v0  }
0x2c9: {  	[tilespmem:$0x440] =	vst v0  }
0x2ca: {  	[tilespmem:$0x450] =	vst v0  }
0x2cb: {  	[tilespmem:$0x460] =	vst v0  }
0x2cc: {  	[tilespmem:$0x470] =	vst v0  }
0x2cd: {  	[tilespmem:$0x480] =	vst v0  }
0x2ce: {  	[tilespmem:$0x490] =	vst v0  }
0x2cf: {  	[tilespmem:$0x4A0] =	vst v0  }
0x2d0: {  	[tilespmem:$0x4B0] =	vst v0  }
0x2d1: {  	[tilespmem:$0x4C0] =	vst v0  }
0x2d2: {  	[tilespmem:$0x4D0] =	vst v0  }
0x2d3: {  	[tilespmem:$0x4E0] =	vst v0  }
0x2d4: {  	[tilespmem:$0x4F0] =	vst v0  }
0x2d5: {  	[tilespmem:$0x500] =	vst v0  }
0x2d6: {  	[tilespmem:$0x510] =	vst v0  }
0x2d7: {  	[tilespmem:$0x520] =	vst v0  }
0x2d8: {  	[tilespmem:$0x530] =	vst v0  }
0x2d9: {  	[tilespmem:$0x540] =	vst v0  }
0x2da: {  	[tilespmem:$0x550] =	vst v0  }
0x2db: {  	[tilespmem:$0x560] =	vst v0  }
0x2dc: {  	[tilespmem:$0x570] =	vst v0  }
0x2dd: {  	[tilespmem:$0x580] =	vst v0  }
0x2de: {  	[tilespmem:$0x590] =	vst v0  }
0x2df: {  	[tilespmem:$0x5A0] =	vst v0  }
0x2e0: {  	[tilespmem:$0x5B0] =	vst v0  }
0x2e1: {  	[tilespmem:$0x5C0] =	vst v0  }
0x2e2: {  	[tilespmem:$0x5D0] =	vst v0  }
0x2e3: {  	[tilespmem:$0x5E0] =	vst v0  }
.Ltmp16:
0x2e4: {  	[tilespmem:$0x5F0] =	vst v0;
	(pc) =	sbr.rel @!p1 .LBB2_29-.Ltmp16, $4  }
0x2e5: {  	[spmem:s12] =	stream.linear.scatter [tilespmem:s28], [sflag:$0x3], $0x400, $0x38;
	[tilespmem:$0x1B280] =	vst v63  }
0x2e6: {  	_ =	swait.ge [sflag:s29], $0x400  }
0x2e7: {  	s22 =	rddreg [dreg:$0x3]  }
0x2e8: {  	s14 =	smov.u32 s12;
	[sflag:s29] =	ssyncset.done $0x0;
	s11 =	sadd.s32 $0xFFFFFFFF, s22  }
.LBB2_28:
0x2e9: {  	p2 =	sne.s32 s11, $0x1;
	[sflag:s29] =	ssyncadd.s32 $0xFFFFFC00;
	s14 =	sadd.s32 $0x400, s14  }
.Ltmp17:
0x2ea: {  	s11 =	sadd.s32 $0xFFFFFFFF, s11;
	(pc) =	sbr.rel @p2 .LBB2_28-.Ltmp17, $4  }
0x2eb: {  	_ = 	snop  }
0x2ec: {  	[spmem:s14] =	stream.linear.scatter [tilespmem:s28], [sflag:$0x3], $0x400, $0x38;
	[tilespmem:$0x1B280] =	vst v63  }
0x2ed: {  	_ =	swait.ge [sflag:s29], $0x400  }
0x2ee: {  	[sflag:s29] =	ssyncset.done $0x0  }
.LBB2_29:
0x2ef: {  	[sflag:s29] =	ssyncadd.s32 $0xFFFFFC00  }
0x2f0: {  	s16 =	simm.s32 $0x0;
	s17 =	simm.s32 $0x0;
	[bflag:$0x0] =	sbarrier.arrive $0xFFFF  }
.LBB2_30:
0x2f1: {  	s11 =	smul.u32 $0xA0, s17;
	_ =	sdelay $0x1  }
0x2f2: {  	s11 =	sadd.s32 s10, s11  }
0x2f3: {  	s14 =	sshrl.u32 s11, $0x3  }
0x2f4: {  	s20 =	sadd.s32 s3, s14  }
0x2f5: {  	[tilespmem:s16], [sflag:$0x3] =	stream.linear.gather [hbm4b:s20+s16], $0x50, $0x38;
	[tilespmem:$0x1B280] =	vst v63  }
0x2f6: {  	_ =	swait.ge [sflag:s29], $0x50  }
0x2f7: {  	[sflag:s29] =	ssyncset.done $0x0  }
0x2f8: {  	s14 =	sadd.s32 s4, s14;
	[sflag:s29] =	ssyncadd.s32 $0xFFFFFFB0  }
0x2f9: {  	[tilespmem:s30], [sflag:$0x3] =	stream.linear.gather [hbm4b:s14+s16], $0x50, $0x38;
	[tilespmem:$0x1B280] =	vst v63  }
0x2fa: {  	s14 =	sadd.s32 $0x50, s11;
	_ =	swait.ge [sflag:s29], $0x50  }
0x2fb: {  	s20 =	sshrl.u32 s14, $0x3;
	[sflag:s29] =	ssyncset.done $0x0  }
0x2fc: {  	s22 =	sadd.s32 s3, s20;
	[sflag:s29] =	ssyncadd.s32 $0xFFFFFFB0  }
0x2fd: {  	[tilespmem:s26], [sflag:$0x3] =	stream.linear.gather [hbm4b:s22+s16], $0x50, $0x38;
	[tilespmem:$0x1B280] =	vst v63  }
0x2fe: {  	_ =	swait.ge [sflag:s29], $0x50  }
0x2ff: {  	[sflag:s29] =	ssyncset.done $0x0  }
0x300: {  	s20 =	sadd.s32 s4, s20;
	[sflag:s29] =	ssyncadd.s32 $0xFFFFFFB0  }
0x301: {  	[tilespmem:s13], [sflag:$0x3] =	stream.linear.gather [hbm4b:s20+s16], $0x50, $0x38;
	[tilespmem:$0x1B280] =	vst v63  }
0x302: {  	_ =	swait.ge [sflag:s29], $0x50  }
0x303: {  	[sflag:s29] =	ssyncset.done $0x0  }
0x304: {  	[sflag:s29] =	ssyncadd.s32 $0xFFFFFFB0  }
0x305: {  	[tilespmem:s28], [sflag:$0x1] =	stream.indirect.gather [hbm4b:s21+s31], $0x80, s16, s31, $0xb8;
	[tilespmem:$0x1B280] =	vst v63  }
0x306: {  	_ = 	snop  }
0x307: {  	[tilespmem:s18], [sflag:$0x2] =	stream.indirect.gather [hbm4b:s21+s31], $0x80, s26, s31, $0xb8;
	[tilespmem:$0x1B280] =	vst v63  }
0x308: {  	_ =	swait.ge [sflag:s6], $0x2800  }
0x309: {  	s11 =	sshll.u32 s11, $0x4;
	[sflag:s6] =	ssyncset.done $0x0  }
0x30a: {  	s11 =	sadd.s32 s9, s11;
	[sflag:s6] =	ssyncadd.s32 $0xFFFFD800  }
0x30b: {  	[tilespmem:s0], [sflag:$0x3] =	stream.linear.gather [hbm4b:s11+s16], $0x2800, $0x38;
	[tilespmem:$0x1B280] =	vst v63  }
0x30c: {  	_ =	swait.ge [sflag:s29], $0x2800  }
0x30d: {  	[sflag:s29] =	ssyncset.done $0x0  }
0x30e: {  	s11 =	simm.s32 $0x0;
	[sflag:s29] =	ssyncadd.s32 $0xFFFFD800  }
0x30f: {  	v1 =	vld [tilespmem:s11+$0x2A40]  }
0x310: {  	v5 =	vld [tilespmem:s11+$0x200]  }
0x311: {  	v7 =	vld [tilespmem:s11+$0x210]  }
0x312: {  	v6 =	vld [tilespmem:s11+$0x220]  }
0x313: {  	v4 =	vld [tilespmem:s11+$0x230]  }
0x314: {  	v2 =	vld [tilespmem:s11+$0x240]  }
0x315: {  	v3 =	vld [tilespmem:s11+$0x250];
	v8 =	vmul.f32 v5, v1  }
0x316: {  	s20 =	simm.s32 $0x200;
	v7 =	vmul.f32 v7, v1;
	v5 =	vld [tilespmem:s11+$0x260]  }
.LBB2_31:
0x317: {  	s22 =	sshra.s32 s20, $0x2;
	p2 =	sne.s32 s20, $0x9E00;
	[tilespmem:s11+$0x200] =	vst v8;
	v6 =	vmul.f32 v6, v1;
	v8 =	vld [tilespmem:s11+$0x270]  }
0x318: {  	v9 =	vld [tilespmem:s22+$0x2A40];
	[tilespmem:s11+$0x210] =	vst v7;
	v4 =	vmul.f32 v4, v1  }
0x319: {  	v7 =	vld [tilespmem:s22+$0x200];
	[tilespmem:s11+$0x220] =	vst v6;
	v2 =	vmul.f32 v2, v1  }
0x31a: {  	v10 =	vld [tilespmem:s22+$0x210];
	[tilespmem:s11+$0x230] =	vst v4;
	v3 =	vmul.f32 v3, v1  }
.Ltmp18:
0x31b: {  	v6 =	vld [tilespmem:s22+$0x220];
	[tilespmem:s11+$0x240] =	vst v2;
	v5 =	vmul.f32 v5, v1;
	(pc) =	sbr.rel @p2 .LBB2_31-.Ltmp18, $4  }
0x31c: {  	v4 =	vld [tilespmem:s22+$0x230];
	[tilespmem:s11+$0x250] =	vst v3;
	v11 =	vmul.f32 v8, v1  }
0x31d: {  	v2 =	vld [tilespmem:s22+$0x240];
	[tilespmem:s11+$0x260] =	vst v5;
	v1 =	vmov v9  }
0x31e: {  	v8 =	vmul.f32 v7, v1;
	v3 =	vld [tilespmem:s22+$0x250];
	[tilespmem:s11+$0x270] =	vst v11;
	s11 =	smov.u32 s22  }
0x31f: {  	s20 =	sadd.s32 $0x200, s20;
	v7 =	vmul.f32 v10, v1;
	v5 =	vld [tilespmem:s11+$0x260]  }
0x320: {  	[tilespmem:s11+$0x200] =	vst v8;
	v6 =	vmul.f32 v6, v1;
	v8 =	vld [tilespmem:s11+$0x270]  }
0x321: {  	[tilespmem:s11+$0x210] =	vst v7;
	v4 =	vmul.f32 v4, v1  }
0x322: {  	[tilespmem:s11+$0x220] =	vst v6;
	v2 =	vmul.f32 v2, v1  }
0x323: {  	[tilespmem:s11+$0x230] =	vst v4;
	v3 =	vmul.f32 v3, v1  }
0x324: {  	[tilespmem:s11+$0x240] =	vst v2;
	v2 =	vmul.f32 v5, v1  }
0x325: {  	[tilespmem:s11+$0x250] =	vst v3;
	v1 =	vmul.f32 v8, v1  }
0x326: {  	[tilespmem:s11+$0x260] =	vst v2  }
0x327: {  	[tilespmem:s11+$0x270] =	vst v1  }
0x328: {  	[spmem:s1] =	stream.indirect.scatter.add.f32 [tilespmem:s28], [sflag:$0x3], $0x80, s30, s31, $0xb8;
	[tilespmem:$0x1B280] =	vst v63  }
0x329: {  	_ =	swait.ge [sflag:s29], $0x2800  }
0x32a: {  	[sflag:s29] =	ssyncset.done $0x0  }
0x32b: {  	[sflag:s29] =	ssyncadd.s32 $0xFFFFD800  }
0x32c: {  	_ =	swait.ge [sflag:s25], $0x2800  }
0x32d: {  	s20 =	sshll.u32 s14, $0x4;
	[sflag:s25] =	ssyncset.done $0x0  }
0x32e: {  	s22 =	simm.s32 $0x0;
	s11 =	sadd.s32 s9, s20;
	[sflag:s25] =	ssyncadd.s32 $0xFFFFD800  }
0x32f: {  	[tilespmem:s0], [sflag:$0x3] =	stream.linear.gather [hbm4b:s11+s22], $0x2800, $0x38;
	[tilespmem:$0x1B280] =	vst v63  }
0x330: {  	_ =	swait.ge [sflag:s29], $0x2800  }
0x331: {  	[sflag:s29] =	ssyncset.done $0x0  }
0x332: {  	s11 =	simm.s32 $0x0;
	[sflag:s29] =	ssyncadd.s32 $0xFFFFD800  }
0x333: {  	v1 =	vld [tilespmem:s11+$0x2A40]  }
0x334: {  	v5 =	vld [tilespmem:s11+$0x5200]  }
0x335: {  	v7 =	vld [tilespmem:s11+$0x5210]  }
0x336: {  	v6 =	vld [tilespmem:s11+$0x5220]  }
0x337: {  	v4 =	vld [tilespmem:s11+$0x5230]  }
0x338: {  	v2 =	vld [tilespmem:s11+$0x5240]  }
0x339: {  	v3 =	vld [tilespmem:s11+$0x5250];
	v8 =	vmul.f32 v5, v1  }
0x33a: {  	s14 =	simm.s32 $0x200;
	v7 =	vmul.f32 v7, v1;
	v5 =	vld [tilespmem:s11+$0x5260]  }
.LBB2_33:
0x33b: {  	s20 =	sshra.s32 s14, $0x2;
	p2 =	sne.s32 s14, $0x9E00;
	[tilespmem:s11+$0x5200] =	vst v8;
	v6 =	vmul.f32 v6, v1;
	v8 =	vld [tilespmem:s11+$0x5270]  }
0x33c: {  	v9 =	vld [tilespmem:s20+$0x2A40];
	[tilespmem:s11+$0x5210] =	vst v7;
	v4 =	vmul.f32 v4, v1  }
0x33d: {  	v7 =	vld [tilespmem:s20+$0x5200];
	[tilespmem:s11+$0x5220] =	vst v6;
	v2 =	vmul.f32 v2, v1  }
0x33e: {  	v10 =	vld [tilespmem:s20+$0x5210];
	[tilespmem:s11+$0x5230] =	vst v4;
	v3 =	vmul.f32 v3, v1  }
.Ltmp19:
0x33f: {  	v6 =	vld [tilespmem:s20+$0x5220];
	[tilespmem:s11+$0x5240] =	vst v2;
	v5 =	vmul.f32 v5, v1;
	(pc) =	sbr.rel @p2 .LBB2_33-.Ltmp19, $4  }
0x340: {  	v4 =	vld [tilespmem:s20+$0x5230];
	[tilespmem:s11+$0x5250] =	vst v3;
	v11 =	vmul.f32 v8, v1  }
0x341: {  	v2 =	vld [tilespmem:s20+$0x5240];
	[tilespmem:s11+$0x5260] =	vst v5;
	v1 =	vmov v9  }
0x342: {  	v8 =	vmul.f32 v7, v1;
	v3 =	vld [tilespmem:s20+$0x5250];
	[tilespmem:s11+$0x5270] =	vst v11;
	s11 =	smov.u32 s20  }
0x343: {  	s14 =	sadd.s32 $0x200, s14;
	v7 =	vmul.f32 v10, v1;
	v5 =	vld [tilespmem:s11+$0x5260]  }
0x344: {  	[tilespmem:s11+$0x5200] =	vst v8;
	v6 =	vmul.f32 v6, v1;
	v63 =	vld [tilespmem:s11+$0x5270]  }
0x345: {  	[tilespmem:s11+$0x5210] =	vst v7;
	v4 =	vmul.f32 v4, v1  }
0x346: {  	[tilespmem:s11+$0x5220] =	vst v6;
	v2 =	vmul.f32 v2, v1  }
0x347: {  	[tilespmem:s11+$0x5230] =	vst v4;
	v3 =	vmul.f32 v3, v1  }
0x348: {  	[tilespmem:s11+$0x5240] =	vst v2;
	v2 =	vmul.f32 v5, v1  }
0x349: {  	s17 =	sadd.s32 $0x1, s17;
	[tilespmem:s11+$0x5250] =	vst v3;
	v1 =	vmul.f32 v63, v1  }
0x34a: {  	p2 =	sne.s32 s17, $0x3E;
	[tilespmem:s11+$0x5260] =	vst v2  }
.Ltmp20:
0x34b: {  	[tilespmem:s11+$0x5270] =	vst v1;
	(pc) =	sbr.rel @p2 .LBB2_30-.Ltmp20, $4  }
0x34c: {  	[spmem:s1] =	stream.indirect.scatter.add.f32 [tilespmem:s18], [sflag:$0x3], $0x80, s13, s31, $0xb8;
	[tilespmem:$0x1B280] =	vst v63  }
0x34d: {  	_ =	swait.ge [sflag:s29], $0x2800  }
0x34e: {  	[sflag:s29] =	ssyncset.done $0x0  }
0x34f: {  	[sflag:s29] =	ssyncadd.s32 $0xFFFFD800  }
0x350: {  	s11 =	simm.s32 $0x0;
	s14 =	rddreg [dreg:$0x6]  }
0x351: {  	[tilespmem:s11], [sflag:$0x3] =	stream.linear.gather [hbm4b:s14+s11], $0x50, $0x38;
	[tilespmem:$0x1B280] =	vst v63  }
0x352: {  	_ =	swait.ge [sflag:s29], $0x50  }
0x353: {  	[sflag:s29] =	ssyncset.done $0x0  }
0x354: {  	s20 =	rddreg [dreg:$0x7];
	[sflag:s29] =	ssyncadd.s32 $0xFFFFFFB0  }
0x355: {  	[tilespmem:s30], [sflag:$0x3] =	stream.linear.gather [hbm4b:s20+s11], $0x50, $0x38;
	[tilespmem:$0x1B280] =	vst v63  }
0x356: {  	_ =	swait.ge [sflag:s29], $0x50  }
0x357: {  	[sflag:s29] =	ssyncset.done $0x0  }
0x358: {  	[sflag:s29] =	ssyncadd.s32 $0xFFFFFFB0  }
0x359: {  	[tilespmem:s28], [sflag:$0x1] =	stream.indirect.gather [hbm4b:s21+s31], $0x80, s11, s31, $0xb8;
	[tilespmem:$0x1B280] =	vst v63  }
0x35a: {  	_ =	swait.ge [sflag:s6], $0x2800  }
0x35b: {  	[sflag:s6] =	ssyncset.done $0x0  }
0x35c: {  	s22 =	rddreg [dreg:$0x8];
	[sflag:s6] =	ssyncadd.s32 $0xFFFFD800  }
0x35d: {  	[tilespmem:s0], [sflag:$0x3] =	stream.linear.gather [hbm4b:s22+s11], $0x2800, $0x38;
	[tilespmem:$0x1B280] =	vst v63  }
0x35e: {  	_ =	swait.ge [sflag:s29], $0x2800  }
0x35f: {  	[sflag:s29] =	ssyncset.done $0x0  }
0x360: {  	s11 =	simm.s32 $0x0;
	[sflag:s29] =	ssyncadd.s32 $0xFFFFD800  }
0x361: {  	v1 =	vld [tilespmem:s11+$0x2A40]  }
0x362: {  	v5 =	vld [tilespmem:s11+$0x200]  }
0x363: {  	v7 =	vld [tilespmem:s11+$0x210]  }
0x364: {  	v6 =	vld [tilespmem:s11+$0x220]  }
0x365: {  	v4 =	vld [tilespmem:s11+$0x230]  }
0x366: {  	v2 =	vld [tilespmem:s11+$0x240]  }
0x367: {  	v3 =	vld [tilespmem:s11+$0x250];
	v8 =	vmul.f32 v5, v1  }
0x368: {  	s14 =	simm.s32 $0x200;
	v7 =	vmul.f32 v7, v1;
	v5 =	vld [tilespmem:s11+$0x260]  }
.LBB2_36:
0x369: {  	s16 =	sshra.s32 s14, $0x2;
	p2 =	sne.s32 s14, $0x9E00;
	[tilespmem:s11+$0x200] =	vst v8;
	v6 =	vmul.f32 v6, v1;
	v8 =	vld [tilespmem:s11+$0x270]  }
0x36a: {  	v9 =	vld [tilespmem:s16+$0x2A40];
	[tilespmem:s11+$0x210] =	vst v7;
	v4 =	vmul.f32 v4, v1  }
0x36b: {  	v7 =	vld [tilespmem:s16+$0x200];
	[tilespmem:s11+$0x220] =	vst v6;
	v2 =	vmul.f32 v2, v1  }
0x36c: {  	v10 =	vld [tilespmem:s16+$0x210];
	[tilespmem:s11+$0x230] =	vst v4;
	v3 =	vmul.f32 v3, v1  }
.Ltmp21:
0x36d: {  	v6 =	vld [tilespmem:s16+$0x220];
	[tilespmem:s11+$0x240] =	vst v2;
	v5 =	vmul.f32 v5, v1;
	(pc) =	sbr.rel @p2 .LBB2_36-.Ltmp21, $4  }
0x36e: {  	v4 =	vld [tilespmem:s16+$0x230];
	[tilespmem:s11+$0x250] =	vst v3;
	v11 =	vmul.f32 v8, v1  }
0x36f: {  	v2 =	vld [tilespmem:s16+$0x240];
	[tilespmem:s11+$0x260] =	vst v5;
	v1 =	vmov v9  }
0x370: {  	v8 =	vmul.f32 v7, v1;
	v3 =	vld [tilespmem:s16+$0x250];
	[tilespmem:s11+$0x270] =	vst v11;
	s11 =	smov.u32 s16  }
0x371: {  	s14 =	sadd.s32 $0x200, s14;
	v7 =	vmul.f32 v10, v1;
	v5 =	vld [tilespmem:s11+$0x260]  }
0x372: {  	[tilespmem:s11+$0x200] =	vst v8;
	v6 =	vmul.f32 v6, v1;
	v63 =	vld [tilespmem:s11+$0x270]  }
0x373: {  	[tilespmem:s11+$0x210] =	vst v7;
	v4 =	vmul.f32 v4, v1  }
0x374: {  	[tilespmem:s11+$0x220] =	vst v6;
	v2 =	vmul.f32 v2, v1  }
0x375: {  	[tilespmem:s11+$0x230] =	vst v4;
	v3 =	vmul.f32 v3, v1  }
0x376: {  	[tilespmem:s11+$0x240] =	vst v2;
	v2 =	vmul.f32 v5, v1  }
0x377: {  	[tilespmem:s11+$0x250] =	vst v3;
	v1 =	vmul.f32 v63, v1  }
0x378: {  	[tilespmem:s11+$0x260] =	vst v2  }
0x379: {  	[tilespmem:s11+$0x270] =	vst v1  }
0x37a: {  	[spmem:s1] =	stream.indirect.scatter.add.f32 [tilespmem:s28], [sflag:$0x3], $0x80, s30, s31, $0xb8;
	[tilespmem:$0x1B280] =	vst v63  }
0x37b: {  	_ =	swait.ge [sflag:s29], $0x2800  }
0x37c: {  	[sflag:s29] =	ssyncset.done $0x0  }
0x37d: {  	[sflag:s29] =	ssyncadd.s32 $0xFFFFD800  }
0x37e: {  	[bflag:$0x0] =	sbarrier.arrive $0xFFFF  }
0x37f: {  	s16 =	rddreg [dreg:$0xb]  }
0x380: {  	s14 =	simm.s32 @p0 $0x1FC3;
	s17 =	rddreg [dreg:$0x10];
	s11 =	sadd.s32 @p0 $0x25080, s16  }
0x381: {  	[hbm:s11], [sflag:s14] =	dma.local @p0 [spmem:s17], $0x2080  }
0x382: {  	s11 =	simm.s32 @p0 $0x3  }
0x383: {  	_ =	swait.ge @p0 [sflag:s11], $0x2080  }
0x384: {  	[sflag:s11] =	ssyncset.done @p0 $0x0  }
0x385: {  	[sflag:s11] =	ssyncadd.s32 @p0 $0xFFFFDF80;
	s11 =	rddreg [dreg:$0x5]  }
0x386: {  	s11 =	sadd.s32 @!p0 s11, s16  }
0x387: {  	[hbm:s11], [sflag:s24] =	dma.local @!p0 [spmem:s15], $0x2780  }
0x388: {  	s11 =	simm.s32 @!p0 $0x3  }
0x389: {  	_ =	swait.ge @!p0 [sflag:s11], $0x2780  }
0x38a: {  	[sflag:s11] =	ssyncset.done @!p0 $0x0  }
0x38b: {  	[sflag:s11] =	ssyncadd.s32 @!p0 $0xFFFFD880  }
0x38c: {  	[bflag:$0x0] =	sbarrier.arrive $0xFFFF  }
0x38d: {  	[tilespmem:$0x200] =	vst v0  }
0x38e: {  	[tilespmem:$0x210] =	vst v0  }
0x38f: {  	[tilespmem:$0x220] =	vst v0  }
0x390: {  	[tilespmem:$0x230] =	vst v0  }
0x391: {  	[tilespmem:$0x240] =	vst v0  }
0x392: {  	[tilespmem:$0x250] =	vst v0  }
0x393: {  	[tilespmem:$0x260] =	vst v0  }
0x394: {  	[tilespmem:$0x270] =	vst v0  }
0x395: {  	[tilespmem:$0x280] =	vst v0  }
0x396: {  	[tilespmem:$0x290] =	vst v0  }
0x397: {  	[tilespmem:$0x2A0] =	vst v0  }
0x398: {  	[tilespmem:$0x2B0] =	vst v0  }
0x399: {  	[tilespmem:$0x2C0] =	vst v0  }
0x39a: {  	[tilespmem:$0x2D0] =	vst v0  }
0x39b: {  	[tilespmem:$0x2E0] =	vst v0  }
0x39c: {  	[tilespmem:$0x2F0] =	vst v0  }
0x39d: {  	[tilespmem:$0x300] =	vst v0  }
0x39e: {  	[tilespmem:$0x310] =	vst v0  }
0x39f: {  	[tilespmem:$0x320] =	vst v0  }
0x3a0: {  	[tilespmem:$0x330] =	vst v0  }
0x3a1: {  	[tilespmem:$0x340] =	vst v0  }
0x3a2: {  	[tilespmem:$0x350] =	vst v0  }
0x3a3: {  	[tilespmem:$0x360] =	vst v0  }
0x3a4: {  	[tilespmem:$0x370] =	vst v0  }
0x3a5: {  	[tilespmem:$0x380] =	vst v0  }
0x3a6: {  	[tilespmem:$0x390] =	vst v0  }
0x3a7: {  	[tilespmem:$0x3A0] =	vst v0  }
0x3a8: {  	[tilespmem:$0x3B0] =	vst v0  }
0x3a9: {  	[tilespmem:$0x3C0] =	vst v0  }
0x3aa: {  	[tilespmem:$0x3D0] =	vst v0  }
0x3ab: {  	[tilespmem:$0x3E0] =	vst v0  }
0x3ac: {  	[tilespmem:$0x3F0] =	vst v0  }
0x3ad: {  	[tilespmem:$0x400] =	vst v0  }
0x3ae: {  	[tilespmem:$0x410] =	vst v0  }
0x3af: {  	[tilespmem:$0x420] =	vst v0  }
0x3b0: {  	[tilespmem:$0x430] =	vst v0  }
0x3b1: {  	[tilespmem:$0x440] =	vst v0  }
0x3b2: {  	[tilespmem:$0x450] =	vst v0  }
0x3b3: {  	[tilespmem:$0x460] =	vst v0  }
0x3b4: {  	[tilespmem:$0x470] =	vst v0  }
0x3b5: {  	[tilespmem:$0x480] =	vst v0  }
0x3b6: {  	[tilespmem:$0x490] =	vst v0  }
0x3b7: {  	[tilespmem:$0x4A0] =	vst v0  }
0x3b8: {  	[tilespmem:$0x4B0] =	vst v0  }
0x3b9: {  	[tilespmem:$0x4C0] =	vst v0  }
0x3ba: {  	[tilespmem:$0x4D0] =	vst v0  }
0x3bb: {  	[tilespmem:$0x4E0] =	vst v0  }
0x3bc: {  	[tilespmem:$0x4F0] =	vst v0  }
0x3bd: {  	[tilespmem:$0x500] =	vst v0  }
0x3be: {  	[tilespmem:$0x510] =	vst v0  }
0x3bf: {  	[tilespmem:$0x520] =	vst v0  }
0x3c0: {  	[tilespmem:$0x530] =	vst v0  }
0x3c1: {  	[tilespmem:$0x540] =	vst v0  }
0x3c2: {  	[tilespmem:$0x550] =	vst v0  }
0x3c3: {  	[tilespmem:$0x560] =	vst v0  }
0x3c4: {  	[tilespmem:$0x570] =	vst v0  }
0x3c5: {  	[tilespmem:$0x580] =	vst v0  }
0x3c6: {  	[tilespmem:$0x590] =	vst v0  }
0x3c7: {  	[tilespmem:$0x5A0] =	vst v0  }
0x3c8: {  	[tilespmem:$0x5B0] =	vst v0  }
0x3c9: {  	[tilespmem:$0x5C0] =	vst v0  }
0x3ca: {  	[tilespmem:$0x5D0] =	vst v0  }
0x3cb: {  	[tilespmem:$0x5E0] =	vst v0  }
.Ltmp22:
0x3cc: {  	[tilespmem:$0x5F0] =	vst v0;
	(pc) =	sbr.rel @!p1 .LBB2_39-.Ltmp22, $4  }
0x3cd: {  	[spmem:s12] =	stream.linear.scatter [tilespmem:s28], [sflag:$0x3], $0x400, $0x38;
	[tilespmem:$0x1B280] =	vst v63  }
0x3ce: {  	_ =	swait.ge [sflag:s29], $0x400  }
0x3cf: {  	s22 =	rddreg [dreg:$0x3]  }
0x3d0: {  	s14 =	smov.u32 s12;
	[sflag:s29] =	ssyncset.done $0x0;
	s11 =	sadd.s32 $0xFFFFFFFF, s22  }
.LBB2_38:
0x3d1: {  	p1 =	sne.s32 s11, $0x1;
	[sflag:s29] =	ssyncadd.s32 $0xFFFFFC00;
	s14 =	sadd.s32 $0x400, s14  }
.Ltmp23:
0x3d2: {  	s11 =	sadd.s32 $0xFFFFFFFF, s11;
	(pc) =	sbr.rel @p1 .LBB2_38-.Ltmp23, $4  }
0x3d3: {  	_ = 	snop  }
0x3d4: {  	[spmem:s14] =	stream.linear.scatter [tilespmem:s28], [sflag:$0x3], $0x400, $0x38;
	[tilespmem:$0x1B280] =	vst v63  }
0x3d5: {  	_ =	swait.ge [sflag:s29], $0x400  }
0x3d6: {  	[sflag:s29] =	ssyncset.done $0x0  }
.LBB2_39:
0x3d7: {  	[sflag:s29] =	ssyncadd.s32 $0xFFFFFC00  }
0x3d8: {  	s16 =	simm.s32 $0x0;
	s17 =	simm.s32 $0x0;
	[bflag:$0x0] =	sbarrier.arrive $0xFFFF  }
.LBB2_40:
0x3d9: {  	s11 =	smul.u32 $0xA0, s17;
	_ =	sdelay $0x1  }
0x3da: {  	s11 =	sadd.s32 s10, s11  }
0x3db: {  	s14 =	sshrl.u32 s11, $0x3  }
0x3dc: {  	s20 =	sadd.s32 s3, s14  }
0x3dd: {  	[tilespmem:s16], [sflag:$0x3] =	stream.linear.gather [hbm4b:s20+s16], $0x50, $0x38;
	[tilespmem:$0x1B280] =	vst v63  }
0x3de: {  	_ =	swait.ge [sflag:s29], $0x50  }
0x3df: {  	[sflag:s29] =	ssyncset.done $0x0  }
0x3e0: {  	s14 =	sadd.s32 s4, s14;
	[sflag:s29] =	ssyncadd.s32 $0xFFFFFFB0  }
0x3e1: {  	[tilespmem:s30], [sflag:$0x3] =	stream.linear.gather [hbm4b:s14+s16], $0x50, $0x38;
	[tilespmem:$0x1B280] =	vst v63  }
0x3e2: {  	s14 =	sadd.s32 $0x50, s11;
	_ =	swait.ge [sflag:s29], $0x50  }
0x3e3: {  	s20 =	sshrl.u32 s14, $0x3;
	[sflag:s29] =	ssyncset.done $0x0  }
0x3e4: {  	s22 =	sadd.s32 s3, s20;
	[sflag:s29] =	ssyncadd.s32 $0xFFFFFFB0  }
0x3e5: {  	[tilespmem:s26], [sflag:$0x3] =	stream.linear.gather [hbm4b:s22+s16], $0x50, $0x38;
	[tilespmem:$0x1B280] =	vst v63  }
0x3e6: {  	_ =	swait.ge [sflag:s29], $0x50  }
0x3e7: {  	[sflag:s29] =	ssyncset.done $0x0  }
0x3e8: {  	s20 =	sadd.s32 s4, s20;
	[sflag:s29] =	ssyncadd.s32 $0xFFFFFFB0  }
0x3e9: {  	[tilespmem:s13], [sflag:$0x3] =	stream.linear.gather [hbm4b:s20+s16], $0x50, $0x38;
	[tilespmem:$0x1B280] =	vst v63  }
0x3ea: {  	_ =	swait.ge [sflag:s29], $0x50  }
0x3eb: {  	[sflag:s29] =	ssyncset.done $0x0  }
0x3ec: {  	[sflag:s29] =	ssyncadd.s32 $0xFFFFFFB0  }
0x3ed: {  	[tilespmem:s28], [sflag:$0x1] =	stream.indirect.gather [hbm4b:s23+s31], $0x80, s16, s31, $0xb8;
	[tilespmem:$0x1B280] =	vst v63  }
0x3ee: {  	_ = 	snop  }
0x3ef: {  	[tilespmem:s18], [sflag:$0x2] =	stream.indirect.gather [hbm4b:s23+s31], $0x80, s26, s31, $0xb8;
	[tilespmem:$0x1B280] =	vst v63  }
0x3f0: {  	_ =	swait.ge [sflag:s6], $0x2800  }
0x3f1: {  	s11 =	sshll.u32 s11, $0x4;
	[sflag:s6] =	ssyncset.done $0x0  }
0x3f2: {  	s11 =	sadd.s32 s9, s11;
	[sflag:s6] =	ssyncadd.s32 $0xFFFFD800  }
0x3f3: {  	[tilespmem:s0], [sflag:$0x3] =	stream.linear.gather [hbm4b:s11+s16], $0x2800, $0x38;
	[tilespmem:$0x1B280] =	vst v63  }
0x3f4: {  	_ =	swait.ge [sflag:s29], $0x2800  }
0x3f5: {  	[sflag:s29] =	ssyncset.done $0x0  }
0x3f6: {  	s11 =	simm.s32 $0x0;
	[sflag:s29] =	ssyncadd.s32 $0xFFFFD800  }
0x3f7: {  	v1 =	vld [tilespmem:s11+$0x2A60]  }
0x3f8: {  	v5 =	vld [tilespmem:s11+$0x200]  }
0x3f9: {  	v7 =	vld [tilespmem:s11+$0x210]  }
0x3fa: {  	v6 =	vld [tilespmem:s11+$0x220]  }
0x3fb: {  	v4 =	vld [tilespmem:s11+$0x230]  }
0x3fc: {  	v2 =	vld [tilespmem:s11+$0x240]  }
0x3fd: {  	v3 =	vld [tilespmem:s11+$0x250];
	v8 =	vmul.f32 v5, v1  }
0x3fe: {  	s20 =	simm.s32 $0x200;
	v7 =	vmul.f32 v7, v1;
	v5 =	vld [tilespmem:s11+$0x260]  }
.LBB2_41:
0x3ff: {  	s22 =	sshra.s32 s20, $0x2;
	p1 =	sne.s32 s20, $0x9E00;
	[tilespmem:s11+$0x200] =	vst v8;
	v6 =	vmul.f32 v6, v1;
	v8 =	vld [tilespmem:s11+$0x270]  }
0x400: {  	v9 =	vld [tilespmem:s22+$0x2A60];
	[tilespmem:s11+$0x210] =	vst v7;
	v4 =	vmul.f32 v4, v1  }
0x401: {  	v7 =	vld [tilespmem:s22+$0x200];
	[tilespmem:s11+$0x220] =	vst v6;
	v2 =	vmul.f32 v2, v1  }
0x402: {  	v10 =	vld [tilespmem:s22+$0x210];
	[tilespmem:s11+$0x230] =	vst v4;
	v3 =	vmul.f32 v3, v1  }
.Ltmp24:
0x403: {  	v6 =	vld [tilespmem:s22+$0x220];
	[tilespmem:s11+$0x240] =	vst v2;
	v5 =	vmul.f32 v5, v1;
	(pc) =	sbr.rel @p1 .LBB2_41-.Ltmp24, $4  }
0x404: {  	v4 =	vld [tilespmem:s22+$0x230];
	[tilespmem:s11+$0x250] =	vst v3;
	v11 =	vmul.f32 v8, v1  }
0x405: {  	v2 =	vld [tilespmem:s22+$0x240];
	[tilespmem:s11+$0x260] =	vst v5;
	v1 =	vmov v9  }
0x406: {  	v8 =	vmul.f32 v7, v1;
	v3 =	vld [tilespmem:s22+$0x250];
	[tilespmem:s11+$0x270] =	vst v11;
	s11 =	smov.u32 s22  }
0x407: {  	s20 =	sadd.s32 $0x200, s20;
	v7 =	vmul.f32 v10, v1;
	v5 =	vld [tilespmem:s11+$0x260]  }
0x408: {  	[tilespmem:s11+$0x200] =	vst v8;
	v6 =	vmul.f32 v6, v1;
	v8 =	vld [tilespmem:s11+$0x270]  }
0x409: {  	[tilespmem:s11+$0x210] =	vst v7;
	v4 =	vmul.f32 v4, v1  }
0x40a: {  	[tilespmem:s11+$0x220] =	vst v6;
	v2 =	vmul.f32 v2, v1  }
0x40b: {  	[tilespmem:s11+$0x230] =	vst v4;
	v3 =	vmul.f32 v3, v1  }
0x40c: {  	[tilespmem:s11+$0x240] =	vst v2;
	v2 =	vmul.f32 v5, v1  }
0x40d: {  	[tilespmem:s11+$0x250] =	vst v3;
	v1 =	vmul.f32 v8, v1  }
0x40e: {  	[tilespmem:s11+$0x260] =	vst v2  }
0x40f: {  	[tilespmem:s11+$0x270] =	vst v1  }
0x410: {  	[spmem:s1] =	stream.indirect.scatter.add.f32 [tilespmem:s28], [sflag:$0x3], $0x80, s30, s31, $0xb8;
	[tilespmem:$0x1B280] =	vst v63  }
0x411: {  	_ =	swait.ge [sflag:s29], $0x2800  }
0x412: {  	[sflag:s29] =	ssyncset.done $0x0  }
0x413: {  	[sflag:s29] =	ssyncadd.s32 $0xFFFFD800  }
0x414: {  	_ =	swait.ge [sflag:s25], $0x2800  }
0x415: {  	s20 =	sshll.u32 s14, $0x4;
	[sflag:s25] =	ssyncset.done $0x0  }
0x416: {  	s22 =	simm.s32 $0x0;
	s11 =	sadd.s32 s9, s20;
	[sflag:s25] =	ssyncadd.s32 $0xFFFFD800  }
0x417: {  	[tilespmem:s0], [sflag:$0x3] =	stream.linear.gather [hbm4b:s11+s22], $0x2800, $0x38;
	[tilespmem:$0x1B280] =	vst v63  }
0x418: {  	_ =	swait.ge [sflag:s29], $0x2800  }
0x419: {  	[sflag:s29] =	ssyncset.done $0x0  }
0x41a: {  	s11 =	simm.s32 $0x0;
	[sflag:s29] =	ssyncadd.s32 $0xFFFFD800  }
0x41b: {  	v1 =	vld [tilespmem:s11+$0x2A60]  }
0x41c: {  	v5 =	vld [tilespmem:s11+$0x5200]  }
0x41d: {  	v7 =	vld [tilespmem:s11+$0x5210]  }
0x41e: {  	v6 =	vld [tilespmem:s11+$0x5220]  }
0x41f: {  	v4 =	vld [tilespmem:s11+$0x5230]  }
0x420: {  	v2 =	vld [tilespmem:s11+$0x5240]  }
0x421: {  	v3 =	vld [tilespmem:s11+$0x5250];
	v8 =	vmul.f32 v5, v1  }
0x422: {  	s14 =	simm.s32 $0x200;
	v7 =	vmul.f32 v7, v1;
	v5 =	vld [tilespmem:s11+$0x5260]  }
.LBB2_43:
0x423: {  	s20 =	sshra.s32 s14, $0x2;
	p1 =	sne.s32 s14, $0x9E00;
	[tilespmem:s11+$0x5200] =	vst v8;
	v6 =	vmul.f32 v6, v1;
	v8 =	vld [tilespmem:s11+$0x5270]  }
0x424: {  	v9 =	vld [tilespmem:s20+$0x2A60];
	[tilespmem:s11+$0x5210] =	vst v7;
	v4 =	vmul.f32 v4, v1  }
0x425: {  	v7 =	vld [tilespmem:s20+$0x5200];
	[tilespmem:s11+$0x5220] =	vst v6;
	v2 =	vmul.f32 v2, v1  }
0x426: {  	v10 =	vld [tilespmem:s20+$0x5210];
	[tilespmem:s11+$0x5230] =	vst v4;
	v3 =	vmul.f32 v3, v1  }
.Ltmp25:
0x427: {  	v6 =	vld [tilespmem:s20+$0x5220];
	[tilespmem:s11+$0x5240] =	vst v2;
	v5 =	vmul.f32 v5, v1;
	(pc) =	sbr.rel @p1 .LBB2_43-.Ltmp25, $4  }
0x428: {  	v4 =	vld [tilespmem:s20+$0x5230];
	[tilespmem:s11+$0x5250] =	vst v3;
	v11 =	vmul.f32 v8, v1  }
0x429: {  	v2 =	vld [tilespmem:s20+$0x5240];
	[tilespmem:s11+$0x5260] =	vst v5;
	v1 =	vmov v9  }
0x42a: {  	v8 =	vmul.f32 v7, v1;
	v3 =	vld [tilespmem:s20+$0x5250];
	[tilespmem:s11+$0x5270] =	vst v11;
	s11 =	smov.u32 s20  }
0x42b: {  	s14 =	sadd.s32 $0x200, s14;
	v7 =	vmul.f32 v10, v1;
	v5 =	vld [tilespmem:s11+$0x5260]  }
0x42c: {  	[tilespmem:s11+$0x5200] =	vst v8;
	v6 =	vmul.f32 v6, v1;
	v63 =	vld [tilespmem:s11+$0x5270]  }
0x42d: {  	[tilespmem:s11+$0x5210] =	vst v7;
	v4 =	vmul.f32 v4, v1  }
0x42e: {  	[tilespmem:s11+$0x5220] =	vst v6;
	v2 =	vmul.f32 v2, v1  }
0x42f: {  	[tilespmem:s11+$0x5230] =	vst v4;
	v3 =	vmul.f32 v3, v1  }
0x430: {  	[tilespmem:s11+$0x5240] =	vst v2;
	v2 =	vmul.f32 v5, v1  }
0x431: {  	s17 =	sadd.s32 $0x1, s17;
	[tilespmem:s11+$0x5250] =	vst v3;
	v1 =	vmul.f32 v63, v1  }
0x432: {  	p1 =	sne.s32 s17, $0x3E;
	[tilespmem:s11+$0x5260] =	vst v2  }
.Ltmp26:
0x433: {  	[tilespmem:s11+$0x5270] =	vst v1;
	(pc) =	sbr.rel @p1 .LBB2_40-.Ltmp26, $4  }
0x434: {  	[spmem:s1] =	stream.indirect.scatter.add.f32 [tilespmem:s18], [sflag:$0x3], $0x80, s13, s31, $0xb8;
	[tilespmem:$0x1B280] =	vst v63  }
0x435: {  	_ =	swait.ge [sflag:s29], $0x2800  }
0x436: {  	[sflag:s29] =	ssyncset.done $0x0  }
0x437: {  	[sflag:s29] =	ssyncadd.s32 $0xFFFFD800  }
0x438: {  	s11 =	simm.s32 $0x0;
	s14 =	rddreg [dreg:$0x6]  }
0x439: {  	[tilespmem:s11], [sflag:$0x3] =	stream.linear.gather [hbm4b:s14+s11], $0x50, $0x38;
	[tilespmem:$0x1B280] =	vst v63  }
0x43a: {  	_ =	swait.ge [sflag:s29], $0x50  }
0x43b: {  	[sflag:s29] =	ssyncset.done $0x0  }
0x43c: {  	s20 =	rddreg [dreg:$0x7];
	[sflag:s29] =	ssyncadd.s32 $0xFFFFFFB0  }
0x43d: {  	[tilespmem:s30], [sflag:$0x3] =	stream.linear.gather [hbm4b:s20+s11], $0x50, $0x38;
	[tilespmem:$0x1B280] =	vst v63  }
0x43e: {  	_ =	swait.ge [sflag:s29], $0x50  }
0x43f: {  	[sflag:s29] =	ssyncset.done $0x0  }
0x440: {  	[sflag:s29] =	ssyncadd.s32 $0xFFFFFFB0  }
0x441: {  	[tilespmem:s28], [sflag:$0x1] =	stream.indirect.gather [hbm4b:s23+s31], $0x80, s11, s31, $0xb8;
	[tilespmem:$0x1B280] =	vst v63  }
0x442: {  	_ =	swait.ge [sflag:s6], $0x2800  }
0x443: {  	[sflag:s6] =	ssyncset.done $0x0  }
0x444: {  	s22 =	rddreg [dreg:$0x8];
	[sflag:s6] =	ssyncadd.s32 $0xFFFFD800  }
0x445: {  	[tilespmem:s0], [sflag:$0x3] =	stream.linear.gather [hbm4b:s22+s11], $0x2800, $0x38;
	[tilespmem:$0x1B280] =	vst v63  }
0x446: {  	_ =	swait.ge [sflag:s29], $0x2800  }
0x447: {  	[sflag:s29] =	ssyncset.done $0x0  }
0x448: {  	s11 =	simm.s32 $0x0;
	[sflag:s29] =	ssyncadd.s32 $0xFFFFD800  }
0x449: {  	v1 =	vld [tilespmem:s11+$0x2A60]  }
0x44a: {  	v5 =	vld [tilespmem:s11+$0x200]  }
0x44b: {  	v7 =	vld [tilespmem:s11+$0x210]  }
0x44c: {  	v6 =	vld [tilespmem:s11+$0x220]  }
0x44d: {  	v4 =	vld [tilespmem:s11+$0x230]  }
0x44e: {  	v2 =	vld [tilespmem:s11+$0x240]  }
0x44f: {  	v3 =	vld [tilespmem:s11+$0x250];
	v8 =	vmul.f32 v5, v1  }
0x450: {  	s14 =	simm.s32 $0x200;
	v7 =	vmul.f32 v7, v1;
	v5 =	vld [tilespmem:s11+$0x260]  }
.LBB2_46:
0x451: {  	s16 =	sshra.s32 s14, $0x2;
	p1 =	sne.s32 s14, $0x9E00;
	[tilespmem:s11+$0x200] =	vst v8;
	v6 =	vmul.f32 v6, v1;
	v8 =	vld [tilespmem:s11+$0x270]  }
0x452: {  	v9 =	vld [tilespmem:s16+$0x2A60];
	[tilespmem:s11+$0x210] =	vst v7;
	v4 =	vmul.f32 v4, v1  }
0x453: {  	v7 =	vld [tilespmem:s16+$0x200];
	[tilespmem:s11+$0x220] =	vst v6;
	v2 =	vmul.f32 v2, v1  }
0x454: {  	v10 =	vld [tilespmem:s16+$0x210];
	[tilespmem:s11+$0x230] =	vst v4;
	v3 =	vmul.f32 v3, v1  }
.Ltmp27:
0x455: {  	v6 =	vld [tilespmem:s16+$0x220];
	[tilespmem:s11+$0x240] =	vst v2;
	v5 =	vmul.f32 v5, v1;
	(pc) =	sbr.rel @p1 .LBB2_46-.Ltmp27, $4  }
0x456: {  	v4 =	vld [tilespmem:s16+$0x230];
	[tilespmem:s11+$0x250] =	vst v3;
	v11 =	vmul.f32 v8, v1  }
0x457: {  	v2 =	vld [tilespmem:s16+$0x240];
	[tilespmem:s11+$0x260] =	vst v5;
	v1 =	vmov v9  }
0x458: {  	v8 =	vmul.f32 v7, v1;
	v3 =	vld [tilespmem:s16+$0x250];
	[tilespmem:s11+$0x270] =	vst v11;
	s11 =	smov.u32 s16  }
0x459: {  	s14 =	sadd.s32 $0x200, s14;
	v7 =	vmul.f32 v10, v1;
	v5 =	vld [tilespmem:s11+$0x260]  }
0x45a: {  	[tilespmem:s11+$0x200] =	vst v8;
	v6 =	vmul.f32 v6, v1;
	v63 =	vld [tilespmem:s11+$0x270]  }
0x45b: {  	[tilespmem:s11+$0x210] =	vst v7;
	v4 =	vmul.f32 v4, v1  }
0x45c: {  	[tilespmem:s11+$0x220] =	vst v6;
	v2 =	vmul.f32 v2, v1  }
0x45d: {  	[tilespmem:s11+$0x230] =	vst v4;
	v3 =	vmul.f32 v3, v1  }
0x45e: {  	[tilespmem:s11+$0x240] =	vst v2;
	v2 =	vmul.f32 v5, v1  }
0x45f: {  	[tilespmem:s11+$0x250] =	vst v3;
	v1 =	vmul.f32 v63, v1  }
0x460: {  	[tilespmem:s11+$0x260] =	vst v2  }
0x461: {  	[tilespmem:s11+$0x270] =	vst v1  }
0x462: {  	[spmem:s1] =	stream.indirect.scatter.add.f32 [tilespmem:s28], [sflag:$0x3], $0x80, s30, s31, $0xb8;
	[tilespmem:$0x1B280] =	vst v63  }
0x463: {  	_ =	swait.ge [sflag:s29], $0x2800  }
0x464: {  	[sflag:s29] =	ssyncset.done $0x0  }
0x465: {  	[sflag:s29] =	ssyncadd.s32 $0xFFFFD800  }
0x466: {  	[bflag:$0x0] =	sbarrier.arrive $0xFFFF  }
0x467: {  	s16 =	rddreg [dreg:$0xc]  }
0x468: {  	s14 =	simm.s32 @p0 $0x1FC3;
	s17 =	rddreg [dreg:$0x10];
	s11 =	sadd.s32 @p0 $0x25080, s16  }
0x469: {  	[hbm:s11], [sflag:s14] =	dma.local @p0 [spmem:s17], $0x2080  }
0x46a: {  	s11 =	simm.s32 @p0 $0x3  }
0x46b: {  	_ =	swait.ge @p0 [sflag:s11], $0x2080  }
0x46c: {  	[sflag:s11] =	ssyncset.done @p0 $0x0  }
0x46d: {  	[sflag:s11] =	ssyncadd.s32 @p0 $0xFFFFDF80;
	s11 =	rddreg [dreg:$0x5]  }
0x46e: {  	s11 =	sadd.s32 @!p0 s11, s16  }
0x46f: {  	[hbm:s11], [sflag:s24] =	dma.local @!p0 [spmem:s15], $0x2780  }
0x470: {  	s11 =	simm.s32 @!p0 $0x3  }
0x471: {  	_ =	swait.ge @!p0 [sflag:s11], $0x2780  }
0x472: {  	s22 =	rddreg [dreg:$0xf]  }
0x473: {  	s24 =	rddreg [dreg:$0xd];
	s14 =	sadd.s32 $0x1, s22  }
0x474: {  	p1 =	sne.s32 s14, s24  }
.Ltmp28:
0x475: {  	_ = 	snop;
	(pc) =	sbr.rel @p1 .LBB2_1-.Ltmp28, $3  }
0x476: {  	[sflag:s11] =	ssyncset.done @!p0 $0x0  }
0x477: {  	[sflag:s11] =	ssyncadd.s32 @!p0 $0xFFFFD880  }
0x478: {  	[bflag:$0x0] =	sbarrier.arrive $0xFFFF;
	_ =	sdelay $0x1  }
0x479: {  	_ =	sfence.sel $0x180000  }
0x47a: {  	[bflag:$0x0] =	sbarrier.arrive $0xFFFF  }
0x47b: {  	_ =	strace $0x90000047  }
0x47c: {  	s0 =	stileid.u32;
	[bflag:$0x2] =	sbarrier.arrive $0xFFFF  }
0x47d: {  	p0 =	sne.s32 s0, $0x0;
	s0 =	rddreg [dreg:$0x2]  }
0x47e: {  	s0 =	sadd.s32 @!p0 $0x100000, s0  }
0x47f: {  	[sflag:s0] =	ssyncadd.tile.s32 @!p0 $0x1;
	_ =	shalt  }
.Lfunc_end2:
_tile_overlayer_lowered:
.L_overlay_start_2:
0x480: {  	(tag) =	ssettag $0x2  }
0x481: {  	s0 =	rddreg [dreg:$0x0];
	s2 =	stileid.u32  }
0x482: {  	s1 =	rddreg [dreg:$0x1];
	p0 =	sne.s32 s2, $0x0  }
0x483: {  	s3 =	rddreg [dreg:$0x2];
	[bflag:$0x3] =	sbarrier.arrive $0xFFFF;
	s2 =	simm.s32 @!p0 $0x1C03  }
0x484: {  	[timem:s3], [sflag:s2] =	dma.local @!p0 [hbm:s0], s1  }
0x485: {  	s0 =	simm.s32 @!p0 $0x3  }
0x486: {  	_ =	swait.ge @!p0 [sflag:s0], s1  }
0x487: {  	s1 =	ssub.s32 @!p0 $0x0, s1;
	[sflag:s0] =	ssyncset.done @!p0 $0x0  }
0x488: {  	[sflag:s0] =	ssyncadd.s32 @!p0 s1  }
0x489: {  	[bflag:$0x3] =	sbarrier.arrive $0xFFFF  }
0x48a: {  	_ =	shalt  }

// kernel: kernel.7.cloned.1.call-start
scs
__scs_entry_jumppad:
0x0: {  	(pc) =	sbr.rel $0x88, $3  }
0x1: {  	(tag) =	ssettag $0x0;
	lr =	simm.s32 $0x1  }
0x2: {  	[smem:$0x3F94] =	sst lr;
	_ =	strace $0xD0000000  }
0x3: {  	_ = 	snop  }
0x4: {  	_ = 	snop  }
0x5: {  	_ = 	snop  }
0x6: {  	_ = 	snop  }
0x7: {  	_ = 	snop  }
__scs_overlays_trampoline_lowered:
0x8: {  	[smem:$0x3FA3] =	sst s0  }
0x9: {  	[smem:$0x3FA4] =	sst s1  }
0xa: {  	[smem:$0x3FA5] =	sst s2  }
0xb: {  	[smem:$0x3FA6] =	sst s3  }
0xc: {  	[smem:$0x3FA7] =	sst s4  }
0xd: {  	[smem:$0x3FA8] =	sst s5  }
0xe: {  	[smem:$0x3FA9] =	sst s6  }
0xf: {  	[smem:$0x3FAA] =	sst s7  }
0x10: {  	[smem:$0x3FAB] =	sst s8  }
0x11: {  	[smem:$0x3FAC] =	sst s9;
	s0 =	simm.s32 @!p0 $0x0  }
0x12: {  	s1 =	sld [smem:$0x3F92];
	s0 =	simm.s32 @p0 $0x1  }
0x13: {  	[smem:$0x3FAD] =	sst s0;
	s0 =	simm.s32 @!p1 $0x0  }
0x14: {  	s2 =	sld [smem:$0x3F91];
	s0 =	simm.s32 @p1 $0x1  }
0x15: {  	[smem:$0x3FAE] =	sst s0;
	s0 =	simm.s32 @!p2 $0x0  }
0x16: {  	s3 =	sld [smem:$0x3FDB];
	s0 =	simm.s32 @p2 $0x1  }
0x17: {  	s4 =	simm.s32 $0x1BF5;
	[smem:$0x3FB0] =	sst s0  }
0x18: {  	s0 =	sld [smem:$0x3F93];
	_ =	swait.ge [sflag:s4], $0x0  }
0x19: {  	s7 =	sld [smem:$0x3F94]  }
0x1a: {  	s8 =	sadd.s32 $0xFFFFE003, lr  }
0x1b: {  	s9 =	sadd.s32 $0xFFFFFEF7, lr;
	s5 =	simm.s32 $0xFFFFFFFF;
	p2 =	slt.u32 s8, $0xFFFFF086  }
0x1c: {  	p1 =	slt.u32 s9, $0xF7A;
	s5 =	simm.s32 @!p2 $0x0  }
0x1d: {  	s5 =	simm.s32 @p1 $0x1;
	p0 =	seq.s32 s7, s2  }
0x1e: {  	s7 =	smul.u32 @!p0 $0xF7A, s2;
	p2 =	seq.s32 @!p0 s5, $0x0  }
0x1f: {  	s9 =	smul.u32 $0xF7A, s1;
	s8 =	simm.s32 @!p0 $0x1BF5;
	p2 =	por !p2, p0  }
0x20: {  	[sflag:s8] =	ssyncset.s32 @!p0 $0xFFFFF086;
	s6 =	sadd.s32 @!p0 s3, s7;
	s7 =	simm.s32 @!p0 $0x108  }
0x21: {  	s3 =	sadd.s32 s3, s9;
	s6 =	sadd.s32 @!p0 $0x88, s6;
	s7 =	simm.s32 @p2 $0x1082  }
0x22: {  	[simem:s7], [sflag:s8] =	dma.local @!p0 [hbm:s6], $0xF7A  }
0x23: {  	s9 =	sor.u32 $0xD0000000, s2;
	s6 =	simm.s32 $0x108;
	_ =	swait.ge @!p0 [sflag:s8], $0x0  }
0x24: {  	s3 =	sadd.s32 $0x88, s3;
	s6 =	simm.s32 @!p1 $0x1082;
	[sflag:s4] =	ssyncset.s32 $0xFFFFF086  }
0x25: {  	[simem:s6], [sflag:s4] =	dma.local [hbm:s3], $0xF7A  }
0x26: {  	[smem:$0x3F94] =	sst s1;
	(tag) =	ssettag s2;
	_ =	strace s9  }
0x27: {  	s1 =	sld [smem:$0x3FA4]  }
0x28: {  	s2 =	sld [smem:$0x3FA5]  }
0x29: {  	s4 =	sld [smem:$0x3FA7]  }
0x2a: {  	p0 =	seq.s32 s5, $0x0;
	s5 =	sld [smem:$0x3FA8]  }
0x2b: {  	s6 =	sld [smem:$0x3FA9]  }
0x2c: {  	s7 =	sld [smem:$0x3FAA]  }
0x2d: {  	s3 =	simm.s32 $0x108;
	s8 =	sld [smem:$0x3FAB]  }
0x2e: {  	s3 =	simm.s32 @!p0 $0x1082;
	s9 =	sld [smem:$0x3FAC]  }
0x2f: {  	lr =	sadd.s32 s0, s3;
	s0 =	sld [smem:$0x3FA3]  }
0x30: {  	s3 =	sld [smem:$0x3FA6]  }
0x31: {  	[smem:$0x3FAF] =	sst s10  }
0x32: {  	s10 =	sld [smem:$0x3FAD];
	_ =	sdelay $0x3  }
0x33: {  	p0 =	seq.s32 s10, $0x1;
	s10 =	sld [smem:$0x3FAF];
	_ =	sdelay $0x3  }
0x34: {  	[smem:$0x3FAF] =	sst s10  }
0x35: {  	s10 =	sld [smem:$0x3FAE];
	_ =	sdelay $0x3  }
0x36: {  	p1 =	seq.s32 s10, $0x1;
	s10 =	sld [smem:$0x3FAF];
	_ =	sdelay $0x3  }
0x37: {  	[smem:$0x3FAF] =	sst s10  }
0x38: {  	s10 =	sld [smem:$0x3FB0]  }
0x39: {  	_ = 	snop;
	(pc) =	sbr.ind lr, $3  }
0x3a: {  	_ = 	snop  }
0x3b: {  	_ = 	snop  }
0x3c: {  	p2 =	seq.s32 s10, $0x1;
	s10 =	sld [smem:$0x3FAF]  }
0x3d: {  	_ =	shalt  }
0x3e: {  	_ =	shalt  }
0x3f: {  	_ =	shalt  }
0x40: {  	_ =	shalt  }
0x41: {  	_ =	shalt  }
0x42: {  	_ =	shalt  }
0x43: {  	_ =	shalt  }
0x44: {  	_ =	shalt  }
0x45: {  	_ =	shalt  }
0x46: {  	_ =	shalt  }
0x47: {  	_ =	shalt  }
0x48: {  	_ =	shalt  }
0x49: {  	_ =	shalt  }
0x4a: {  	_ =	shalt  }
0x4b: {  	_ =	shalt  }
0x4c: {  	_ =	shalt  }
0x4d: {  	_ =	shalt  }
0x4e: {  	_ =	shalt  }
0x4f: {  	_ =	shalt  }
0x50: {  	_ =	shalt  }
0x51: {  	_ =	shalt  }
0x52: {  	_ =	shalt  }
0x53: {  	_ =	shalt  }
0x54: {  	_ =	shalt  }
0x55: {  	_ =	shalt  }
0x56: {  	_ =	shalt  }
0x57: {  	_ =	shalt  }
0x58: {  	_ =	shalt  }
0x59: {  	_ =	shalt  }
0x5a: {  	_ =	shalt  }
0x5b: {  	_ =	shalt  }
0x5c: {  	_ =	shalt  }
0x5d: {  	_ =	shalt  }
0x5e: {  	_ =	shalt  }
0x5f: {  	_ =	shalt  }
0x60: {  	_ =	shalt  }
0x61: {  	_ =	shalt  }
0x62: {  	_ =	shalt  }
0x63: {  	_ =	shalt  }
0x64: {  	_ =	shalt  }
0x65: {  	_ =	shalt  }
0x66: {  	_ =	shalt  }
0x67: {  	_ =	shalt  }
0x68: {  	_ =	shalt  }
0x69: {  	_ =	shalt  }
0x6a: {  	_ =	shalt  }
0x6b: {  	_ =	shalt  }
0x6c: {  	_ =	shalt  }
0x6d: {  	_ =	shalt  }
0x6e: {  	_ =	shalt  }
0x6f: {  	_ =	shalt  }
0x70: {  	_ =	shalt  }
0x71: {  	_ =	shalt  }
0x72: {  	_ =	shalt  }
0x73: {  	_ =	shalt  }
0x74: {  	_ =	shalt  }
0x75: {  	_ =	shalt  }
0x76: {  	_ =	shalt  }
0x77: {  	_ =	shalt  }
0x78: {  	_ =	shalt  }
0x79: {  	_ =	shalt  }
0x7a: {  	_ =	shalt  }
0x7b: {  	_ =	shalt  }
0x7c: {  	_ =	shalt  }
0x7d: {  	_ =	shalt  }
0x7e: {  	_ =	shalt  }
0x7f: {  	_ =	shalt  }
0x80: {  	_ =	shalt  }
0x81: {  	_ =	shalt  }
0x82: {  	_ =	shalt  }
0x83: {  	_ =	shalt  }
0x84: {  	_ =	shalt  }
0x85: {  	_ =	shalt  }
0x86: {  	_ =	shalt  }
0x87: {  	_ =	shalt  }
.Lfunc_end0:
.L_simem_size_0:
called_computation.3_lowered:
.L_overlay_start_0:
0x88: {  	s2 =	sld [smem:$0x3FD9]  }
0x89: {  	s3 =	sld [smem:$0x3FFE];
	_ =	sdelay $0x1  }
0x8a: {  	s1 =	srdreg.scid  }
0x8b: {  	s0 =	sand.u32 $0x1, s1  }
0x8c: {  	s16 =	sshll.u32 s0, $0xA;
	s2 =	sadd.s32 s3, s2  }
0x8d: {  	s2 =	sadd.s32 s2, s16  }
0x8e: {  	[smem:$0x3FBB] =	sst s2  }
0x8f: {  	_ = 	snop  }
0x90: {  	(tm) =	ssettm $0x1  }
0x91: {  	s17 =	sld [smem:$0x3FFB];
	_ =	sdelay $0x3  }
0x92: {  	_ =	strace s17  }
0x93: {  	s2 =	sld [smem:$0x3FFC];
	_ =	sdelay $0x3  }
0x94: {  	_ =	strace s2  }
0x95: {  	s2 =	sld [smem:$0x3FFD];
	_ =	sdelay $0x3  }
0x96: {  	_ =	strace s2  }
0x97: {  	_ =	strace $0x8FFFFFFF  }
0x98: {  	s18 =	sld [smem:$0x3FDB];
	_ =	sdelay $0x1  }
0x99: {  	s19 =	simm.s32 $_scs_section_size  }
0x9a: {  	s4 =	simm.s32 $_size__tile_overlayer_lowered;
	s5 =	simm.s32 $_tile_overlayer_lowered  }
0x9b: {  	s22 =	simm.s32 $0x1BFF;
	s21 =	sshll.u32 s5, $0x1;
	s2 =	sadd.s32 s19, s18  }
0x9c: {  	s6 =	simm.s32 $0x0;
	s20 =	sshll.u32 s4, $0x1;
	s4 =	sadd.s32 s21, s2  }
0x9d: {  	[timem:s6], [sflag:s22] =	dma.local [hbm:s4], s20  }
0x9e: {  	_ =	swait.ge [sflag:s22], s20  }
0x9f: {  	s3 =	ssub.s32 $0x0, s20;
	[sflag:s22] =	ssyncset.done $0x0  }
0xa0: {  	[sflag:s22] =	ssyncadd.s32 s3;
	_ =	sdelay $0x1  }
0xa1: {  	s23 =	simm.s32 $0x1B8B  }
0xa2: {  	_ =	swait.ge [sflag:s23], $0x1  }
0xa3: {  	[sflag:s23] =	ssyncset.done $0x0  }
0xa4: {  	s25 =	simm.s32 $0x1B8E;
	s24 =	sld [smem:$0x3FFE];
	[sflag:s23] =	ssyncadd.s32 $0xFFFFFFFF  }
0xa5: {  	s26 =	simm.s32 $execute0_lowered;
	[smem:$0x3FD2] =	sst s25  }
0xa6: {  	s4 =	sshll.u32 s26, $0x1;
	_ =	strace $0x80000049;
	[dreg:$0x1] =	wrdreg $0xFFFFFFFF  }
0xa7: {  	s28 =	simm.s32 $_size_execute0_lowered;
	s2 =	sadd.s32 s2, s4;
	[dreg:$0x0] =	wrdreg $0x0  }
0xa8: {  	s4 =	sshll.u32 s28, $0x1;
	[dreg:$0x2] =	wrdreg s2  }
0xa9: {  	[dreg:$0x3] =	wrdreg s4  }
0xaa: {  	[dreg:$0x4] =	wrdreg $0xC0  }
0xab: {  	_ =	task [dreg:s6], $0x5FFFF  }
0xac: {  	[dreg:$0x1] =	wrdreg $0xFFFFFFFF  }
0xad: {  	[dreg:$0x0] =	wrdreg $0x60  }
0xae: {  	[dreg:$0x2] =	wrdreg s24  }
0xaf: {  	[dreg:$0x3] =	wrdreg $0x2D000  }
0xb0: {  	[dreg:$0x4] =	wrdreg $0x9  }
0xb1: {  	_ =	task.clear_ibuf [dreg:s6], $0x5FFFF;
	_ =	strace $0x90000049  }
0xb2: {  	s29 =	simm.s32 $0x9;
	_ =	strace $0x8000004B  }
0xb3: {  	_ =	swait.ge [sflag:s29], $0x1  }
0xb4: {  	[sflag:s29] =	ssyncadd.s32 $0xFFFFFFFF  }
0xb5: {  	_ =	strace $0x9000004B  }
0xb6: {  	_ =	sfence  }
0xb7: {  	s30 =	sld [smem:$0x0];
	_ =	sdelay $0x2  }
0xb8: {  	s31 =	sshll.u32 s1, $0xD;
	s1 =	sshrl.u32 s1, $0x2  }
0xb9: {  	s3 =	sand.u32 $0x4000, s31;
	s1 =	sadd.s32 s1, s30  }
0xba: {  	s0 =	sor.u32 s3, s0;
	s1 =	sshll.u32 s1, $0x11  }
0xbb: {  	s0 =	sor.u32 s1, s0  }
0xbc: {  	s0 =	sadd.s32 $0x8F2B, s0  }
0xbd: {  	[sflag:s0] =	ssyncadd.remote.s32 $0x1  }
0xbe: {  	_ =	sfence.sel $0xFFFF  }
0xbf: {  	[dreg:$0x0] =	wrdreg $0xFFFFFFFF;
	(pc) =	sbr.abs _section_cstart, $3  }
0xc0: {  	[dreg:$0x1] =	wrdreg $0xFFFFFFFF  }
0xc1: {  	_ =	task.clear_ibuf [dreg:s6], $0x2FFFF;
	_ =	strace $0x9FFFFFFF  }
0xc2: {  	(tm) =	ssettm $0x7FFFFFFF  }
0xc3: {  	_ =	shalt  }
tec
execute0_lowered:
.L_overlay_start_1:
0x0: {  	(tag) =	ssettag $0x1  }
0x1: {  	s6 =	rddreg [dreg:$0x0]  }
0x2: {  	s2 =	rddreg [dreg:$0x1]  }
0x3: {  	s0 =	srdreg.scid;
	s1 =	rddreg [dreg:$0x2];
	s3 =	simm.s32 $0x0  }
0x4: {  	s14 =	simm.s32 $0x80;
	s15 =	simm.s32 $0x50;
	s16 =	simm.s32 $0x100  }
0x5: {  	s17 =	simm.s32 $0x1;
	s5 =	sand.u32 $0x1, s0;
	s0 =	stileid.u32  }
0x6: {  	s20 =	simm.s32 $0x0;
	[smem:$0x7FF] =	sst s3;
	s4 =	smul.u32 $0x27100, s5  }
0x7: {  	s9 =	sadd.s32 $0x28400, s6;
	s18 =	sadd.s32 $0x128400, s2;
	s7 =	smul.u32 $0x2710, s0  }
0x8: {  	_ =	strace $0x8000004A;
	s28 =	ssub.s32 $0x2, s5;
	s8 =	smul.u32 $0x138800, s5  }
0x9: {  	s10 =	smul.u32 $0x13C00, s0;
	p0 =	seq.s32 s0, $0xF;
	s5 =	simm.s32 $0x41  }
0xa: {  	s12 =	smul.u32 $0x4F000, s0;
	s29 =	sshrl.u32 s28, $0x1;
	s5 =	simm.s32 @!p0 $0x4F  }
0xb: {  	s19 =	sshll.u32 @!p0 s0, $0x6;
	s18 =	sshrl.u32 @p0 s18, $0x3;
	s4 =	sadd.s32 s7, s4  }
0xc: {  	s13 =	ssub.s32 s28, s29;
	s30 =	sadd.s32 s10, s8;
	s31 =	sshrl.u32 s12, $0x2  }
0xd: {  	s8 =	sshrl.u32 s8, $0x3;
	s12 =	simm.s32 $0x2900;
	s19 =	sor.u32 @!p0 $0x1C02, s19  }
0xe: {  	s4 =	sshrl.u32 s4, $0x3;
	s10 =	sshrl.u32 s30, $0x3;
	s8 =	sadd.s32 s9, s8  }
0xf: {  	s11 =	sadd.s32 s4, s6;
	s4 =	sadd.s32 $0x1200, s6;
	s6 =	sadd.s32 s31, s2  }
0x10: {  	s7 =	sadd.s32 s9, s10;
	s8 =	sadd.s32 $0x25080, s8;
	s9 =	smax.u32 s13, $0x1  }
0x11: {  	v0 =	vimm.f32 $0.0e+00;
	s13 =	simm.s32 $0x2;
	s10 =	sadd.s32 $0xEBA00, s11;
	s11 =	sadd.s32 $0xF5800, s11  }
.LBB2_1:
0x12: {  	[tilespmem:$0x2900] =	vst v0  }
0x13: {  	[tilespmem:$0x2910] =	vst v0  }
0x14: {  	[tilespmem:$0x2920] =	vst v0  }
0x15: {  	[tilespmem:$0x2930] =	vst v0  }
0x16: {  	[tilespmem:$0x2940] =	vst v0  }
0x17: {  	[tilespmem:$0x2950] =	vst v0  }
0x18: {  	[tilespmem:$0x2960] =	vst v0  }
0x19: {  	[tilespmem:$0x2970] =	vst v0  }
0x1a: {  	[tilespmem:$0x2980] =	vst v0  }
0x1b: {  	[tilespmem:$0x2990] =	vst v0  }
0x1c: {  	[tilespmem:$0x29A0] =	vst v0  }
0x1d: {  	[tilespmem:$0x29B0] =	vst v0  }
0x1e: {  	[tilespmem:$0x29C0] =	vst v0  }
0x1f: {  	[tilespmem:$0x29D0] =	vst v0  }
0x20: {  	[tilespmem:$0x29E0] =	vst v0  }
0x21: {  	[tilespmem:$0x29F0] =	vst v0  }
0x22: {  	[tilespmem:$0x2A00] =	vst v0  }
0x23: {  	[tilespmem:$0x2A10] =	vst v0  }
0x24: {  	[tilespmem:$0x2A20] =	vst v0  }
0x25: {  	[tilespmem:$0x2A30] =	vst v0  }
0x26: {  	[tilespmem:$0x2A40] =	vst v0  }
0x27: {  	[tilespmem:$0x2A50] =	vst v0  }
0x28: {  	[tilespmem:$0x2A60] =	vst v0  }
0x29: {  	[tilespmem:$0x2A70] =	vst v0  }
0x2a: {  	[tilespmem:$0x2A80] =	vst v0  }
0x2b: {  	[tilespmem:$0x2A90] =	vst v0  }
0x2c: {  	[tilespmem:$0x2AA0] =	vst v0  }
0x2d: {  	[tilespmem:$0x2AB0] =	vst v0  }
0x2e: {  	[tilespmem:$0x2AC0] =	vst v0  }
0x2f: {  	[tilespmem:$0x2AD0] =	vst v0  }
0x30: {  	[tilespmem:$0x2AE0] =	vst v0  }
0x31: {  	[tilespmem:$0x2AF0] =	vst v0  }
0x32: {  	[tilespmem:$0x2B00] =	vst v0  }
0x33: {  	[tilespmem:$0x2B10] =	vst v0  }
0x34: {  	[tilespmem:$0x2B20] =	vst v0  }
0x35: {  	[tilespmem:$0x2B30] =	vst v0  }
0x36: {  	[tilespmem:$0x2B40] =	vst v0  }
0x37: {  	[tilespmem:$0x2B50] =	vst v0  }
0x38: {  	[tilespmem:$0x2B60] =	vst v0  }
0x39: {  	[tilespmem:$0x2B70] =	vst v0  }
0x3a: {  	[tilespmem:$0x2B80] =	vst v0  }
0x3b: {  	[tilespmem:$0x2B90] =	vst v0  }
0x3c: {  	[tilespmem:$0x2BA0] =	vst v0  }
0x3d: {  	[tilespmem:$0x2BB0] =	vst v0  }
0x3e: {  	[tilespmem:$0x2BC0] =	vst v0  }
0x3f: {  	[tilespmem:$0x2BD0] =	vst v0  }
0x40: {  	[tilespmem:$0x2BE0] =	vst v0  }
0x41: {  	[tilespmem:$0x2BF0] =	vst v0  }
0x42: {  	[tilespmem:$0x2C00] =	vst v0  }
0x43: {  	[tilespmem:$0x2C10] =	vst v0  }
0x44: {  	[tilespmem:$0x2C20] =	vst v0  }
0x45: {  	[tilespmem:$0x2C30] =	vst v0  }
0x46: {  	[tilespmem:$0x2C40] =	vst v0  }
0x47: {  	[tilespmem:$0x2C50] =	vst v0  }
0x48: {  	[tilespmem:$0x2C60] =	vst v0  }
0x49: {  	[tilespmem:$0x2C70] =	vst v0  }
0x4a: {  	[tilespmem:$0x2C80] =	vst v0  }
0x4b: {  	[tilespmem:$0x2C90] =	vst v0  }
0x4c: {  	[tilespmem:$0x2CA0] =	vst v0  }
0x4d: {  	[tilespmem:$0x2CB0] =	vst v0  }
0x4e: {  	[tilespmem:$0x2CC0] =	vst v0  }
0x4f: {  	[tilespmem:$0x2CD0] =	vst v0;
	p1 =	sne.s32 s5, $0x1  }
.Ltmp0:
0x50: {  	[tilespmem:$0x2CE0] =	vst v0;
	(pc) =	sbr.rel @!p1 .LBB2_3-.Ltmp0, $4  }
0x51: {  	[tilespmem:$0x2CF0] =	vst v0  }
0x52: {  	[spmem:s6] =	stream.linear.scatter [tilespmem:s12], [sflag:$0x2], $0x400, $0x38;
	[tilespmem:$0x16580] =	vst v63  }
0x53: {  	_ =	swait.ge [sflag:s13], $0x400  }
0x54: {  	s21 =	sadd.s32 $0xFFFFFFFF, s5;
	s22 =	smov.u32 s6;
	[sflag:s13] =	ssyncset.done $0x0  }
.LBB2_2:
0x55: {  	p1 =	sne.s32 s21, $0x1;
	[sflag:s13] =	ssyncadd.s32 $0xFFFFFC00;
	s22 =	sadd.s32 $0x400, s22  }
.Ltmp1:
0x56: {  	s21 =	sadd.s32 $0xFFFFFFFF, s21;
	(pc) =	sbr.rel @p1 .LBB2_2-.Ltmp1, $4  }
0x57: {  	_ = 	snop  }
0x58: {  	[spmem:s22] =	stream.linear.scatter [tilespmem:s12], [sflag:$0x2], $0x400, $0x38;
	[tilespmem:$0x16580] =	vst v63  }
0x59: {  	_ =	swait.ge [sflag:s13], $0x400  }
0x5a: {  	[sflag:s13] =	ssyncset.done $0x0  }
.LBB2_3:
0x5b: {  	[sflag:s13] =	ssyncadd.s32 $0xFFFFFC00  }
0x5c: {  	s21 =	sadd.s32 $0x0, s11;
	[bflag:$0x0] =	sbarrier.arrive $0xFFFF  }
0x5d: {  	[tilespmem:s3], [sflag:$0x2] =	stream.linear.gather [hbm4b:s21+s3], $0x50, $0x38;
	[tilespmem:$0x16580] =	vst v63  }
0x5e: {  	_ =	swait.ge [sflag:s13], $0x50  }
0x5f: {  	[sflag:s13] =	ssyncset.done $0x0  }
0x60: {  	s31 =	sadd.s32 $0x0, s10;
	[sflag:s13] =	ssyncadd.s32 $0xFFFFFFB0  }
0x61: {  	[tilespmem:s14], [sflag:$0x2] =	stream.linear.gather [hbm4b:s31+s3], $0x50, $0x38;
	[tilespmem:$0x16580] =	vst v63  }
0x62: {  	_ =	swait.ge [sflag:s13], $0x50  }
0x63: {  	[sflag:s13] =	ssyncset.done $0x0  }
0x64: {  	[sflag:s13] =	ssyncadd.s32 $0xFFFFFFB0  }
0x65: {  	[tilespmem:s16], [sflag:$0x1] =	stream.indirect.gather [hbm4b:s4+s15], $0x80, s3, s15, $0xb8;
	[tilespmem:$0x16580] =	vst v63  }
0x66: {  	_ =	swait.ge [sflag:s17], $0x2800  }
0x67: {  	[sflag:s17] =	ssyncset.done $0x0  }
0x68: {  	[sflag:s17] =	ssyncadd.s32 $0xFFFFD800  }
0x69: {  	[spmem:s2] =	stream.indirect.scatter.add.f32 [tilespmem:s16], [sflag:$0x2], $0x80, s14, s15, $0xb8;
	[tilespmem:$0x16580] =	vst v63  }
0x6a: {  	_ =	swait.ge [sflag:s13], $0x2800  }
0x6b: {  	s22 =	simm.s32 $0x14;
	s21 =	simm.s32 $0xA;
	[sflag:s13] =	ssyncset.done $0x0  }
.LBB2_4:
0x6c: {  	s23 =	sadd.s32 s21, s11  }
0x6d: {  	[sflag:s13] =	ssyncadd.s32 $0xFFFFD800;
	s24 =	smov.u32 s22;
	s25 =	sadd.s32 $0xA, s22  }
0x6e: {  	[tilespmem:s3], [sflag:$0x2] =	stream.linear.gather [hbm4b:s23+s3], $0x50, $0x38;
	[tilespmem:$0x16580] =	vst v63  }
0x6f: {  	p1 =	sne.s32 s22, $0x4D8;
	_ =	swait.ge [sflag:s13], $0x50  }
0x70: {  	[sflag:s13] =	ssyncset.done $0x0  }
0x71: {  	s22 =	sadd.s32 s21, s10;
	s21 =	smov.u32 s24;
	[sflag:s13] =	ssyncadd.s32 $0xFFFFFFB0  }
0x72: {  	[tilespmem:s14], [sflag:$0x2] =	stream.linear.gather [hbm4b:s22+s3], $0x50, $0x38;
	[tilespmem:$0x16580] =	vst v63  }
0x73: {  	_ =	swait.ge [sflag:s13], $0x50  }
0x74: {  	[sflag:s13] =	ssyncset.done $0x0  }
0x75: {  	[sflag:s13] =	ssyncadd.s32 $0xFFFFFFB0  }
0x76: {  	[tilespmem:s16], [sflag:$0x1] =	stream.indirect.gather [hbm4b:s4+s15], $0x80, s3, s15, $0xb8;
	[tilespmem:$0x16580] =	vst v63  }
0x77: {  	_ =	swait.ge [sflag:s17], $0x2800  }
.Ltmp2:
0x78: {  	[sflag:s17] =	ssyncset.done $0x0;
	(pc) =	sbr.rel @p1 .LBB2_4-.Ltmp2, $4  }
0x79: {  	[sflag:s17] =	ssyncadd.s32 $0xFFFFD800  }
0x7a: {  	[spmem:s2] =	stream.indirect.scatter.add.f32 [tilespmem:s16], [sflag:$0x2], $0x80, s14, s15, $0xb8;
	[tilespmem:$0x16580] =	vst v63  }
0x7b: {  	_ =	swait.ge [sflag:s13], $0x2800  }
0x7c: {  	s22 =	smov.u32 s25;
	[sflag:s13] =	ssyncset.done $0x0  }
0x7d: {  	s22 =	sadd.s32 s21, s11;
	[sflag:s13] =	ssyncadd.s32 $0xFFFFD800  }
0x7e: {  	[tilespmem:s3], [sflag:$0x2] =	stream.linear.gather [hbm4b:s22+s3], $0x50, $0x38;
	[tilespmem:$0x16580] =	vst v63  }
0x7f: {  	_ =	swait.ge [sflag:s13], $0x50  }
0x80: {  	[sflag:s13] =	ssyncset.done $0x0  }
0x81: {  	s31 =	sadd.s32 s21, s10;
	[sflag:s13] =	ssyncadd.s32 $0xFFFFFFB0  }
0x82: {  	[tilespmem:s14], [sflag:$0x2] =	stream.linear.gather [hbm4b:s31+s3], $0x50, $0x38;
	[tilespmem:$0x16580] =	vst v63  }
0x83: {  	_ =	swait.ge [sflag:s13], $0x50  }
0x84: {  	[sflag:s13] =	ssyncset.done $0x0  }
0x85: {  	[sflag:s13] =	ssyncadd.s32 $0xFFFFFFB0  }
0x86: {  	[tilespmem:s16], [sflag:$0x1] =	stream.indirect.gather [hbm4b:s4+s15], $0x80, s3, s15, $0xb8;
	[tilespmem:$0x16580] =	vst v63  }
0x87: {  	_ =	swait.ge [sflag:s17], $0x2800  }
0x88: {  	[sflag:s17] =	ssyncset.done $0x0  }
0x89: {  	[sflag:s17] =	ssyncadd.s32 $0xFFFFD800  }
0x8a: {  	[spmem:s2] =	stream.indirect.scatter.add.f32 [tilespmem:s16], [sflag:$0x2], $0x80, s14, s15, $0xb8;
	[tilespmem:$0x16580] =	vst v63  }
0x8b: {  	_ =	swait.ge [sflag:s13], $0x2800  }
0x8c: {  	[sflag:s13] =	ssyncset.done $0x0  }
0x8d: {  	[sflag:s13] =	ssyncadd.s32 $0xFFFFD800  }
0x8e: {  	s21 =	simm.s32 @p0 $0x1FC2;
	[bflag:$0x0] =	sbarrier.arrive $0xFFFF  }
0x8f: {  	[hbm:s8], [sflag:s21] =	dma.local @p0 [spmem:s18], $0x2080  }
0x90: {  	s21 =	simm.s32 @p0 $0x2  }
0x91: {  	_ =	swait.ge @p0 [sflag:s21], $0x2080  }
0x92: {  	s20 =	sadd.s32 $0x1, s20;
	[sflag:s21] =	ssyncset.done @p0 $0x0  }
0x93: {  	p1 =	sne.s32 s20, s9;
	[sflag:s21] =	ssyncadd.s32 @p0 $0xFFFFDF80;
	s21 =	sshrl.u32 @!p0 s6, $0x3  }
0x94: {  	[hbm:s7], [sflag:s19] =	dma.local @!p0 [spmem:s21], $0x2780  }
.Ltmp3:
0x95: {  	_ = 	snop;
	(pc) =	sbr.rel @p1 .LBB2_1-.Ltmp3, $4  }
0x96: {  	s21 =	simm.s32 @!p0 $0x2  }
0x97: {  	_ =	swait.ge @!p0 [sflag:s21], $0x2780  }
0x98: {  	[sflag:s21] =	ssyncset.done @!p0 $0x0  }
0x99: {  	[sflag:s21] =	ssyncadd.s32 @!p0 $0xFFFFD880  }
0x9a: {  	_ =	sfence.sel $0x180000  }
0x9b: {  	[bflag:$0x0] =	sbarrier.arrive $0xFFFF  }
0x9c: {  	p0 =	sne.s32 s0, $0x0;
	_ =	strace $0x9000004A  }
0x9d: {  	s0 =	sadd.s32 @!p0 $0x100000, s1;
	[bflag:$0x2] =	sbarrier.arrive $0xFFFF  }
0x9e: {  	[sflag:s0] =	ssyncadd.tile.s32 @!p0 $0x1;
	_ =	shalt  }
.Lfunc_end2:
_tile_overlayer_lowered:
.L_overlay_start_2:
0x9f: {  	(tag) =	ssettag $0x2  }
0xa0: {  	s0 =	rddreg [dreg:$0x0];
	s2 =	stileid.u32  }
0xa1: {  	s1 =	rddreg [dreg:$0x1];
	p0 =	sne.s32 s2, $0x0  }
0xa2: {  	s3 =	rddreg [dreg:$0x2];
	[bflag:$0x3] =	sbarrier.arrive $0xFFFF;
	s2 =	simm.s32 @!p0 $0x1C02  }
0xa3: {  	[timem:s3], [sflag:s2] =	dma.local @!p0 [hbm:s0], s1  }
0xa4: {  	s0 =	simm.s32 @!p0 $0x2  }
0xa5: {  	_ =	swait.ge @!p0 [sflag:s0], s1  }
0xa6: {  	s1 =	ssub.s32 @!p0 $0x0, s1;
	[sflag:s0] =	ssyncset.done @!p0 $0x0  }
0xa7: {  	[sflag:s0] =	ssyncadd.s32 @!p0 s1  }
0xa8: {  	[bflag:$0x3] =	sbarrier.arrive $0xFFFF  }
0xa9: {  	_ =	shalt  }

// kernel: scatter_offload_async_start.1
scs
__scs_entry_jumppad:
0x0: {  	(pc) =	sbr.rel $0x88, $3  }
0x1: {  	(tag) =	ssettag $0x0;
	lr =	simm.s32 $0x1  }
0x2: {  	[smem:$0x3F94] =	sst lr;
	_ =	strace $0xD0000000  }
0x3: {  	_ = 	snop  }
0x4: {  	_ = 	snop  }
0x5: {  	_ = 	snop  }
0x6: {  	_ = 	snop  }
0x7: {  	_ = 	snop  }
__scs_overlays_trampoline_lowered:
0x8: {  	[smem:$0x3FA3] =	sst s0  }
0x9: {  	[smem:$0x3FA4] =	sst s1  }
0xa: {  	[smem:$0x3FA5] =	sst s2  }
0xb: {  	[smem:$0x3FA6] =	sst s3  }
0xc: {  	[smem:$0x3FA7] =	sst s4  }
0xd: {  	[smem:$0x3FA8] =	sst s5  }
0xe: {  	[smem:$0x3FA9] =	sst s6  }
0xf: {  	[smem:$0x3FAA] =	sst s7  }
0x10: {  	[smem:$0x3FAB] =	sst s8  }
0x11: {  	[smem:$0x3FAC] =	sst s9;
	s0 =	simm.s32 @!p0 $0x0  }
0x12: {  	s1 =	sld [smem:$0x3F92];
	s0 =	simm.s32 @p0 $0x1  }
0x13: {  	[smem:$0x3FAD] =	sst s0;
	s0 =	simm.s32 @!p1 $0x0  }
0x14: {  	s2 =	sld [smem:$0x3F91];
	s0 =	simm.s32 @p1 $0x1  }
0x15: {  	[smem:$0x3FAE] =	sst s0;
	s0 =	simm.s32 @!p2 $0x0  }
0x16: {  	s3 =	sld [smem:$0x3FDB];
	s0 =	simm.s32 @p2 $0x1  }
0x17: {  	s4 =	simm.s32 $0x1BF5;
	[smem:$0x3FB0] =	sst s0  }
0x18: {  	s0 =	sld [smem:$0x3F93];
	_ =	swait.ge [sflag:s4], $0x0  }
0x19: {  	s7 =	sld [smem:$0x3F94]  }
0x1a: {  	s8 =	sadd.s32 $0xFFFFE003, lr  }
0x1b: {  	s9 =	sadd.s32 $0xFFFFFEF7, lr;
	s5 =	simm.s32 $0xFFFFFFFF;
	p2 =	slt.u32 s8, $0xFFFFF086  }
0x1c: {  	p1 =	slt.u32 s9, $0xF7A;
	s5 =	simm.s32 @!p2 $0x0  }
0x1d: {  	s5 =	simm.s32 @p1 $0x1;
	p0 =	seq.s32 s7, s2  }
0x1e: {  	s7 =	smul.u32 @!p0 $0xF7A, s2;
	p2 =	seq.s32 @!p0 s5, $0x0  }
0x1f: {  	s9 =	smul.u32 $0xF7A, s1;
	s8 =	simm.s32 @!p0 $0x1BF5;
	p2 =	por !p2, p0  }
0x20: {  	[sflag:s8] =	ssyncset.s32 @!p0 $0xFFFFF086;
	s6 =	sadd.s32 @!p0 s3, s7;
	s7 =	simm.s32 @!p0 $0x108  }
0x21: {  	s3 =	sadd.s32 s3, s9;
	s6 =	sadd.s32 @!p0 $0x88, s6;
	s7 =	simm.s32 @p2 $0x1082  }
0x22: {  	[simem:s7], [sflag:s8] =	dma.local @!p0 [hbm:s6], $0xF7A  }
0x23: {  	s9 =	sor.u32 $0xD0000000, s2;
	s6 =	simm.s32 $0x108;
	_ =	swait.ge @!p0 [sflag:s8], $0x0  }
0x24: {  	s3 =	sadd.s32 $0x88, s3;
	s6 =	simm.s32 @!p1 $0x1082;
	[sflag:s4] =	ssyncset.s32 $0xFFFFF086  }
0x25: {  	[simem:s6], [sflag:s4] =	dma.local [hbm:s3], $0xF7A  }
0x26: {  	[smem:$0x3F94] =	sst s1;
	(tag) =	ssettag s2;
	_ =	strace s9  }
0x27: {  	s1 =	sld [smem:$0x3FA4]  }
0x28: {  	s2 =	sld [smem:$0x3FA5]  }
0x29: {  	s4 =	sld [smem:$0x3FA7]  }
0x2a: {  	p0 =	seq.s32 s5, $0x0;
	s5 =	sld [smem:$0x3FA8]  }
0x2b: {  	s6 =	sld [smem:$0x3FA9]  }
0x2c: {  	s7 =	sld [smem:$0x3FAA]  }
0x2d: {  	s3 =	simm.s32 $0x108;
	s8 =	sld [smem:$0x3FAB]  }
0x2e: {  	s3 =	simm.s32 @!p0 $0x1082;
	s9 =	sld [smem:$0x3FAC]  }
0x2f: {  	lr =	sadd.s32 s0, s3;
	s0 =	sld [smem:$0x3FA3]  }
0x30: {  	s3 =	sld [smem:$0x3FA6]  }
0x31: {  	[smem:$0x3FAF] =	sst s10  }
0x32: {  	s10 =	sld [smem:$0x3FAD];
	_ =	sdelay $0x3  }
0x33: {  	p0 =	seq.s32 s10, $0x1;
	s10 =	sld [smem:$0x3FAF];
	_ =	sdelay $0x3  }
0x34: {  	[smem:$0x3FAF] =	sst s10  }
0x35: {  	s10 =	sld [smem:$0x3FAE];
	_ =	sdelay $0x3  }
0x36: {  	p1 =	seq.s32 s10, $0x1;
	s10 =	sld [smem:$0x3FAF];
	_ =	sdelay $0x3  }
0x37: {  	[smem:$0x3FAF] =	sst s10  }
0x38: {  	s10 =	sld [smem:$0x3FB0]  }
0x39: {  	_ = 	snop;
	(pc) =	sbr.ind lr, $3  }
0x3a: {  	_ = 	snop  }
0x3b: {  	_ = 	snop  }
0x3c: {  	p2 =	seq.s32 s10, $0x1;
	s10 =	sld [smem:$0x3FAF]  }
0x3d: {  	_ =	shalt  }
0x3e: {  	_ =	shalt  }
0x3f: {  	_ =	shalt  }
0x40: {  	_ =	shalt  }
0x41: {  	_ =	shalt  }
0x42: {  	_ =	shalt  }
0x43: {  	_ =	shalt  }
0x44: {  	_ =	shalt  }
0x45: {  	_ =	shalt  }
0x46: {  	_ =	shalt  }
0x47: {  	_ =	shalt  }
0x48: {  	_ =	shalt  }
0x49: {  	_ =	shalt  }
0x4a: {  	_ =	shalt  }
0x4b: {  	_ =	shalt  }
0x4c: {  	_ =	shalt  }
0x4d: {  	_ =	shalt  }
0x4e: {  	_ =	shalt  }
0x4f: {  	_ =	shalt  }
0x50: {  	_ =	shalt  }
0x51: {  	_ =	shalt  }
0x52: {  	_ =	shalt  }
0x53: {  	_ =	shalt  }
0x54: {  	_ =	shalt  }
0x55: {  	_ =	shalt  }
0x56: {  	_ =	shalt  }
0x57: {  	_ =	shalt  }
0x58: {  	_ =	shalt  }
0x59: {  	_ =	shalt  }
0x5a: {  	_ =	shalt  }
0x5b: {  	_ =	shalt  }
0x5c: {  	_ =	shalt  }
0x5d: {  	_ =	shalt  }
0x5e: {  	_ =	shalt  }
0x5f: {  	_ =	shalt  }
0x60: {  	_ =	shalt  }
0x61: {  	_ =	shalt  }
0x62: {  	_ =	shalt  }
0x63: {  	_ =	shalt  }
0x64: {  	_ =	shalt  }
0x65: {  	_ =	shalt  }
0x66: {  	_ =	shalt  }
0x67: {  	_ =	shalt  }
0x68: {  	_ =	shalt  }
0x69: {  	_ =	shalt  }
0x6a: {  	_ =	shalt  }
0x6b: {  	_ =	shalt  }
0x6c: {  	_ =	shalt  }
0x6d: {  	_ =	shalt  }
0x6e: {  	_ =	shalt  }
0x6f: {  	_ =	shalt  }
0x70: {  	_ =	shalt  }
0x71: {  	_ =	shalt  }
0x72: {  	_ =	shalt  }
0x73: {  	_ =	shalt  }
0x74: {  	_ =	shalt  }
0x75: {  	_ =	shalt  }
0x76: {  	_ =	shalt  }
0x77: {  	_ =	shalt  }
0x78: {  	_ =	shalt  }
0x79: {  	_ =	shalt  }
0x7a: {  	_ =	shalt  }
0x7b: {  	_ =	shalt  }
0x7c: {  	_ =	shalt  }
0x7d: {  	_ =	shalt  }
0x7e: {  	_ =	shalt  }
0x7f: {  	_ =	shalt  }
0x80: {  	_ =	shalt  }
0x81: {  	_ =	shalt  }
0x82: {  	_ =	shalt  }
0x83: {  	_ =	shalt  }
0x84: {  	_ =	shalt  }
0x85: {  	_ =	shalt  }
0x86: {  	_ =	shalt  }
0x87: {  	_ =	shalt  }
.Lfunc_end0:
.L_simem_size_0:
called_computation.1_lowered:
.L_overlay_start_0:
0x88: {  	s0 =	sld [smem:$0x3FD9]  }
0x89: {  	s1 =	sld [smem:$0x3FFE];
	_ =	sdelay $0x3  }
0x8a: {  	s0 =	sadd.s32 s1, s0  }
0x8b: {  	[smem:$0x3FBB] =	sst s0  }
0x8c: {  	_ = 	snop  }
0x8d: {  	s0 =	sld [smem:$0x3FD0];
	(tm) =	ssettm $0x1  }
0x8e: {  	s16 =	sld [smem:$0x3FFB];
	_ =	sdelay $0x3  }
0x8f: {  	_ =	strace s16  }
0x90: {  	s1 =	sld [smem:$0x3FFC];
	_ =	sdelay $0x3  }
0x91: {  	_ =	strace s1  }
0x92: {  	s1 =	sld [smem:$0x3FFD];
	_ =	sdelay $0x3  }
0x93: {  	_ =	strace s1  }
0x94: {  	_ =	strace $0x8FFFFFFF  }
0x95: {  	s17 =	sld [smem:$0x3FDB];
	_ =	sdelay $0x1  }
0x96: {  	s2 =	simm.s32 $_scs_section_size  }
0x97: {  	s3 =	simm.s32 $_size__tile_overlayer_lowered;
	s4 =	simm.s32 $_tile_overlayer_lowered  }
0x98: {  	s20 =	simm.s32 $0x1BFF;
	s19 =	sshll.u32 s4, $0x1;
	s1 =	sadd.s32 s2, s17  }
0x99: {  	s5 =	simm.s32 $0x0;
	s18 =	sshll.u32 s3, $0x1;
	s3 =	sadd.s32 s19, s1  }
0x9a: {  	[timem:s5], [sflag:s20] =	dma.local [hbm:s3], s18  }
0x9b: {  	_ =	swait.ge [sflag:s20], s18  }
0x9c: {  	s2 =	ssub.s32 $0x0, s18;
	[sflag:s20] =	ssyncset.done $0x0  }
0x9d: {  	[sflag:s20] =	ssyncadd.s32 s2;
	_ =	sdelay $0x1  }
0x9e: {  	s21 =	simm.s32 $0x1B8B  }
0x9f: {  	_ =	swait.ge [sflag:s21], $0x1  }
0xa0: {  	[sflag:s21] =	ssyncset.done $0x0  }
0xa1: {  	s23 =	simm.s32 $0x1B8E;
	s22 =	sld [smem:$0x3FFE];
	[sflag:s21] =	ssyncadd.s32 $0xFFFFFFFF  }
0xa2: {  	s24 =	simm.s32 $execute0_lowered;
	[smem:$0x3FD2] =	sst s23  }
0xa3: {  	s3 =	sshll.u32 s24, $0x1;
	_ =	strace $0x8000004C;
	[dreg:$0x1] =	wrdreg $0xFFFFFFFF  }
0xa4: {  	s25 =	simm.s32 $_size_execute0_lowered;
	s1 =	sadd.s32 s1, s3;
	[dreg:$0x0] =	wrdreg $0x0  }
0xa5: {  	s3 =	sshll.u32 s25, $0x1;
	[dreg:$0x2] =	wrdreg s1  }
0xa6: {  	[dreg:$0x3] =	wrdreg s3  }
0xa7: {  	[dreg:$0x4] =	wrdreg $0xC0  }
0xa8: {  	_ =	task [dreg:s5], $0x5FFFF  }
0xa9: {  	[dreg:$0x1] =	wrdreg $0xFFFFFFFF  }
0xaa: {  	[dreg:$0x0] =	wrdreg $0x60  }
0xab: {  	[dreg:$0x2] =	wrdreg s0  }
0xac: {  	[dreg:$0x3] =	wrdreg s22  }
0xad: {  	[dreg:$0x4] =	wrdreg $0xA  }
0xae: {  	_ =	task.clear_ibuf [dreg:s5], $0x5FFFF;
	_ =	strace $0x9000004C  }
0xaf: {  	s26 =	simm.s32 $0xA;
	_ =	strace $0x8000004E  }
0xb0: {  	_ =	swait.ge [sflag:s26], $0x1  }
0xb1: {  	[sflag:s26] =	ssyncadd.s32 $0xFFFFFFFF  }
0xb2: {  	_ =	strace $0x9000004E  }
0xb3: {  	_ =	sfence  }
0xb4: {  	s28 =	sld [smem:$0x0];
	_ =	sdelay $0x1  }
0xb5: {  	s29 =	srdreg.scid  }
0xb6: {  	s30 =	sshll.u32 s29, $0xD;
	s31 =	sshrl.u32 s29, $0x2  }
0xb7: {  	s2 =	sand.u32 $0x4000, s30;
	s1 =	sand.u32 $0x1, s29;
	s0 =	sadd.s32 s31, s28  }
0xb8: {  	s1 =	sor.u32 s2, s1;
	s0 =	sshll.u32 s0, $0x11  }
0xb9: {  	s0 =	sor.u32 s0, s1  }
0xba: {  	s0 =	sadd.s32 $0x8F2B, s0  }
0xbb: {  	[sflag:s0] =	ssyncadd.remote.s32 $0x1  }
0xbc: {  	_ =	sfence.sel $0xFFFF  }
0xbd: {  	[dreg:$0x0] =	wrdreg $0xFFFFFFFF;
	(pc) =	sbr.abs _section_cstart, $3  }
0xbe: {  	[dreg:$0x1] =	wrdreg $0xFFFFFFFF  }
0xbf: {  	_ =	task.clear_ibuf [dreg:s5], $0x2FFFF;
	_ =	strace $0x9FFFFFFF  }
0xc0: {  	(tm) =	ssettm $0x7FFFFFFF  }
0xc1: {  	_ =	shalt  }
tec
execute0_lowered:
.L_overlay_start_1:
0x0: {  	(tag) =	ssettag $0x1  }
0x1: {  	s1 =	rddreg [dreg:$0x0];
	s6 =	stileid.u32  }
0x2: {  	s0 =	rddreg [dreg:$0x1];
	_ =	strace $0x8000004D;
	s2 =	smin.u32 s6, $0x9  }
0x3: {  	s9 =	simm.s32 $0x1;
	p0 =	slt.u32 s6, $0x9;
	s2 =	sadd.s32 s6, s2  }
0x4: {  	v1 =	vimm.s32 $0xFFFFFFFF;
	[sflag:s9] =	ssyncpa.u1 $0x0;
	s3 =	smul.u32 $0x190, s2;
	s2 =	simm.s32 $0x320  }
0x5: {  	[tilespmem:$0x10] =	vst v1;
	s2 =	simm.s32 @!p0 $0x190  }
0x6: {  	v0 =	vimm.f32 $0.0e+00;
	[tilespmem:$0x20] =	vst v1;
	s2 =	sadd.s32 s2, s3  }
0x7: {  	[tilespmem:$0x30] =	vst v0;
	s4 =	smin.u32 s2, $0x2710  }
0x8: {  	[tilespmem:$0x40] =	vst v0;
	s2 =	ssub.s32 s4, s3  }
0x9: {  	[tilespmem:$0x50] =	vst v0;
	p0 =	sgt.s32 s2, $0x0  }
0xa: {  	[tilespmem:$0x60] =	vst v1;
	s2 =	simm.s32 @!p0 $0x0  }
0xb: {  	s7 =	simm.s32 $0x2;
	s8 =	simm.s32 $0x8;
	[tilespmem:$0x70] =	vst v1;
	s5 =	sand.u32 $0xFFF0, s2  }
0xc: {  	s31 =	simm.s32 $0x9;
	s16 =	simm.s32 $0x0;
	[tilespmem:$0x80] =	vst v1;
	s5 =	sshrl.u32 s5, $0x4  }
0xd: {  	s17 =	simm.s32 $0xF0;
	s18 =	simm.s32 $0xFFFFFFFF;
	v1 =	vimm.s32 $0x0;
	[tilespmem:$0xB0] =	vst v0;
	s5 =	smul.u32 $0xA3E, s5  }
0xe: {  	s19 =	simm.s32 $0xFFFFFDE0;
	s20 =	simm.s32 $0xFFFFFFFE;
	s21 =	simm.s32 $0xF;
	[tilespmem:$0x90] =	vst v1  }
0xf: {  	[tilespmem:$0xA0] =	vst v1;
	[sflag:s7] =	ssyncpa.u1 $0x0;
	s7 =	simm.s32 $0x7;
	s10 =	sshrl.u32 s5, $0x10  }
0x10: {  	s25 =	simm.s32 $0x0;
	[sflag:s7] =	ssyncpa.u1 $0x0;
	s11 =	smul.u32 $0x190, s10  }
0x11: {  	s24 =	simm.s32 $0x0;
	s14 =	sshllo.u32 s6, $0x1;
	[sflag:s8] =	ssyncpa.u1 $0x0  }
.Ltmp0:
0x12: {  	s23 =	smov.u32 s3;
	p0 =	sne.s32 s2, s11;
	(pc) =	sbr.rel .LBB2_1-.Ltmp0, $4  }
0x13: {  	s5 =	sadd.s32 $0x77200, s0;
	s0 =	sadd.s32 $0x77800, s0;
	s9 =	simm.s32 @!p0 $0x0  }
0x14: {  	[sflag:s31] =	ssyncpa.u1 $0x0;
	[dreg:$0x3] =	wrdreg s0;
	s9 =	sadd.s32 s10, s9  }
0x15: {  	vm0 =	vmmov $0xffff;
	v2 =	vlaneseq.u32;
	p0 =	por $0x0, $0x0;
	s10 =	sshll.u32 s6, $0x1;
	s11 =	sadd.s32 $0x1, s9  }
0x16: {  	vm1 =	vmxor vm1, vm1;
	vm2 =	vmmov $0x1;
	vm3 =	vcmask $0x3F3C;
	s12 =	sadd.s32 $0x2, s9;
	s13 =	sor.u32 $0x81, s10;
	s15 =	sor.u32 $0x80, s10  }
.LBB2_9:
0x17: {  	p1 =	slt.u32 s24, $0x3  }
0x18: {  	s0 =	simm.s32 @!p1 $0x2  }
0x19: {  	_ =	swait.ge @!p1 [sflag:s0], $0x190  }
0x1a: {  	[sflag:s0] =	ssyncset.done @!p1 $0x0  }
0x1b: {  	[sflag:s0] =	ssyncadd.s32 @!p1 $0xFFFFFE70;
	s0 =	simm.s32 @!p1 $0x9  }
0x1c: {  	_ =	swait.ge @!p1 [sflag:s0], $0x10  }
0x1d: {  	[sflag:s0] =	ssyncset.done @!p1 $0x0  }
0x1e: {  	[sflag:s0] =	ssyncadd.s32 @!p1 $0xFFFFFFF0;
	p1 =	sne.s32 s24, s12  }
.Ltmp1:
0x1f: {  	s2 =	sadd.s32 $0x190, s23;
	(pc) =	sbr.rel @!p1 .LBB2_10-.Ltmp1, $4  }
0x20: {  	s6 =	smov.u32 s3;
	s31 =	sadd.s32 $0x1, s24;
	s17 =	sadd.s32 $0x190, s17  }
0x21: {  	s18 =	sadd.s32 $0x1, s18;
	s25 =	smov.u32 s23;
	p2 =	slt.s32 s2, s4  }
0x22: {  	p0 =	por !p0, !p0;
	s19 =	sadd.s32 $0x190, s19;
	s6 =	smov.u32 @p2 s2  }
0x23: {  	s20 =	sadd.s32 $0x1, s20;
	s23 =	smov.u32 s6;
	s24 =	smov.u32 s31  }
.LBB2_1:
0x24: {  	p1 =	sge.u32 s24, s9  }
0x25: {  	s0 =	smulhi.u32 @!p1 $0xAAAAAAAB, s24;
	_ =	sdelay $0x1  }
0x26: {  	s0 =	sshrl.u32 @!p1 s0, $0x1  }
0x27: {  	s0 =	smul.u32 @!p1 $0x3, s0;
	_ =	sdelay $0x1  }
0x28: {  	s0 =	ssub.s32 @!p1 s24, s0  }
0x29: {  	s0 =	smul.u32 @!p1 $0x640, s0;
	_ =	sdelay $0x1  }
0x2a: {  	s2 =	sshrl.u32 @!p1 s23, $0x3;
	s0 =	sshrl.u32 @!p1 s0, $0x2  }
0x2b: {  	s22 =	sand.u32 @!p1 $0x7, s23;
	s2 =	sadd.s32 @!p1 s5, s2;
	s0 =	sadd.s32 @!p1 $0x100, s0  }
0x2c: {  	[tilespmem:s0], [sflag:$0x7] =	stream.linear.gather @!p1 [hbm4b:s2+s22], $0x190, $0x38;
	[tilespmem:$0xF30] =	vst v63  }
0x2d: {  	s0 =	sadd.s32 $0xFFFFFFFF, s24  }
0x2e: {  	p1 =	sge.u32 s0, s9  }
.Ltmp2:
0x2f: {  	_ = 	snop;
	(pc) =	sbr.rel @p1 .LBB2_5-.Ltmp2, $1  }
0x30: {  	_ =	sdelay $0x3  }
0x31: {  	s2 =	smulhi.u32 $0xAAAAAAAB, s0;
	_ =	sdelay $0x1  }
0x32: {  	s2 =	sshrl.u32 s2, $0x1  }
0x33: {  	s2 =	smul.u32 $0x3, s2;
	_ =	sdelay $0x1  }
0x34: {  	s2 =	ssub.s32 s0, s2  }
0x35: {  	s2 =	smul.u32 $0x640, s2  }
0x36: {  	_ =	swait.ge [sflag:s7], $0x190  }
0x37: {  	[sflag:s7] =	ssyncset.done $0x0;
	s2 =	sshrl.u32 s2, $0x2  }
0x38: {  	[sflag:s7] =	ssyncadd.s32 $0xFFFFFE70;
	(ifvalue) =	ssetifvalue $0xFFFFFFFF;
	v3 =	vld.msk [tilespmem:s2+$0x100 ss:$0x1], $0xffff;
	_ =	sdelay $0x2  }
0x39: {  	s30 =	smulhi.u32 $0xAAAAAAAB, s18;
	p1 =	sne.s32 s24, $0x1  }
0x3a: {  	v4 =	vimm.s32 @!p1 $0x0  }
0x3b: {  	s2 =	sshrl.u32 s30, $0x1;
	v4 =	vperm.xlane @!p1 v3, v4  }
0x3c: {  	s22 =	sshll.u32 s24, $0x4;
	s2 =	smul.u32 $0xFFFFED40, s2;
	vm4 =	vlt.u32 v3, $0x80  }
0x3d: {  	s22 =	sand.u32 $0x10, s22;
	v3 =	vnsel vm4, $0xFFFFFFFE, v3;
	vm4 =	vlt.u32 @!p1 v4, $0x80  }
0x3e: {  	s2 =	sshra.s32 s2, $0x2;
	[tilespmem:s22+$0x60] =	vst v3;
	v3 =	vnsel @!p1 vm4, $0xFFFFFFFE, v4  }
0x3f: {  	s28 =	sadd.s32 s2, s17;
	[tilespmem:$0x80] =	vst @!p1 v3  }
0x40: {  	v3 =	vld.msk [tilespmem:s28+$0x0 ss:$0x1], $0xffff;
	_ =	sdelay $0x4  }
0x41: {  	(xrf1) =	vunique.msk.u32 $0xffff, v3;
	_ =	sdelay $0xd  }
0x42: {  	v4 =	vimm.s32 $0xFFFFFFFF;
	v5, _, _ =	vpop (xrf1)  }
0x43: {  	vm5 =	vne.s32 v3, v4;
	vm4 =	veq.s32 v5, v2  }
0x44: {  	vm6 =	vlt.u32 v3, $0x80;
	vm4 =	vmand vm5, vm4  }
0x45: {  	vm4 =	vmand vm6, vm4  }
0x46: {  	v4 =	vnsel vm4, $0xFFFFFFFF, v3  }
0x47: {  	s31 =	sand.u32 $0x1, s0  }
0x48: {  	s0 =	simm.s32 $0x190;
	p1 =	seq.s32 s31, $0x1  }
0x49: {  	s0 =	simm.s32 @!p1 $0x0  }
0x4a: {  	s26 =	sadd.s32 $0x730, s0;
	(ifvalue) =	ssetifvalue $0xFFFFFFFF  }
0x4b: {  	v3 =	vperm.xlane v3, v1;
	[tilespmem:s26], [sflag:$0x8] =	stream.indirect_vreg.gather [hbm4b:s1+s16], $0x1, v4, vm0, $0x4038;
	v4 =	vnsel vm6, $0xFFFFFFFE, v4;
	[tilespmem:$0xF30] =	vst v63  }
0x4c: {  	s2 =	simm.s32 $0x0;
	s22 =	sadd.s32 $0xFFFFFFF0, s28;
	[tilespmem:s28+$0x0] =	vst v4  }
.LBB2_3:
0x4d: {  	v4 =	vld.msk [tilespmem:s22+$0x0 ss:$0x1], $0xffff;
	s2 =	sadd.s32 $0x10, s2;
	v5 =	vmov v3;
	s28 =	smov.u32 s22  }
0x4e: {  	p1 =	slt.u32 s2, $0x180;
	_ =	sdelay $0x4  }
0x4f: {  	v3 =	vperm.xlane v4, v1;
	(xrf1) =	vunique.msk.u32 $0xffff, v4;
	_ =	sdelay $0xd  }
0x50: {  	v6, _, _ =	vpop (xrf1)  }
0x51: {  	vm5 =	vne.s32 v4, v5;
	vm4 =	veq.s32 v6, v2  }
0x52: {  	vm6 =	vlt.u32 v4, $0x80;
	vm4 =	vmand vm5, vm4  }
0x53: {  	vm4 =	vmand vm6, vm4  }
0x54: {  	v4 =	vnsel vm4, $0xFFFFFFFF, v4  }
.Ltmp3:
0x55: {  	v5 =	vnsel vm6, $0xFFFFFFFE, v4;
	(pc) =	sbr.rel @p1 .LBB2_3-.Ltmp3, $3  }
0x56: {  	_ =	sdelay $0x1  }
0x57: {  	s22 =	sadd.s32 $0xFFFFFFF0, s22;
	s26 =	sadd.s32 $0xFFFFFFF0, s26;
	(ifvalue) =	ssetifvalue $0xFFFFFFFF  }
0x58: {  	[tilespmem:s26], [sflag:$0x8] =	stream.indirect_vreg.gather [hbm4b:s1+s16], $0x1, v4, vm0, $0x4038;
	[tilespmem:s28+$0x0] =	vst v5  }
0x59: {  	s2 =	sshrl.u32 s25, $0x3;
	s6 =	rddreg [dreg:$0x3]  }
0x5a: {  	s0 =	sadd.s32 $0x8D0, s0;
	s2 =	sadd.s32 s6, s2  }
0x5b: {  	[tilespmem:s0], [sflag:$0x8] =	stream.linear.gather [hbm:s2], $0x190, $0x38;
	[tilespmem:$0xF30] =	vst v63  }
.LBB2_5:
0x5c: {  	p1 =	slt.u32 s24, $0x2  }
0x5d: {  	p2 =	sge.u32 @!p1 s24, s12  }
0x5e: {  	p1 =	por p1, p2  }
.Ltmp4:
0x5f: {  	_ = 	snop;
	(pc) =	sbr.rel @p1 .LBB2_9-.Ltmp4, $1  }
0x60: {  	_ =	sdelay $0x3  }
0x61: {  	s0 =	sadd.s32 $0xFFFFFFFE, s24  }
0x62: {  	s2 =	smulhi.u32 $0xAAAAAAAB, s0;
	_ =	sdelay $0x1  }
0x63: {  	s2 =	sshrl.u32 s2, $0x1  }
0x64: {  	s2 =	smul.u32 $0x3, s2;
	_ =	sdelay $0x1  }
0x65: {  	s0 =	ssub.s32 s0, s2  }
0x66: {  	_ =	swait.ge [sflag:s8], $0x320;
	s0 =	smul.u32 $0x190, s0  }
0x67: {  	p1 =	sne.s32 s24, s11;
	[sflag:s8] =	ssyncset.done $0x0  }
0x68: {  	[sflag:s8] =	ssyncadd.s32 $0xFFFFFCE0;
	s2 =	sadd.s32 @!p1 $0x28F, s0  }
0x69: {  	[spmem:s13] =	stream.linear.scatter @!p1 [tilespmem:s2], [sflag:$0x1], $0x1, $0x38;
	[tilespmem:$0xF30] =	vst v63  }
0x6a: {  	s2 =	simm.s32 @!p1 $0x1  }
0x6b: {  	_ =	swait.ge @!p1 [sflag:s2], $0x1  }
0x6c: {  	s22 =	sshll.u32 s24, $0x4;
	[sflag:s2] =	ssyncset.done @!p1 $0x0  }
0x6d: {  	s25 =	sand.u32 $0x10, s22;
	[sflag:s2] =	ssyncadd.s32 @!p1 $0xFFFFFFFF  }
0x6e: {  	s2 =	sxor.u32 $0x10, s25;
	v4 =	vld [tilespmem:s25+$0x10]  }
0x6f: {  	v5 =	vld [tilespmem:s2+$0x60]  }
0x70: {  	v3 =	vld [tilespmem:$0x80];
	_ =	sdelay $0x2  }
0x71: {  	(v2sf) =	vpush v4, $0x0  }
0x72: {  	(v2sf) =	vpush v5, $0x0  }
0x73: {  	(v2sf) =	vpush v3, $0x0;
	_ =	sdelay $0xc  }
0x74: {  	s6 =	spop (v2sf)  }
0x75: {  	s28 =	spop (v2sf)  }
0x76: {  	s26 =	spop (v2sf)  }
0x77: {  	p2 =	seq.s32 s6, s28;
	p3 =	seq.s32 s26, s6  }
0x78: {  	p3 =	por p2, p3  }
0x79: {  	s6 =	sand.u32 $0x1, s24;
	v4 =	vpsel p3, $0xFFFFFFFF, v4  }
0x7a: {  	s28 =	smul.u32 $0x190, s6;
	[tilespmem:s25+$0x10] =	vst.msk $0x1, v4  }
0x7b: {  	v4 =	vld [tilespmem:$0x30]  }
0x7c: {  	v5 =	vld [tilespmem:s28+$0x8D0]  }
0x7d: {  	v6 =	vld [tilespmem:s25+$0x40];
	_ =	sdelay $0x3  }
0x7e: {  	vm4 =	vmmov vm1;
	v5 =	vadd.f32 v5, v4  }
0x7f: {  	vm5 =	vmmov vm2;
	vm4 =	vmmov @p2 vm2;
	v4 =	vadd.f32 v6, v4  }
0x80: {  	s22 =	sshll.u32 s6, $0x4;
	vm5 =	vmmov @p3 vm1;
	[tilespmem:s28+$0x8D0] =	vst.msk vm4, v5  }
0x81: {  	[tilespmem:s22+$0xF10] =	vst.msk vm5, v4  }
0x82: {  	v4 =	vld [tilespmem:s28+$0x730];
	_ =	sdelay $0x3  }
0x83: {  	v5 =	vimm.f32 $0.0e+00  }
0x84: {  	v4 =	vshift.insert v4, v5, s21  }
0x85: {  	s29 =	sor.u32 $0x40, s2  }
0x86: {  	[tilespmem:s29+$0x0] =	vst.msk $0x1, v4  }
0x87: {  	[tilespmem:s28+$0x73F] =	vst.msk $0x1, v5  }
0x88: {  	v4 =	vld [tilespmem:s0+$0x280];
	_ =	sdelay $0x1  }
0x89: {  	s29 =	smulhi.u32 $0xAAAAAAAB, s20;
	s0 =	simm.s32 $0x1  }
0x8a: {  	s0 =	simm.s32 @!p0 $0x0  }
0x8b: {  	s29 =	sshrl.u32 s29, $0x1;
	s0 =	smul.u32 $0x640, s0  }
0x8c: {  	s29 =	smul.u32 $0xFFFFED40, s29;
	v4 =	vshift.insert v4, v1, s21  }
0x8d: {  	s0 =	sshrl.u32 s0, $0x2  }
0x8e: {  	s29 =	sshra.s32 s29, $0x2;
	s30 =	sadd.s32 $0x8D0, s0;
	[tilespmem:s2+$0x10] =	vst.msk $0x1, v4  }
0x8f: {  	s6 =	sadd.s32 s29, s19;
	v6 =	vld [tilespmem:s30+$0x0]  }
0x90: {  	v7 =	vld [tilespmem:s6+$0x0];
	_ =	sdelay $0x3  }
0x91: {  	v5 =	vadd.f32 v6, v5  }
0x92: {  	vm4 =	vne.s32 v7, $0xFFFFFFFF  }
0x93: {  	(xrf2) =	vadd.seg.scan.f32 vm4, v5;
	_ =	sdelay $0x3  }
0x94: {  	s31 =	sadd.s32 $0x5B0, s0;
	v5 =	vperm.xlane v4, v1  }
0x95: {  	v6 =	vld [tilespmem:s31+$0x0]  }
0x96: {  	vm5 =	veq.s32 v7, v3;
	vm6 =	veq.s32 v7, v5  }
0x97: {  	vm7 =	vgt.u32 v7, $0xFFFFFFFD;
	vm6 =	vmor vm6, vm5  }
0x98: {  	vm6 =	vmor vm6, vm7  }
0x99: {  	v9 =	vld [tilespmem:$0xA0];
	v7 =	vsel vm6, $0xFFFFFFFF, v7  }
0x9a: {  	v10 =	vld [tilespmem:$0x90];
	v6 =	vsel vm5, $0x0, v6;
	v8, _, _ =	vpop (xrf2)  }
0x9b: {  	v6 =	vadd.f32 v8, v6  }
0x9c: {  	s0 =	sadd.s32 $0xBF0, s0  }
0x9d: {  	vm4 =	vmand vm4, vm3;
	[tilespmem:s0+$0x0] =	vst v6;
	(ifvalue) =	ssetifvalue $0xFFFFFFFF  }
0x9e: {  	vm6 =	veq.s32 v9, $0x1;
	[hbm4b:s1+s16] =	stream.indirect_vreg.scatter [tilespmem:s0], [sflag:$0x2], $0x1, v7, vm0, $0x4038;
	v7 =	vsel vm4, $0x0, v8;
	[tilespmem:$0xF30] =	vst v63  }
0x9f: {  	s29 =	sadd.s32 $0xF10, s22;
	s22 =	sadd.s32 $0x10, s6;
	s2 =	simm.s32 $0x0;
	vm4 =	vmor vm6, vm5;
	v6 =	vsel vm5, v8, v10;
	v7 =	vshift.insert v7, v0, s21  }
.LBB2_7:
0xa0: {  	v8 =	vld [tilespmem:s22+$0x0];
	s30 =	sadd.s32 $0x10, s30  }
0xa1: {  	s31 =	sadd.s32 $0x10, s31;
	v9 =	vld [tilespmem:s30+$0x0]  }
0xa2: {  	s2 =	sadd.s32 $0x10, s2;
	v10 =	vld [tilespmem:s31+$0x0]  }
0xa3: {  	p2 =	slt.u32 s2, $0x180;
	_ =	sdelay $0x2  }
0xa4: {  	v7 =	vadd.f32 v9, v7  }
0xa5: {  	vm5 =	vne.s32 v8, $0xFFFFFFFF  }
0xa6: {  	vm6 =	vmand vm5, vm3;
	(xrf2) =	vadd.seg.scan.f32 vm5, v7;
	_ =	sdelay $0x5  }
0xa7: {  	vm7 =	veq.s32 v8, v5;
	vm5 =	veq.s32 v8, v3  }
0xa8: {  	vm8 =	vgt.u32 v8, $0xFFFFFFFD;
	vm4 =	vmor vm4, vm5;
	vm7 =	vmor vm7, vm5  }
0xa9: {  	vm7 =	vmor vm7, vm8  }
0xaa: {  	v8 =	vsel vm7, $0xFFFFFFFF, v8  }
.Ltmp5:
0xab: {  	v7 =	vsel vm5, $0x0, v10;
	v9, _, _ =	vpop (xrf2);
	(pc) =	sbr.rel @p2 .LBB2_7-.Ltmp5, $4  }
0xac: {  	v6 =	vsel vm5, v9, v6;
	v10 =	vadd.f32 v9, v7;
	v7 =	vsel vm6, $0x0, v9  }
0xad: {  	s0 =	sadd.s32 $0x10, s0;
	v7 =	vshift.insert v7, v0, s21  }
0xae: {  	s22 =	sadd.s32 $0x10, s22;
	[tilespmem:s0+$0x0] =	vst v10;
	(ifvalue) =	ssetifvalue $0xFFFFFFFF  }
0xaf: {  	[hbm4b:s1+s16] =	stream.indirect_vreg.scatter [tilespmem:s0], [sflag:$0x2], $0x1, v8, vm0, $0x4038;
	[tilespmem:$0xF30] =	vst v63  }
0xb0: {  	v3 =	vld [tilespmem:s28+$0xD70];
	_ =	sdelay $0x4  }
0xb1: {  	v3 =	vshift.insert v3, v0, s21  }
0xb2: {  	s0 =	simm.s32 $0x30  }
0xb3: {  	[tilespmem:s0+$0x0] =	vst.msk $0x1, v3  }
0xb4: {  	v3 =	vsel vm4, $0x1, v1;
	[tilespmem:$0x90] =	vst v6  }
0xb5: {  	s0 =	sadd.s32 @!p1 $0xD7F, s28;
	[tilespmem:$0xA0] =	vst v3  }
0xb6: {  	[spmem:s14] =	stream.linear.scatter @!p1 [tilespmem:s0], [sflag:$0x1], $0x1, $0x38;
	[tilespmem:$0xF30] =	vst v63  }
0xb7: {  	s0 =	simm.s32 @!p1 $0x1  }
0xb8: {  	v3 =	vmctz.xlane @!p1 vm4;
	_ =	swait.ge @!p1 [sflag:s0], $0x1  }
0xb9: {  	(v2sf) =	vpush @!p1 v4, $0x0  }
0xba: {  	(v2sf) =	vpush @!p1 v3, $0x0;
	_ =	sdelay $0xd  }
0xbb: {  	s2 =	spop @!p1 (v2sf)  }
0xbc: {  	s6 =	spop @!p1 (v2sf)  }
0xbd: {  	p2 =	sne.s32 @!p1 s26, s2;
	p3 =	slt.s32 @!p1 s6, $0xF  }
0xbe: {  	[sflag:s0] =	ssyncset.done @!p1 $0x0;
	p2 =	por p2, p1;
	p3 =	por !p3, p1  }
0xbf: {  	[sflag:s0] =	ssyncadd.s32 @!p1 $0xFFFFFFFF;
	v3 =	vimm.s32 @!p2 $0xFFFFFFFF;
	s6 =	simm.s32 @p3 $0xF  }
0xc0: {  	[tilespmem:$0x80] =	vst @!p2 v3;
	s2 =	sadd.s32 @!p1 $0x90, s6  }
0xc1: {  	[spmem:s10] =	stream.linear.scatter @!p1 [tilespmem:s2], [sflag:$0x1], $0x1, $0x38;
	[tilespmem:$0xF30] =	vst v63  }
0xc2: {  	_ =	swait.ge @!p1 [sflag:s0], $0x1  }
0xc3: {  	[sflag:s0] =	ssyncset.done @!p1 $0x0  }
0xc4: {  	s2 =	simm.s32 @!p1 $0x80;
	[sflag:s0] =	ssyncadd.s32 @!p1 $0xFFFFFFFF  }
0xc5: {  	[spmem:s15] =	stream.linear.scatter @!p1 [tilespmem:s2], [sflag:$0x1], $0x1, $0x38;
	[tilespmem:$0xF30] =	vst v63  }
0xc6: {  	_ =	swait.ge @!p1 [sflag:s0], $0x1  }
0xc7: {  	[sflag:s0] =	ssyncset.done @!p1 $0x0  }
0xc8: {  	[sflag:s0] =	ssyncadd.s32 @!p1 $0xFFFFFFFF;
	(ifvalue) =	ssetifvalue $0xFFFFFFFF;
	v3 =	vld [tilespmem:s25+$0x10];
	_ =	sdelay $0x3  }
.Ltmp6:
0xc9: {  	_ = 	snop;
	(pc) =	sbr.rel .LBB2_9-.Ltmp6, $3  }
0xca: {  	_ =	sdelay $0x1  }
0xcb: {  	(ifvalue) =	ssetifvalue $0xFFFFFFFF  }
0xcc: {  	[hbm4b:s1+s16] =	stream.indirect_vreg.scatter [tilespmem:s29], [sflag:$0x9], $0x1, v3, vm0, $0x4038;
	[tilespmem:$0xF30] =	vst v63  }
.LBB2_10:
0xcd: {  	_ =	sfence.sel $0x180000  }
0xce: {  	s0 =	simm.s32 $0x7;
	[bflag:$0x0] =	sbarrier.arrive $0xFFFF  }
0xcf: {  	s26 =	simm.s32 $0x8;
	[sflag:s0] =	ssyncpa.u1 $0x1  }
0xd0: {  	s28 =	simm.s32 $0x9;
	[sflag:s26] =	ssyncpa.u1 $0x1  }
0xd1: {  	[sflag:s28] =	ssyncpa.u1 $0x1  }
0xd2: {  	_ =	sfence.stream.spmem  }
0xd3: {  	s29 =	simm.s32 $0x3;
	[bflag:$0x0] =	sbarrier.arrive $0xFFFF  }
0xd4: {  	s30 =	simm.s32 $0x4;
	[sflag:s29] =	ssyncpa.u1 $0x1  }
0xd5: {  	s31 =	simm.s32 $0x3C;
	s2 =	stileid.u32;
	[sflag:s30] =	ssyncpa.u1 $0x1  }
0xd6: {  	p0 =	sne.s32 s2, $0x0;
	[sflag:s31] =	ssyncpa.u1 $0x1  }
0xd7: {  	s0 =	simm.s32 @p0 $0x1;
	_ =	sfence @p0  }
0xd8: {  	[sflag:s0] =	ssyncpa.u1 @p0 $0x1;
	s0 =	simm.s32 @p0 $0x2  }
0xd9: {  	[sflag:s0] =	ssyncpa.u1 @p0 $0x1  }
0xda: {  	_ =	strace @p0 $0x9000004D  }
0xdb: {  	[bflag:$0x2] =	sbarrier.arrive @p0 $0xFFFF  }
0xdc: {  	_ =	shalt @p0  }
.LBB2_11:
0xdd: {  	_ =	sfence.stream.spmem;
	s0 =	simm.s32 $0x5  }
0xde: {  	s2 =	simm.s32 $0x80;
	s3 =	simm.s32 $0xC0;
	[sflag:s0] =	ssyncpa.u1 $0x0  }
0xdf: {  	[tilespmem:s3], [sflag:$0x5] =	stream.linear.gather [spmem:s2], $0x20, $0x38;
	[tilespmem:$0xF30] =	vst v63  }
0xe0: {  	s2 =	simm.s32 $0x0;
	s3 =	simm.s32 $0xE0  }
0xe1: {  	[tilespmem:s3], [sflag:$0x5] =	stream.linear.gather [spmem:s2], $0x20, $0x38;
	[tilespmem:$0xF30] =	vst v63  }
.Ltmp7:
0xe2: {  	_ = 	snop;
	(pc) =	sbr.rel .LBB2_12-.Ltmp7, $4  }
0xe3: {  	_ =	swait.ge [sflag:s0], $0x40  }
0xe4: {  	[sflag:s0] =	ssyncset.done $0x0  }
0xe5: {  	s31 =	simm.s32 $0x6;
	[sflag:s0] =	ssyncadd.s32 $0xFFFFFFC0  }
0xe6: {  	s4 =	simm.s32 $0x0;
	[sflag:s31] =	ssyncpa.u1 $0x0  }
.LBB2_17:
0xe7: {  	p0 =	sgt.u32 s5, $0x7F  }
0xe8: {  	s0 =	sshrl.u32 @!p0 s5, $0x3  }
0xe9: {  	s5 =	sand.u32 @!p0 $0x7, s5;
	s6 =	simm.s32 @!p0 $0xB0;
	s0 =	sadd.s32 @!p0 s1, s0  }
0xea: {  	[tilespmem:s6], [sflag:$0x6] =	stream.linear.gather @!p0 [hbm4b:s0+s5], $0x1, $0x38;
	[tilespmem:$0xF30] =	vst v63  }
0xeb: {  	s0 =	simm.s32 @!p0 $0x6  }
0xec: {  	_ =	swait.ge @!p0 [sflag:s0], $0x1  }
0xed: {  	[sflag:s0] =	ssyncset.done @!p0 $0x0  }
0xee: {  	[sflag:s0] =	ssyncadd.s32 @!p0 $0xFFFFFFFF  }
0xef: {  	v2 =	vmov @!p0 s4;
	v1 =	vld.msk @!p0 [tilespmem:$0xB0], $0x1;
	_ =	sdelay $0x3  }
0xf0: {  	s0 =	simm.s32 @!p0 $0xE0  }
0xf1: {  	[tilespmem:v2+s0+$0x0], v1 =	vst.idx.ret.add.f32.msk @!p0 $0x1, v1  }
0xf2: {  	[tilespmem:s2+$0xC0] =	vst.msk $0x1, v0  }
0xf3: {  	v0 =	vld.msk [tilespmem:s4+$0xE0], $0x1;
	_ =	sdelay $0x4  }
0xf4: {  	[tilespmem:s2+$0xE0] =	vst.msk $0x1, v0;
	s2 =	sadd.s32 $0x1, s2  }
.LBB2_19:
0xf5: {  	s4 =	sadd.s32 $0x1, s4  }
0xf6: {  	p0 =	sne.s32 s4, $0x20  }
.Ltmp8:
0xf7: {  	_ = 	snop;
	(pc) =	sbr.rel @!p0 .LBB2_20-.Ltmp8, $1  }
0xf8: {  	_ =	sdelay $0x3  }
.LBB2_12:
0xf9: {  	v0 =	vld.msk [tilespmem:s4+$0xC0], $0x1;
	_ =	sdelay $0x4  }
0xfa: {  	(v2sf) =	vpush v0, $0x0;
	_ =	sdelay $0xe  }
0xfb: {  	s5 =	spop (v2sf)  }
0xfc: {  	p0 =	seq.s32 s5, $0xFFFFFFFF  }
.Ltmp9:
0xfd: {  	_ = 	snop;
	(pc) =	sbr.rel @p0 .LBB2_19-.Ltmp9, $1  }
0xfe: {  	_ =	sdelay $0x3  }
0xff: {  	p0 =	slt.s32 s2, $0x1  }
.Ltmp10:
0x100: {  	_ = 	snop;
	(pc) =	sbr.rel @p0 .LBB2_17-.Ltmp10, $1  }
0x101: {  	_ =	sdelay $0x3  }
0x102: {  	s0 =	simm.s32 $0xC0;
	p0 =	por $0x0, $0x0  }
0x103: {  	v1 =	vld.msk @!p0 [tilespmem:s0+$0x0], $0x1;
	_ =	sdelay $0x4  }
0x104: {  	(v2sf) =	vpush @!p0 v1, $0x0;
	_ =	sdelay $0xd  }
0x105: {  	p2 =	sne.s32 s2, $0x1  }
.Ltmp11:
0x106: {  	s6 =	spop @!p0 (v2sf);
	(pc) =	sbr.rel @!p2 .LBB2_16-.Ltmp11, $4  }
0x107: {  	p1 =	seq.s32 @!p0 s5, s6  }
0x108: {  	s6 =	simm.s32 $0x0;
	p1 =	por !p1, p0  }
0x109: {  	s8 =	simm.s32 $0xFFFFFFFF;
	s6 =	simm.s32 @p1 $0xFFFFFFFF  }
0x10a: {  	s7 =	simm.s32 $0x1;
	s6 =	smov.u32 @p0 s8  }
.LBB2_15:
0x10b: {  	s8 =	smov.u32 s6;
	p0 =	sne.s32 s6, $0xFFFFFFFF  }
0x10c: {  	s0 =	sadd.s32 $0x1, s0;
	s6 =	smov.u32 s7;
	s7 =	sadd.s32 $0x1, s7  }
0x10d: {  	p1 =	sne.s32 s2, s7;
	v1 =	vld.msk @!p0 [tilespmem:s0+$0x0], $0x1;
	_ =	sdelay $0x4  }
0x10e: {  	(v2sf) =	vpush @!p0 v1, $0x0;
	_ =	sdelay $0xe  }
.Ltmp12:
0x10f: {  	s9 =	spop @!p0 (v2sf);
	(pc) =	sbr.rel @p1 .LBB2_15-.Ltmp12, $4  }
0x110: {  	p2 =	seq.s32 @!p0 s5, s9  }
0x111: {  	p2 =	por !p2, p0  }
0x112: {  	s6 =	simm.s32 @p2 $0xFFFFFFFF  }
0x113: {  	s6 =	smov.u32 @p0 s8  }
.LBB2_16:
0x114: {  	p0 =	sne.s32 s6, $0xFFFFFFFF  }
.Ltmp13:
0x115: {  	_ = 	snop;
	(pc) =	sbr.rel @!p0 .LBB2_17-.Ltmp13, $1  }
0x116: {  	_ =	sdelay $0x3  }
0x117: {  	v0 =	vld.msk [tilespmem:s4+$0xE0], $0x1;
	v1 =	vmov s6  }
.Ltmp14:
0x118: {  	_ = 	snop;
	(pc) =	sbr.rel .LBB2_19-.Ltmp14, $2  }
0x119: {  	_ =	sdelay $0x2  }
0x11a: {  	[tilespmem:v1+s3+$0x0], v0 =	vst.idx.ret.add.f32.msk $0x1, v0  }
.LBB2_20:
0x11b: {  	p0 =	slt.s32 s2, $0x1  }
.Ltmp15:
0x11c: {  	_ = 	snop;
	(pc) =	sbr.rel @p0 .LBB2_24-.Ltmp15, $3  }
0x11d: {  	_ =	sdelay $0x1  }
0x11e: {  	s0 =	simm.s32 $0x6  }
0x11f: {  	s3 =	simm.s32 $0x0;
	[sflag:s0] =	ssyncpa.u1 $0x1  }
0x120: {  	s0 =	simm.s32 $0xC0  }
0x121: {  	v0 =	vld.msk [tilespmem:s0+$0x0], $0x1;
	_ =	sdelay $0x4  }
0x122: {  	(v2sf) =	vpush v0, $0x0;
	_ =	sdelay $0xe  }
0x123: {  	s2 =	sadd.s32 $0xFFFFFFFF, s2;
	s4 =	spop (v2sf)  }
0x124: {  	p1 =	sne.s32 s2, $0x0;
	p0 =	sgt.u32 s4, $0x7F  }
.Ltmp16:
0x125: {  	s5 =	sshrl.u32 @!p0 s4, $0x3;
	(pc) =	sbr.rel @!p1 .LBB2_23-.Ltmp16, $4  }
0x126: {  	s0 =	simm.s32 $0xE0;
	s4 =	sand.u32 @!p0 $0x7, s4;
	s5 =	sadd.s32 @!p0 s1, s5  }
0x127: {  	[hbm4b:s5+s4] =	stream.linear.scatter @!p0 [tilespmem:s0], [sflag:$0x5], $0x1, $0x38;
	[tilespmem:$0xF30] =	vst v63  }
0x128: {  	s5 =	simm.s32 $0x0  }
0x129: {  	s4 =	simm.s32 $0xC1;
	s5 =	simm.s32 @!p0 $0x4  }
.LBB2_22:
0x12a: {  	v0 =	vld.msk [tilespmem:s4+$0x0], $0x1;
	s2 =	sadd.s32 $0xFFFFFFFF, s2;
	s3 =	sadd.s32 s3, s5  }
0x12b: {  	p0 =	sne.s32 s2, $0x0;
	_ =	sdelay $0x3  }
0x12c: {  	(v2sf) =	vpush v0, $0x0;
	_ =	sdelay $0xe  }
.Ltmp17:
0x12d: {  	s6 =	spop (v2sf);
	(pc) =	sbr.rel @p0 .LBB2_22-.Ltmp17, $4  }
0x12e: {  	s5 =	simm.s32 $0x0;
	p1 =	sgt.u32 s6, $0x7F  }
0x12f: {  	s0 =	sadd.s32 $0x1, s0;
	s5 =	simm.s32 @!p1 $0x4;
	s7 =	sshrl.u32 @!p1 s6, $0x3  }
0x130: {  	s4 =	sadd.s32 $0x1, s4;
	s6 =	sand.u32 @!p1 $0x7, s6;
	s7 =	sadd.s32 @!p1 s1, s7  }
0x131: {  	[hbm4b:s7+s6] =	stream.linear.scatter @!p1 [tilespmem:s0], [sflag:$0x5], $0x1, $0x38;
	[tilespmem:$0xF30] =	vst v63  }
.LBB2_23:
0x132: {  	s0 =	sadd.s32 s3, s5  }
0x133: {  	s3 =	sshrl.u32 s0, $0x2  }
.LBB2_24:
0x134: {  	s0 =	simm.s32 $0x5  }
0x135: {  	_ =	swait.ge [sflag:s0], s3  }
0x136: {  	s1 =	ssub.s32 $0x0, s3;
	[sflag:s0] =	ssyncset.done $0x0  }
0x137: {  	[sflag:s0] =	ssyncadd.s32 s1  }
0x138: {  	[sflag:s0] =	ssyncpa.u1 $0x1  }
0x139: {  	s29 =	simm.s32 $0x1;
	_ =	sfence  }
0x13a: {  	s30 =	simm.s32 $0x2;
	[sflag:s29] =	ssyncpa.u1 $0x1  }
0x13b: {  	[sflag:s30] =	ssyncpa.u1 $0x1  }
0x13c: {  	_ =	strace $0x9000004D  }
0x13d: {  	[bflag:$0x2] =	sbarrier.arrive $0xFFFF  }
0x13e: {  	s31 =	rddreg [dreg:$0x2]  }
0x13f: {  	s0 =	sadd.s32 $0x100000, s31  }
0x140: {  	[sflag:s0] =	ssyncadd.tile.s32 $0x1;
	_ =	shalt  }
.Lfunc_end2:
_tile_overlayer_lowered:
.L_overlay_start_2:
0x141: {  	(tag) =	ssettag $0x2  }
0x142: {  	s0 =	rddreg [dreg:$0x0];
	s2 =	stileid.u32  }
0x143: {  	s1 =	rddreg [dreg:$0x1];
	p0 =	sne.s32 s2, $0x0  }
0x144: {  	s3 =	rddreg [dreg:$0x2];
	[bflag:$0x3] =	sbarrier.arrive $0xFFFF;
	s2 =	simm.s32 @!p0 $0x1C01  }
0x145: {  	[timem:s3], [sflag:s2] =	dma.local @!p0 [hbm:s0], s1  }
0x146: {  	s0 =	simm.s32 @!p0 $0x1  }
0x147: {  	_ =	swait.ge @!p0 [sflag:s0], s1  }
0x148: {  	s1 =	ssub.s32 @!p0 $0x0, s1;
	[sflag:s0] =	ssyncset.done @!p0 $0x0  }
0x149: {  	[sflag:s0] =	ssyncadd.s32 @!p0 s1  }
0x14a: {  	[bflag:$0x3] =	sbarrier.arrive $0xFFFF  }
0x14b: {  	_ =	shalt  }

// kernel: scatter_offload_async_start
scs
__scs_entry_jumppad:
0x0: {  	(pc) =	sbr.rel $0x88, $3  }
0x1: {  	(tag) =	ssettag $0x0;
	lr =	simm.s32 $0x1  }
0x2: {  	[smem:$0x3F94] =	sst lr;
	_ =	strace $0xD0000000  }
0x3: {  	_ = 	snop  }
0x4: {  	_ = 	snop  }
0x5: {  	_ = 	snop  }
0x6: {  	_ = 	snop  }
0x7: {  	_ = 	snop  }
__scs_overlays_trampoline_lowered:
0x8: {  	[smem:$0x3FA3] =	sst s0  }
0x9: {  	[smem:$0x3FA4] =	sst s1  }
0xa: {  	[smem:$0x3FA5] =	sst s2  }
0xb: {  	[smem:$0x3FA6] =	sst s3  }
0xc: {  	[smem:$0x3FA7] =	sst s4  }
0xd: {  	[smem:$0x3FA8] =	sst s5  }
0xe: {  	[smem:$0x3FA9] =	sst s6  }
0xf: {  	[smem:$0x3FAA] =	sst s7  }
0x10: {  	[smem:$0x3FAB] =	sst s8  }
0x11: {  	[smem:$0x3FAC] =	sst s9;
	s0 =	simm.s32 @!p0 $0x0  }
0x12: {  	s1 =	sld [smem:$0x3F92];
	s0 =	simm.s32 @p0 $0x1  }
0x13: {  	[smem:$0x3FAD] =	sst s0;
	s0 =	simm.s32 @!p1 $0x0  }
0x14: {  	s2 =	sld [smem:$0x3F91];
	s0 =	simm.s32 @p1 $0x1  }
0x15: {  	[smem:$0x3FAE] =	sst s0;
	s0 =	simm.s32 @!p2 $0x0  }
0x16: {  	s3 =	sld [smem:$0x3FDB];
	s0 =	simm.s32 @p2 $0x1  }
0x17: {  	s4 =	simm.s32 $0x1BF5;
	[smem:$0x3FB0] =	sst s0  }
0x18: {  	s0 =	sld [smem:$0x3F93];
	_ =	swait.ge [sflag:s4], $0x0  }
0x19: {  	s7 =	sld [smem:$0x3F94]  }
0x1a: {  	s8 =	sadd.s32 $0xFFFFE003, lr  }
0x1b: {  	s9 =	sadd.s32 $0xFFFFFEF7, lr;
	s5 =	simm.s32 $0xFFFFFFFF;
	p2 =	slt.u32 s8, $0xFFFFF086  }
0x1c: {  	p1 =	slt.u32 s9, $0xF7A;
	s5 =	simm.s32 @!p2 $0x0  }
0x1d: {  	s5 =	simm.s32 @p1 $0x1;
	p0 =	seq.s32 s7, s2  }
0x1e: {  	s7 =	smul.u32 @!p0 $0xF7A, s2;
	p2 =	seq.s32 @!p0 s5, $0x0  }
0x1f: {  	s9 =	smul.u32 $0xF7A, s1;
	s8 =	simm.s32 @!p0 $0x1BF5;
	p2 =	por !p2, p0  }
0x20: {  	[sflag:s8] =	ssyncset.s32 @!p0 $0xFFFFF086;
	s6 =	sadd.s32 @!p0 s3, s7;
	s7 =	simm.s32 @!p0 $0x108  }
0x21: {  	s3 =	sadd.s32 s3, s9;
	s6 =	sadd.s32 @!p0 $0x88, s6;
	s7 =	simm.s32 @p2 $0x1082  }
0x22: {  	[simem:s7], [sflag:s8] =	dma.local @!p0 [hbm:s6], $0xF7A  }
0x23: {  	s9 =	sor.u32 $0xD0000000, s2;
	s6 =	simm.s32 $0x108;
	_ =	swait.ge @!p0 [sflag:s8], $0x0  }
0x24: {  	s3 =	sadd.s32 $0x88, s3;
	s6 =	simm.s32 @!p1 $0x1082;
	[sflag:s4] =	ssyncset.s32 $0xFFFFF086  }
0x25: {  	[simem:s6], [sflag:s4] =	dma.local [hbm:s3], $0xF7A  }
0x26: {  	[smem:$0x3F94] =	sst s1;
	(tag) =	ssettag s2;
	_ =	strace s9  }
0x27: {  	s1 =	sld [smem:$0x3FA4]  }
0x28: {  	s2 =	sld [smem:$0x3FA5]  }
0x29: {  	s4 =	sld [smem:$0x3FA7]  }
0x2a: {  	p0 =	seq.s32 s5, $0x0;
	s5 =	sld [smem:$0x3FA8]  }
0x2b: {  	s6 =	sld [smem:$0x3FA9]  }
0x2c: {  	s7 =	sld [smem:$0x3FAA]  }
0x2d: {  	s3 =	simm.s32 $0x108;
	s8 =	sld [smem:$0x3FAB]  }
0x2e: {  	s3 =	simm.s32 @!p0 $0x1082;
	s9 =	sld [smem:$0x3FAC]  }
0x2f: {  	lr =	sadd.s32 s0, s3;
	s0 =	sld [smem:$0x3FA3]  }
0x30: {  	s3 =	sld [smem:$0x3FA6]  }
0x31: {  	[smem:$0x3FAF] =	sst s10  }
0x32: {  	s10 =	sld [smem:$0x3FAD];
	_ =	sdelay $0x3  }
0x33: {  	p0 =	seq.s32 s10, $0x1;
	s10 =	sld [smem:$0x3FAF];
	_ =	sdelay $0x3  }
0x34: {  	[smem:$0x3FAF] =	sst s10  }
0x35: {  	s10 =	sld [smem:$0x3FAE];
	_ =	sdelay $0x3  }
0x36: {  	p1 =	seq.s32 s10, $0x1;
	s10 =	sld [smem:$0x3FAF];
	_ =	sdelay $0x3  }
0x37: {  	[smem:$0x3FAF] =	sst s10  }
0x38: {  	s10 =	sld [smem:$0x3FB0]  }
0x39: {  	_ = 	snop;
	(pc) =	sbr.ind lr, $3  }
0x3a: {  	_ = 	snop  }
0x3b: {  	_ = 	snop  }
0x3c: {  	p2 =	seq.s32 s10, $0x1;
	s10 =	sld [smem:$0x3FAF]  }
0x3d: {  	_ =	shalt  }
0x3e: {  	_ =	shalt  }
0x3f: {  	_ =	shalt  }
0x40: {  	_ =	shalt  }
0x41: {  	_ =	shalt  }
0x42: {  	_ =	shalt  }
0x43: {  	_ =	shalt  }
0x44: {  	_ =	shalt  }
0x45: {  	_ =	shalt  }
0x46: {  	_ =	shalt  }
0x47: {  	_ =	shalt  }
0x48: {  	_ =	shalt  }
0x49: {  	_ =	shalt  }
0x4a: {  	_ =	shalt  }
0x4b: {  	_ =	shalt  }
0x4c: {  	_ =	shalt  }
0x4d: {  	_ =	shalt  }
0x4e: {  	_ =	shalt  }
0x4f: {  	_ =	shalt  }
0x50: {  	_ =	shalt  }
0x51: {  	_ =	shalt  }
0x52: {  	_ =	shalt  }
0x53: {  	_ =	shalt  }
0x54: {  	_ =	shalt  }
0x55: {  	_ =	shalt  }
0x56: {  	_ =	shalt  }
0x57: {  	_ =	shalt  }
0x58: {  	_ =	shalt  }
0x59: {  	_ =	shalt  }
0x5a: {  	_ =	shalt  }
0x5b: {  	_ =	shalt  }
0x5c: {  	_ =	shalt  }
0x5d: {  	_ =	shalt  }
0x5e: {  	_ =	shalt  }
0x5f: {  	_ =	shalt  }
0x60: {  	_ =	shalt  }
0x61: {  	_ =	shalt  }
0x62: {  	_ =	shalt  }
0x63: {  	_ =	shalt  }
0x64: {  	_ =	shalt  }
0x65: {  	_ =	shalt  }
0x66: {  	_ =	shalt  }
0x67: {  	_ =	shalt  }
0x68: {  	_ =	shalt  }
0x69: {  	_ =	shalt  }
0x6a: {  	_ =	shalt  }
0x6b: {  	_ =	shalt  }
0x6c: {  	_ =	shalt  }
0x6d: {  	_ =	shalt  }
0x6e: {  	_ =	shalt  }
0x6f: {  	_ =	shalt  }
0x70: {  	_ =	shalt  }
0x71: {  	_ =	shalt  }
0x72: {  	_ =	shalt  }
0x73: {  	_ =	shalt  }
0x74: {  	_ =	shalt  }
0x75: {  	_ =	shalt  }
0x76: {  	_ =	shalt  }
0x77: {  	_ =	shalt  }
0x78: {  	_ =	shalt  }
0x79: {  	_ =	shalt  }
0x7a: {  	_ =	shalt  }
0x7b: {  	_ =	shalt  }
0x7c: {  	_ =	shalt  }
0x7d: {  	_ =	shalt  }
0x7e: {  	_ =	shalt  }
0x7f: {  	_ =	shalt  }
0x80: {  	_ =	shalt  }
0x81: {  	_ =	shalt  }
0x82: {  	_ =	shalt  }
0x83: {  	_ =	shalt  }
0x84: {  	_ =	shalt  }
0x85: {  	_ =	shalt  }
0x86: {  	_ =	shalt  }
0x87: {  	_ =	shalt  }
.Lfunc_end0:
.L_simem_size_0:
called_computation_lowered:
.L_overlay_start_0:
0x88: {  	s0 =	sld [smem:$0x3FD9]  }
0x89: {  	s1 =	sld [smem:$0x3FFE];
	_ =	sdelay $0x3  }
0x8a: {  	s0 =	sadd.s32 s1, s0  }
0x8b: {  	[smem:$0x3FBB] =	sst s0  }
0x8c: {  	_ = 	snop  }
0x8d: {  	(tm) =	ssettm $0x1  }
0x8e: {  	s15 =	sld [smem:$0x3FFB];
	_ =	sdelay $0x3  }
0x8f: {  	_ =	strace s15  }
0x90: {  	s0 =	sld [smem:$0x3FFC];
	_ =	sdelay $0x3  }
0x91: {  	_ =	strace s0  }
0x92: {  	s0 =	sld [smem:$0x3FFD];
	_ =	sdelay $0x3  }
0x93: {  	_ =	strace s0  }
0x94: {  	_ =	strace $0x8FFFFFFF  }
0x95: {  	s16 =	sld [smem:$0x3FDB];
	_ =	sdelay $0x1  }
0x96: {  	s17 =	simm.s32 $_scs_section_size  }
0x97: {  	s2 =	simm.s32 $_size__tile_overlayer_lowered;
	s3 =	simm.s32 $_tile_overlayer_lowered  }
0x98: {  	s20 =	simm.s32 $0x1BFF;
	s19 =	sshll.u32 s3, $0x1;
	s0 =	sadd.s32 s17, s16  }
0x99: {  	s4 =	simm.s32 $0x0;
	s18 =	sshll.u32 s2, $0x1;
	s2 =	sadd.s32 s19, s0  }
0x9a: {  	[timem:s4], [sflag:s20] =	dma.local [hbm:s2], s18  }
0x9b: {  	_ =	swait.ge [sflag:s20], s18  }
0x9c: {  	s1 =	ssub.s32 $0x0, s18;
	[sflag:s20] =	ssyncset.done $0x0  }
0x9d: {  	[sflag:s20] =	ssyncadd.s32 s1;
	_ =	sdelay $0x1  }
0x9e: {  	s21 =	simm.s32 $0x1B8B  }
0x9f: {  	_ =	swait.ge [sflag:s21], $0x1  }
0xa0: {  	[sflag:s21] =	ssyncset.done $0x0  }
0xa1: {  	s23 =	simm.s32 $0x1B8E;
	s22 =	sld [smem:$0x3FFE];
	[sflag:s21] =	ssyncadd.s32 $0xFFFFFFFF  }
0xa2: {  	s24 =	simm.s32 $execute0_lowered;
	[smem:$0x3FD2] =	sst s23  }
0xa3: {  	s2 =	sshll.u32 s24, $0x1;
	_ =	strace $0x8000004F;
	[dreg:$0x1] =	wrdreg $0xFFFFFFFF  }
0xa4: {  	s25 =	simm.s32 $_size_execute0_lowered;
	s0 =	sadd.s32 s0, s2;
	[dreg:$0x0] =	wrdreg $0x0  }
0xa5: {  	s2 =	sshll.u32 s25, $0x1;
	[dreg:$0x2] =	wrdreg s0  }
0xa6: {  	[dreg:$0x3] =	wrdreg s2  }
0xa7: {  	[dreg:$0x4] =	wrdreg $0xC0  }
0xa8: {  	_ =	task [dreg:s4], $0x5FFFF  }
0xa9: {  	[dreg:$0x1] =	wrdreg $0xFFFFFFFF  }
0xaa: {  	[dreg:$0x0] =	wrdreg $0x60  }
0xab: {  	[dreg:$0x2] =	wrdreg s22  }
0xac: {  	[dreg:$0x3] =	wrdreg $0x9  }
0xad: {  	_ =	task.clear_ibuf [dreg:s4], $0x4FFFF;
	_ =	strace $0x9000004F  }
0xae: {  	s26 =	simm.s32 $0x9;
	_ =	strace $0x80000051  }
0xaf: {  	_ =	swait.ge [sflag:s26], $0x1  }
0xb0: {  	[sflag:s26] =	ssyncadd.s32 $0xFFFFFFFF  }
0xb1: {  	_ =	strace $0x90000051  }
0xb2: {  	_ =	sfence  }
0xb3: {  	s28 =	sld [smem:$0x0];
	_ =	sdelay $0x1  }
0xb4: {  	s29 =	srdreg.scid  }
0xb5: {  	s30 =	sshll.u32 s29, $0xD;
	s31 =	sshrl.u32 s29, $0x2  }
0xb6: {  	s1 =	sand.u32 $0x1, s29;
	s2 =	sand.u32 $0x4000, s30;
	s0 =	sadd.s32 s31, s28  }
0xb7: {  	s1 =	sor.u32 s2, s1;
	s0 =	sshll.u32 s0, $0x11  }
0xb8: {  	s0 =	sor.u32 s0, s1  }
0xb9: {  	s0 =	sadd.s32 $0x8F2B, s0  }
0xba: {  	[sflag:s0] =	ssyncadd.remote.s32 $0x1  }
0xbb: {  	_ =	sfence.sel $0xFFFF  }
0xbc: {  	[dreg:$0x0] =	wrdreg $0xFFFFFFFF;
	(pc) =	sbr.abs _section_cstart, $3  }
0xbd: {  	[dreg:$0x1] =	wrdreg $0xFFFFFFFF  }
0xbe: {  	_ =	task.clear_ibuf [dreg:s4], $0x2FFFF;
	_ =	strace $0x9FFFFFFF  }
0xbf: {  	(tm) =	ssettm $0x7FFFFFFF  }
tec
execute0_lowered:
.L_overlay_start_1:
0x0: {  	(tag) =	ssettag $0x1  }
0x1: {  	s0 =	rddreg [dreg:$0x0];
	_ =	strace $0x80000050;
	s1 =	simm.s32 $0x1  }
0x2: {  	s8 =	simm.s32 $0x88;
	v0 =	vimm.s32 $0x0;
	[sflag:s1] =	ssyncpa.u1 $0x0  }
0x3: {  	[tilespmem:s8+$0x30] =	vst v0  }
0x4: {  	s1 =	sadd.s32 $0x28400, s0;
	s3 =	sadd.s32 $0x76600, s0;
	[tilespmem:s8+$0x20] =	vst v0  }
0x5: {  	s4 =	sadd.s32 $0x1200, s0;
	s5 =	sadd.s32 $0x76C00, s0;
	s0 =	simm.s32 $0x40;
	[tilespmem:s8+$0x10] =	vst v0  }
.LBB2_1:
0x6: {  	s0 =	sadd.s32 $0x40, s0  }
0x7: {  	[tilespmem:s8+$0x0] =	vst v0;
	s8 =	sadd.s32 $0x40, s8;
	p0 =	slt.u32 s0, $0x5040  }
.Ltmp0:
0x8: {  	(pc) =	sbr.rel @p0 .LBB2_1-.Ltmp0, $4  }
0x9: {  	_ = 	snop  }
0xa: {  	[tilespmem:s8+$0x30] =	vst v0  }
0xb: {  	[tilespmem:s8+$0x20] =	vst v0  }
0xc: {  	[tilespmem:s8+$0x10] =	vst v0  }
0xd: {  	s9 =	stileid.u32  }
0xe: {  	s6 =	smul.u32 $0x280, s9;
	_ =	sdelay $0x1  }
0xf: {  	s0 =	smin.u32 s6, $0x2490  }
0x10: {  	s7 =	sadd.s32 $0x280, s0  }
0x11: {  	s0 =	ssub.s32 s7, s6  }
0x12: {  	p0 =	sgt.s32 s0, $0x0  }
0x13: {  	s0 =	simm.s32 @!p0 $0x0  }
0x14: {  	s29 =	simm.s32 $0x2;
	s10 =	simm.s32 $0x7;
	s2 =	smul.u32 $0xCCCD, s0  }
0x15: {  	s31 =	simm.s32 $0x8;
	s11 =	simm.s32 $0x1;
	s15 =	simm.s32 $0x0  }
0x16: {  	p1 =	por $0x0, $0x0;
	s16 =	simm.s32 $0xA;
	s2 =	sshrl.u32 s2, $0x18  }
0x17: {  	s20 =	simm.s32 $0x0;
	s17 =	simm.s32 $0x0;
	s30 =	smul.u32 $0x140, s2  }
.Ltmp1:
0x18: {  	[tilespmem:s8+$0x0] =	vst v0;
	s19 =	simm.s32 $0x0;
	[sflag:s29] =	ssyncpa.u1 $0x0;
	(pc) =	sbr.rel .LBB2_3-.Ltmp1, $4  }
0x19: {  	v0 =	vimm.s32 $0xFFFFFFFF;
	s13 =	sshll.u32 s9, $0x7;
	p0 =	sne.s32 s0, s30;
	s0 =	simm.s32 $0x1  }
0x1a: {  	[tilespmem:$0xA108] =	vst v0;
	[sflag:s10] =	ssyncpa.u1 $0x0;
	s10 =	simm.s32 $0x9;
	s0 =	simm.s32 @!p0 $0x0  }
0x1b: {  	[sflag:s31] =	ssyncpa.u1 $0x0;
	s18 =	smov.u32 s6;
	s12 =	sadd.s32 s2, s0  }
0x1c: {  	v0 =	vlaneseq.u32;
	[sflag:s10] =	ssyncpa.u1 $0x0;
	p0 =	por $0x1, $0x1;
	s14 =	sadd.s32 $0x1, s12  }
.LBB2_24:
0x1d: {  	s0 =	sshrl.u32 s29, $0x2  }
.LBB2_26:
0x1e: {  	_ =	swait.ge [sflag:s16], s0  }
0x1f: {  	s31 =	ssub.s32 $0x0, s0;
	v1 =	vmov s22;
	vm0 =	veq.s32 v0, $0x0;
	[sflag:s16] =	ssyncset.done $0x0  }
0x20: {  	vm15 =	veq.s32 v0, $0x2;
	v1 =	vsel vm0, s28, v1;
	[sflag:s16] =	ssyncadd.s32 s31  }
0x21: {  	v1 =	vsel vm15, s20, v1;
	[sflag:s16] =	ssyncpa.u1 $0x1  }
0x22: {  	[tilespmem:$0xA108] =	vst v1  }
.LBB2_27:
0x23: {  	s0 =	sadd.s32 $0x140, s18  }
0x24: {  	s2 =	smov.u32 s6;
	p2 =	slt.s32 s0, s7  }
0x25: {  	s2 =	smov.u32 @p2 s0;
	p2 =	sne.s32 s19, s14  }
.Ltmp2:
0x26: {  	_ = 	snop;
	(pc) =	sbr.rel @!p2 .LBB2_28-.Ltmp2, $4  }
0x27: {  	_ = 	snop  }
0x28: {  	s20 =	smov.u32 s17  }
0x29: {  	s31 =	sadd.s32 $0x1, s19;
	s17 =	smov.u32 s18;
	p0 =	por !p0, !p0  }
0x2a: {  	p1 =	por !p1, !p1;
	s19 =	smov.u32 s31;
	s18 =	smov.u32 s2  }
.LBB2_3:
0x2b: {  	p2 =	sge.u32 s19, s12  }
0x2c: {  	s0 =	smulhi.u32 @!p2 $0xAAAAAAAB, s19  }
0x2d: {  	s2 =	smov.u32 s18;
	p3 =	sgt.s32 @!p2 s18, $0x25D0  }
0x2e: {  	s8 =	sshra.s32 @!p2 s18, $0x1F;
	p3 =	por !p3, p2;
	s0 =	sshrl.u32 @!p2 s0, $0x1  }
0x2f: {  	s8 =	sand.u32 @!p2 s8, s18;
	s2 =	simm.s32 @p3 $0x25D0;
	s0 =	smul.u32 @!p2 $0x3, s0  }
0x30: {  	s2 =	ssub.s32 @!p2 s2, s8  }
0x31: {  	s22 =	sadd.s32 $0xFFFFFFFF, s19;
	s2 =	sadd.s32 @!p2 $0xFFFFDA30, s2;
	s0 =	ssub.s32 @!p2 s19, s0  }
0x32: {  	s8 =	sshll.u32 @!p2 s2, $0x2;
	p3 =	sgt.s32 @!p2 s2, $0x13F;
	s0 =	smul.u32 @!p2 $0x500, s0  }
0x33: {  	s21 =	sand.u32 @!p2 $0x7, s18;
	s2 =	ssub.s32 @!p2 $0x500, s8;
	p3 =	por !p3, p2  }
0x34: {  	s8 =	sshrl.u32 @!p2 s18, $0x3;
	s2 =	sshrl.u32 @!p2 s2, $0x2;
	s0 =	sshrl.u32 @!p2 s0, $0x2  }
0x35: {  	s8 =	sadd.s32 @!p2 s5, s8;
	s2 =	simm.s32 @!p3 $0x0;
	s0 =	sadd.s32 @!p2 $0xA938, s0  }
0x36: {  	[tilespmem:s0], [sflag:$0x8] =	stream.linear.gather @!p2 [hbm4b:s8+s21], s2, $0x38;
	[tilespmem:$0x1EF78] =	vst v63  }
0x37: {  	p2 =	sge.u32 s22, s12  }
0x38: {  	p3 =	sgt.s32 @!p2 s17, $0x25D0  }
0x39: {  	s0 =	smov.u32 s17;
	s2 =	sshra.s32 @!p2 s17, $0x1F;
	p3 =	por !p3, p2  }
0x3a: {  	s2 =	sand.u32 @!p2 s2, s17;
	s0 =	simm.s32 @p3 $0x25D0  }
0x3b: {  	s0 =	ssub.s32 @!p2 s0, s2  }
0x3c: {  	s0 =	sadd.s32 @!p2 $0xFFFFDA30, s0  }
0x3d: {  	s2 =	sshll.u32 @!p2 s0, $0x2  }
0x3e: {  	p3 =	sgt.s32 @!p2 s0, $0x13F;
	s0 =	ssub.s32 @!p2 $0x500, s2  }
0x3f: {  	p3 =	por !p3, p2;
	s0 =	sshrl.u32 @!p2 s0, $0x2  }
0x40: {  	s8 =	simm.s32 @!p2 $0x8;
	s2 =	sand.u32 @!p2 $0x1, s22;
	s0 =	simm.s32 @!p3 $0x0  }
0x41: {  	s2 =	smul.u32 @!p2 $0x500, s2;
	_ =	swait.ge @!p2 [sflag:s8], s0  }
0x42: {  	s21 =	ssub.s32 @!p2 $0x0, s0;
	[sflag:s8] =	ssyncset.done @!p2 $0x0  }
0x43: {  	s2 =	sshrl.u32 @!p2 s2, $0x2;
	[sflag:s8] =	ssyncadd.s32 @!p2 s21;
	s8 =	sshrl.u32 @!p2 s17, $0x3  }
0x44: {  	s2 =	sadd.s32 @!p2 $0xACF8, s2;
	s21 =	sand.u32 @!p2 $0x7, s17;
	s8 =	sadd.s32 @!p2 s3, s8  }
0x45: {  	[tilespmem:s2], [sflag:$0x9] =	stream.linear.gather @!p2 [hbm4b:s8+s21], s0, $0x38;
	[tilespmem:$0x1EF78] =	vst v63  }
0x46: {  	s21 =	ssub.s32 @!p2 $0x2710, s17  }
0x47: {  	p3 =	slt.s32 @!p2 s21, $0x1  }
0x48: {  	p3 =	por p2, p3  }
.Ltmp3:
0x49: {  	_ = 	snop;
	(pc) =	sbr.rel @p3 .LBB2_9-.Ltmp3, $1  }
0x4a: {  	_ =	sdelay $0x3  }
0x4b: {  	s0 =	smulhi.u32 $0xAAAAAAAB, s22;
	_ =	sdelay $0x1  }
0x4c: {  	s0 =	sshrl.u32 s0, $0x1  }
0x4d: {  	s0 =	smul.u32 $0x3, s0;
	_ =	sdelay $0x1  }
0x4e: {  	s0 =	ssub.s32 s22, s0  }
0x4f: {  	s2 =	simm.s32 $0x1;
	s0 =	smul.u32 $0x500, s0  }
.Ltmp4:
0x50: {  	s2 =	simm.s32 @!p0 $0x0;
	(pc) =	sbr.rel .LBB2_6-.Ltmp4, $4  }
0x51: {  	s2 =	smul.u32 $0x28000, s2  }
0x52: {  	p3 =	slt.s32 @!p2 s21, $0x140;
	s0 =	sshrl.u32 s0, $0x2  }
0x53: {  	p2 =	por !p3, p2;
	s2 =	sshrl.u32 s2, $0x2;
	s0 =	sadd.s32 $0xA938, s0  }
0x54: {  	s23 =	simm.s32 $0x0;
	s21 =	simm.s32 @p2 $0x140;
	s22 =	sadd.s32 $0xAF78, s2;
	v1 =	vmov s0  }
.LBB2_5:
0x55: {  	p2 =	sge.s32 s23, s21  }
.Ltmp5:
0x56: {  	_ = 	snop;
	(pc) =	sbr.rel @p2 .LBB2_9-.Ltmp5, $2  }
0x57: {  	_ =	sdelay $0x2  }
0x58: {  	s22 =	sadd.s32 $0x800, s22  }
.LBB2_6:
0x59: {  	p2 =	sle.s32 s21, s23  }
.Ltmp6:
0x5a: {  	_ = 	snop;
	(pc) =	sbr.rel @p2 .LBB2_5-.Ltmp6, $2  }
0x5b: {  	_ =	sdelay $0x2  }
0x5c: {  	s24 =	smov.u32 s23;
	s23 =	sadd.s32 $0x10, s23  }
0x5d: {  	s0 =	ssub.s32 s21, s24  }
0x5e: {  	p2 =	slt.s32 s0, $0x10  }
0x5f: {  	s0 =	simm.s32 @!p2 $0x10  }
0x60: {  	v2 =	vmov s0  }
0x61: {  	vm0 =	vgt.s32 v2, v0;
	_ =	sdelay $0x5  }
0x62: {  	v2 =	vld.idx.msk [tilespmem:v1+s24+$0x0 ss:$0x1], vm0;
	_ =	sdelay $0x2  }
0x63: {  	p2 =	slt.s32 s23, s21;
	s0 =	smov.u32 s21  }
0x64: {  	s2 =	smov.u32 s22;
	s25 =	simm.s32 $0x0;
	s0 =	smov.u32 @p2 s23  }
.LBB2_8:
0x65: {  	(v2sf) =	vpush v2, s25;
	_ =	sdelay $0xc  }
0x66: {  	s25 =	sadd.s32 $0x1, s25  }
0x67: {  	s31 =	sadd.s32 s25, s24  }
0x68: {  	p2 =	slt.s32 s31, s0;
	s8 =	spop (v2sf)  }
.Ltmp7:
0x69: {  	s8 =	sshll.u32 s8, $0x4;
	(pc) =	sbr.rel @p2 .LBB2_8-.Ltmp7, $4  }
0x6a: {  	s8 =	sand.u32 $0x1FFFFFF0, s8  }
0x6b: {  	s8 =	sadd.s32 s4, s8  }
0x6c: {  	[tilespmem:s2], [sflag:$0x7] =	stream.linear.gather [hbm4b:s8+s15], $0x40, $0x38;
	[tilespmem:$0x1EF78] =	vst v63  }
0x6d: {  	s2 =	sadd.s32 $0x80, s2  }
.Ltmp8:
0x6e: {  	_ = 	snop;
	(pc) =	sbr.rel .LBB2_5-.Ltmp8, $1  }
0x6f: {  	_ =	sdelay $0x3  }
.LBB2_9:
0x70: {  	p2 =	slt.u32 s19, $0x2  }
.Ltmp9:
0x71: {  	_ = 	snop;
	(pc) =	sbr.rel @p2 .LBB2_27-.Ltmp9, $1  }
0x72: {  	_ =	sdelay $0x3  }
0x73: {  	p2 =	sgt.s32 s20, $0x25D0;
	s0 =	smov.u32 s20  }
0x74: {  	s2 =	sshra.s32 s20, $0x1F;
	s8 =	ssub.s32 $0x2710, s20;
	s0 =	simm.s32 @!p2 $0x25D0  }
0x75: {  	s2 =	sand.u32 s2, s20;
	p2 =	slt.s32 s8, $0x140;
	s21 =	smov.u32 s8  }
0x76: {  	s0 =	ssub.s32 s0, s2;
	s21 =	simm.s32 @!p2 $0x140  }
0x77: {  	s0 =	sadd.s32 $0xFFFFDA30, s0;
	s26 =	sshll.u32 s21, $0x6  }
0x78: {  	s9 =	simm.s32 $0x7;
	s29 =	sshll.u32 s0, $0x2;
	s2 =	sand.u32 $0x3FFFFFC0, s26  }
0x79: {  	p2 =	sgt.s32 s0, $0x13F;
	s30 =	ssub.s32 $0x500, s29;
	_ =	swait.ge [sflag:s9], s2  }
0x7a: {  	s2 =	ssub.s32 $0x0, s2;
	[sflag:s9] =	ssyncset.done $0x0;
	s0 =	sshrl.u32 s30, $0x2  }
0x7b: {  	[sflag:s9] =	ssyncadd.s32 s2;
	s0 =	simm.s32 @p2 $0x0  }
0x7c: {  	_ =	swait.ge [sflag:s10], s0  }
0x7d: {  	s0 =	ssub.s32 $0x0, s0;
	[sflag:s10] =	ssyncset.done $0x0  }
0x7e: {  	[sflag:s10] =	ssyncadd.s32 s0  }
0x7f: {  	v1 =	vld [tilespmem:$0xA108];
	_ =	sdelay $0x4  }
0x80: {  	(v2sf) =	vpush v1, $0x0  }
0x81: {  	(v2sf) =	vpush v1, $0x1  }
0x82: {  	(v2sf) =	vpush v1, $0x2;
	_ =	sdelay $0x3  }
0x83: {  	s0 =	sadd.s32 $0x140, s20  }
0x84: {  	p2 =	slt.s32 s7, s0  }
0x85: {  	s0 =	smov.u32 @p2 s7;
	p2 =	sgt.s32 s8, $0x0  }
0x86: {  	s24 =	ssub.s32 s0, s20;
	s8 =	simm.s32 @!p2 $0x0  }
0x87: {  	p2 =	slt.s32 s8, s24  }
0x88: {  	s24 =	smov.u32 @p2 s8  }
0x89: {  	s23 =	simm.s32 $0x1;
	p2 =	slt.s32 s24, $0x1  }
.Ltmp10:
0x8a: {  	s23 =	simm.s32 @!p1 $0x0;
	(pc) =	sbr.rel @p2 .LBB2_14-.Ltmp10, $4  }
0x8b: {  	s31 =	smul.u32 $0x500, s23  }
0x8c: {  	s25 =	spop (v2sf)  }
0x8d: {  	s0 =	sshrl.u32 s31, $0x2;
	s28 =	spop (v2sf)  }
0x8e: {  	s21 =	sadd.s32 $0xACF8, s0;
	s20 =	spop (v2sf)  }
0x8f: {  	s0 =	smin.u32 s24, $0x10  }
0x90: {  	v1 =	vmov s0  }
0x91: {  	p3 =	sgt.s32 s24, $0x10;
	vm1 =	vgt.u32 v1, v0  }
.Ltmp11:
0x92: {  	_ = 	snop;
	(pc) =	sbr.rel @!p3 .LBB2_13-.Ltmp11, $2  }
0x93: {  	_ =	sdelay $0x2  }
0x94: {  	s26 =	simm.s32 $0x10;
	s29 =	sadd.s32 $0xFFFFFFF0, s24;
	s22 =	smov.u32 s21;
	vm0 =	vmmov vm1  }
.LBB2_12:
0x95: {  	s0 =	smin.u32 s29, $0x10;
	s26 =	sadd.s32 $0x10, s26;
	v1 =	vld.msk [tilespmem:s22+$0x0 ss:$0x1], vm1  }
0x96: {  	v2 =	vmov s0;
	p3 =	slt.s32 s26, s24  }
0x97: {  	vm1 =	vgt.u32 v2, v0  }
.Ltmp12:
0x98: {  	(pc) =	sbr.rel @p3 .LBB2_12-.Ltmp12, $3  }
0x99: {  	_ =	sdelay $0x1  }
0x9a: {  	v1 =	vshll.u32 v1, $0x4  }
0x9b: {  	s29 =	sadd.s32 $0xFFFFFFF0, s29;
	[tilespmem:s22+$0x0] =	vst.msk vm0, v1;
	s22 =	sadd.s32 $0x10, s22;
	vm0 =	vmmov vm1  }
.LBB2_13:
0x9c: {  	_ =	sdelay $0x4  }
0x9d: {  	v1 =	vld.msk [tilespmem:s22+$0x0 ss:$0x1], vm1;
	_ =	sdelay $0x4  }
0x9e: {  	v1 =	vshll.u32 v1, $0x4  }
0x9f: {  	[tilespmem:s22+$0x0] =	vst.msk vm0, v1  }
.LBB2_14:
0xa0: {  	s0 =	sand.u32 $0x1, s19  }
0xa1: {  	s0 =	smul.u32 $0x140, s0  }
0xa2: {  	p3 =	sne.s32 s28, $0xFFFFFFFF  }
0xa3: {  	v1 =	vld.msk @!p3 [tilespmem:s0+$0xACF8], $0x1;
	_ =	sdelay $0x4  }
0xa4: {  	(v2sf) =	vpush @!p3 v1, $0x0;
	_ =	sdelay $0xc  }
.Ltmp13:
0xa5: {  	_ = 	snop;
	(pc) =	sbr.rel @p2 .LBB2_25-.Ltmp13, $4  }
0xa6: {  	_ = 	snop  }
0xa7: {  	s26 =	spop @!p3 (v2sf)  }
0xa8: {  	s20 =	simm.s32 @!p3 $0x0;
	s22 =	smov.u32 s26  }
0xa9: {  	[sflag:s16] =	ssyncpa.u1 $0x0;
	s26 =	smov.u32 @p3 s25;
	s22 =	smov.u32 @p3 s28  }
0xaa: {  	v1 =	vld.msk [tilespmem:s21+$0x0], $0x1;
	_ =	sdelay $0x4  }
0xab: {  	(v2sf) =	vpush v1, $0x0;
	_ =	sdelay $0xe  }
0xac: {  	s0 =	smul.u32 $0x28000, s23;
	s30 =	spop (v2sf)  }
0xad: {  	s24 =	ssub.s32 $0x0, s24;
	p2 =	seq.s32 s26, s30  }
0xae: {  	s28 =	sadd.s32 $0x1, s24;
	s0 =	sshrl.u32 s0, $0x2;
	p3 =	sgt.s32 @!p2 s26, $0x0  }
0xaf: {  	s23 =	sadd.s32 $0xAF98, s0;
	s0 =	smov.u32 s26;
	p3 =	por !p3, p2  }
0xb0: {  	s0 =	simm.s32 @p3 $0x0;
	p3 =	seq.s32 s28, $0x0  }
.Ltmp14:
0xb1: {  	_ = 	snop;
	(pc) =	sbr.rel @p3 .LBB2_17-.Ltmp14, $4  }
0xb2: {  	_ = 	snop  }
0xb3: {  	s25 =	simm.s32 $0x0;
	s31 =	simm.s32 @!p2 $0x1;
	s2 =	smin.u32 @!p2 s0, $0x3F8  }
0xb4: {  	s29 =	sadd.s32 $0x1, s21;
	s31 =	smov.u32 @p2 s25;
	s8 =	sand.u32 @!p2 $0x3F8, s2  }
0xb5: {  	s0 =	simm.s32 @!p2 $0x50C8;
	s2 =	sand.u32 @!p2 $0x7, s2;
	s8 =	sadd.s32 @!p2 s1, s8  }
.LBB2_16:
0xb6: {  	s9 =	smov.u32 s31  }
0xb7: {  	[tilespmem:s0], [sflag:$0x2] =	stream.linear.gather @!p2 [hbm4b:s8+s2], $0x40, $0x38;
	[tilespmem:$0x1EF78] =	vst v63  }
0xb8: {  	s28 =	sadd.s32 $0x1, s28;
	s2 =	smov.u32 s30;
	v1 =	vld.msk [tilespmem:s29+$0x0], $0x1  }
0xb9: {  	p3 =	seq.s32 s28, $0x0;
	_ =	sdelay $0x3  }
0xba: {  	(v2sf) =	vpush v1, $0x0;
	_ =	sdelay $0xe  }
0xbb: {  	s30 =	spop (v2sf)  }
0xbc: {  	p2 =	seq.s32 s2, s30  }
0xbd: {  	p4 =	sgt.s32 @!p2 s2, $0x0;
	s0 =	sshll.u32 @!p2 s31, $0x8;
	s31 =	sadd.s32 @!p2 $0x1, s31  }
.Ltmp15:
0xbe: {  	p4 =	por !p4, p2;
	s0 =	sshra.s32 @!p2 s0, $0x2;
	(pc) =	sbr.rel @!p3 .LBB2_16-.Ltmp15, $4  }
0xbf: {  	s31 =	smov.u32 @p2 s9;
	s2 =	simm.s32 @p4 $0x0;
	s0 =	sadd.s32 @!p2 $0x50C8, s0  }
0xc0: {  	s2 =	smin.u32 @!p2 s2, $0x3F8  }
0xc1: {  	s8 =	sand.u32 @!p2 $0x3F8, s2;
	s2 =	sand.u32 @!p2 $0x7, s2  }
0xc2: {  	s29 =	sadd.s32 $0x1, s29;
	s8 =	sadd.s32 @!p2 s1, s8  }
.LBB2_17:
0xc3: {  	[tilespmem:s0], [sflag:$0x2] =	stream.linear.gather @!p2 [hbm4b:s8+s2], $0x40, $0x38;
	[tilespmem:$0x1EF78] =	vst v63  }
.Ltmp16:
0xc4: {  	s30 =	sshll.u32 s31, $0x6;
	(pc) =	sbr.rel .LBB2_18-.Ltmp16, $4  }
0xc5: {  	s31 =	simm.s32 $0x2;
	s0 =	sand.u32 $0x3FFFFFC0, s30  }
0xc6: {  	_ =	swait.ge [sflag:s31], s0  }
0xc7: {  	s0 =	ssub.s32 $0x0, s0;
	[sflag:s31] =	ssyncset.done $0x0  }
0xc8: {  	s29 =	simm.s32 $0x0;
	[sflag:s31] =	ssyncadd.s32 s0  }
.LBB2_19:
0xc9: {  	v1 =	vld [tilespmem:s23+$0xFFFFFFE0];
	_ =	sdelay $0x4  }
0xca: {  	[tilespmem:s30+$0x88] =	vst.add.f32.msk $0xffff, v1  }
0xcb: {  	v1 =	vld [tilespmem:s23+$0xFFFFFFF0];
	_ =	sdelay $0x4  }
0xcc: {  	[tilespmem:s30+$0x98] =	vst.add.f32.msk $0xffff, v1  }
0xcd: {  	v1 =	vld [tilespmem:s23+$0x0];
	_ =	sdelay $0x4  }
0xce: {  	[tilespmem:s30+$0xA8] =	vst.add.f32.msk $0xffff, v1  }
0xcf: {  	v1 =	vld [tilespmem:s23+$0x10];
	_ =	sdelay $0x4  }
0xd0: {  	[tilespmem:s30+$0xB8] =	vst.add.f32.msk $0xffff, v1  }
.LBB2_23:
0xd1: {  	s24 =	sadd.s32 $0x1, s24  }
0xd2: {  	p2 =	seq.s32 s24, $0x0  }
.Ltmp17:
0xd3: {  	_ = 	snop;
	(pc) =	sbr.rel @p2 .LBB2_24-.Ltmp17, $2  }
0xd4: {  	_ =	sdelay $0x2  }
0xd5: {  	s23 =	sadd.s32 $0x80, s23;
	s21 =	sadd.s32 $0x1, s21;
	s26 =	smov.u32 s28  }
.LBB2_18:
0xd6: {  	v1 =	vld.msk [tilespmem:s21+$0x0], $0x1;
	_ =	sdelay $0x4  }
0xd7: {  	(v2sf) =	vpush v1, $0x0;
	_ =	sdelay $0xe  }
0xd8: {  	s28 =	spop (v2sf)  }
0xd9: {  	p2 =	sne.s32 s26, s28  }
.Ltmp18:
0xda: {  	_ = 	snop;
	(pc) =	sbr.rel @!p2 .LBB2_19-.Ltmp18, $3  }
0xdb: {  	_ =	sdelay $0x1  }
0xdc: {  	s0 =	sshll.u32 s20, $0x8  }
0xdd: {  	s30 =	sshra.s32 s0, $0x2  }
0xde: {  	p2 =	seq.s32 s26, s22  }
.Ltmp19:
0xdf: {  	_ = 	snop;
	(pc) =	sbr.rel @!p2 .LBB2_21-.Ltmp19, $1  }
0xe0: {  	_ =	sdelay $0x3  }
.Ltmp20:
0xe1: {  	s0 =	sadd.s32 $0x88, s30;
	(pc) =	sbr.rel .LBB2_22-.Ltmp20, $4  }
0xe2: {  	[spmem:s13] =	stream.linear.scatter [tilespmem:s0], [sflag:$0x1], $0x40, $0x38;
	[tilespmem:$0x1EF78] =	vst v63  }
0xe3: {  	_ =	swait.ge [sflag:s11], $0x40  }
0xe4: {  	[sflag:s11] =	ssyncset.done $0x0  }
0xe5: {  	[sflag:s11] =	ssyncadd.s32 $0xFFFFFFC0  }
.LBB2_21:
0xe6: {  	s0 =	sshll.u32 s25, $0x8  }
0xe7: {  	s0 =	sshra.s32 s0, $0x2  }
0xe8: {  	v1 =	vld [tilespmem:s0+$0x50C8];
	_ =	sdelay $0x4  }
0xe9: {  	[tilespmem:s30+$0x88] =	vst.add.f32.msk $0xffff, v1  }
0xea: {  	v1 =	vld [tilespmem:s0+$0x50D8];
	_ =	sdelay $0x4  }
0xeb: {  	[tilespmem:s30+$0x98] =	vst.add.f32.msk $0xffff, v1  }
0xec: {  	v1 =	vld [tilespmem:s0+$0x50E8];
	_ =	sdelay $0x4  }
0xed: {  	[tilespmem:s30+$0xA8] =	vst.add.f32.msk $0xffff, v1  }
0xee: {  	v1 =	vld [tilespmem:s0+$0x50F8];
	_ =	sdelay $0x2  }
0xef: {  	p2 =	sgt.u32 s26, $0x3F8  }
0xf0: {  	s0 =	sand.u32 @!p2 $0x3F8, s26  }
0xf1: {  	s2 =	sadd.s32 $0x88, s30;
	s8 =	sand.u32 @!p2 $0x7, s26;
	s0 =	sadd.s32 @!p2 s1, s0;
	[tilespmem:s30+$0xB8] =	vst.add.f32.msk $0xffff, v1  }
0xf2: {  	[hbm4b:s0+s8] =	stream.linear.scatter @!p2 [tilespmem:s2], [sflag:$0xA], $0x40, $0x38;
	[tilespmem:$0x1EF78] =	vst v63  }
0xf3: {  	s0 =	simm.s32 $0x0  }
0xf4: {  	s0 =	simm.s32 @!p2 $0x100  }
0xf5: {  	s29 =	sadd.s32 s0, s29  }
.LBB2_22:
0xf6: {  	s0 =	sadd.s32 $0x1, s20  }
0xf7: {  	s2 =	smulhi.u32 $0xCCCCCCCD, s0;
	_ =	sdelay $0x1  }
0xf8: {  	v1 =	vld [tilespmem:s23+$0xFFFFFFE0];
	s2 =	sshrl.u32 s2, $0x8  }
0xf9: {  	s2 =	smul.u32 $0x140, s2;
	_ =	sdelay $0x1  }
0xfa: {  	s20 =	ssub.s32 s0, s2  }
0xfb: {  	s0 =	sshll.u32 s20, $0x6  }
0xfc: {  	[tilespmem:s0+$0x88] =	vst v1  }
0xfd: {  	v1 =	vld [tilespmem:s23+$0xFFFFFFF0];
	_ =	sdelay $0x4  }
0xfe: {  	[tilespmem:s0+$0x98] =	vst v1  }
0xff: {  	v1 =	vld [tilespmem:s23+$0x0];
	_ =	sdelay $0x4  }
0x100: {  	[tilespmem:s0+$0xA8] =	vst v1  }
0x101: {  	v1 =	vld [tilespmem:s23+$0x10]  }
.Ltmp21:
0x102: {  	_ = 	snop;
	(pc) =	sbr.rel .LBB2_23-.Ltmp21, $2  }
0x103: {  	_ =	sdelay $0x2  }
0x104: {  	s25 =	sadd.s32 $0x1, s25;
	[tilespmem:s0+$0xB8] =	vst v1  }
.LBB2_25:
.Ltmp22:
0x105: {  	(pc) =	sbr.rel .LBB2_26-.Ltmp22, $4  }
0x106: {  	_ = 	snop  }
0x107: {  	s0 =	simm.s32 $0x2  }
0x108: {  	_ =	swait.ge [sflag:s0], $0x0  }
0x109: {  	s28 =	smov.u32 s26;
	[sflag:s0] =	ssyncset.done $0x0;
	s0 =	simm.s32 $0x0  }
.LBB2_28:
0x10a: {  	_ =	sfence.sel $0x180000  }
0x10b: {  	s0 =	simm.s32 $0x7;
	[bflag:$0x0] =	sbarrier.arrive $0xFFFF  }
0x10c: {  	s25 =	simm.s32 $0x8;
	[sflag:s0] =	ssyncpa.u1 $0x1  }
0x10d: {  	s26 =	simm.s32 $0x9;
	[sflag:s25] =	ssyncpa.u1 $0x1  }
0x10e: {  	s28 =	simm.s32 $0x2;
	[sflag:s26] =	ssyncpa.u1 $0x1  }
0x10f: {  	[sflag:s28] =	ssyncpa.u1 $0x1  }
0x110: {  	v0 =	vld [tilespmem:$0xA108];
	_ =	sdelay $0x4  }
0x111: {  	(v2sf) =	vpush v0, $0x0  }
0x112: {  	(v2sf) =	vpush v0, $0x1;
	_ =	sdelay $0x1  }
0x113: {  	(v2sf) =	vpush v0, $0x2;
	_ =	sdelay $0xb  }
0x114: {  	s0 =	spop (v2sf)  }
0x115: {  	s2 =	spop (v2sf)  }
0x116: {  	s3 =	smov.u32 s0;
	p0 =	sne.s32 s0, s2  }
0x117: {  	s4 =	spop (v2sf);
	s3 =	simm.s32 @!p0 $0xFFFFFFFF  }
0x118: {  	v2 =	vimm.s32 $0x1;
	v3 =	vlaneseq.u32;
	p0 =	seq.s32 s4, $0xFFFFFFFF;
	v1 =	vmov s3  }
0x119: {  	s7 =	stileid.u32;
	v0 =	vperm.xlane v0, v2;
	p1 =	sne.s32 @!p0 s0, s2;
	v1 =	vperm.xlane v1, v3  }
0x11a: {  	vm0 =	vcmask $0x3F04;
	s6 =	simm.s32 $0xA108;
	s0 =	simm.s32 @!p0 $0x1;
	p1 =	por !p1, p0  }
0x11b: {  	s3 =	sshll.u32 s7, $0x1;
	s2 =	sshll.u32 @!p0 s4, $0x8;
	s0 =	simm.s32 @p1 $0x0;
	v0 =	vsel vm0, v1, v0  }
0x11c: {  	s5 =	sor.u32 $0x800, s3;
	s2 =	sshra.s32 @!p0 s2, $0x2;
	s0 =	sor.u32 @!p0 s0, s3;
	[tilespmem:$0xA108] =	vst v0  }
0x11d: {  	[spmem:s5] =	stream.linear.scatter [tilespmem:s6], [sflag:$0x1], $0x2, $0x38;
	[tilespmem:$0x1EF78] =	vst v63  }
0x11e: {  	s2 =	sadd.s32 @!p0 $0x88, s2;
	s0 =	sshll.u32 @!p0 s0, $0x6  }
0x11f: {  	[spmem:s0] =	stream.linear.scatter @!p0 [tilespmem:s2], [sflag:$0x1], $0x40, $0x38;
	[tilespmem:$0x1EF78] =	vst v63  }
0x120: {  	s2 =	simm.s32 @!p0 $0x42  }
0x121: {  	s0 =	simm.s32 $0x1;
	s2 =	simm.s32 @p0 $0x2  }
0x122: {  	_ =	swait.ge [sflag:s0], s2  }
0x123: {  	s2 =	ssub.s32 $0x0, s2;
	[sflag:s0] =	ssyncset.done $0x0  }
0x124: {  	[sflag:s0] =	ssyncadd.s32 s2  }
0x125: {  	_ =	sfence.stream.spmem  }
0x126: {  	s29 =	simm.s32 $0x3;
	[bflag:$0x0] =	sbarrier.arrive $0xFFFF  }
0x127: {  	s30 =	simm.s32 $0x4;
	[sflag:s29] =	ssyncpa.u1 $0x1  }
0x128: {  	s31 =	simm.s32 $0x3C;
	[sflag:s30] =	ssyncpa.u1 $0x1  }
0x129: {  	p0 =	sne.s32 s7, $0x0;
	[sflag:s31] =	ssyncpa.u1 $0x1  }
0x12a: {  	_ =	sfence @p0  }
0x12b: {  	[sflag:s0] =	ssyncpa.u1 @p0 $0x1  }
0x12c: {  	_ =	strace @p0 $0x90000050  }
0x12d: {  	[bflag:$0x2] =	sbarrier.arrive @p0 $0xFFFF  }
0x12e: {  	_ =	shalt @p0  }
.LBB2_29:
0x12f: {  	_ =	sfence.stream.spmem;
	s0 =	simm.s32 $0x5  }
0x130: {  	s2 =	simm.s32 $0x800;
	s3 =	simm.s32 $0xA118;
	[sflag:s0] =	ssyncpa.u1 $0x0  }
0x131: {  	[tilespmem:s3], [sflag:$0x5] =	stream.linear.gather [spmem:s2], $0x20, $0x38;
	[tilespmem:$0x1EF78] =	vst v63  }
0x132: {  	s30 =	simm.s32 $0xA138;
	s2 =	simm.s32 $0x0  }
0x133: {  	[tilespmem:s30], [sflag:$0x5] =	stream.linear.gather [spmem:s2], $0x800, $0x38;
	[tilespmem:$0x1EF78] =	vst v63  }
.Ltmp23:
0x134: {  	_ = 	snop;
	(pc) =	sbr.rel .LBB2_30-.Ltmp23, $4  }
0x135: {  	_ =	swait.ge [sflag:s0], $0x820  }
0x136: {  	[sflag:s0] =	ssyncset.done $0x0  }
0x137: {  	s31 =	simm.s32 $0x6;
	[sflag:s0] =	ssyncadd.s32 $0xFFFFF7E0  }
0x138: {  	s3 =	simm.s32 $0x0;
	[sflag:s31] =	ssyncpa.u1 $0x0  }
.LBB2_36:
0x139: {  	p0 =	slt.u32 s4, $0x3F9  }
0x13a: {  	s0 =	sand.u32 @p0 $0x3F8, s4  }
0x13b: {  	s4 =	sand.u32 @p0 $0x7, s4;
	s5 =	simm.s32 @p0 $0xA0C8;
	s0 =	sadd.s32 @p0 s1, s0  }
0x13c: {  	[tilespmem:s5], [sflag:$0x6] =	stream.linear.gather @p0 [hbm4b:s0+s4], $0x40, $0x38;
	[tilespmem:$0x1EF78] =	vst v63  }
0x13d: {  	s0 =	simm.s32 @p0 $0x6  }
0x13e: {  	_ =	swait.ge @p0 [sflag:s0], $0x40  }
0x13f: {  	[sflag:s0] =	ssyncset.done @p0 $0x0  }
0x140: {  	[sflag:s0] =	ssyncadd.s32 @p0 $0xFFFFFFC0  }
0x141: {  	v1 =	vld @p0 [tilespmem:$0xA0C8];
	_ =	sdelay $0x2  }
0x142: {  	s0 =	sshll.u32 @p0 s3, $0x8  }
0x143: {  	s4 =	sshrl.u32 @p0 s0, $0x2  }
0x144: {  	[tilespmem:s4+$0xA138] =	vst.add.f32.msk @p0 $0xffff, v1  }
0x145: {  	v1 =	vld @p0 [tilespmem:$0xA0D8];
	_ =	sdelay $0x4  }
0x146: {  	[tilespmem:s4+$0xA148] =	vst.add.f32.msk @p0 $0xffff, v1  }
0x147: {  	v1 =	vld @p0 [tilespmem:$0xA0E8];
	_ =	sdelay $0x4  }
0x148: {  	[tilespmem:s4+$0xA158] =	vst.add.f32.msk @p0 $0xffff, v1  }
0x149: {  	v1 =	vld @p0 [tilespmem:$0xA0F8];
	_ =	sdelay $0x3  }
0x14a: {  	s5 =	sshll.u32 @!p0 s3, $0x8  }
0x14b: {  	s5 =	smov.u32 @p0 s0;
	[tilespmem:s4+$0xA168] =	vst.add.f32.msk @p0 $0xffff, v1  }
0x14c: {  	s0 =	sshrl.u32 s5, $0x2;
	[tilespmem:s2+$0xA118] =	vst.msk $0x1, v0  }
0x14d: {  	v0 =	vld [tilespmem:s0+$0xA138];
	_ =	sdelay $0x2  }
0x14e: {  	s31 =	sshll.u32 s2, $0x8  }
0x14f: {  	s4 =	sshra.s32 s31, $0x2  }
0x150: {  	[tilespmem:s4+$0xA138] =	vst v0  }
0x151: {  	v0 =	vld [tilespmem:s0+$0xA148];
	_ =	sdelay $0x4  }
0x152: {  	[tilespmem:s4+$0xA148] =	vst v0  }
0x153: {  	v0 =	vld [tilespmem:s0+$0xA158];
	_ =	sdelay $0x4  }
0x154: {  	[tilespmem:s4+$0xA158] =	vst v0  }
0x155: {  	v0 =	vld [tilespmem:s0+$0xA168];
	_ =	sdelay $0x4  }
0x156: {  	s2 =	sadd.s32 $0x1, s2;
	[tilespmem:s4+$0xA168] =	vst v0  }
.LBB2_37:
0x157: {  	s3 =	sadd.s32 $0x1, s3  }
0x158: {  	p0 =	sne.s32 s3, $0x20  }
.Ltmp24:
0x159: {  	_ = 	snop;
	(pc) =	sbr.rel @!p0 .LBB2_38-.Ltmp24, $1  }
0x15a: {  	_ =	sdelay $0x3  }
.LBB2_30:
0x15b: {  	v0 =	vld.msk [tilespmem:s3+$0xA118], $0x1;
	_ =	sdelay $0x4  }
0x15c: {  	(v2sf) =	vpush v0, $0x0;
	_ =	sdelay $0xe  }
0x15d: {  	s4 =	spop (v2sf)  }
0x15e: {  	p0 =	seq.s32 s4, $0xFFFFFFFF  }
.Ltmp25:
0x15f: {  	_ = 	snop;
	(pc) =	sbr.rel @p0 .LBB2_37-.Ltmp25, $1  }
0x160: {  	_ =	sdelay $0x3  }
0x161: {  	p0 =	slt.s32 s2, $0x1  }
.Ltmp26:
0x162: {  	_ = 	snop;
	(pc) =	sbr.rel @p0 .LBB2_36-.Ltmp26, $1  }
0x163: {  	_ =	sdelay $0x3  }
0x164: {  	s5 =	simm.s32 $0xA118;
	p0 =	por $0x0, $0x0  }
0x165: {  	v1 =	vld.msk @!p0 [tilespmem:s5+$0x0], $0x1;
	_ =	sdelay $0x4  }
0x166: {  	(v2sf) =	vpush @!p0 v1, $0x0;
	_ =	sdelay $0xd  }
0x167: {  	p2 =	sne.s32 s2, $0x1  }
.Ltmp27:
0x168: {  	s0 =	spop @!p0 (v2sf);
	(pc) =	sbr.rel @!p2 .LBB2_34-.Ltmp27, $4  }
0x169: {  	p1 =	seq.s32 @!p0 s4, s0  }
0x16a: {  	s6 =	simm.s32 $0x0;
	p1 =	por !p1, p0  }
0x16b: {  	s0 =	simm.s32 $0xFFFFFFFF;
	s6 =	simm.s32 @p1 $0xFFFFFFFF  }
0x16c: {  	s7 =	simm.s32 $0x1;
	s6 =	smov.u32 @p0 s0  }
.LBB2_33:
0x16d: {  	s0 =	smov.u32 s6;
	p0 =	sne.s32 s6, $0xFFFFFFFF  }
0x16e: {  	s5 =	sadd.s32 $0x1, s5;
	s6 =	smov.u32 s7;
	s7 =	sadd.s32 $0x1, s7  }
0x16f: {  	p1 =	sne.s32 s2, s7;
	v1 =	vld.msk @!p0 [tilespmem:s5+$0x0], $0x1;
	_ =	sdelay $0x4  }
0x170: {  	(v2sf) =	vpush @!p0 v1, $0x0;
	_ =	sdelay $0xe  }
.Ltmp28:
0x171: {  	s8 =	spop @!p0 (v2sf);
	(pc) =	sbr.rel @p1 .LBB2_33-.Ltmp28, $4  }
0x172: {  	p2 =	seq.s32 @!p0 s4, s8  }
0x173: {  	p2 =	por !p2, p0  }
0x174: {  	s6 =	simm.s32 @p2 $0xFFFFFFFF  }
0x175: {  	s6 =	smov.u32 @p0 s0  }
.LBB2_34:
0x176: {  	p0 =	seq.s32 s6, $0xFFFFFFFF  }
.Ltmp29:
0x177: {  	_ = 	snop;
	(pc) =	sbr.rel @p0 .LBB2_36-.Ltmp29, $1  }
0x178: {  	_ =	sdelay $0x3  }
0x179: {  	s0 =	sshll.u32 s3, $0x6  }
0x17a: {  	s0 =	sand.u32 $0x3FFFFFC0, s0  }
0x17b: {  	v0 =	vld [tilespmem:s0+$0xA138];
	_ =	sdelay $0x2  }
0x17c: {  	s4 =	sshll.u32 s6, $0x8  }
0x17d: {  	s4 =	sshra.s32 s4, $0x2  }
0x17e: {  	[tilespmem:s4+$0xA138] =	vst.add.f32.msk $0xffff, v0  }
0x17f: {  	v0 =	vld [tilespmem:s0+$0xA148];
	_ =	sdelay $0x4  }
0x180: {  	[tilespmem:s4+$0xA148] =	vst.add.f32.msk $0xffff, v0  }
0x181: {  	v0 =	vld [tilespmem:s0+$0xA158];
	_ =	sdelay $0x4  }
0x182: {  	[tilespmem:s4+$0xA158] =	vst.add.f32.msk $0xffff, v0  }
0x183: {  	v0 =	vld [tilespmem:s0+$0xA168]  }
.Ltmp30:
0x184: {  	_ = 	snop;
	(pc) =	sbr.rel .LBB2_37-.Ltmp30, $2  }
0x185: {  	_ =	sdelay $0x2  }
0x186: {  	[tilespmem:s4+$0xA168] =	vst.add.f32.msk $0xffff, v0  }
.LBB2_38:
0x187: {  	p0 =	slt.s32 s2, $0x1  }
.Ltmp31:
0x188: {  	_ = 	snop;
	(pc) =	sbr.rel @p0 .LBB2_42-.Ltmp31, $3  }
0x189: {  	_ =	sdelay $0x1  }
0x18a: {  	s0 =	simm.s32 $0x6  }
0x18b: {  	s3 =	simm.s32 $0x0;
	[sflag:s0] =	ssyncpa.u1 $0x1  }
0x18c: {  	s0 =	simm.s32 $0xA118  }
0x18d: {  	v0 =	vld.msk [tilespmem:s0+$0x0], $0x1;
	_ =	sdelay $0x4  }
0x18e: {  	(v2sf) =	vpush v0, $0x0;
	_ =	sdelay $0xe  }
0x18f: {  	s2 =	sadd.s32 $0xFFFFFFFF, s2;
	s0 =	spop (v2sf)  }
0x190: {  	p1 =	sne.s32 s2, $0x0;
	p0 =	sgt.u32 s0, $0x3F8  }
.Ltmp32:
0x191: {  	s5 =	sand.u32 @!p0 $0x3F8, s0;
	(pc) =	sbr.rel @!p1 .LBB2_41-.Ltmp32, $4  }
0x192: {  	s4 =	simm.s32 $0xA138;
	s0 =	sand.u32 @!p0 $0x7, s0;
	s5 =	sadd.s32 @!p0 s1, s5  }
0x193: {  	[hbm4b:s5+s0] =	stream.linear.scatter @!p0 [tilespmem:s4], [sflag:$0x5], $0x40, $0x38;
	[tilespmem:$0x1EF78] =	vst v63  }
0x194: {  	s0 =	simm.s32 $0x0  }
0x195: {  	s5 =	simm.s32 $0xA119;
	s0 =	simm.s32 @!p0 $0x100  }
.LBB2_40:
0x196: {  	v0 =	vld.msk [tilespmem:s5+$0x0], $0x1;
	s2 =	sadd.s32 $0xFFFFFFFF, s2;
	s3 =	sadd.s32 s3, s0  }
0x197: {  	p0 =	sne.s32 s2, $0x0;
	_ =	sdelay $0x3  }
0x198: {  	(v2sf) =	vpush v0, $0x0;
	_ =	sdelay $0xe  }
.Ltmp33:
0x199: {  	s6 =	spop (v2sf);
	(pc) =	sbr.rel @p0 .LBB2_40-.Ltmp33, $4  }
0x19a: {  	s0 =	simm.s32 $0x0;
	p1 =	sgt.u32 s6, $0x3F8  }
0x19b: {  	s4 =	sadd.s32 $0x40, s4;
	s0 =	simm.s32 @!p1 $0x100;
	s7 =	sand.u32 @!p1 $0x3F8, s6  }
0x19c: {  	s5 =	sadd.s32 $0x1, s5;
	s6 =	sand.u32 @!p1 $0x7, s6;
	s7 =	sadd.s32 @!p1 s1, s7  }
0x19d: {  	[hbm4b:s7+s6] =	stream.linear.scatter @!p1 [tilespmem:s4], [sflag:$0x5], $0x40, $0x38;
	[tilespmem:$0x1EF78] =	vst v63  }
.LBB2_41:
0x19e: {  	s0 =	sadd.s32 s3, s0  }
0x19f: {  	s3 =	sshrl.u32 s0, $0x2  }
.LBB2_42:
0x1a0: {  	s0 =	simm.s32 $0x5  }
0x1a1: {  	_ =	swait.ge [sflag:s0], s3  }
0x1a2: {  	s1 =	ssub.s32 $0x0, s3;
	[sflag:s0] =	ssyncset.done $0x0  }
0x1a3: {  	[sflag:s0] =	ssyncadd.s32 s1  }
0x1a4: {  	[sflag:s0] =	ssyncpa.u1 $0x1  }
0x1a5: {  	s30 =	simm.s32 $0x1;
	_ =	sfence  }
0x1a6: {  	[sflag:s30] =	ssyncpa.u1 $0x1  }
0x1a7: {  	_ =	strace $0x90000050  }
0x1a8: {  	[bflag:$0x2] =	sbarrier.arrive $0xFFFF  }
0x1a9: {  	s31 =	rddreg [dreg:$0x1]  }
0x1aa: {  	s0 =	sadd.s32 $0x100000, s31  }
0x1ab: {  	[sflag:s0] =	ssyncadd.tile.s32 $0x1;
	_ =	shalt  }
.Lfunc_end2:
_tile_overlayer_lowered:
.L_overlay_start_2:
0x1ac: {  	(tag) =	ssettag $0x2  }
0x1ad: {  	s0 =	rddreg [dreg:$0x0];
	s2 =	stileid.u32  }
0x1ae: {  	s1 =	rddreg [dreg:$0x1];
	p0 =	sne.s32 s2, $0x0  }
0x1af: {  	s3 =	rddreg [dreg:$0x2];
	[bflag:$0x3] =	sbarrier.arrive $0xFFFF;
	s2 =	simm.s32 @!p0 $0x1C01  }
0x1b0: {  	[timem:s3], [sflag:s2] =	dma.local @!p0 [hbm:s0], s1  }
0x1b1: {  	s0 =	simm.s32 @!p0 $0x1  }
0x1b2: {  	_ =	swait.ge @!p0 [sflag:s0], s1  }
0x1b3: {  	s1 =	ssub.s32 @!p0 $0x0, s1;
	[sflag:s0] =	ssyncset.done @!p0 $0x0  }
0x1b4: {  	[sflag:s0] =	ssyncadd.s32 @!p0 s1  }
0x1b5: {  	[bflag:$0x3] =	sbarrier.arrive $0xFFFF  }
0x1b6: {  	_ =	shalt  }

</sc_bundles>
